<compile_context>
chip_gen: v7x
topology: tpu7x:2x2x1
jax: 0.10.2.dev20260603
libtpu: 0.0.44.dev20260713+nightly
codegen_flags: <defaults>
</compile_context>

<pallas_src>
import functools

import jax
import jax.numpy as jnp
from jax import lax
from jax.experimental import pallas as pl
from jax.experimental.pallas import tpu as pltpu
from jax.experimental.pallas import tpu_sc as plsc

NC = 2
NS = 16
NW = NC * NS
GW = 128



def _tc_head(x, W, a_src, a_dst):
  N, _ = x.shape
  H = W.shape[1]
  HH = H // 2

  QH = H // 4

  def body(x_ref, w_ref, s_ref, d_ref, h_ref, hs_ref, hd_ref):
    h = jnp.dot(x_ref[...], w_ref[...], preferred_element_type=jnp.float32)
    for q in range(4):
      h_ref[q * N:(q + 1) * N, :] = h[:, q * QH:(q + 1) * QH]
    hs_ref[...] = jnp.dot(h, s_ref[...], preferred_element_type=jnp.float32)
    hd_ref[...] = jnp.dot(h, d_ref[...], preferred_element_type=jnp.float32)

  return pl.pallas_call(
      body,
      compiler_params=pltpu.CompilerParams(vmem_limit_bytes=100 * 1024 * 1024),
      out_shape=[
          jax.ShapeDtypeStruct((4 * N, QH), jnp.float32),
          jax.ShapeDtypeStruct((N, 1), jnp.float32),
          jax.ShapeDtypeStruct((N, 1), jnp.float32),
      ],
  )(x, W, a_src.reshape(H, 1), a_dst.reshape(H, 1))


def _tc_mid(pr, b, g, be, W, a_src, a_dst):
  _, _, N, QH = pr.shape
  H = 4 * QH
  H2 = W.shape[1]
  QH2 = H2 // 4

  def body(pr_ref, b_ref, g_ref, be_ref, w_ref, s_ref, d_ref,
           h_ref, hs_ref, hd_ref):
    gat = jnp.concatenate(
        [pr_ref[0, 0], pr_ref[0, 1], pr_ref[1, 0], pr_ref[1, 1]],
        axis=-1) + b_ref[...]
    mu = jnp.mean(gat, axis=0, keepdims=True)
    var = jnp.mean((gat - mu) ** 2, axis=0, keepdims=True)
    hh = g_ref[...] * (gat - mu) / jnp.sqrt(var + 1e-5) + be_ref[...]
    hh = jnp.maximum(hh, 0.0)
    h2 = jnp.dot(hh, w_ref[...], preferred_element_type=jnp.float32)
    for q in range(4):
      h_ref[q * N:(q + 1) * N, :] = h2[:, q * QH2:(q + 1) * QH2]
    hs_ref[...] = jnp.dot(h2, s_ref[...], preferred_element_type=jnp.float32)
    hd_ref[...] = jnp.dot(h2, d_ref[...], preferred_element_type=jnp.float32)

  return pl.pallas_call(
      body,
      compiler_params=pltpu.CompilerParams(vmem_limit_bytes=100 * 1024 * 1024),
      out_shape=[
          jax.ShapeDtypeStruct((4 * N, QH2), jnp.float32),
          jax.ShapeDtypeStruct((N, 1), jnp.float32),
          jax.ShapeDtypeStruct((N, 1), jnp.float32),
      ],
  )(pr, b.reshape(1, H), g.reshape(1, H), be.reshape(1, H),
    W, a_src.reshape(H2, 1), a_dst.reshape(H2, 1))


def _tc_final(pr, b, g, be, Wd, bd):
  _, _, N, QH = pr.shape
  H = 4 * QH
  EMB = Wd.shape[1]

  def body(pr_ref, b_ref, g_ref, be_ref, w_ref, bd_ref, o_ref):
    gat = jnp.concatenate(
        [pr_ref[0, 0], pr_ref[0, 1], pr_ref[1, 0], pr_ref[1, 1]],
        axis=-1) + b_ref[...]
    mu = jnp.mean(gat, axis=0, keepdims=True)
    var = jnp.mean((gat - mu) ** 2, axis=0, keepdims=True)
    hh = g_ref[...] * (gat - mu) / jnp.sqrt(var + 1e-5) + be_ref[...]
    hh = jnp.maximum(hh, 0.0)
    o_ref[...] = (jnp.dot(hh, w_ref[...], preferred_element_type=jnp.float32)
                  + bd_ref[...])

  return pl.pallas_call(
      body,
      compiler_params=pltpu.CompilerParams(vmem_limit_bytes=100 * 1024 * 1024),
      out_shape=jax.ShapeDtypeStruct((N, EMB), jnp.float32),
  )(pr, b.reshape(1, H), g.reshape(1, H), be.reshape(1, H),
    Wd, bd.reshape(1, EMB))



@functools.partial(jax.jit, static_argnames=("N", "QH", "E", "NG"))
def _sc_edge(hd1, hs1, src3, dst3, h4n, *, N, QH, E, NG):
  EC = NG * GW
  SB = (N // NS // 8) * 8
  NEB = (N - NS * SB) // 8
  full, rem = divmod(SB, GW)
  HC = QH // 16
  SSEG = -(-N // NS // 16) * 16
  N2 = NS * SSEG

  mesh = plsc.VectorSubcoreMesh(core_axis_name="c", subcore_axis_name="s",
                                num_cores=NC, num_subcores=NS)

  @functools.partial(
      pl.kernel,
      out_type=jax.ShapeDtypeStruct((2, 2, N, QH), jnp.float32),
      mesh=mesh,
      scratch_types=[
          pltpu.VMEM((N,), jnp.float32),
          pltpu.VMEM((N,), jnp.float32),
          pltpu.VMEM((NG, GW), jnp.int32),
          pltpu.VMEM((NG, GW), jnp.int32),
          pltpu.VMEM((NG, GW), jnp.int32),
          pltpu.VMEM((NG, GW), jnp.int32),
          pltpu.VMEM((N2,), jnp.float32),
          pltpu.VMEM((NG, GW), jnp.float32),
          pltpu.VMEM((NG, GW), jnp.float32),
          pltpu.VMEM((GW, QH), jnp.float32),
          pltpu.VMEM((SSEG,), jnp.float32),
          pltpu.VMEM((SSEG,), jnp.float32),
          pltpu.VMEM_SHARED((NS * N2,), jnp.float32),
          pltpu.VMEM_SHARED((N2,), jnp.float32),
          pltpu.VMEM_SHARED((N, QH), jnp.float32),
          pltpu.SemaphoreType.DMA,
      ],
      compiler_params=pltpu.CompilerParams(needs_layout_passes=False,
                                           use_tc_tiling_on_sc=False),
  )
  def k(hd_hbm, hs_hbm, src_hbm, dst_hbm, h_hbm, out_hbm,
        hd_v, hs_v, srcA, dstA, srcB, dstB, sloc, exA, exB, rowA, sacc, stmp,
        s_all, s_shared, out_shared, gsem):
    c = lax.axis_index("c")
    s = lax.axis_index("s")
    w_a = c * NS + s
    w_b = (1 - c) * NS + s

    pltpu.sync_copy(hd_hbm, hd_v)
    pltpu.sync_copy(hs_hbm, hs_v)
    pltpu.sync_copy(src_hbm.at[w_a], srcA)
    pltpu.sync_copy(dst_hbm.at[w_a], dstA)
    pltpu.sync_copy(src_hbm.at[w_b], srcB)
    pltpu.sync_copy(dst_hbm.at[w_b], dstB)

    def zero_s(i, _):
      sloc[pl.ds(pl.multiple_of(i * 16, 16), 16)] = jnp.zeros((16,),
                                                              jnp.float32)
      return 0
    lax.fori_loop(0, N2 // 16, zero_s, 0)

    def edge_scores(g, src_ref, dst_ref, ex_ref, base):
      for kk in range(GW // 16):
        sl = pl.ds(kk * 16, 16)
        sv = src_ref[g, sl]
        dv = dst_ref[g, sl]
        ed = plsc.load_gather(hd_v, [dv])
        es = plsc.load_gather(hs_v, [sv])
        e = ed + es
        e = jnp.where(e >= 0, e, 0.2 * e)
        ex = jnp.exp(e)
        gidx = base + g * GW + kk * 16 + lax.iota(jnp.int32, 16)
        ex = jnp.where(gidx < E, ex, 0.0)
        ex_ref[g, sl] = ex
        plsc.addupdate_scatter(sloc, [dv], ex)

    base_a = w_a * EC
    base_b = w_b * EC

    def p1_a(g, _):
      edge_scores(g, srcA, dstA, exA, base_a)
      return 0
    lax.fori_loop(0, NG, p1_a, 0)

    def p1_b(g, _):
      edge_scores(g, srcB, dstB, exB, base_b)
      return 0
    lax.fori_loop(0, NG, p1_b, 0)

    plsc.subcore_barrier()
    sbase = pl.multiple_of(s * N2, 8)
    pltpu.sync_copy(sloc, s_all.at[pl.ds(sbase, N2)])
    plsc.subcore_barrier()
    seg0 = pl.multiple_of(s * SSEG, 8)
    pltpu.sync_copy(s_all.at[pl.ds(seg0, SSEG)], sacc)
    for t in range(1, NS):
      pltpu.sync_copy(
          s_all.at[pl.ds(pl.multiple_of(t * N2, 8) + seg0, SSEG)], stmp)

      def accum(q, _):
        sl = pl.ds(pl.multiple_of(q * 16, 16), 16)
        sacc[sl] = sacc[sl] + stmp[sl]
        return 0
      lax.fori_loop(0, SSEG // 16, accum, 0)
    pltpu.sync_copy(sacc, s_shared.at[pl.ds(seg0, SSEG)])
    plsc.subcore_barrier()
    pltpu.sync_copy(s_shared, sloc)

    coff = c * (2 * N)

    def alpha_loop(g, _):
      for (dst_ref, src_ref, ex_ref) in ((dstA, srcA, exA),
                                         (dstB, srcB, exB)):
        for kk in range(GW // 16):
          sl = pl.ds(kk * 16, 16)
          dv = dst_ref[g, sl]
          sv = plsc.load_gather(sloc, [dv])
          ex_ref[g, sl] = ex_ref[g, sl] / (sv + 1e-9)
          src_ref[g, sl] = src_ref[g, sl] + coff
      return 0
    lax.fori_loop(0, NG, alpha_loop, 0)

    row0 = pl.multiple_of(s * SB, 8)
    xrow = pl.multiple_of(NS * SB + s * 8, 8)

    def p2_body(g, src_ref, dst_ref, ex_ref):
      pltpu.async_copy(h_hbm.at[src_ref.at[g]], rowA, gsem).wait()

      def scale(q, _):
        a16 = ex_ref[g, pl.ds(q * 16, 16)]
        for j in range(16):
          a = a16[j]
          r = q * 16 + j
          for kk in range(HC):
            sl = pl.ds(kk * 16, 16)
            rowA[r, sl] = rowA[r, sl] * a
        return 0
      lax.fori_loop(0, GW // 16, scale, 0)
      pltpu.sync_copy(rowA, out_shared.at[dst_ref.at[g]], add=True)

    for ep in range(2):
      def zrow(r, _):
        for kk in range(HC):
          rowA[r, pl.ds(kk * 16, 16)] = jnp.zeros((16,), jnp.float32)
        return 0
      lax.fori_loop(0, GW, zrow, 0)
      for j in range(full):
        pltpu.sync_copy(rowA, out_shared.at[pl.ds(row0 + j * GW, GW)])
      if rem:
        pltpu.sync_copy(rowA.at[pl.ds(0, rem)],
                        out_shared.at[pl.ds(row0 + full * GW, rem)])

      @pl.when(s < NEB)
      def _():
        pltpu.sync_copy(rowA.at[pl.ds(0, 8)], out_shared.at[pl.ds(xrow, 8)])
      plsc.subcore_barrier()

      def p2_a(g, _):
        p2_body(g, srcA, dstA, exA)
        return 0
      lax.fori_loop(0, NG, p2_a, 0)

      def p2_b(g, _):
        p2_body(g, srcB, dstB, exB)
        return 0
      lax.fori_loop(0, NG, p2_b, 0)
      plsc.subcore_barrier()

      pltpu.sync_copy(out_shared.at[pl.ds(row0, SB)],
                      out_hbm.at[c, ep, pl.ds(row0, SB)])

      @pl.when(s < NEB)
      def _():
        pltpu.sync_copy(out_shared.at[pl.ds(xrow, 8)],
                        out_hbm.at[c, ep, pl.ds(xrow, 8)])

      if ep == 0:
        def bump(g, _):
          for src_ref in (srcA, srcB):
            for kk in range(GW // 16):
              sl = pl.ds(kk * 16, 16)
              src_ref[g, sl] = src_ref[g, sl] + N
          return 0
        lax.fori_loop(0, NG, bump, 0)

  return k(hd1, hs1, src3, dst3, h4n)


def _sc_gather(full_rows, idx):
  N, EMB = full_rows.shape
  B = idx.shape[0]
  bw = B // NW

  mesh = plsc.VectorSubcoreMesh(core_axis_name="c", subcore_axis_name="s",
                                num_cores=NC, num_subcores=NS)

  @functools.partial(
      pl.kernel,
      out_type=jax.ShapeDtypeStruct((B, EMB), jnp.float32),
      mesh=mesh,
      scratch_types=[
          pltpu.VMEM((bw,), jnp.int32),
          pltpu.VMEM((bw, EMB), jnp.float32),
          pltpu.SemaphoreType.DMA,
      ],
  )
  def k(full_hbm, idx_hbm, out_hbm, idx_v, rows_v, sem):
    wid = lax.axis_index("s") * NC + lax.axis_index("c")
    base = wid * bw
    pltpu.sync_copy(idx_hbm.at[pl.ds(base, bw)], idx_v)
    pltpu.async_copy(full_hbm.at[idx_v], rows_v, sem).wait()
    pltpu.sync_copy(rows_v, out_hbm.at[pl.ds(base, bw)])

  return k(full_rows, idx)



def kernel(x, edge_index, idx, W1, a_src1, a_dst1, b1, g1, be1,
           W2, a_src2, a_dst2, b2, g2, be2, Wd, bd):
  N, _ = x.shape
  H = W1.shape[1]
  E = edge_index.shape[1]

  NG = -(-E // (NW * GW))
  EP = NW * NG * GW
  pad = EP - E
  src = jnp.concatenate([edge_index[0], jnp.zeros((pad,), jnp.int32)])
  dst = jnp.concatenate([edge_index[1], jnp.zeros((pad,), jnp.int32)])
  src3 = src.reshape(NW, NG, GW)
  dst3 = dst.reshape(NW, NG, GW)

  h1, hs1, hd1 = _tc_head(x, W1, a_src1, a_dst1)
  pr1 = _sc_edge(hd1.reshape(N), hs1.reshape(N),
                 src3, dst3, h1, N=N, QH=H // 4, E=E, NG=NG)
  h2, hs2, hd2 = _tc_mid(pr1, b1, g1, be1, W2, a_src2, a_dst2)
  pr2 = _sc_edge(hd2.reshape(N), hs2.reshape(N),
                 src3, dst3, h2, N=N, QH=W2.shape[1] // 4, E=E, NG=NG)
  out_full = _tc_final(pr2, b2, g2, be2, Wd, bd)
  return _sc_gather(out_full, idx)

# --- scband reference (transcript-rebuilt; emitter-appended) ---
"""Pipeline reference for scband-gatlaf-17910013624556 (READ-ONLY COPY).

The authoritative reference and input builder live on the scoring server;
editing this copy changes nothing except your own understanding.
"""

import jax, jax.numpy as jnp
import numpy as np

N = 10000
E = 320000
D = 128
H = 128
EMB = 128
B = 1024


def setup_inputs(seed: int = 0):
    key = jax.random.key(seed)
    ks = jax.random.split(key, 16)

    def g(i, shape, scale=0.1):
        return jax.random.normal(ks[i], shape, dtype=jnp.float32) * scale

    inp = {
        "x": jax.random.normal(ks[0], (N, D), dtype=jnp.float32),
        "edge_index": jax.random.randint(ks[1], (2, E), 0, N, dtype=jnp.int32),
        "idx": jax.random.randint(ks[2], (B,), 0, N, dtype=jnp.int32),
        "W1": g(3, (D, H)), "a_src1": g(4, (H,)), "a_dst1": g(5, (H,)),
        "b1": jnp.zeros((H,), jnp.float32),
        "g1": jnp.ones((H,), jnp.float32), "be1": jnp.zeros((H,), jnp.float32),
        "W2": g(6, (H, H)), "a_src2": g(7, (H,)), "a_dst2": g(8, (H,)),
        "b2": jnp.zeros((H,), jnp.float32),
        "g2": jnp.ones((H,), jnp.float32), "be2": jnp.zeros((H,), jnp.float32),
        "Wd": g(9, (H, EMB)), "bd": jnp.zeros((EMB,), jnp.float32),
    }
    return inp


def _gat(x, src, dst, W, a_src, a_dst, b):
    # single-head GraphAttention with 'linear' activation
    h = x @ W
    e = jax.nn.leaky_relu(jnp.take(h @ a_dst, dst) + jnp.take(h @ a_src, src), negative_slope=0.2)
    m = jax.lax.stop_gradient(jax.ops.segment_max(e, dst, num_segments=N))
    m = jnp.where(jnp.isfinite(m), m, 0.0)
    ex = jnp.exp(e - jnp.take(m, dst))
    s = jax.ops.segment_sum(ex, dst, num_segments=N)
    alpha = ex / (jnp.take(s, dst) + 1e-9)
    out = jax.ops.segment_sum(alpha[:, None] * jnp.take(h, src, axis=0), dst, num_segments=N)
    return out + b


def _bn(x, gamma, beta, eps=1e-5):
    mu = jnp.mean(x, axis=0, keepdims=True)
    var = jnp.var(x, axis=0, keepdims=True)
    return gamma * (x - mu) / jnp.sqrt(var + eps) + beta


def reference(x, edge_index, idx, W1, a_src1, a_dst1, b1, g1, be1, W2, a_src2, a_dst2, b2, g2, be2, Wd, bd):
    src = edge_index[0]
    dst = edge_index[1]
    h = _gat(x, src, dst, W1, a_src1, a_dst1, b1)
    h = jax.nn.relu(_bn(h, g1, be1))
    h = _gat(h, src, dst, W2, a_src2, a_dst2, b2)
    h = jax.nn.relu(_bn(h, g2, be2))
    out = h @ Wd + bd  # conv_last=False -> final Dense(embsize)
    return jnp.take(out, idx, axis=0)

if __name__ == "__main__":
    import jax
    _d = setup_inputs()
    print(jax.jit(kernel)(*tuple(_d.values())))

</pallas_src>

<mosaic_0001>
#map = affine_map<(d0, d1) -> (0)>
#map1 = affine_map<(d0, d1) -> (0, 0, 0)>
#map2 = affine_map<(d0, d1) -> (0, 0)>
#map3 = affine_map<(d0, d1) -> (0, 0, 0, 0)>
module attributes {stable_mosaic.version = 14 : i64} {
  func.func @k(%arg0: i32, %arg1: i32, %arg2: memref<10000xf32, #tpu.memory_space<hbm>>, %arg3: memref<10000xf32, #tpu.memory_space<hbm>>, %arg4: memref<32x79x128xi32, #tpu.memory_space<hbm>>, %arg5: memref<32x79x128xi32, #tpu.memory_space<hbm>>, %arg6: memref<40000x32xf32, #tpu.memory_space<hbm>>, %arg7: memref<2x2x10000x32xf32, #tpu.memory_space<hbm>>, %arg8: memref<10000xf32, #tpu.memory_space<vmem>>, %arg9: memref<10000xf32, #tpu.memory_space<vmem>>, %arg10: memref<79x128xi32, #tpu.memory_space<vmem>>, %arg11: memref<79x128xi32, #tpu.memory_space<vmem>>, %arg12: memref<79x128xi32, #tpu.memory_space<vmem>>, %arg13: memref<79x128xi32, #tpu.memory_space<vmem>>, %arg14: memref<10240xf32, #tpu.memory_space<vmem>>, %arg15: memref<79x128xf32, #tpu.memory_space<vmem>>, %arg16: memref<79x128xf32, #tpu.memory_space<vmem>>, %arg17: memref<128x32xf32, #tpu.memory_space<vmem>>, %arg18: memref<640xf32, #tpu.memory_space<vmem>>, %arg19: memref<640xf32, #tpu.memory_space<vmem>>, %arg20: memref<163840xf32, #tpu.memory_space<vmem_shared>>, %arg21: memref<10240xf32, #tpu.memory_space<vmem_shared>>, %arg22: memref<10000x32xf32, #tpu.memory_space<vmem_shared>>, %arg23: memref<!tpu.dma_semaphore, #tpu.memory_space<semaphore_mem>>) attributes {dimension_semantics = [#tpu.dimension_semantics<core_parallel>, #tpu.dimension_semantics<subcore_parallel>], iteration_bounds = array<i64: 2, 16>, scalar_prefetch = 0 : i64, scratch_operands = 16 : i64, tpu.core_type = #tpu.core_type<sc_vector_subcore>, window_params = [{transform_indices = #map}, {transform_indices = #map}, {transform_indices = #map1}, {transform_indices = #map1}, {transform_indices = #map2}, {transform_indices = #map3}]} {
    %mul3A = arith.constant 16 : i32
    %mul3A_0 = arith.muli %arg0, %mul3A : i32
    %add3A = arith.addi %mul3A_0, %arg1 : i32
    %sub3A = arith.constant 1 : i32
    %sub3A_1 = arith.subi %sub3A, %arg0 : i32
    %mul3A_2 = arith.constant 16 : i32
    %mul3A_3 = arith.muli %sub3A_1, %mul3A_2 : i32
    %add3A_4 = arith.addi %mul3A_3, %arg1 : i32
    "tpu.region"() ({
      %run_scoped3A_294 = tpu.sem_alloc : memref<!tpu.dma_semaphore, #tpu.memory_space<semaphore_mem>>
      tpu.enqueue_dma source(%arg2 : memref<10000xf32, #tpu.memory_space<hbm>>) target(%arg8 : memref<10000xf32, #tpu.memory_space<vmem>>) target_semaphore(%run_scoped3A_294 : memref<!tpu.dma_semaphore, #tpu.memory_space<semaphore_mem>>)
      tpu.wait_dma2 semaphore(%run_scoped3A_294 : memref<!tpu.dma_semaphore, #tpu.memory_space<semaphore_mem>>) src(%arg2 : memref<10000xf32, #tpu.memory_space<hbm>>) dst(%arg8 : memref<10000xf32, #tpu.memory_space<vmem>>)
      tpu.yield
    }) : () -> ()
    "tpu.region"() ({
      %run_scoped3A_294 = tpu.sem_alloc : memref<!tpu.dma_semaphore, #tpu.memory_space<semaphore_mem>>
      tpu.enqueue_dma source(%arg3 : memref<10000xf32, #tpu.memory_space<hbm>>) target(%arg9 : memref<10000xf32, #tpu.memory_space<vmem>>) target_semaphore(%run_scoped3A_294 : memref<!tpu.dma_semaphore, #tpu.memory_space<semaphore_mem>>)
      tpu.wait_dma2 semaphore(%run_scoped3A_294 : memref<!tpu.dma_semaphore, #tpu.memory_space<semaphore_mem>>) src(%arg3 : memref<10000xf32, #tpu.memory_space<hbm>>) dst(%arg9 : memref<10000xf32, #tpu.memory_space<vmem>>)
      tpu.yield
    }) : () -> ()
    "tpu.region"() ({
      %run_scoped3A_294 = tpu.sem_alloc : memref<!tpu.dma_semaphore, #tpu.memory_space<semaphore_mem>>
      %dma_start3A = arith.constant 0 : i32
      %dma_start3A_295 = arith.constant 0 : i32
      %dma_start3A_296 = tpu.memref_slice %arg4[%add3A, %dma_start3A, %dma_start3A_295] : memref<32x79x128xi32, #tpu.memory_space<hbm>> -> memref<1x79x128xi32, #tpu.memory_space<hbm>>
      %dma_start3A_297 = tpu.memref_squeeze %dma_start3A_296 : memref<1x79x128xi32, #tpu.memory_space<hbm>> -> memref<79x128xi32, #tpu.memory_space<hbm>>
      %dma_start3A_298 = arith.constant 0 : i32
      %dma_start3A_299 = arith.constant 0 : i32
      %dma_start3A_300 = tpu.memref_slice %arg4[%add3A, %dma_start3A_298, %dma_start3A_299] : memref<32x79x128xi32, #tpu.memory_space<hbm>> -> memref<1x79x128xi32, #tpu.memory_space<hbm>>
      %dma_start3A_301 = tpu.memref_squeeze %dma_start3A_300 : memref<1x79x128xi32, #tpu.memory_space<hbm>> -> memref<79x128xi32, #tpu.memory_space<hbm>>
      tpu.enqueue_dma source(%dma_start3A_301 : memref<79x128xi32, #tpu.memory_space<hbm>>) target(%arg10 : memref<79x128xi32, #tpu.memory_space<vmem>>) target_semaphore(%run_scoped3A_294 : memref<!tpu.dma_semaphore, #tpu.memory_space<semaphore_mem>>)
      %dma_wait3A = arith.constant 0 : i32
      %dma_wait3A_302 = arith.constant 0 : i32
      %dma_wait3A_303 = tpu.memref_slice %arg4[%add3A, %dma_wait3A, %dma_wait3A_302] : memref<32x79x128xi32, #tpu.memory_space<hbm>> -> memref<1x79x128xi32, #tpu.memory_space<hbm>>
      %dma_wait3A_304 = tpu.memref_squeeze %dma_wait3A_303 : memref<1x79x128xi32, #tpu.memory_space<hbm>> -> memref<79x128xi32, #tpu.memory_space<hbm>>
      %dma_wait3A_305 = arith.constant 0 : i32
      %dma_wait3A_306 = arith.constant 0 : i32
      %dma_wait3A_307 = tpu.memref_slice %arg4[%add3A, %dma_wait3A_305, %dma_wait3A_306] : memref<32x79x128xi32, #tpu.memory_space<hbm>> -> memref<1x79x128xi32, #tpu.memory_space<hbm>>
      %dma_wait3A_308 = tpu.memref_squeeze %dma_wait3A_307 : memref<1x79x128xi32, #tpu.memory_space<hbm>> -> memref<79x128xi32, #tpu.memory_space<hbm>>
      tpu.wait_dma2 semaphore(%run_scoped3A_294 : memref<!tpu.dma_semaphore, #tpu.memory_space<semaphore_mem>>) src(%dma_wait3A_308 : memref<79x128xi32, #tpu.memory_space<hbm>>) dst(%arg10 : memref<79x128xi32, #tpu.memory_space<vmem>>)
      tpu.yield
    }) : () -> ()
    "tpu.region"() ({
      %run_scoped3A_294 = tpu.sem_alloc : memref<!tpu.dma_semaphore, #tpu.memory_space<semaphore_mem>>
      %dma_start3A = arith.constant 0 : i32
      %dma_start3A_295 = arith.constant 0 : i32
      %dma_start3A_296 = tpu.memref_slice %arg5[%add3A, %dma_start3A, %dma_start3A_295] : memref<32x79x128xi32, #tpu.memory_space<hbm>> -> memref<1x79x128xi32, #tpu.memory_space<hbm>>
      %dma_start3A_297 = tpu.memref_squeeze %dma_start3A_296 : memref<1x79x128xi32, #tpu.memory_space<hbm>> -> memref<79x128xi32, #tpu.memory_space<hbm>>
      %dma_start3A_298 = arith.constant 0 : i32
      %dma_start3A_299 = arith.constant 0 : i32
      %dma_start3A_300 = tpu.memref_slice %arg5[%add3A, %dma_start3A_298, %dma_start3A_299] : memref<32x79x128xi32, #tpu.memory_space<hbm>> -> memref<1x79x128xi32, #tpu.memory_space<hbm>>
      %dma_start3A_301 = tpu.memref_squeeze %dma_start3A_300 : memref<1x79x128xi32, #tpu.memory_space<hbm>> -> memref<79x128xi32, #tpu.memory_space<hbm>>
      tpu.enqueue_dma source(%dma_start3A_301 : memref<79x128xi32, #tpu.memory_space<hbm>>) target(%arg11 : memref<79x128xi32, #tpu.memory_space<vmem>>) target_semaphore(%run_scoped3A_294 : memref<!tpu.dma_semaphore, #tpu.memory_space<semaphore_mem>>)
      %dma_wait3A = arith.constant 0 : i32
      %dma_wait3A_302 = arith.constant 0 : i32
      %dma_wait3A_303 = tpu.memref_slice %arg5[%add3A, %dma_wait3A, %dma_wait3A_302] : memref<32x79x128xi32, #tpu.memory_space<hbm>> -> memref<1x79x128xi32, #tpu.memory_space<hbm>>
      %dma_wait3A_304 = tpu.memref_squeeze %dma_wait3A_303 : memref<1x79x128xi32, #tpu.memory_space<hbm>> -> memref<79x128xi32, #tpu.memory_space<hbm>>
      %dma_wait3A_305 = arith.constant 0 : i32
      %dma_wait3A_306 = arith.constant 0 : i32
      %dma_wait3A_307 = tpu.memref_slice %arg5[%add3A, %dma_wait3A_305, %dma_wait3A_306] : memref<32x79x128xi32, #tpu.memory_space<hbm>> -> memref<1x79x128xi32, #tpu.memory_space<hbm>>
      %dma_wait3A_308 = tpu.memref_squeeze %dma_wait3A_307 : memref<1x79x128xi32, #tpu.memory_space<hbm>> -> memref<79x128xi32, #tpu.memory_space<hbm>>
      tpu.wait_dma2 semaphore(%run_scoped3A_294 : memref<!tpu.dma_semaphore, #tpu.memory_space<semaphore_mem>>) src(%dma_wait3A_308 : memref<79x128xi32, #tpu.memory_space<hbm>>) dst(%arg11 : memref<79x128xi32, #tpu.memory_space<vmem>>)
      tpu.yield
    }) : () -> ()
    "tpu.region"() ({
      %run_scoped3A_294 = tpu.sem_alloc : memref<!tpu.dma_semaphore, #tpu.memory_space<semaphore_mem>>
      %dma_start3A = arith.constant 0 : i32
      %dma_start3A_295 = arith.constant 0 : i32
      %dma_start3A_296 = tpu.memref_slice %arg4[%add3A_4, %dma_start3A, %dma_start3A_295] : memref<32x79x128xi32, #tpu.memory_space<hbm>> -> memref<1x79x128xi32, #tpu.memory_space<hbm>>
      %dma_start3A_297 = tpu.memref_squeeze %dma_start3A_296 : memref<1x79x128xi32, #tpu.memory_space<hbm>> -> memref<79x128xi32, #tpu.memory_space<hbm>>
      %dma_start3A_298 = arith.constant 0 : i32
      %dma_start3A_299 = arith.constant 0 : i32
      %dma_start3A_300 = tpu.memref_slice %arg4[%add3A_4, %dma_start3A_298, %dma_start3A_299] : memref<32x79x128xi32, #tpu.memory_space<hbm>> -> memref<1x79x128xi32, #tpu.memory_space<hbm>>
      %dma_start3A_301 = tpu.memref_squeeze %dma_start3A_300 : memref<1x79x128xi32, #tpu.memory_space<hbm>> -> memref<79x128xi32, #tpu.memory_space<hbm>>
      tpu.enqueue_dma source(%dma_start3A_301 : memref<79x128xi32, #tpu.memory_space<hbm>>) target(%arg12 : memref<79x128xi32, #tpu.memory_space<vmem>>) target_semaphore(%run_scoped3A_294 : memref<!tpu.dma_semaphore, #tpu.memory_space<semaphore_mem>>)
      %dma_wait3A = arith.constant 0 : i32
      %dma_wait3A_302 = arith.constant 0 : i32
      %dma_wait3A_303 = tpu.memref_slice %arg4[%add3A_4, %dma_wait3A, %dma_wait3A_302] : memref<32x79x128xi32, #tpu.memory_space<hbm>> -> memref<1x79x128xi32, #tpu.memory_space<hbm>>
      %dma_wait3A_304 = tpu.memref_squeeze %dma_wait3A_303 : memref<1x79x128xi32, #tpu.memory_space<hbm>> -> memref<79x128xi32, #tpu.memory_space<hbm>>
      %dma_wait3A_305 = arith.constant 0 : i32
      %dma_wait3A_306 = arith.constant 0 : i32
      %dma_wait3A_307 = tpu.memref_slice %arg4[%add3A_4, %dma_wait3A_305, %dma_wait3A_306] : memref<32x79x128xi32, #tpu.memory_space<hbm>> -> memref<1x79x128xi32, #tpu.memory_space<hbm>>
      %dma_wait3A_308 = tpu.memref_squeeze %dma_wait3A_307 : memref<1x79x128xi32, #tpu.memory_space<hbm>> -> memref<79x128xi32, #tpu.memory_space<hbm>>
      tpu.wait_dma2 semaphore(%run_scoped3A_294 : memref<!tpu.dma_semaphore, #tpu.memory_space<semaphore_mem>>) src(%dma_wait3A_308 : memref<79x128xi32, #tpu.memory_space<hbm>>) dst(%arg12 : memref<79x128xi32, #tpu.memory_space<vmem>>)
      tpu.yield
    }) : () -> ()
    "tpu.region"() ({
      %run_scoped3A_294 = tpu.sem_alloc : memref<!tpu.dma_semaphore, #tpu.memory_space<semaphore_mem>>
      %dma_start3A = arith.constant 0 : i32
      %dma_start3A_295 = arith.constant 0 : i32
      %dma_start3A_296 = tpu.memref_slice %arg5[%add3A_4, %dma_start3A, %dma_start3A_295] : memref<32x79x128xi32, #tpu.memory_space<hbm>> -> memref<1x79x128xi32, #tpu.memory_space<hbm>>
      %dma_start3A_297 = tpu.memref_squeeze %dma_start3A_296 : memref<1x79x128xi32, #tpu.memory_space<hbm>> -> memref<79x128xi32, #tpu.memory_space<hbm>>
      %dma_start3A_298 = arith.constant 0 : i32
      %dma_start3A_299 = arith.constant 0 : i32
      %dma_start3A_300 = tpu.memref_slice %arg5[%add3A_4, %dma_start3A_298, %dma_start3A_299] : memref<32x79x128xi32, #tpu.memory_space<hbm>> -> memref<1x79x128xi32, #tpu.memory_space<hbm>>
      %dma_start3A_301 = tpu.memref_squeeze %dma_start3A_300 : memref<1x79x128xi32, #tpu.memory_space<hbm>> -> memref<79x128xi32, #tpu.memory_space<hbm>>
      tpu.enqueue_dma source(%dma_start3A_301 : memref<79x128xi32, #tpu.memory_space<hbm>>) target(%arg13 : memref<79x128xi32, #tpu.memory_space<vmem>>) target_semaphore(%run_scoped3A_294 : memref<!tpu.dma_semaphore, #tpu.memory_space<semaphore_mem>>)
      %dma_wait3A = arith.constant 0 : i32
      %dma_wait3A_302 = arith.constant 0 : i32
      %dma_wait3A_303 = tpu.memref_slice %arg5[%add3A_4, %dma_wait3A, %dma_wait3A_302] : memref<32x79x128xi32, #tpu.memory_space<hbm>> -> memref<1x79x128xi32, #tpu.memory_space<hbm>>
      %dma_wait3A_304 = tpu.memref_squeeze %dma_wait3A_303 : memref<1x79x128xi32, #tpu.memory_space<hbm>> -> memref<79x128xi32, #tpu.memory_space<hbm>>
      %dma_wait3A_305 = arith.constant 0 : i32
      %dma_wait3A_306 = arith.constant 0 : i32
      %dma_wait3A_307 = tpu.memref_slice %arg5[%add3A_4, %dma_wait3A_305, %dma_wait3A_306] : memref<32x79x128xi32, #tpu.memory_space<hbm>> -> memref<1x79x128xi32, #tpu.memory_space<hbm>>
      %dma_wait3A_308 = tpu.memref_squeeze %dma_wait3A_307 : memref<1x79x128xi32, #tpu.memory_space<hbm>> -> memref<79x128xi32, #tpu.memory_space<hbm>>
      tpu.wait_dma2 semaphore(%run_scoped3A_294 : memref<!tpu.dma_semaphore, #tpu.memory_space<semaphore_mem>>) src(%dma_wait3A_308 : memref<79x128xi32, #tpu.memory_space<hbm>>) dst(%arg13 : memref<79x128xi32, #tpu.memory_space<vmem>>)
      tpu.yield
    }) : () -> ()
    %scan3A = arith.constant 0 : i32
    %scan3A_5 = arith.constant 0 : i32
    %scan3A_6 = arith.constant 640 : i32
    %scan3A_7 = arith.addi %scan3A_5, %scan3A_6 : i32
    %scan3A_8 = arith.constant 1 : i32
    %scan3A_9 = scf.for %scan3A_294 = %scan3A_5 to %scan3A_7 step %scan3A_8 iter_args(%scan3A_295 = %scan3A) -> (i32)  : i32 {
      %broadcast_in_dim3A = arith.constant 0.000000e+00 : f32
      %broadcast_in_dim3A_296 = vector.broadcast %broadcast_in_dim3A : f32 to vector<16xf32>
      %mul3A_297 = arith.constant 16 : i32
      %mul3A_298 = arith.muli %scan3A_294, %mul3A_297 : i32
      %multiple_of3A_299 = tpu.assume_multiple %mul3A_298, 16 : i32
      %swap3A = arith.index_cast %multiple_of3A_299 : i32 to index
      %swap3A_300 = tpu.vector_load %arg14[%swap3A] {strides = array<i32>} : memref<10240xf32, #tpu.memory_space<vmem>>, vector<16xf32>,
      tpu.vector_store %arg14[%swap3A], %broadcast_in_dim3A_296 {strides = array<i32>} : memref<10240xf32, #tpu.memory_space<vmem>>, vector<16xf32>,
      %scan3A_301 = arith.constant 0 : i32
      scf.yield %scan3A_301 : i32
    }
    %scan3A_10 = arith.constant 640 : i32
    %mul3A_11 = arith.constant 10112 : i32
    %mul3A_12 = arith.muli %add3A, %mul3A_11 : i32
    %mul3A_13 = arith.constant 10112 : i32
    %mul3A_14 = arith.muli %add3A_4, %mul3A_13 : i32
    %scan3A_15 = arith.constant 0 : i32
    %scan3A_16 = arith.constant 0 : i32
    %scan3A_17 = arith.constant 79 : i32
    %scan3A_18 = arith.addi %scan3A_16, %scan3A_17 : i32
    %scan3A_19 = arith.constant 1 : i32
    %scan3A_20 = scf.for %scan3A_294 = %scan3A_16 to %scan3A_18 step %scan3A_19 iter_args(%scan3A_295 = %scan3A_15) -> (i32)  : i32 {
      %get3A = arith.index_cast %scan3A_294 : i32 to index
      %get3A_296 = arith.constant 0 : index
      %get3A_297 = tpu.vector_load %arg10[%get3A, %get3A_296] {strides = array<i32>} : memref<79x128xi32, #tpu.memory_space<vmem>>, vector<16xi32>,
      %get3A_298 = arith.index_cast %scan3A_294 : i32 to index
      %get3A_299 = arith.constant 0 : index
      %get3A_300 = tpu.vector_load %arg11[%get3A_298, %get3A_299] {strides = array<i32>} : memref<79x128xi32, #tpu.memory_space<vmem>>, vector<16xi32>,
      %gather3A = tpu.vector_load_idx %arg8[%get3A_300] : memref<10000xf32, #tpu.memory_space<vmem>>[vector<16xi32>], vector<16xf32>,
      %gather3A_301 = tpu.vector_load_idx %arg9[%get3A_297] : memref<10000xf32, #tpu.memory_space<vmem>>[vector<16xi32>], vector<16xf32>,
      %add3A_302 = arith.addf %gather3A, %gather3A_301 : vector<16xf32>
      %ge3A = arith.constant 0.000000e+00 : f32
      %ge3A_303 = vector.broadcast %ge3A : f32 to vector<16xf32>
      %ge3A_304 = arith.cmpf oge, %add3A_302, %ge3A_303 : vector<16xf32>
      %mul3A_305 = arith.constant 2.000000e-01 : f32
      %mul3A_306 = vector.broadcast %mul3A_305 : f32 to vector<16xf32>
      %mul3A_307 = arith.mulf %mul3A_306, %add3A_302 : vector<16xf32>
      %select_n3A = arith.select %ge3A_304, %add3A_302, %mul3A_307 : vector<16xi1>, vector<16xf32>
      %exp3A = math.exp %select_n3A : vector<16xf32>
      %mul3A_308 = arith.constant 128 : i32
      %mul3A_309 = arith.muli %scan3A_294, %mul3A_308 : i32
      %add3A_310 = arith.addi %mul3A_12, %mul3A_309 : i32
      %add3A_311 = arith.constant 0 : i32
      %add3A_312 = arith.addi %add3A_310, %add3A_311 : i32
      %iota3A = tpu.iota {dimensions = array<i32: 0>} : vector<16xi32>
      %add3A_313 = vector.broadcast %add3A_312 : i32 to vector<16xi32>
      %add3A_314 = arith.addi %add3A_313, %iota3A : vector<16xi32>
      %lt3A_315 = arith.constant 320000 : i32
      %lt3A_316 = vector.broadcast %lt3A_315 : i32 to vector<16xi32>
      %lt3A_317 = arith.cmpi slt, %add3A_314, %lt3A_316 : vector<16xi32>
      %jit3A = arith.constant 0.000000e+00 : f32
      %broadcast_in_dim3A = vector.broadcast %jit3A : f32 to vector<16xf32>
      %select_n3A_318 = arith.select %lt3A_317, %exp3A, %broadcast_in_dim3A : vector<16xi1>, vector<16xf32>
      %swap3A = arith.index_cast %scan3A_294 : i32 to index
      %swap3A_319 = arith.constant 0 : index
      %swap3A_320 = tpu.vector_load %arg15[%swap3A, %swap3A_319] {strides = array<i32>} : memref<79x128xf32, #tpu.memory_space<vmem>>, vector<16xf32>,
      tpu.vector_store %arg15[%swap3A, %swap3A_319], %select_n3A_318 {strides = array<i32>} : memref<79x128xf32, #tpu.memory_space<vmem>>, vector<16xf32>,
      tpu.vector_store_idx %arg14[%get3A_300], %select_n3A_318 {add = true} : memref<10240xf32, #tpu.memory_space<vmem>>[vector<16xi32>], vector<16xf32>,
      %get3A_321 = arith.index_cast %scan3A_294 : i32 to index
      %get3A_322 = arith.constant 16 : index
      %get3A_323 = tpu.vector_load %arg10[%get3A_321, %get3A_322] {strides = array<i32>} : memref<79x128xi32, #tpu.memory_space<vmem>>, vector<16xi32>,
      %get3A_324 = arith.index_cast %scan3A_294 : i32 to index
      %get3A_325 = arith.constant 16 : index
      %get3A_326 = tpu.vector_load %arg11[%get3A_324, %get3A_325] {strides = array<i32>} : memref<79x128xi32, #tpu.memory_space<vmem>>, vector<16xi32>,
      %gather3A_327 = tpu.vector_load_idx %arg8[%get3A_326] : memref<10000xf32, #tpu.memory_space<vmem>>[vector<16xi32>], vector<16xf32>,
      %gather3A_328 = tpu.vector_load_idx %arg9[%get3A_323] : memref<10000xf32, #tpu.memory_space<vmem>>[vector<16xi32>], vector<16xf32>,
      %add3A_329 = arith.addf %gather3A_327, %gather3A_328 : vector<16xf32>
      %ge3A_330 = arith.constant 0.000000e+00 : f32
      %ge3A_331 = vector.broadcast %ge3A_330 : f32 to vector<16xf32>
      %ge3A_332 = arith.cmpf oge, %add3A_329, %ge3A_331 : vector<16xf32>
      %mul3A_333 = arith.constant 2.000000e-01 : f32
      %mul3A_334 = vector.broadcast %mul3A_333 : f32 to vector<16xf32>
      %mul3A_335 = arith.mulf %mul3A_334, %add3A_329 : vector<16xf32>
      %select_n3A_336 = arith.select %ge3A_332, %add3A_329, %mul3A_335 : vector<16xi1>, vector<16xf32>
      %exp3A_337 = math.exp %select_n3A_336 : vector<16xf32>
      %mul3A_338 = arith.constant 128 : i32
      %mul3A_339 = arith.muli %scan3A_294, %mul3A_338 : i32
      %add3A_340 = arith.addi %mul3A_12, %mul3A_339 : i32
      %add3A_341 = arith.constant 16 : i32
      %add3A_342 = arith.addi %add3A_340, %add3A_341 : i32
      %iota3A_343 = tpu.iota {dimensions = array<i32: 0>} : vector<16xi32>
      %add3A_344 = vector.broadcast %add3A_342 : i32 to vector<16xi32>
      %add3A_345 = arith.addi %add3A_344, %iota3A_343 : vector<16xi32>
      %lt3A_346 = arith.constant 320000 : i32
      %lt3A_347 = vector.broadcast %lt3A_346 : i32 to vector<16xi32>
      %lt3A_348 = arith.cmpi slt, %add3A_345, %lt3A_347 : vector<16xi32>
      %jit3A_349 = arith.constant 0.000000e+00 : f32
      %broadcast_in_dim3A_350 = vector.broadcast %jit3A_349 : f32 to vector<16xf32>
      %select_n3A_351 = arith.select %lt3A_348, %exp3A_337, %broadcast_in_dim3A_350 : vector<16xi1>, vector<16xf32>
      %swap3A_352 = arith.index_cast %scan3A_294 : i32 to index
      %swap3A_353 = arith.constant 16 : index
      %swap3A_354 = tpu.vector_load %arg15[%swap3A_352, %swap3A_353] {strides = array<i32>} : memref<79x128xf32, #tpu.memory_space<vmem>>, vector<16xf32>,
      tpu.vector_store %arg15[%swap3A_352, %swap3A_353], %select_n3A_351 {strides = array<i32>} : memref<79x128xf32, #tpu.memory_space<vmem>>, vector<16xf32>,
      tpu.vector_store_idx %arg14[%get3A_326], %select_n3A_351 {add = true} : memref<10240xf32, #tpu.memory_space<vmem>>[vector<16xi32>], vector<16xf32>,
      %get3A_355 = arith.index_cast %scan3A_294 : i32 to index
      %get3A_356 = arith.constant 32 : index
      %get3A_357 = tpu.vector_load %arg10[%get3A_355, %get3A_356] {strides = array<i32>} : memref<79x128xi32, #tpu.memory_space<vmem>>, vector<16xi32>,
      %get3A_358 = arith.index_cast %scan3A_294 : i32 to index
      %get3A_359 = arith.constant 32 : index
      %get3A_360 = tpu.vector_load %arg11[%get3A_358, %get3A_359] {strides = array<i32>} : memref<79x128xi32, #tpu.memory_space<vmem>>, vector<16xi32>,
      %gather3A_361 = tpu.vector_load_idx %arg8[%get3A_360] : memref<10000xf32, #tpu.memory_space<vmem>>[vector<16xi32>], vector<16xf32>,
      %gather3A_362 = tpu.vector_load_idx %arg9[%get3A_357] : memref<10000xf32, #tpu.memory_space<vmem>>[vector<16xi32>], vector<16xf32>,
      %add3A_363 = arith.addf %gather3A_361, %gather3A_362 : vector<16xf32>
      %ge3A_364 = arith.constant 0.000000e+00 : f32
      %ge3A_365 = vector.broadcast %ge3A_364 : f32 to vector<16xf32>
      %ge3A_366 = arith.cmpf oge, %add3A_363, %ge3A_365 : vector<16xf32>
      %mul3A_367 = arith.constant 2.000000e-01 : f32
      %mul3A_368 = vector.broadcast %mul3A_367 : f32 to vector<16xf32>
      %mul3A_369 = arith.mulf %mul3A_368, %add3A_363 : vector<16xf32>
      %select_n3A_370 = arith.select %ge3A_366, %add3A_363, %mul3A_369 : vector<16xi1>, vector<16xf32>
      %exp3A_371 = math.exp %select_n3A_370 : vector<16xf32>
      %mul3A_372 = arith.constant 128 : i32
      %mul3A_373 = arith.muli %scan3A_294, %mul3A_372 : i32
      %add3A_374 = arith.addi %mul3A_12, %mul3A_373 : i32
      %add3A_375 = arith.constant 32 : i32
      %add3A_376 = arith.addi %add3A_374, %add3A_375 : i32
      %iota3A_377 = tpu.iota {dimensions = array<i32: 0>} : vector<16xi32>
      %add3A_378 = vector.broadcast %add3A_376 : i32 to vector<16xi32>
      %add3A_379 = arith.addi %add3A_378, %iota3A_377 : vector<16xi32>
      %lt3A_380 = arith.constant 320000 : i32
      %lt3A_381 = vector.broadcast %lt3A_380 : i32 to vector<16xi32>
      %lt3A_382 = arith.cmpi slt, %add3A_379, %lt3A_381 : vector<16xi32>
      %jit3A_383 = arith.constant 0.000000e+00 : f32
      %broadcast_in_dim3A_384 = vector.broadcast %jit3A_383 : f32 to vector<16xf32>
      %select_n3A_385 = arith.select %lt3A_382, %exp3A_371, %broadcast_in_dim3A_384 : vector<16xi1>, vector<16xf32>
      %swap3A_386 = arith.index_cast %scan3A_294 : i32 to index
      %swap3A_387 = arith.constant 32 : index
      %swap3A_388 = tpu.vector_load %arg15[%swap3A_386, %swap3A_387] {strides = array<i32>} : memref<79x128xf32, #tpu.memory_space<vmem>>, vector<16xf32>,
      tpu.vector_store %arg15[%swap3A_386, %swap3A_387], %select_n3A_385 {strides = array<i32>} : memref<79x128xf32, #tpu.memory_space<vmem>>, vector<16xf32>,
      tpu.vector_store_idx %arg14[%get3A_360], %select_n3A_385 {add = true} : memref<10240xf32, #tpu.memory_space<vmem>>[vector<16xi32>], vector<16xf32>,
      %get3A_389 = arith.index_cast %scan3A_294 : i32 to index
      %get3A_390 = arith.constant 48 : index
      %get3A_391 = tpu.vector_load %arg10[%get3A_389, %get3A_390] {strides = array<i32>} : memref<79x128xi32, #tpu.memory_space<vmem>>, vector<16xi32>,
      %get3A_392 = arith.index_cast %scan3A_294 : i32 to index
      %get3A_393 = arith.constant 48 : index
      %get3A_394 = tpu.vector_load %arg11[%get3A_392, %get3A_393] {strides = array<i32>} : memref<79x128xi32, #tpu.memory_space<vmem>>, vector<16xi32>,
      %gather3A_395 = tpu.vector_load_idx %arg8[%get3A_394] : memref<10000xf32, #tpu.memory_space<vmem>>[vector<16xi32>], vector<16xf32>,
      %gather3A_396 = tpu.vector_load_idx %arg9[%get3A_391] : memref<10000xf32, #tpu.memory_space<vmem>>[vector<16xi32>], vector<16xf32>,
      %add3A_397 = arith.addf %gather3A_395, %gather3A_396 : vector<16xf32>
      %ge3A_398 = arith.constant 0.000000e+00 : f32
      %ge3A_399 = vector.broadcast %ge3A_398 : f32 to vector<16xf32>
      %ge3A_400 = arith.cmpf oge, %add3A_397, %ge3A_399 : vector<16xf32>
      %mul3A_401 = arith.constant 2.000000e-01 : f32
      %mul3A_402 = vector.broadcast %mul3A_401 : f32 to vector<16xf32>
      %mul3A_403 = arith.mulf %mul3A_402, %add3A_397 : vector<16xf32>
      %select_n3A_404 = arith.select %ge3A_400, %add3A_397, %mul3A_403 : vector<16xi1>, vector<16xf32>
      %exp3A_405 = math.exp %select_n3A_404 : vector<16xf32>
      %mul3A_406 = arith.constant 128 : i32
      %mul3A_407 = arith.muli %scan3A_294, %mul3A_406 : i32
      %add3A_408 = arith.addi %mul3A_12, %mul3A_407 : i32
      %add3A_409 = arith.constant 48 : i32
      %add3A_410 = arith.addi %add3A_408, %add3A_409 : i32
      %iota3A_411 = tpu.iota {dimensions = array<i32: 0>} : vector<16xi32>
      %add3A_412 = vector.broadcast %add3A_410 : i32 to vector<16xi32>
      %add3A_413 = arith.addi %add3A_412, %iota3A_411 : vector<16xi32>
      %lt3A_414 = arith.constant 320000 : i32
      %lt3A_415 = vector.broadcast %lt3A_414 : i32 to vector<16xi32>
      %lt3A_416 = arith.cmpi slt, %add3A_413, %lt3A_415 : vector<16xi32>
      %jit3A_417 = arith.constant 0.000000e+00 : f32
      %broadcast_in_dim3A_418 = vector.broadcast %jit3A_417 : f32 to vector<16xf32>
      %select_n3A_419 = arith.select %lt3A_416, %exp3A_405, %broadcast_in_dim3A_418 : vector<16xi1>, vector<16xf32>
      %swap3A_420 = arith.index_cast %scan3A_294 : i32 to index
      %swap3A_421 = arith.constant 48 : index
      %swap3A_422 = tpu.vector_load %arg15[%swap3A_420, %swap3A_421] {strides = array<i32>} : memref<79x128xf32, #tpu.memory_space<vmem>>, vector<16xf32>,
      tpu.vector_store %arg15[%swap3A_420, %swap3A_421], %select_n3A_419 {strides = array<i32>} : memref<79x128xf32, #tpu.memory_space<vmem>>, vector<16xf32>,
      tpu.vector_store_idx %arg14[%get3A_394], %select_n3A_419 {add = true} : memref<10240xf32, #tpu.memory_space<vmem>>[vector<16xi32>], vector<16xf32>,
      %get3A_423 = arith.index_cast %scan3A_294 : i32 to index
      %get3A_424 = arith.constant 64 : index
      %get3A_425 = tpu.vector_load %arg10[%get3A_423, %get3A_424] {strides = array<i32>} : memref<79x128xi32, #tpu.memory_space<vmem>>, vector<16xi32>,
      %get3A_426 = arith.index_cast %scan3A_294 : i32 to index
      %get3A_427 = arith.constant 64 : index
      %get3A_428 = tpu.vector_load %arg11[%get3A_426, %get3A_427] {strides = array<i32>} : memref<79x128xi32, #tpu.memory_space<vmem>>, vector<16xi32>,
      %gather3A_429 = tpu.vector_load_idx %arg8[%get3A_428] : memref<10000xf32, #tpu.memory_space<vmem>>[vector<16xi32>], vector<16xf32>,
      %gather3A_430 = tpu.vector_load_idx %arg9[%get3A_425] : memref<10000xf32, #tpu.memory_space<vmem>>[vector<16xi32>], vector<16xf32>,
      %add3A_431 = arith.addf %gather3A_429, %gather3A_430 : vector<16xf32>
      %ge3A_432 = arith.constant 0.000000e+00 : f32
      %ge3A_433 = vector.broadcast %ge3A_432 : f32 to vector<16xf32>
      %ge3A_434 = arith.cmpf oge, %add3A_431, %ge3A_433 : vector<16xf32>
      %mul3A_435 = arith.constant 2.000000e-01 : f32
      %mul3A_436 = vector.broadcast %mul3A_435 : f32 to vector<16xf32>
      %mul3A_437 = arith.mulf %mul3A_436, %add3A_431 : vector<16xf32>
      %select_n3A_438 = arith.select %ge3A_434, %add3A_431, %mul3A_437 : vector<16xi1>, vector<16xf32>
      %exp3A_439 = math.exp %select_n3A_438 : vector<16xf32>
      %mul3A_440 = arith.constant 128 : i32
      %mul3A_441 = arith.muli %scan3A_294, %mul3A_440 : i32
      %add3A_442 = arith.addi %mul3A_12, %mul3A_441 : i32
      %add3A_443 = arith.constant 64 : i32
      %add3A_444 = arith.addi %add3A_442, %add3A_443 : i32
      %iota3A_445 = tpu.iota {dimensions = array<i32: 0>} : vector<16xi32>
      %add3A_446 = vector.broadcast %add3A_444 : i32 to vector<16xi32>
      %add3A_447 = arith.addi %add3A_446, %iota3A_445 : vector<16xi32>
      %lt3A_448 = arith.constant 320000 : i32
      %lt3A_449 = vector.broadcast %lt3A_448 : i32 to vector<16xi32>
      %lt3A_450 = arith.cmpi slt, %add3A_447, %lt3A_449 : vector<16xi32>
      %jit3A_451 = arith.constant 0.000000e+00 : f32
      %broadcast_in_dim3A_452 = vector.broadcast %jit3A_451 : f32 to vector<16xf32>
      %select_n3A_453 = arith.select %lt3A_450, %exp3A_439, %broadcast_in_dim3A_452 : vector<16xi1>, vector<16xf32>
      %swap3A_454 = arith.index_cast %scan3A_294 : i32 to index
      %swap3A_455 = arith.constant 64 : index
      %swap3A_456 = tpu.vector_load %arg15[%swap3A_454, %swap3A_455] {strides = array<i32>} : memref<79x128xf32, #tpu.memory_space<vmem>>, vector<16xf32>,
      tpu.vector_store %arg15[%swap3A_454, %swap3A_455], %select_n3A_453 {strides = array<i32>} : memref<79x128xf32, #tpu.memory_space<vmem>>, vector<16xf32>,
      tpu.vector_store_idx %arg14[%get3A_428], %select_n3A_453 {add = true} : memref<10240xf32, #tpu.memory_space<vmem>>[vector<16xi32>], vector<16xf32>,
      %get3A_457 = arith.index_cast %scan3A_294 : i32 to index
      %get3A_458 = arith.constant 80 : index
      %get3A_459 = tpu.vector_load %arg10[%get3A_457, %get3A_458] {strides = array<i32>} : memref<79x128xi32, #tpu.memory_space<vmem>>, vector<16xi32>,
      %get3A_460 = arith.index_cast %scan3A_294 : i32 to index
      %get3A_461 = arith.constant 80 : index
      %get3A_462 = tpu.vector_load %arg11[%get3A_460, %get3A_461] {strides = array<i32>} : memref<79x128xi32, #tpu.memory_space<vmem>>, vector<16xi32>,
      %gather3A_463 = tpu.vector_load_idx %arg8[%get3A_462] : memref<10000xf32, #tpu.memory_space<vmem>>[vector<16xi32>], vector<16xf32>,
      %gather3A_464 = tpu.vector_load_idx %arg9[%get3A_459] : memref<10000xf32, #tpu.memory_space<vmem>>[vector<16xi32>], vector<16xf32>,
      %add3A_465 = arith.addf %gather3A_463, %gather3A_464 : vector<16xf32>
      %ge3A_466 = arith.constant 0.000000e+00 : f32
      %ge3A_467 = vector.broadcast %ge3A_466 : f32 to vector<16xf32>
      %ge3A_468 = arith.cmpf oge, %add3A_465, %ge3A_467 : vector<16xf32>
      %mul3A_469 = arith.constant 2.000000e-01 : f32
      %mul3A_470 = vector.broadcast %mul3A_469 : f32 to vector<16xf32>
      %mul3A_471 = arith.mulf %mul3A_470, %add3A_465 : vector<16xf32>
      %select_n3A_472 = arith.select %ge3A_468, %add3A_465, %mul3A_471 : vector<16xi1>, vector<16xf32>
      %exp3A_473 = math.exp %select_n3A_472 : vector<16xf32>
      %mul3A_474 = arith.constant 128 : i32
      %mul3A_475 = arith.muli %scan3A_294, %mul3A_474 : i32
      %add3A_476 = arith.addi %mul3A_12, %mul3A_475 : i32
      %add3A_477 = arith.constant 80 : i32
      %add3A_478 = arith.addi %add3A_476, %add3A_477 : i32
      %iota3A_479 = tpu.iota {dimensions = array<i32: 0>} : vector<16xi32>
      %add3A_480 = vector.broadcast %add3A_478 : i32 to vector<16xi32>
      %add3A_481 = arith.addi %add3A_480, %iota3A_479 : vector<16xi32>
      %lt3A_482 = arith.constant 320000 : i32
      %lt3A_483 = vector.broadcast %lt3A_482 : i32 to vector<16xi32>
      %lt3A_484 = arith.cmpi slt, %add3A_481, %lt3A_483 : vector<16xi32>
      %jit3A_485 = arith.constant 0.000000e+00 : f32
      %broadcast_in_dim3A_486 = vector.broadcast %jit3A_485 : f32 to vector<16xf32>
      %select_n3A_487 = arith.select %lt3A_484, %exp3A_473, %broadcast_in_dim3A_486 : vector<16xi1>, vector<16xf32>
      %swap3A_488 = arith.index_cast %scan3A_294 : i32 to index
      %swap3A_489 = arith.constant 80 : index
      %swap3A_490 = tpu.vector_load %arg15[%swap3A_488, %swap3A_489] {strides = array<i32>} : memref<79x128xf32, #tpu.memory_space<vmem>>, vector<16xf32>,
      tpu.vector_store %arg15[%swap3A_488, %swap3A_489], %select_n3A_487 {strides = array<i32>} : memref<79x128xf32, #tpu.memory_space<vmem>>, vector<16xf32>,
      tpu.vector_store_idx %arg14[%get3A_462], %select_n3A_487 {add = true} : memref<10240xf32, #tpu.memory_space<vmem>>[vector<16xi32>], vector<16xf32>,
      %get3A_491 = arith.index_cast %scan3A_294 : i32 to index
      %get3A_492 = arith.constant 96 : index
      %get3A_493 = tpu.vector_load %arg10[%get3A_491, %get3A_492] {strides = array<i32>} : memref<79x128xi32, #tpu.memory_space<vmem>>, vector<16xi32>,
      %get3A_494 = arith.index_cast %scan3A_294 : i32 to index
      %get3A_495 = arith.constant 96 : index
      %get3A_496 = tpu.vector_load %arg11[%get3A_494, %get3A_495] {strides = array<i32>} : memref<79x128xi32, #tpu.memory_space<vmem>>, vector<16xi32>,
      %gather3A_497 = tpu.vector_load_idx %arg8[%get3A_496] : memref<10000xf32, #tpu.memory_space<vmem>>[vector<16xi32>], vector<16xf32>,
      %gather3A_498 = tpu.vector_load_idx %arg9[%get3A_493] : memref<10000xf32, #tpu.memory_space<vmem>>[vector<16xi32>], vector<16xf32>,
      %add3A_499 = arith.addf %gather3A_497, %gather3A_498 : vector<16xf32>
      %ge3A_500 = arith.constant 0.000000e+00 : f32
      %ge3A_501 = vector.broadcast %ge3A_500 : f32 to vector<16xf32>
      %ge3A_502 = arith.cmpf oge, %add3A_499, %ge3A_501 : vector<16xf32>
      %mul3A_503 = arith.constant 2.000000e-01 : f32
      %mul3A_504 = vector.broadcast %mul3A_503 : f32 to vector<16xf32>
      %mul3A_505 = arith.mulf %mul3A_504, %add3A_499 : vector<16xf32>
      %select_n3A_506 = arith.select %ge3A_502, %add3A_499, %mul3A_505 : vector<16xi1>, vector<16xf32>
      %exp3A_507 = math.exp %select_n3A_506 : vector<16xf32>
      %mul3A_508 = arith.constant 128 : i32
      %mul3A_509 = arith.muli %scan3A_294, %mul3A_508 : i32
      %add3A_510 = arith.addi %mul3A_12, %mul3A_509 : i32
      %add3A_511 = arith.constant 96 : i32
      %add3A_512 = arith.addi %add3A_510, %add3A_511 : i32
      %iota3A_513 = tpu.iota {dimensions = array<i32: 0>} : vector<16xi32>
      %add3A_514 = vector.broadcast %add3A_512 : i32 to vector<16xi32>
      %add3A_515 = arith.addi %add3A_514, %iota3A_513 : vector<16xi32>
      %lt3A_516 = arith.constant 320000 : i32
      %lt3A_517 = vector.broadcast %lt3A_516 : i32 to vector<16xi32>
      %lt3A_518 = arith.cmpi slt, %add3A_515, %lt3A_517 : vector<16xi32>
      %jit3A_519 = arith.constant 0.000000e+00 : f32
      %broadcast_in_dim3A_520 = vector.broadcast %jit3A_519 : f32 to vector<16xf32>
      %select_n3A_521 = arith.select %lt3A_518, %exp3A_507, %broadcast_in_dim3A_520 : vector<16xi1>, vector<16xf32>
      %swap3A_522 = arith.index_cast %scan3A_294 : i32 to index
      %swap3A_523 = arith.constant 96 : index
      %swap3A_524 = tpu.vector_load %arg15[%swap3A_522, %swap3A_523] {strides = array<i32>} : memref<79x128xf32, #tpu.memory_space<vmem>>, vector<16xf32>,
      tpu.vector_store %arg15[%swap3A_522, %swap3A_523], %select_n3A_521 {strides = array<i32>} : memref<79x128xf32, #tpu.memory_space<vmem>>, vector<16xf32>,
      tpu.vector_store_idx %arg14[%get3A_496], %select_n3A_521 {add = true} : memref<10240xf32, #tpu.memory_space<vmem>>[vector<16xi32>], vector<16xf32>,
      %get3A_525 = arith.index_cast %scan3A_294 : i32 to index
      %get3A_526 = arith.constant 112 : index
      %get3A_527 = tpu.vector_load %arg10[%get3A_525, %get3A_526] {strides = array<i32>} : memref<79x128xi32, #tpu.memory_space<vmem>>, vector<16xi32>,
      %get3A_528 = arith.index_cast %scan3A_294 : i32 to index
      %get3A_529 = arith.constant 112 : index
      %get3A_530 = tpu.vector_load %arg11[%get3A_528, %get3A_529] {strides = array<i32>} : memref<79x128xi32, #tpu.memory_space<vmem>>, vector<16xi32>,
      %gather3A_531 = tpu.vector_load_idx %arg8[%get3A_530] : memref<10000xf32, #tpu.memory_space<vmem>>[vector<16xi32>], vector<16xf32>,
      %gather3A_532 = tpu.vector_load_idx %arg9[%get3A_527] : memref<10000xf32, #tpu.memory_space<vmem>>[vector<16xi32>], vector<16xf32>,
      %add3A_533 = arith.addf %gather3A_531, %gather3A_532 : vector<16xf32>
      %ge3A_534 = arith.constant 0.000000e+00 : f32
      %ge3A_535 = vector.broadcast %ge3A_534 : f32 to vector<16xf32>
      %ge3A_536 = arith.cmpf oge, %add3A_533, %ge3A_535 : vector<16xf32>
      %mul3A_537 = arith.constant 2.000000e-01 : f32
      %mul3A_538 = vector.broadcast %mul3A_537 : f32 to vector<16xf32>
      %mul3A_539 = arith.mulf %mul3A_538, %add3A_533 : vector<16xf32>
      %select_n3A_540 = arith.select %ge3A_536, %add3A_533, %mul3A_539 : vector<16xi1>, vector<16xf32>
      %exp3A_541 = math.exp %select_n3A_540 : vector<16xf32>
      %mul3A_542 = arith.constant 128 : i32
      %mul3A_543 = arith.muli %scan3A_294, %mul3A_542 : i32
      %add3A_544 = arith.addi %mul3A_12, %mul3A_543 : i32
      %add3A_545 = arith.constant 112 : i32
      %add3A_546 = arith.addi %add3A_544, %add3A_545 : i32
      %iota3A_547 = tpu.iota {dimensions = array<i32: 0>} : vector<16xi32>
      %add3A_548 = vector.broadcast %add3A_546 : i32 to vector<16xi32>
      %add3A_549 = arith.addi %add3A_548, %iota3A_547 : vector<16xi32>
      %lt3A_550 = arith.constant 320000 : i32
      %lt3A_551 = vector.broadcast %lt3A_550 : i32 to vector<16xi32>
      %lt3A_552 = arith.cmpi slt, %add3A_549, %lt3A_551 : vector<16xi32>
      %jit3A_553 = arith.constant 0.000000e+00 : f32
      %broadcast_in_dim3A_554 = vector.broadcast %jit3A_553 : f32 to vector<16xf32>
      %select_n3A_555 = arith.select %lt3A_552, %exp3A_541, %broadcast_in_dim3A_554 : vector<16xi1>, vector<16xf32>
      %swap3A_556 = arith.index_cast %scan3A_294 : i32 to index
      %swap3A_557 = arith.constant 112 : index
      %swap3A_558 = tpu.vector_load %arg15[%swap3A_556, %swap3A_557] {strides = array<i32>} : memref<79x128xf32, #tpu.memory_space<vmem>>, vector<16xf32>,
      tpu.vector_store %arg15[%swap3A_556, %swap3A_557], %select_n3A_555 {strides = array<i32>} : memref<79x128xf32, #tpu.memory_space<vmem>>, vector<16xf32>,
      tpu.vector_store_idx %arg14[%get3A_530], %select_n3A_555 {add = true} : memref<10240xf32, #tpu.memory_space<vmem>>[vector<16xi32>], vector<16xf32>,
      %scan3A_559 = arith.constant 0 : i32
      scf.yield %scan3A_559 : i32
    }
    %scan3A_21 = arith.constant 79 : i32
    %scan3A_22 = arith.constant 0 : i32
    %scan3A_23 = arith.constant 0 : i32
    %scan3A_24 = arith.constant 79 : i32
    %scan3A_25 = arith.addi %scan3A_23, %scan3A_24 : i32
    %scan3A_26 = arith.constant 1 : i32
    %scan3A_27 = scf.for %scan3A_294 = %scan3A_23 to %scan3A_25 step %scan3A_26 iter_args(%scan3A_295 = %scan3A_22) -> (i32)  : i32 {
      %get3A = arith.index_cast %scan3A_294 : i32 to index
      %get3A_296 = arith.constant 0 : index
      %get3A_297 = tpu.vector_load %arg12[%get3A, %get3A_296] {strides = array<i32>} : memref<79x128xi32, #tpu.memory_space<vmem>>, vector<16xi32>,
      %get3A_298 = arith.index_cast %scan3A_294 : i32 to index
      %get3A_299 = arith.constant 0 : index
      %get3A_300 = tpu.vector_load %arg13[%get3A_298, %get3A_299] {strides = array<i32>} : memref<79x128xi32, #tpu.memory_space<vmem>>, vector<16xi32>,
      %gather3A = tpu.vector_load_idx %arg8[%get3A_300] : memref<10000xf32, #tpu.memory_space<vmem>>[vector<16xi32>], vector<16xf32>,
      %gather3A_301 = tpu.vector_load_idx %arg9[%get3A_297] : memref<10000xf32, #tpu.memory_space<vmem>>[vector<16xi32>], vector<16xf32>,
      %add3A_302 = arith.addf %gather3A, %gather3A_301 : vector<16xf32>
      %ge3A = arith.constant 0.000000e+00 : f32
      %ge3A_303 = vector.broadcast %ge3A : f32 to vector<16xf32>
      %ge3A_304 = arith.cmpf oge, %add3A_302, %ge3A_303 : vector<16xf32>
      %mul3A_305 = arith.constant 2.000000e-01 : f32
      %mul3A_306 = vector.broadcast %mul3A_305 : f32 to vector<16xf32>
      %mul3A_307 = arith.mulf %mul3A_306, %add3A_302 : vector<16xf32>
      %select_n3A = arith.select %ge3A_304, %add3A_302, %mul3A_307 : vector<16xi1>, vector<16xf32>
      %exp3A = math.exp %select_n3A : vector<16xf32>
      %mul3A_308 = arith.constant 128 : i32
      %mul3A_309 = arith.muli %scan3A_294, %mul3A_308 : i32
      %add3A_310 = arith.addi %mul3A_14, %mul3A_309 : i32
      %add3A_311 = arith.constant 0 : i32
      %add3A_312 = arith.addi %add3A_310, %add3A_311 : i32
      %iota3A = tpu.iota {dimensions = array<i32: 0>} : vector<16xi32>
      %add3A_313 = vector.broadcast %add3A_312 : i32 to vector<16xi32>
      %add3A_314 = arith.addi %add3A_313, %iota3A : vector<16xi32>
      %lt3A_315 = arith.constant 320000 : i32
      %lt3A_316 = vector.broadcast %lt3A_315 : i32 to vector<16xi32>
      %lt3A_317 = arith.cmpi slt, %add3A_314, %lt3A_316 : vector<16xi32>
      %jit3A = arith.constant 0.000000e+00 : f32
      %broadcast_in_dim3A = vector.broadcast %jit3A : f32 to vector<16xf32>
      %select_n3A_318 = arith.select %lt3A_317, %exp3A, %broadcast_in_dim3A : vector<16xi1>, vector<16xf32>
      %swap3A = arith.index_cast %scan3A_294 : i32 to index
      %swap3A_319 = arith.constant 0 : index
      %swap3A_320 = tpu.vector_load %arg16[%swap3A, %swap3A_319] {strides = array<i32>} : memref<79x128xf32, #tpu.memory_space<vmem>>, vector<16xf32>,
      tpu.vector_store %arg16[%swap3A, %swap3A_319], %select_n3A_318 {strides = array<i32>} : memref<79x128xf32, #tpu.memory_space<vmem>>, vector<16xf32>,
      tpu.vector_store_idx %arg14[%get3A_300], %select_n3A_318 {add = true} : memref<10240xf32, #tpu.memory_space<vmem>>[vector<16xi32>], vector<16xf32>,
      %get3A_321 = arith.index_cast %scan3A_294 : i32 to index
      %get3A_322 = arith.constant 16 : index
      %get3A_323 = tpu.vector_load %arg12[%get3A_321, %get3A_322] {strides = array<i32>} : memref<79x128xi32, #tpu.memory_space<vmem>>, vector<16xi32>,
      %get3A_324 = arith.index_cast %scan3A_294 : i32 to index
      %get3A_325 = arith.constant 16 : index
      %get3A_326 = tpu.vector_load %arg13[%get3A_324, %get3A_325] {strides = array<i32>} : memref<79x128xi32, #tpu.memory_space<vmem>>, vector<16xi32>,
      %gather3A_327 = tpu.vector_load_idx %arg8[%get3A_326] : memref<10000xf32, #tpu.memory_space<vmem>>[vector<16xi32>], vector<16xf32>,
      %gather3A_328 = tpu.vector_load_idx %arg9[%get3A_323] : memref<10000xf32, #tpu.memory_space<vmem>>[vector<16xi32>], vector<16xf32>,
      %add3A_329 = arith.addf %gather3A_327, %gather3A_328 : vector<16xf32>
      %ge3A_330 = arith.constant 0.000000e+00 : f32
      %ge3A_331 = vector.broadcast %ge3A_330 : f32 to vector<16xf32>
      %ge3A_332 = arith.cmpf oge, %add3A_329, %ge3A_331 : vector<16xf32>
      %mul3A_333 = arith.constant 2.000000e-01 : f32
      %mul3A_334 = vector.broadcast %mul3A_333 : f32 to vector<16xf32>
      %mul3A_335 = arith.mulf %mul3A_334, %add3A_329 : vector<16xf32>
      %select_n3A_336 = arith.select %ge3A_332, %add3A_329, %mul3A_335 : vector<16xi1>, vector<16xf32>
      %exp3A_337 = math.exp %select_n3A_336 : vector<16xf32>
      %mul3A_338 = arith.constant 128 : i32
      %mul3A_339 = arith.muli %scan3A_294, %mul3A_338 : i32
      %add3A_340 = arith.addi %mul3A_14, %mul3A_339 : i32
      %add3A_341 = arith.constant 16 : i32
      %add3A_342 = arith.addi %add3A_340, %add3A_341 : i32
      %iota3A_343 = tpu.iota {dimensions = array<i32: 0>} : vector<16xi32>
      %add3A_344 = vector.broadcast %add3A_342 : i32 to vector<16xi32>
      %add3A_345 = arith.addi %add3A_344, %iota3A_343 : vector<16xi32>
      %lt3A_346 = arith.constant 320000 : i32
      %lt3A_347 = vector.broadcast %lt3A_346 : i32 to vector<16xi32>
      %lt3A_348 = arith.cmpi slt, %add3A_345, %lt3A_347 : vector<16xi32>
      %jit3A_349 = arith.constant 0.000000e+00 : f32
      %broadcast_in_dim3A_350 = vector.broadcast %jit3A_349 : f32 to vector<16xf32>
      %select_n3A_351 = arith.select %lt3A_348, %exp3A_337, %broadcast_in_dim3A_350 : vector<16xi1>, vector<16xf32>
      %swap3A_352 = arith.index_cast %scan3A_294 : i32 to index
      %swap3A_353 = arith.constant 16 : index
      %swap3A_354 = tpu.vector_load %arg16[%swap3A_352, %swap3A_353] {strides = array<i32>} : memref<79x128xf32, #tpu.memory_space<vmem>>, vector<16xf32>,
      tpu.vector_store %arg16[%swap3A_352, %swap3A_353], %select_n3A_351 {strides = array<i32>} : memref<79x128xf32, #tpu.memory_space<vmem>>, vector<16xf32>,
      tpu.vector_store_idx %arg14[%get3A_326], %select_n3A_351 {add = true} : memref<10240xf32, #tpu.memory_space<vmem>>[vector<16xi32>], vector<16xf32>,
      %get3A_355 = arith.index_cast %scan3A_294 : i32 to index
      %get3A_356 = arith.constant 32 : index
      %get3A_357 = tpu.vector_load %arg12[%get3A_355, %get3A_356] {strides = array<i32>} : memref<79x128xi32, #tpu.memory_space<vmem>>, vector<16xi32>,
      %get3A_358 = arith.index_cast %scan3A_294 : i32 to index
      %get3A_359 = arith.constant 32 : index
      %get3A_360 = tpu.vector_load %arg13[%get3A_358, %get3A_359] {strides = array<i32>} : memref<79x128xi32, #tpu.memory_space<vmem>>, vector<16xi32>,
      %gather3A_361 = tpu.vector_load_idx %arg8[%get3A_360] : memref<10000xf32, #tpu.memory_space<vmem>>[vector<16xi32>], vector<16xf32>,
      %gather3A_362 = tpu.vector_load_idx %arg9[%get3A_357] : memref<10000xf32, #tpu.memory_space<vmem>>[vector<16xi32>], vector<16xf32>,
      %add3A_363 = arith.addf %gather3A_361, %gather3A_362 : vector<16xf32>
      %ge3A_364 = arith.constant 0.000000e+00 : f32
      %ge3A_365 = vector.broadcast %ge3A_364 : f32 to vector<16xf32>
      %ge3A_366 = arith.cmpf oge, %add3A_363, %ge3A_365 : vector<16xf32>
      %mul3A_367 = arith.constant 2.000000e-01 : f32
      %mul3A_368 = vector.broadcast %mul3A_367 : f32 to vector<16xf32>
      %mul3A_369 = arith.mulf %mul3A_368, %add3A_363 : vector<16xf32>
      %select_n3A_370 = arith.select %ge3A_366, %add3A_363, %mul3A_369 : vector<16xi1>, vector<16xf32>
      %exp3A_371 = math.exp %select_n3A_370 : vector<16xf32>
      %mul3A_372 = arith.constant 128 : i32
      %mul3A_373 = arith.muli %scan3A_294, %mul3A_372 : i32
      %add3A_374 = arith.addi %mul3A_14, %mul3A_373 : i32
      %add3A_375 = arith.constant 32 : i32
      %add3A_376 = arith.addi %add3A_374, %add3A_375 : i32
      %iota3A_377 = tpu.iota {dimensions = array<i32: 0>} : vector<16xi32>
      %add3A_378 = vector.broadcast %add3A_376 : i32 to vector<16xi32>
      %add3A_379 = arith.addi %add3A_378, %iota3A_377 : vector<16xi32>
      %lt3A_380 = arith.constant 320000 : i32
      %lt3A_381 = vector.broadcast %lt3A_380 : i32 to vector<16xi32>
      %lt3A_382 = arith.cmpi slt, %add3A_379, %lt3A_381 : vector<16xi32>
      %jit3A_383 = arith.constant 0.000000e+00 : f32
      %broadcast_in_dim3A_384 = vector.broadcast %jit3A_383 : f32 to vector<16xf32>
      %select_n3A_385 = arith.select %lt3A_382, %exp3A_371, %broadcast_in_dim3A_384 : vector<16xi1>, vector<16xf32>
      %swap3A_386 = arith.index_cast %scan3A_294 : i32 to index
      %swap3A_387 = arith.constant 32 : index
      %swap3A_388 = tpu.vector_load %arg16[%swap3A_386, %swap3A_387] {strides = array<i32>} : memref<79x128xf32, #tpu.memory_space<vmem>>, vector<16xf32>,
      tpu.vector_store %arg16[%swap3A_386, %swap3A_387], %select_n3A_385 {strides = array<i32>} : memref<79x128xf32, #tpu.memory_space<vmem>>, vector<16xf32>,
      tpu.vector_store_idx %arg14[%get3A_360], %select_n3A_385 {add = true} : memref<10240xf32, #tpu.memory_space<vmem>>[vector<16xi32>], vector<16xf32>,
      %get3A_389 = arith.index_cast %scan3A_294 : i32 to index
      %get3A_390 = arith.constant 48 : index
      %get3A_391 = tpu.vector_load %arg12[%get3A_389, %get3A_390] {strides = array<i32>} : memref<79x128xi32, #tpu.memory_space<vmem>>, vector<16xi32>,
      %get3A_392 = arith.index_cast %scan3A_294 : i32 to index
      %get3A_393 = arith.constant 48 : index
      %get3A_394 = tpu.vector_load %arg13[%get3A_392, %get3A_393] {strides = array<i32>} : memref<79x128xi32, #tpu.memory_space<vmem>>, vector<16xi32>,
      %gather3A_395 = tpu.vector_load_idx %arg8[%get3A_394] : memref<10000xf32, #tpu.memory_space<vmem>>[vector<16xi32>], vector<16xf32>,
      %gather3A_396 = tpu.vector_load_idx %arg9[%get3A_391] : memref<10000xf32, #tpu.memory_space<vmem>>[vector<16xi32>], vector<16xf32>,
      %add3A_397 = arith.addf %gather3A_395, %gather3A_396 : vector<16xf32>
      %ge3A_398 = arith.constant 0.000000e+00 : f32
      %ge3A_399 = vector.broadcast %ge3A_398 : f32 to vector<16xf32>
      %ge3A_400 = arith.cmpf oge, %add3A_397, %ge3A_399 : vector<16xf32>
      %mul3A_401 = arith.constant 2.000000e-01 : f32
      %mul3A_402 = vector.broadcast %mul3A_401 : f32 to vector<16xf32>
      %mul3A_403 = arith.mulf %mul3A_402, %add3A_397 : vector<16xf32>
      %select_n3A_404 = arith.select %ge3A_400, %add3A_397, %mul3A_403 : vector<16xi1>, vector<16xf32>
      %exp3A_405 = math.exp %select_n3A_404 : vector<16xf32>
      %mul3A_406 = arith.constant 128 : i32
      %mul3A_407 = arith.muli %scan3A_294, %mul3A_406 : i32
      %add3A_408 = arith.addi %mul3A_14, %mul3A_407 : i32
      %add3A_409 = arith.constant 48 : i32
      %add3A_410 = arith.addi %add3A_408, %add3A_409 : i32
      %iota3A_411 = tpu.iota {dimensions = array<i32: 0>} : vector<16xi32>
      %add3A_412 = vector.broadcast %add3A_410 : i32 to vector<16xi32>
      %add3A_413 = arith.addi %add3A_412, %iota3A_411 : vector<16xi32>
      %lt3A_414 = arith.constant 320000 : i32
      %lt3A_415 = vector.broadcast %lt3A_414 : i32 to vector<16xi32>
      %lt3A_416 = arith.cmpi slt, %add3A_413, %lt3A_415 : vector<16xi32>
      %jit3A_417 = arith.constant 0.000000e+00 : f32
      %broadcast_in_dim3A_418 = vector.broadcast %jit3A_417 : f32 to vector<16xf32>
      %select_n3A_419 = arith.select %lt3A_416, %exp3A_405, %broadcast_in_dim3A_418 : vector<16xi1>, vector<16xf32>
      %swap3A_420 = arith.index_cast %scan3A_294 : i32 to index
      %swap3A_421 = arith.constant 48 : index
      %swap3A_422 = tpu.vector_load %arg16[%swap3A_420, %swap3A_421] {strides = array<i32>} : memref<79x128xf32, #tpu.memory_space<vmem>>, vector<16xf32>,
      tpu.vector_store %arg16[%swap3A_420, %swap3A_421], %select_n3A_419 {strides = array<i32>} : memref<79x128xf32, #tpu.memory_space<vmem>>, vector<16xf32>,
      tpu.vector_store_idx %arg14[%get3A_394], %select_n3A_419 {add = true} : memref<10240xf32, #tpu.memory_space<vmem>>[vector<16xi32>], vector<16xf32>,
      %get3A_423 = arith.index_cast %scan3A_294 : i32 to index
      %get3A_424 = arith.constant 64 : index
      %get3A_425 = tpu.vector_load %arg12[%get3A_423, %get3A_424] {strides = array<i32>} : memref<79x128xi32, #tpu.memory_space<vmem>>, vector<16xi32>,
      %get3A_426 = arith.index_cast %scan3A_294 : i32 to index
      %get3A_427 = arith.constant 64 : index
      %get3A_428 = tpu.vector_load %arg13[%get3A_426, %get3A_427] {strides = array<i32>} : memref<79x128xi32, #tpu.memory_space<vmem>>, vector<16xi32>,
      %gather3A_429 = tpu.vector_load_idx %arg8[%get3A_428] : memref<10000xf32, #tpu.memory_space<vmem>>[vector<16xi32>], vector<16xf32>,
      %gather3A_430 = tpu.vector_load_idx %arg9[%get3A_425] : memref<10000xf32, #tpu.memory_space<vmem>>[vector<16xi32>], vector<16xf32>,
      %add3A_431 = arith.addf %gather3A_429, %gather3A_430 : vector<16xf32>
      %ge3A_432 = arith.constant 0.000000e+00 : f32
      %ge3A_433 = vector.broadcast %ge3A_432 : f32 to vector<16xf32>
      %ge3A_434 = arith.cmpf oge, %add3A_431, %ge3A_433 : vector<16xf32>
      %mul3A_435 = arith.constant 2.000000e-01 : f32
      %mul3A_436 = vector.broadcast %mul3A_435 : f32 to vector<16xf32>
      %mul3A_437 = arith.mulf %mul3A_436, %add3A_431 : vector<16xf32>
      %select_n3A_438 = arith.select %ge3A_434, %add3A_431, %mul3A_437 : vector<16xi1>, vector<16xf32>
      %exp3A_439 = math.exp %select_n3A_438 : vector<16xf32>
      %mul3A_440 = arith.constant 128 : i32
      %mul3A_441 = arith.muli %scan3A_294, %mul3A_440 : i32
      %add3A_442 = arith.addi %mul3A_14, %mul3A_441 : i32
      %add3A_443 = arith.constant 64 : i32
      %add3A_444 = arith.addi %add3A_442, %add3A_443 : i32
      %iota3A_445 = tpu.iota {dimensions = array<i32: 0>} : vector<16xi32>
      %add3A_446 = vector.broadcast %add3A_444 : i32 to vector<16xi32>
      %add3A_447 = arith.addi %add3A_446, %iota3A_445 : vector<16xi32>
      %lt3A_448 = arith.constant 320000 : i32
      %lt3A_449 = vector.broadcast %lt3A_448 : i32 to vector<16xi32>
      %lt3A_450 = arith.cmpi slt, %add3A_447, %lt3A_449 : vector<16xi32>
      %jit3A_451 = arith.constant 0.000000e+00 : f32
      %broadcast_in_dim3A_452 = vector.broadcast %jit3A_451 : f32 to vector<16xf32>
      %select_n3A_453 = arith.select %lt3A_450, %exp3A_439, %broadcast_in_dim3A_452 : vector<16xi1>, vector<16xf32>
      %swap3A_454 = arith.index_cast %scan3A_294 : i32 to index
      %swap3A_455 = arith.constant 64 : index
      %swap3A_456 = tpu.vector_load %arg16[%swap3A_454, %swap3A_455] {strides = array<i32>} : memref<79x128xf32, #tpu.memory_space<vmem>>, vector<16xf32>,
      tpu.vector_store %arg16[%swap3A_454, %swap3A_455], %select_n3A_453 {strides = array<i32>} : memref<79x128xf32, #tpu.memory_space<vmem>>, vector<16xf32>,
      tpu.vector_store_idx %arg14[%get3A_428], %select_n3A_453 {add = true} : memref<10240xf32, #tpu.memory_space<vmem>>[vector<16xi32>], vector<16xf32>,
      %get3A_457 = arith.index_cast %scan3A_294 : i32 to index
      %get3A_458 = arith.constant 80 : index
      %get3A_459 = tpu.vector_load %arg12[%get3A_457, %get3A_458] {strides = array<i32>} : memref<79x128xi32, #tpu.memory_space<vmem>>, vector<16xi32>,
      %get3A_460 = arith.index_cast %scan3A_294 : i32 to index
      %get3A_461 = arith.constant 80 : index
      %get3A_462 = tpu.vector_load %arg13[%get3A_460, %get3A_461] {strides = array<i32>} : memref<79x128xi32, #tpu.memory_space<vmem>>, vector<16xi32>,
      %gather3A_463 = tpu.vector_load_idx %arg8[%get3A_462] : memref<10000xf32, #tpu.memory_space<vmem>>[vector<16xi32>], vector<16xf32>,
      %gather3A_464 = tpu.vector_load_idx %arg9[%get3A_459] : memref<10000xf32, #tpu.memory_space<vmem>>[vector<16xi32>], vector<16xf32>,
      %add3A_465 = arith.addf %gather3A_463, %gather3A_464 : vector<16xf32>
      %ge3A_466 = arith.constant 0.000000e+00 : f32
      %ge3A_467 = vector.broadcast %ge3A_466 : f32 to vector<16xf32>
      %ge3A_468 = arith.cmpf oge, %add3A_465, %ge3A_467 : vector<16xf32>
      %mul3A_469 = arith.constant 2.000000e-01 : f32
      %mul3A_470 = vector.broadcast %mul3A_469 : f32 to vector<16xf32>
      %mul3A_471 = arith.mulf %mul3A_470, %add3A_465 : vector<16xf32>
      %select_n3A_472 = arith.select %ge3A_468, %add3A_465, %mul3A_471 : vector<16xi1>, vector<16xf32>
      %exp3A_473 = math.exp %select_n3A_472 : vector<16xf32>
      %mul3A_474 = arith.constant 128 : i32
      %mul3A_475 = arith.muli %scan3A_294, %mul3A_474 : i32
      %add3A_476 = arith.addi %mul3A_14, %mul3A_475 : i32
      %add3A_477 = arith.constant 80 : i32
      %add3A_478 = arith.addi %add3A_476, %add3A_477 : i32
      %iota3A_479 = tpu.iota {dimensions = array<i32: 0>} : vector<16xi32>
      %add3A_480 = vector.broadcast %add3A_478 : i32 to vector<16xi32>
      %add3A_481 = arith.addi %add3A_480, %iota3A_479 : vector<16xi32>
      %lt3A_482 = arith.constant 320000 : i32
      %lt3A_483 = vector.broadcast %lt3A_482 : i32 to vector<16xi32>
      %lt3A_484 = arith.cmpi slt, %add3A_481, %lt3A_483 : vector<16xi32>
      %jit3A_485 = arith.constant 0.000000e+00 : f32
      %broadcast_in_dim3A_486 = vector.broadcast %jit3A_485 : f32 to vector<16xf32>
      %select_n3A_487 = arith.select %lt3A_484, %exp3A_473, %broadcast_in_dim3A_486 : vector<16xi1>, vector<16xf32>
      %swap3A_488 = arith.index_cast %scan3A_294 : i32 to index
      %swap3A_489 = arith.constant 80 : index
      %swap3A_490 = tpu.vector_load %arg16[%swap3A_488, %swap3A_489] {strides = array<i32>} : memref<79x128xf32, #tpu.memory_space<vmem>>, vector<16xf32>,
      tpu.vector_store %arg16[%swap3A_488, %swap3A_489], %select_n3A_487 {strides = array<i32>} : memref<79x128xf32, #tpu.memory_space<vmem>>, vector<16xf32>,
      tpu.vector_store_idx %arg14[%get3A_462], %select_n3A_487 {add = true} : memref<10240xf32, #tpu.memory_space<vmem>>[vector<16xi32>], vector<16xf32>,
      %get3A_491 = arith.index_cast %scan3A_294 : i32 to index
      %get3A_492 = arith.constant 96 : index
      %get3A_493 = tpu.vector_load %arg12[%get3A_491, %get3A_492] {strides = array<i32>} : memref<79x128xi32, #tpu.memory_space<vmem>>, vector<16xi32>,
      %get3A_494 = arith.index_cast %scan3A_294 : i32 to index
      %get3A_495 = arith.constant 96 : index
      %get3A_496 = tpu.vector_load %arg13[%get3A_494, %get3A_495] {strides = array<i32>} : memref<79x128xi32, #tpu.memory_space<vmem>>, vector<16xi32>,
      %gather3A_497 = tpu.vector_load_idx %arg8[%get3A_496] : memref<10000xf32, #tpu.memory_space<vmem>>[vector<16xi32>], vector<16xf32>,
      %gather3A_498 = tpu.vector_load_idx %arg9[%get3A_493] : memref<10000xf32, #tpu.memory_space<vmem>>[vector<16xi32>], vector<16xf32>,
      %add3A_499 = arith.addf %gather3A_497, %gather3A_498 : vector<16xf32>
      %ge3A_500 = arith.constant 0.000000e+00 : f32
      %ge3A_501 = vector.broadcast %ge3A_500 : f32 to vector<16xf32>
      %ge3A_502 = arith.cmpf oge, %add3A_499, %ge3A_501 : vector<16xf32>
      %mul3A_503 = arith.constant 2.000000e-01 : f32
      %mul3A_504 = vector.broadcast %mul3A_503 : f32 to vector<16xf32>
      %mul3A_505 = arith.mulf %mul3A_504, %add3A_499 : vector<16xf32>
      %select_n3A_506 = arith.select %ge3A_502, %add3A_499, %mul3A_505 : vector<16xi1>, vector<16xf32>
      %exp3A_507 = math.exp %select_n3A_506 : vector<16xf32>
      %mul3A_508 = arith.constant 128 : i32
      %mul3A_509 = arith.muli %scan3A_294, %mul3A_508 : i32
      %add3A_510 = arith.addi %mul3A_14, %mul3A_509 : i32
      %add3A_511 = arith.constant 96 : i32
      %add3A_512 = arith.addi %add3A_510, %add3A_511 : i32
      %iota3A_513 = tpu.iota {dimensions = array<i32: 0>} : vector<16xi32>
      %add3A_514 = vector.broadcast %add3A_512 : i32 to vector<16xi32>
      %add3A_515 = arith.addi %add3A_514, %iota3A_513 : vector<16xi32>
      %lt3A_516 = arith.constant 320000 : i32
      %lt3A_517 = vector.broadcast %lt3A_516 : i32 to vector<16xi32>
      %lt3A_518 = arith.cmpi slt, %add3A_515, %lt3A_517 : vector<16xi32>
      %jit3A_519 = arith.constant 0.000000e+00 : f32
      %broadcast_in_dim3A_520 = vector.broadcast %jit3A_519 : f32 to vector<16xf32>
      %select_n3A_521 = arith.select %lt3A_518, %exp3A_507, %broadcast_in_dim3A_520 : vector<16xi1>, vector<16xf32>
      %swap3A_522 = arith.index_cast %scan3A_294 : i32 to index
      %swap3A_523 = arith.constant 96 : index
      %swap3A_524 = tpu.vector_load %arg16[%swap3A_522, %swap3A_523] {strides = array<i32>} : memref<79x128xf32, #tpu.memory_space<vmem>>, vector<16xf32>,
      tpu.vector_store %arg16[%swap3A_522, %swap3A_523], %select_n3A_521 {strides = array<i32>} : memref<79x128xf32, #tpu.memory_space<vmem>>, vector<16xf32>,
      tpu.vector_store_idx %arg14[%get3A_496], %select_n3A_521 {add = true} : memref<10240xf32, #tpu.memory_space<vmem>>[vector<16xi32>], vector<16xf32>,
      %get3A_525 = arith.index_cast %scan3A_294 : i32 to index
      %get3A_526 = arith.constant 112 : index
      %get3A_527 = tpu.vector_load %arg12[%get3A_525, %get3A_526] {strides = array<i32>} : memref<79x128xi32, #tpu.memory_space<vmem>>, vector<16xi32>,
      %get3A_528 = arith.index_cast %scan3A_294 : i32 to index
      %get3A_529 = arith.constant 112 : index
      %get3A_530 = tpu.vector_load %arg13[%get3A_528, %get3A_529] {strides = array<i32>} : memref<79x128xi32, #tpu.memory_space<vmem>>, vector<16xi32>,
      %gather3A_531 = tpu.vector_load_idx %arg8[%get3A_530] : memref<10000xf32, #tpu.memory_space<vmem>>[vector<16xi32>], vector<16xf32>,
      %gather3A_532 = tpu.vector_load_idx %arg9[%get3A_527] : memref<10000xf32, #tpu.memory_space<vmem>>[vector<16xi32>], vector<16xf32>,
      %add3A_533 = arith.addf %gather3A_531, %gather3A_532 : vector<16xf32>
      %ge3A_534 = arith.constant 0.000000e+00 : f32
      %ge3A_535 = vector.broadcast %ge3A_534 : f32 to vector<16xf32>
      %ge3A_536 = arith.cmpf oge, %add3A_533, %ge3A_535 : vector<16xf32>
      %mul3A_537 = arith.constant 2.000000e-01 : f32
      %mul3A_538 = vector.broadcast %mul3A_537 : f32 to vector<16xf32>
      %mul3A_539 = arith.mulf %mul3A_538, %add3A_533 : vector<16xf32>
      %select_n3A_540 = arith.select %ge3A_536, %add3A_533, %mul3A_539 : vector<16xi1>, vector<16xf32>
      %exp3A_541 = math.exp %select_n3A_540 : vector<16xf32>
      %mul3A_542 = arith.constant 128 : i32
      %mul3A_543 = arith.muli %scan3A_294, %mul3A_542 : i32
      %add3A_544 = arith.addi %mul3A_14, %mul3A_543 : i32
      %add3A_545 = arith.constant 112 : i32
      %add3A_546 = arith.addi %add3A_544, %add3A_545 : i32
      %iota3A_547 = tpu.iota {dimensions = array<i32: 0>} : vector<16xi32>
      %add3A_548 = vector.broadcast %add3A_546 : i32 to vector<16xi32>
      %add3A_549 = arith.addi %add3A_548, %iota3A_547 : vector<16xi32>
      %lt3A_550 = arith.constant 320000 : i32
      %lt3A_551 = vector.broadcast %lt3A_550 : i32 to vector<16xi32>
      %lt3A_552 = arith.cmpi slt, %add3A_549, %lt3A_551 : vector<16xi32>
      %jit3A_553 = arith.constant 0.000000e+00 : f32
      %broadcast_in_dim3A_554 = vector.broadcast %jit3A_553 : f32 to vector<16xf32>
      %select_n3A_555 = arith.select %lt3A_552, %exp3A_541, %broadcast_in_dim3A_554 : vector<16xi1>, vector<16xf32>
      %swap3A_556 = arith.index_cast %scan3A_294 : i32 to index
      %swap3A_557 = arith.constant 112 : index
      %swap3A_558 = tpu.vector_load %arg16[%swap3A_556, %swap3A_557] {strides = array<i32>} : memref<79x128xf32, #tpu.memory_space<vmem>>, vector<16xf32>,
      tpu.vector_store %arg16[%swap3A_556, %swap3A_557], %select_n3A_555 {strides = array<i32>} : memref<79x128xf32, #tpu.memory_space<vmem>>, vector<16xf32>,
      tpu.vector_store_idx %arg14[%get3A_530], %select_n3A_555 {add = true} : memref<10240xf32, #tpu.memory_space<vmem>>[vector<16xi32>], vector<16xf32>,
      %scan3A_559 = arith.constant 0 : i32
      scf.yield %scan3A_559 : i32
    }
    %scan3A_28 = arith.constant 79 : i32
    %barrier3A = arith.constant 0 : index
    tpu.barrier barrier_id(%barrier3A)
    %mul3A_29 = arith.constant 10240 : i32
    %mul3A_30 = arith.muli %arg1, %mul3A_29 : i32
    %multiple_of3A = tpu.assume_multiple %mul3A_30, 8 : i32
    "tpu.region"() ({
      %run_scoped3A_294 = tpu.sem_alloc : memref<!tpu.dma_semaphore, #tpu.memory_space<semaphore_mem>>
      %dma_start3A = tpu.memref_slice %arg20[%multiple_of3A] : memref<163840xf32, #tpu.memory_space<vmem_shared>> -> memref<10240xf32, #tpu.memory_space<vmem_shared>>
      %dma_start3A_295 = tpu.memref_slice %arg20[%multiple_of3A] : memref<163840xf32, #tpu.memory_space<vmem_shared>> -> memref<10240xf32, #tpu.memory_space<vmem_shared>>
      tpu.enqueue_dma source(%arg14 : memref<10240xf32, #tpu.memory_space<vmem>>) target(%dma_start3A_295 : memref<10240xf32, #tpu.memory_space<vmem_shared>>) target_semaphore(%run_scoped3A_294 : memref<!tpu.dma_semaphore, #tpu.memory_space<semaphore_mem>>)
      %dma_wait3A = tpu.memref_slice %arg20[%multiple_of3A] : memref<163840xf32, #tpu.memory_space<vmem_shared>> -> memref<10240xf32, #tpu.memory_space<vmem_shared>>
      %dma_wait3A_296 = tpu.memref_slice %arg20[%multiple_of3A] : memref<163840xf32, #tpu.memory_space<vmem_shared>> -> memref<10240xf32, #tpu.memory_space<vmem_shared>>
      tpu.wait_dma2 semaphore(%run_scoped3A_294 : memref<!tpu.dma_semaphore, #tpu.memory_space<semaphore_mem>>) src(%arg14 : memref<10240xf32, #tpu.memory_space<vmem>>) dst(%dma_wait3A_296 : memref<10240xf32, #tpu.memory_space<vmem_shared>>)
      tpu.yield
    }) : () -> ()
    %barrier3A_31 = arith.constant 0 : index
    tpu.barrier barrier_id(%barrier3A_31)
    %mul3A_32 = arith.constant 640 : i32
    %mul3A_33 = arith.muli %arg1, %mul3A_32 : i32
    %multiple_of3A_34 = tpu.assume_multiple %mul3A_33, 8 : i32
    "tpu.region"() ({
      %run_scoped3A_294 = tpu.sem_alloc : memref<!tpu.dma_semaphore, #tpu.memory_space<semaphore_mem>>
      %dma_start3A = tpu.memref_slice %arg20[%multiple_of3A_34] : memref<163840xf32, #tpu.memory_space<vmem_shared>> -> memref<640xf32, #tpu.memory_space<vmem_shared>>
      %dma_start3A_295 = tpu.memref_slice %arg20[%multiple_of3A_34] : memref<163840xf32, #tpu.memory_space<vmem_shared>> -> memref<640xf32, #tpu.memory_space<vmem_shared>>
      tpu.enqueue_dma source(%dma_start3A_295 : memref<640xf32, #tpu.memory_space<vmem_shared>>) target(%arg18 : memref<640xf32, #tpu.memory_space<vmem>>) target_semaphore(%run_scoped3A_294 : memref<!tpu.dma_semaphore, #tpu.memory_space<semaphore_mem>>)
      %dma_wait3A = tpu.memref_slice %arg20[%multiple_of3A_34] : memref<163840xf32, #tpu.memory_space<vmem_shared>> -> memref<640xf32, #tpu.memory_space<vmem_shared>>
      %dma_wait3A_296 = tpu.memref_slice %arg20[%multiple_of3A_34] : memref<163840xf32, #tpu.memory_space<vmem_shared>> -> memref<640xf32, #tpu.memory_space<vmem_shared>>
      tpu.wait_dma2 semaphore(%run_scoped3A_294 : memref<!tpu.dma_semaphore, #tpu.memory_space<semaphore_mem>>) src(%dma_wait3A_296 : memref<640xf32, #tpu.memory_space<vmem_shared>>) dst(%arg18 : memref<640xf32, #tpu.memory_space<vmem>>)
      tpu.yield
    }) : () -> ()
    %multiple_of3A_35 = arith.constant 10240 : i32
    %multiple_of3A_36 = tpu.assume_multiple %multiple_of3A_35, 8 : i32
    %add3A_37 = arith.addi %multiple_of3A_36, %multiple_of3A_34 : i32
    "tpu.region"() ({
      %run_scoped3A_294 = tpu.sem_alloc : memref<!tpu.dma_semaphore, #tpu.memory_space<semaphore_mem>>
      %dma_start3A = tpu.memref_slice %arg20[%add3A_37] : memref<163840xf32, #tpu.memory_space<vmem_shared>> -> memref<640xf32, #tpu.memory_space<vmem_shared>>
      %dma_start3A_295 = tpu.memref_slice %arg20[%add3A_37] : memref<163840xf32, #tpu.memory_space<vmem_shared>> -> memref<640xf32, #tpu.memory_space<vmem_shared>>
      tpu.enqueue_dma source(%dma_start3A_295 : memref<640xf32, #tpu.memory_space<vmem_shared>>) target(%arg19 : memref<640xf32, #tpu.memory_space<vmem>>) target_semaphore(%run_scoped3A_294 : memref<!tpu.dma_semaphore, #tpu.memory_space<semaphore_mem>>)
      %dma_wait3A = tpu.memref_slice %arg20[%add3A_37] : memref<163840xf32, #tpu.memory_space<vmem_shared>> -> memref<640xf32, #tpu.memory_space<vmem_shared>>
      %dma_wait3A_296 = tpu.memref_slice %arg20[%add3A_37] : memref<163840xf32, #tpu.memory_space<vmem_shared>> -> memref<640xf32, #tpu.memory_space<vmem_shared>>
      tpu.wait_dma2 semaphore(%run_scoped3A_294 : memref<!tpu.dma_semaphore, #tpu.memory_space<semaphore_mem>>) src(%dma_wait3A_296 : memref<640xf32, #tpu.memory_space<vmem_shared>>) dst(%arg19 : memref<640xf32, #tpu.memory_space<vmem>>)
      tpu.yield
    }) : () -> ()
    %scan3A_38 = arith.constant 0 : i32
    %scan3A_39 = arith.constant 0 : i32
    %scan3A_40 = arith.constant 40 : i32
    %scan3A_41 = arith.addi %scan3A_39, %scan3A_40 : i32
    %scan3A_42 = arith.constant 1 : i32
    %scan3A_43 = scf.for %scan3A_294 = %scan3A_39 to %scan3A_41 step %scan3A_42 iter_args(%scan3A_295 = %scan3A_38) -> (i32)  : i32 {
      %mul3A_296 = arith.constant 16 : i32
      %mul3A_297 = arith.muli %scan3A_294, %mul3A_296 : i32
      %multiple_of3A_298 = tpu.assume_multiple %mul3A_297, 16 : i32
      %get3A = arith.index_cast %multiple_of3A_298 : i32 to index
      %get3A_299 = tpu.vector_load %arg18[%get3A] {strides = array<i32>} : memref<640xf32, #tpu.memory_space<vmem>>, vector<16xf32>,
      %get3A_300 = arith.index_cast %multiple_of3A_298 : i32 to index
      %get3A_301 = tpu.vector_load %arg19[%get3A_300] {strides = array<i32>} : memref<640xf32, #tpu.memory_space<vmem>>, vector<16xf32>,
      %add3A_302 = arith.addf %get3A_299, %get3A_301 : vector<16xf32>
      %swap3A = arith.index_cast %multiple_of3A_298 : i32 to index
      %swap3A_303 = tpu.vector_load %arg18[%swap3A] {strides = array<i32>} : memref<640xf32, #tpu.memory_space<vmem>>, vector<16xf32>,
      tpu.vector_store %arg18[%swap3A], %add3A_302 {strides = array<i32>} : memref<640xf32, #tpu.memory_space<vmem>>, vector<16xf32>,
      %scan3A_304 = arith.constant 0 : i32
      scf.yield %scan3A_304 : i32
    }
    %scan3A_44 = arith.constant 40 : i32
    %multiple_of3A_45 = arith.constant 20480 : i32
    %multiple_of3A_46 = tpu.assume_multiple %multiple_of3A_45, 8 : i32
    %add3A_47 = arith.addi %multiple_of3A_46, %multiple_of3A_34 : i32
    "tpu.region"() ({
      %run_scoped3A_294 = tpu.sem_alloc : memref<!tpu.dma_semaphore, #tpu.memory_space<semaphore_mem>>
      %dma_start3A = tpu.memref_slice %arg20[%add3A_47] : memref<163840xf32, #tpu.memory_space<vmem_shared>> -> memref<640xf32, #tpu.memory_space<vmem_shared>>
      %dma_start3A_295 = tpu.memref_slice %arg20[%add3A_47] : memref<163840xf32, #tpu.memory_space<vmem_shared>> -> memref<640xf32, #tpu.memory_space<vmem_shared>>
      tpu.enqueue_dma source(%dma_start3A_295 : memref<640xf32, #tpu.memory_space<vmem_shared>>) target(%arg19 : memref<640xf32, #tpu.memory_space<vmem>>) target_semaphore(%run_scoped3A_294 : memref<!tpu.dma_semaphore, #tpu.memory_space<semaphore_mem>>)
      %dma_wait3A = tpu.memref_slice %arg20[%add3A_47] : memref<163840xf32, #tpu.memory_space<vmem_shared>> -> memref<640xf32, #tpu.memory_space<vmem_shared>>
      %dma_wait3A_296 = tpu.memref_slice %arg20[%add3A_47] : memref<163840xf32, #tpu.memory_space<vmem_shared>> -> memref<640xf32, #tpu.memory_space<vmem_shared>>
      tpu.wait_dma2 semaphore(%run_scoped3A_294 : memref<!tpu.dma_semaphore, #tpu.memory_space<semaphore_mem>>) src(%dma_wait3A_296 : memref<640xf32, #tpu.memory_space<vmem_shared>>) dst(%arg19 : memref<640xf32, #tpu.memory_space<vmem>>)
      tpu.yield
    }) : () -> ()
    %scan3A_48 = arith.constant 0 : i32
    %scan3A_49 = arith.constant 0 : i32
    %scan3A_50 = arith.constant 40 : i32
    %scan3A_51 = arith.addi %scan3A_49, %scan3A_50 : i32
    %scan3A_52 = arith.constant 1 : i32
    %scan3A_53 = scf.for %scan3A_294 = %scan3A_49 to %scan3A_51 step %scan3A_52 iter_args(%scan3A_295 = %scan3A_48) -> (i32)  : i32 {
      %mul3A_296 = arith.constant 16 : i32
      %mul3A_297 = arith.muli %scan3A_294, %mul3A_296 : i32
      %multiple_of3A_298 = tpu.assume_multiple %mul3A_297, 16 : i32
      %get3A = arith.index_cast %multiple_of3A_298 : i32 to index
      %get3A_299 = tpu.vector_load %arg18[%get3A] {strides = array<i32>} : memref<640xf32, #tpu.memory_space<vmem>>, vector<16xf32>,
      %get3A_300 = arith.index_cast %multiple_of3A_298 : i32 to index
      %get3A_301 = tpu.vector_load %arg19[%get3A_300] {strides = array<i32>} : memref<640xf32, #tpu.memory_space<vmem>>, vector<16xf32>,
      %add3A_302 = arith.addf %get3A_299, %get3A_301 : vector<16xf32>
      %swap3A = arith.index_cast %multiple_of3A_298 : i32 to index
      %swap3A_303 = tpu.vector_load %arg18[%swap3A] {strides = array<i32>} : memref<640xf32, #tpu.memory_space<vmem>>, vector<16xf32>,
      tpu.vector_store %arg18[%swap3A], %add3A_302 {strides = array<i32>} : memref<640xf32, #tpu.memory_space<vmem>>, vector<16xf32>,
      %scan3A_304 = arith.constant 0 : i32
      scf.yield %scan3A_304 : i32
    }
    %scan3A_54 = arith.constant 40 : i32
    %multiple_of3A_55 = arith.constant 30720 : i32
    %multiple_of3A_56 = tpu.assume_multiple %multiple_of3A_55, 8 : i32
    %add3A_57 = arith.addi %multiple_of3A_56, %multiple_of3A_34 : i32
    "tpu.region"() ({
      %run_scoped3A_294 = tpu.sem_alloc : memref<!tpu.dma_semaphore, #tpu.memory_space<semaphore_mem>>
      %dma_start3A = tpu.memref_slice %arg20[%add3A_57] : memref<163840xf32, #tpu.memory_space<vmem_shared>> -> memref<640xf32, #tpu.memory_space<vmem_shared>>
      %dma_start3A_295 = tpu.memref_slice %arg20[%add3A_57] : memref<163840xf32, #tpu.memory_space<vmem_shared>> -> memref<640xf32, #tpu.memory_space<vmem_shared>>
      tpu.enqueue_dma source(%dma_start3A_295 : memref<640xf32, #tpu.memory_space<vmem_shared>>) target(%arg19 : memref<640xf32, #tpu.memory_space<vmem>>) target_semaphore(%run_scoped3A_294 : memref<!tpu.dma_semaphore, #tpu.memory_space<semaphore_mem>>)
      %dma_wait3A = tpu.memref_slice %arg20[%add3A_57] : memref<163840xf32, #tpu.memory_space<vmem_shared>> -> memref<640xf32, #tpu.memory_space<vmem_shared>>
      %dma_wait3A_296 = tpu.memref_slice %arg20[%add3A_57] : memref<163840xf32, #tpu.memory_space<vmem_shared>> -> memref<640xf32, #tpu.memory_space<vmem_shared>>
      tpu.wait_dma2 semaphore(%run_scoped3A_294 : memref<!tpu.dma_semaphore, #tpu.memory_space<semaphore_mem>>) src(%dma_wait3A_296 : memref<640xf32, #tpu.memory_space<vmem_shared>>) dst(%arg19 : memref<640xf32, #tpu.memory_space<vmem>>)
      tpu.yield
    }) : () -> ()
    %scan3A_58 = arith.constant 0 : i32
    %scan3A_59 = arith.constant 0 : i32
    %scan3A_60 = arith.constant 40 : i32
    %scan3A_61 = arith.addi %scan3A_59, %scan3A_60 : i32
    %scan3A_62 = arith.constant 1 : i32
    %scan3A_63 = scf.for %scan3A_294 = %scan3A_59 to %scan3A_61 step %scan3A_62 iter_args(%scan3A_295 = %scan3A_58) -> (i32)  : i32 {
      %mul3A_296 = arith.constant 16 : i32
      %mul3A_297 = arith.muli %scan3A_294, %mul3A_296 : i32
      %multiple_of3A_298 = tpu.assume_multiple %mul3A_297, 16 : i32
      %get3A = arith.index_cast %multiple_of3A_298 : i32 to index
      %get3A_299 = tpu.vector_load %arg18[%get3A] {strides = array<i32>} : memref<640xf32, #tpu.memory_space<vmem>>, vector<16xf32>,
      %get3A_300 = arith.index_cast %multiple_of3A_298 : i32 to index
      %get3A_301 = tpu.vector_load %arg19[%get3A_300] {strides = array<i32>} : memref<640xf32, #tpu.memory_space<vmem>>, vector<16xf32>,
      %add3A_302 = arith.addf %get3A_299, %get3A_301 : vector<16xf32>
      %swap3A = arith.index_cast %multiple_of3A_298 : i32 to index
      %swap3A_303 = tpu.vector_load %arg18[%swap3A] {strides = array<i32>} : memref<640xf32, #tpu.memory_space<vmem>>, vector<16xf32>,
      tpu.vector_store %arg18[%swap3A], %add3A_302 {strides = array<i32>} : memref<640xf32, #tpu.memory_space<vmem>>, vector<16xf32>,
      %scan3A_304 = arith.constant 0 : i32
      scf.yield %scan3A_304 : i32
    }
    %scan3A_64 = arith.constant 40 : i32
    %multiple_of3A_65 = arith.constant 40960 : i32
    %multiple_of3A_66 = tpu.assume_multiple %multiple_of3A_65, 8 : i32
    %add3A_67 = arith.addi %multiple_of3A_66, %multiple_of3A_34 : i32
    "tpu.region"() ({
      %run_scoped3A_294 = tpu.sem_alloc : memref<!tpu.dma_semaphore, #tpu.memory_space<semaphore_mem>>
      %dma_start3A = tpu.memref_slice %arg20[%add3A_67] : memref<163840xf32, #tpu.memory_space<vmem_shared>> -> memref<640xf32, #tpu.memory_space<vmem_shared>>
      %dma_start3A_295 = tpu.memref_slice %arg20[%add3A_67] : memref<163840xf32, #tpu.memory_space<vmem_shared>> -> memref<640xf32, #tpu.memory_space<vmem_shared>>
      tpu.enqueue_dma source(%dma_start3A_295 : memref<640xf32, #tpu.memory_space<vmem_shared>>) target(%arg19 : memref<640xf32, #tpu.memory_space<vmem>>) target_semaphore(%run_scoped3A_294 : memref<!tpu.dma_semaphore, #tpu.memory_space<semaphore_mem>>)
      %dma_wait3A = tpu.memref_slice %arg20[%add3A_67] : memref<163840xf32, #tpu.memory_space<vmem_shared>> -> memref<640xf32, #tpu.memory_space<vmem_shared>>
      %dma_wait3A_296 = tpu.memref_slice %arg20[%add3A_67] : memref<163840xf32, #tpu.memory_space<vmem_shared>> -> memref<640xf32, #tpu.memory_space<vmem_shared>>
      tpu.wait_dma2 semaphore(%run_scoped3A_294 : memref<!tpu.dma_semaphore, #tpu.memory_space<semaphore_mem>>) src(%dma_wait3A_296 : memref<640xf32, #tpu.memory_space<vmem_shared>>) dst(%arg19 : memref<640xf32, #tpu.memory_space<vmem>>)
      tpu.yield
    }) : () -> ()
    %scan3A_68 = arith.constant 0 : i32
    %scan3A_69 = arith.constant 0 : i32
    %scan3A_70 = arith.constant 40 : i32
    %scan3A_71 = arith.addi %scan3A_69, %scan3A_70 : i32
    %scan3A_72 = arith.constant 1 : i32
    %scan3A_73 = scf.for %scan3A_294 = %scan3A_69 to %scan3A_71 step %scan3A_72 iter_args(%scan3A_295 = %scan3A_68) -> (i32)  : i32 {
      %mul3A_296 = arith.constant 16 : i32
      %mul3A_297 = arith.muli %scan3A_294, %mul3A_296 : i32
      %multiple_of3A_298 = tpu.assume_multiple %mul3A_297, 16 : i32
      %get3A = arith.index_cast %multiple_of3A_298 : i32 to index
      %get3A_299 = tpu.vector_load %arg18[%get3A] {strides = array<i32>} : memref<640xf32, #tpu.memory_space<vmem>>, vector<16xf32>,
      %get3A_300 = arith.index_cast %multiple_of3A_298 : i32 to index
      %get3A_301 = tpu.vector_load %arg19[%get3A_300] {strides = array<i32>} : memref<640xf32, #tpu.memory_space<vmem>>, vector<16xf32>,
      %add3A_302 = arith.addf %get3A_299, %get3A_301 : vector<16xf32>
      %swap3A = arith.index_cast %multiple_of3A_298 : i32 to index
      %swap3A_303 = tpu.vector_load %arg18[%swap3A] {strides = array<i32>} : memref<640xf32, #tpu.memory_space<vmem>>, vector<16xf32>,
      tpu.vector_store %arg18[%swap3A], %add3A_302 {strides = array<i32>} : memref<640xf32, #tpu.memory_space<vmem>>, vector<16xf32>,
      %scan3A_304 = arith.constant 0 : i32
      scf.yield %scan3A_304 : i32
    }
    %scan3A_74 = arith.constant 40 : i32
    %multiple_of3A_75 = arith.constant 51200 : i32
    %multiple_of3A_76 = tpu.assume_multiple %multiple_of3A_75, 8 : i32
    %add3A_77 = arith.addi %multiple_of3A_76, %multiple_of3A_34 : i32
    "tpu.region"() ({
      %run_scoped3A_294 = tpu.sem_alloc : memref<!tpu.dma_semaphore, #tpu.memory_space<semaphore_mem>>
      %dma_start3A = tpu.memref_slice %arg20[%add3A_77] : memref<163840xf32, #tpu.memory_space<vmem_shared>> -> memref<640xf32, #tpu.memory_space<vmem_shared>>
      %dma_start3A_295 = tpu.memref_slice %arg20[%add3A_77] : memref<163840xf32, #tpu.memory_space<vmem_shared>> -> memref<640xf32, #tpu.memory_space<vmem_shared>>
      tpu.enqueue_dma source(%dma_start3A_295 : memref<640xf32, #tpu.memory_space<vmem_shared>>) target(%arg19 : memref<640xf32, #tpu.memory_space<vmem>>) target_semaphore(%run_scoped3A_294 : memref<!tpu.dma_semaphore, #tpu.memory_space<semaphore_mem>>)
      %dma_wait3A = tpu.memref_slice %arg20[%add3A_77] : memref<163840xf32, #tpu.memory_space<vmem_shared>> -> memref<640xf32, #tpu.memory_space<vmem_shared>>
      %dma_wait3A_296 = tpu.memref_slice %arg20[%add3A_77] : memref<163840xf32, #tpu.memory_space<vmem_shared>> -> memref<640xf32, #tpu.memory_space<vmem_shared>>
      tpu.wait_dma2 semaphore(%run_scoped3A_294 : memref<!tpu.dma_semaphore, #tpu.memory_space<semaphore_mem>>) src(%dma_wait3A_296 : memref<640xf32, #tpu.memory_space<vmem_shared>>) dst(%arg19 : memref<640xf32, #tpu.memory_space<vmem>>)
      tpu.yield
    }) : () -> ()
    %scan3A_78 = arith.constant 0 : i32
    %scan3A_79 = arith.constant 0 : i32
    %scan3A_80 = arith.constant 40 : i32
    %scan3A_81 = arith.addi %scan3A_79, %scan3A_80 : i32
    %scan3A_82 = arith.constant 1 : i32
    %scan3A_83 = scf.for %scan3A_294 = %scan3A_79 to %scan3A_81 step %scan3A_82 iter_args(%scan3A_295 = %scan3A_78) -> (i32)  : i32 {
      %mul3A_296 = arith.constant 16 : i32
      %mul3A_297 = arith.muli %scan3A_294, %mul3A_296 : i32
      %multiple_of3A_298 = tpu.assume_multiple %mul3A_297, 16 : i32
      %get3A = arith.index_cast %multiple_of3A_298 : i32 to index
      %get3A_299 = tpu.vector_load %arg18[%get3A] {strides = array<i32>} : memref<640xf32, #tpu.memory_space<vmem>>, vector<16xf32>,
      %get3A_300 = arith.index_cast %multiple_of3A_298 : i32 to index
      %get3A_301 = tpu.vector_load %arg19[%get3A_300] {strides = array<i32>} : memref<640xf32, #tpu.memory_space<vmem>>, vector<16xf32>,
      %add3A_302 = arith.addf %get3A_299, %get3A_301 : vector<16xf32>
      %swap3A = arith.index_cast %multiple_of3A_298 : i32 to index
      %swap3A_303 = tpu.vector_load %arg18[%swap3A] {strides = array<i32>} : memref<640xf32, #tpu.memory_space<vmem>>, vector<16xf32>,
      tpu.vector_store %arg18[%swap3A], %add3A_302 {strides = array<i32>} : memref<640xf32, #tpu.memory_space<vmem>>, vector<16xf32>,
      %scan3A_304 = arith.constant 0 : i32
      scf.yield %scan3A_304 : i32
    }
    %scan3A_84 = arith.constant 40 : i32
    %multiple_of3A_85 = arith.constant 61440 : i32
    %multiple_of3A_86 = tpu.assume_multiple %multiple_of3A_85, 8 : i32
    %add3A_87 = arith.addi %multiple_of3A_86, %multiple_of3A_34 : i32
    "tpu.region"() ({
      %run_scoped3A_294 = tpu.sem_alloc : memref<!tpu.dma_semaphore, #tpu.memory_space<semaphore_mem>>
      %dma_start3A = tpu.memref_slice %arg20[%add3A_87] : memref<163840xf32, #tpu.memory_space<vmem_shared>> -> memref<640xf32, #tpu.memory_space<vmem_shared>>
      %dma_start3A_295 = tpu.memref_slice %arg20[%add3A_87] : memref<163840xf32, #tpu.memory_space<vmem_shared>> -> memref<640xf32, #tpu.memory_space<vmem_shared>>
      tpu.enqueue_dma source(%dma_start3A_295 : memref<640xf32, #tpu.memory_space<vmem_shared>>) target(%arg19 : memref<640xf32, #tpu.memory_space<vmem>>) target_semaphore(%run_scoped3A_294 : memref<!tpu.dma_semaphore, #tpu.memory_space<semaphore_mem>>)
      %dma_wait3A = tpu.memref_slice %arg20[%add3A_87] : memref<163840xf32, #tpu.memory_space<vmem_shared>> -> memref<640xf32, #tpu.memory_space<vmem_shared>>
      %dma_wait3A_296 = tpu.memref_slice %arg20[%add3A_87] : memref<163840xf32, #tpu.memory_space<vmem_shared>> -> memref<640xf32, #tpu.memory_space<vmem_shared>>
      tpu.wait_dma2 semaphore(%run_scoped3A_294 : memref<!tpu.dma_semaphore, #tpu.memory_space<semaphore_mem>>) src(%dma_wait3A_296 : memref<640xf32, #tpu.memory_space<vmem_shared>>) dst(%arg19 : memref<640xf32, #tpu.memory_space<vmem>>)
      tpu.yield
    }) : () -> ()
    %scan3A_88 = arith.constant 0 : i32
    %scan3A_89 = arith.constant 0 : i32
    %scan3A_90 = arith.constant 40 : i32
    %scan3A_91 = arith.addi %scan3A_89, %scan3A_90 : i32
    %scan3A_92 = arith.constant 1 : i32
    %scan3A_93 = scf.for %scan3A_294 = %scan3A_89 to %scan3A_91 step %scan3A_92 iter_args(%scan3A_295 = %scan3A_88) -> (i32)  : i32 {
      %mul3A_296 = arith.constant 16 : i32
      %mul3A_297 = arith.muli %scan3A_294, %mul3A_296 : i32
      %multiple_of3A_298 = tpu.assume_multiple %mul3A_297, 16 : i32
      %get3A = arith.index_cast %multiple_of3A_298 : i32 to index
      %get3A_299 = tpu.vector_load %arg18[%get3A] {strides = array<i32>} : memref<640xf32, #tpu.memory_space<vmem>>, vector<16xf32>,
      %get3A_300 = arith.index_cast %multiple_of3A_298 : i32 to index
      %get3A_301 = tpu.vector_load %arg19[%get3A_300] {strides = array<i32>} : memref<640xf32, #tpu.memory_space<vmem>>, vector<16xf32>,
      %add3A_302 = arith.addf %get3A_299, %get3A_301 : vector<16xf32>
      %swap3A = arith.index_cast %multiple_of3A_298 : i32 to index
      %swap3A_303 = tpu.vector_load %arg18[%swap3A] {strides = array<i32>} : memref<640xf32, #tpu.memory_space<vmem>>, vector<16xf32>,
      tpu.vector_store %arg18[%swap3A], %add3A_302 {strides = array<i32>} : memref<640xf32, #tpu.memory_space<vmem>>, vector<16xf32>,
      %scan3A_304 = arith.constant 0 : i32
      scf.yield %scan3A_304 : i32
    }
    %scan3A_94 = arith.constant 40 : i32
    %multiple_of3A_95 = arith.constant 71680 : i32
    %multiple_of3A_96 = tpu.assume_multiple %multiple_of3A_95, 8 : i32
    %add3A_97 = arith.addi %multiple_of3A_96, %multiple_of3A_34 : i32
    "tpu.region"() ({
      %run_scoped3A_294 = tpu.sem_alloc : memref<!tpu.dma_semaphore, #tpu.memory_space<semaphore_mem>>
      %dma_start3A = tpu.memref_slice %arg20[%add3A_97] : memref<163840xf32, #tpu.memory_space<vmem_shared>> -> memref<640xf32, #tpu.memory_space<vmem_shared>>
      %dma_start3A_295 = tpu.memref_slice %arg20[%add3A_97] : memref<163840xf32, #tpu.memory_space<vmem_shared>> -> memref<640xf32, #tpu.memory_space<vmem_shared>>
      tpu.enqueue_dma source(%dma_start3A_295 : memref<640xf32, #tpu.memory_space<vmem_shared>>) target(%arg19 : memref<640xf32, #tpu.memory_space<vmem>>) target_semaphore(%run_scoped3A_294 : memref<!tpu.dma_semaphore, #tpu.memory_space<semaphore_mem>>)
      %dma_wait3A = tpu.memref_slice %arg20[%add3A_97] : memref<163840xf32, #tpu.memory_space<vmem_shared>> -> memref<640xf32, #tpu.memory_space<vmem_shared>>
      %dma_wait3A_296 = tpu.memref_slice %arg20[%add3A_97] : memref<163840xf32, #tpu.memory_space<vmem_shared>> -> memref<640xf32, #tpu.memory_space<vmem_shared>>
      tpu.wait_dma2 semaphore(%run_scoped3A_294 : memref<!tpu.dma_semaphore, #tpu.memory_space<semaphore_mem>>) src(%dma_wait3A_296 : memref<640xf32, #tpu.memory_space<vmem_shared>>) dst(%arg19 : memref<640xf32, #tpu.memory_space<vmem>>)
      tpu.yield
    }) : () -> ()
    %scan3A_98 = arith.constant 0 : i32
    %scan3A_99 = arith.constant 0 : i32
    %scan3A_100 = arith.constant 40 : i32
    %scan3A_101 = arith.addi %scan3A_99, %scan3A_100 : i32
    %scan3A_102 = arith.constant 1 : i32
    %scan3A_103 = scf.for %scan3A_294 = %scan3A_99 to %scan3A_101 step %scan3A_102 iter_args(%scan3A_295 = %scan3A_98) -> (i32)  : i32 {
      %mul3A_296 = arith.constant 16 : i32
      %mul3A_297 = arith.muli %scan3A_294, %mul3A_296 : i32
      %multiple_of3A_298 = tpu.assume_multiple %mul3A_297, 16 : i32
      %get3A = arith.index_cast %multiple_of3A_298 : i32 to index
      %get3A_299 = tpu.vector_load %arg18[%get3A] {strides = array<i32>} : memref<640xf32, #tpu.memory_space<vmem>>, vector<16xf32>,
      %get3A_300 = arith.index_cast %multiple_of3A_298 : i32 to index
      %get3A_301 = tpu.vector_load %arg19[%get3A_300] {strides = array<i32>} : memref<640xf32, #tpu.memory_space<vmem>>, vector<16xf32>,
      %add3A_302 = arith.addf %get3A_299, %get3A_301 : vector<16xf32>
      %swap3A = arith.index_cast %multiple_of3A_298 : i32 to index
      %swap3A_303 = tpu.vector_load %arg18[%swap3A] {strides = array<i32>} : memref<640xf32, #tpu.memory_space<vmem>>, vector<16xf32>,
      tpu.vector_store %arg18[%swap3A], %add3A_302 {strides = array<i32>} : memref<640xf32, #tpu.memory_space<vmem>>, vector<16xf32>,
      %scan3A_304 = arith.constant 0 : i32
      scf.yield %scan3A_304 : i32
    }
    %scan3A_104 = arith.constant 40 : i32
    %multiple_of3A_105 = arith.constant 81920 : i32
    %multiple_of3A_106 = tpu.assume_multiple %multiple_of3A_105, 8 : i32
    %add3A_107 = arith.addi %multiple_of3A_106, %multiple_of3A_34 : i32
    "tpu.region"() ({
      %run_scoped3A_294 = tpu.sem_alloc : memref<!tpu.dma_semaphore, #tpu.memory_space<semaphore_mem>>
      %dma_start3A = tpu.memref_slice %arg20[%add3A_107] : memref<163840xf32, #tpu.memory_space<vmem_shared>> -> memref<640xf32, #tpu.memory_space<vmem_shared>>
      %dma_start3A_295 = tpu.memref_slice %arg20[%add3A_107] : memref<163840xf32, #tpu.memory_space<vmem_shared>> -> memref<640xf32, #tpu.memory_space<vmem_shared>>
      tpu.enqueue_dma source(%dma_start3A_295 : memref<640xf32, #tpu.memory_space<vmem_shared>>) target(%arg19 : memref<640xf32, #tpu.memory_space<vmem>>) target_semaphore(%run_scoped3A_294 : memref<!tpu.dma_semaphore, #tpu.memory_space<semaphore_mem>>)
      %dma_wait3A = tpu.memref_slice %arg20[%add3A_107] : memref<163840xf32, #tpu.memory_space<vmem_shared>> -> memref<640xf32, #tpu.memory_space<vmem_shared>>
      %dma_wait3A_296 = tpu.memref_slice %arg20[%add3A_107] : memref<163840xf32, #tpu.memory_space<vmem_shared>> -> memref<640xf32, #tpu.memory_space<vmem_shared>>
      tpu.wait_dma2 semaphore(%run_scoped3A_294 : memref<!tpu.dma_semaphore, #tpu.memory_space<semaphore_mem>>) src(%dma_wait3A_296 : memref<640xf32, #tpu.memory_space<vmem_shared>>) dst(%arg19 : memref<640xf32, #tpu.memory_space<vmem>>)
      tpu.yield
    }) : () -> ()
    %scan3A_108 = arith.constant 0 : i32
    %scan3A_109 = arith.constant 0 : i32
    %scan3A_110 = arith.constant 40 : i32
    %scan3A_111 = arith.addi %scan3A_109, %scan3A_110 : i32
    %scan3A_112 = arith.constant 1 : i32
    %scan3A_113 = scf.for %scan3A_294 = %scan3A_109 to %scan3A_111 step %scan3A_112 iter_args(%scan3A_295 = %scan3A_108) -> (i32)  : i32 {
      %mul3A_296 = arith.constant 16 : i32
      %mul3A_297 = arith.muli %scan3A_294, %mul3A_296 : i32
      %multiple_of3A_298 = tpu.assume_multiple %mul3A_297, 16 : i32
      %get3A = arith.index_cast %multiple_of3A_298 : i32 to index
      %get3A_299 = tpu.vector_load %arg18[%get3A] {strides = array<i32>} : memref<640xf32, #tpu.memory_space<vmem>>, vector<16xf32>,
      %get3A_300 = arith.index_cast %multiple_of3A_298 : i32 to index
      %get3A_301 = tpu.vector_load %arg19[%get3A_300] {strides = array<i32>} : memref<640xf32, #tpu.memory_space<vmem>>, vector<16xf32>,
      %add3A_302 = arith.addf %get3A_299, %get3A_301 : vector<16xf32>
      %swap3A = arith.index_cast %multiple_of3A_298 : i32 to index
      %swap3A_303 = tpu.vector_load %arg18[%swap3A] {strides = array<i32>} : memref<640xf32, #tpu.memory_space<vmem>>, vector<16xf32>,
      tpu.vector_store %arg18[%swap3A], %add3A_302 {strides = array<i32>} : memref<640xf32, #tpu.memory_space<vmem>>, vector<16xf32>,
      %scan3A_304 = arith.constant 0 : i32
      scf.yield %scan3A_304 : i32
    }
    %scan3A_114 = arith.constant 40 : i32
    %multiple_of3A_115 = arith.constant 92160 : i32
    %multiple_of3A_116 = tpu.assume_multiple %multiple_of3A_115, 8 : i32
    %add3A_117 = arith.addi %multiple_of3A_116, %multiple_of3A_34 : i32
    "tpu.region"() ({
      %run_scoped3A_294 = tpu.sem_alloc : memref<!tpu.dma_semaphore, #tpu.memory_space<semaphore_mem>>
      %dma_start3A = tpu.memref_slice %arg20[%add3A_117] : memref<163840xf32, #tpu.memory_space<vmem_shared>> -> memref<640xf32, #tpu.memory_space<vmem_shared>>
      %dma_start3A_295 = tpu.memref_slice %arg20[%add3A_117] : memref<163840xf32, #tpu.memory_space<vmem_shared>> -> memref<640xf32, #tpu.memory_space<vmem_shared>>
      tpu.enqueue_dma source(%dma_start3A_295 : memref<640xf32, #tpu.memory_space<vmem_shared>>) target(%arg19 : memref<640xf32, #tpu.memory_space<vmem>>) target_semaphore(%run_scoped3A_294 : memref<!tpu.dma_semaphore, #tpu.memory_space<semaphore_mem>>)
      %dma_wait3A = tpu.memref_slice %arg20[%add3A_117] : memref<163840xf32, #tpu.memory_space<vmem_shared>> -> memref<640xf32, #tpu.memory_space<vmem_shared>>
      %dma_wait3A_296 = tpu.memref_slice %arg20[%add3A_117] : memref<163840xf32, #tpu.memory_space<vmem_shared>> -> memref<640xf32, #tpu.memory_space<vmem_shared>>
      tpu.wait_dma2 semaphore(%run_scoped3A_294 : memref<!tpu.dma_semaphore, #tpu.memory_space<semaphore_mem>>) src(%dma_wait3A_296 : memref<640xf32, #tpu.memory_space<vmem_shared>>) dst(%arg19 : memref<640xf32, #tpu.memory_space<vmem>>)
      tpu.yield
    }) : () -> ()
    %scan3A_118 = arith.constant 0 : i32
    %scan3A_119 = arith.constant 0 : i32
    %scan3A_120 = arith.constant 40 : i32
    %scan3A_121 = arith.addi %scan3A_119, %scan3A_120 : i32
    %scan3A_122 = arith.constant 1 : i32
    %scan3A_123 = scf.for %scan3A_294 = %scan3A_119 to %scan3A_121 step %scan3A_122 iter_args(%scan3A_295 = %scan3A_118) -> (i32)  : i32 {
      %mul3A_296 = arith.constant 16 : i32
      %mul3A_297 = arith.muli %scan3A_294, %mul3A_296 : i32
      %multiple_of3A_298 = tpu.assume_multiple %mul3A_297, 16 : i32
      %get3A = arith.index_cast %multiple_of3A_298 : i32 to index
      %get3A_299 = tpu.vector_load %arg18[%get3A] {strides = array<i32>} : memref<640xf32, #tpu.memory_space<vmem>>, vector<16xf32>,
      %get3A_300 = arith.index_cast %multiple_of3A_298 : i32 to index
      %get3A_301 = tpu.vector_load %arg19[%get3A_300] {strides = array<i32>} : memref<640xf32, #tpu.memory_space<vmem>>, vector<16xf32>,
      %add3A_302 = arith.addf %get3A_299, %get3A_301 : vector<16xf32>
      %swap3A = arith.index_cast %multiple_of3A_298 : i32 to index
      %swap3A_303 = tpu.vector_load %arg18[%swap3A] {strides = array<i32>} : memref<640xf32, #tpu.memory_space<vmem>>, vector<16xf32>,
      tpu.vector_store %arg18[%swap3A], %add3A_302 {strides = array<i32>} : memref<640xf32, #tpu.memory_space<vmem>>, vector<16xf32>,
      %scan3A_304 = arith.constant 0 : i32
      scf.yield %scan3A_304 : i32
    }
    %scan3A_124 = arith.constant 40 : i32
    %multiple_of3A_125 = arith.constant 102400 : i32
    %multiple_of3A_126 = tpu.assume_multiple %multiple_of3A_125, 8 : i32
    %add3A_127 = arith.addi %multiple_of3A_126, %multiple_of3A_34 : i32
    "tpu.region"() ({
      %run_scoped3A_294 = tpu.sem_alloc : memref<!tpu.dma_semaphore, #tpu.memory_space<semaphore_mem>>
      %dma_start3A = tpu.memref_slice %arg20[%add3A_127] : memref<163840xf32, #tpu.memory_space<vmem_shared>> -> memref<640xf32, #tpu.memory_space<vmem_shared>>
      %dma_start3A_295 = tpu.memref_slice %arg20[%add3A_127] : memref<163840xf32, #tpu.memory_space<vmem_shared>> -> memref<640xf32, #tpu.memory_space<vmem_shared>>
      tpu.enqueue_dma source(%dma_start3A_295 : memref<640xf32, #tpu.memory_space<vmem_shared>>) target(%arg19 : memref<640xf32, #tpu.memory_space<vmem>>) target_semaphore(%run_scoped3A_294 : memref<!tpu.dma_semaphore, #tpu.memory_space<semaphore_mem>>)
      %dma_wait3A = tpu.memref_slice %arg20[%add3A_127] : memref<163840xf32, #tpu.memory_space<vmem_shared>> -> memref<640xf32, #tpu.memory_space<vmem_shared>>
      %dma_wait3A_296 = tpu.memref_slice %arg20[%add3A_127] : memref<163840xf32, #tpu.memory_space<vmem_shared>> -> memref<640xf32, #tpu.memory_space<vmem_shared>>
      tpu.wait_dma2 semaphore(%run_scoped3A_294 : memref<!tpu.dma_semaphore, #tpu.memory_space<semaphore_mem>>) src(%dma_wait3A_296 : memref<640xf32, #tpu.memory_space<vmem_shared>>) dst(%arg19 : memref<640xf32, #tpu.memory_space<vmem>>)
      tpu.yield
    }) : () -> ()
    %scan3A_128 = arith.constant 0 : i32
    %scan3A_129 = arith.constant 0 : i32
    %scan3A_130 = arith.constant 40 : i32
    %scan3A_131 = arith.addi %scan3A_129, %scan3A_130 : i32
    %scan3A_132 = arith.constant 1 : i32
    %scan3A_133 = scf.for %scan3A_294 = %scan3A_129 to %scan3A_131 step %scan3A_132 iter_args(%scan3A_295 = %scan3A_128) -> (i32)  : i32 {
      %mul3A_296 = arith.constant 16 : i32
      %mul3A_297 = arith.muli %scan3A_294, %mul3A_296 : i32
      %multiple_of3A_298 = tpu.assume_multiple %mul3A_297, 16 : i32
      %get3A = arith.index_cast %multiple_of3A_298 : i32 to index
      %get3A_299 = tpu.vector_load %arg18[%get3A] {strides = array<i32>} : memref<640xf32, #tpu.memory_space<vmem>>, vector<16xf32>,
      %get3A_300 = arith.index_cast %multiple_of3A_298 : i32 to index
      %get3A_301 = tpu.vector_load %arg19[%get3A_300] {strides = array<i32>} : memref<640xf32, #tpu.memory_space<vmem>>, vector<16xf32>,
      %add3A_302 = arith.addf %get3A_299, %get3A_301 : vector<16xf32>
      %swap3A = arith.index_cast %multiple_of3A_298 : i32 to index
      %swap3A_303 = tpu.vector_load %arg18[%swap3A] {strides = array<i32>} : memref<640xf32, #tpu.memory_space<vmem>>, vector<16xf32>,
      tpu.vector_store %arg18[%swap3A], %add3A_302 {strides = array<i32>} : memref<640xf32, #tpu.memory_space<vmem>>, vector<16xf32>,
      %scan3A_304 = arith.constant 0 : i32
      scf.yield %scan3A_304 : i32
    }
    %scan3A_134 = arith.constant 40 : i32
    %multiple_of3A_135 = arith.constant 112640 : i32
    %multiple_of3A_136 = tpu.assume_multiple %multiple_of3A_135, 8 : i32
    %add3A_137 = arith.addi %multiple_of3A_136, %multiple_of3A_34 : i32
    "tpu.region"() ({
      %run_scoped3A_294 = tpu.sem_alloc : memref<!tpu.dma_semaphore, #tpu.memory_space<semaphore_mem>>
      %dma_start3A = tpu.memref_slice %arg20[%add3A_137] : memref<163840xf32, #tpu.memory_space<vmem_shared>> -> memref<640xf32, #tpu.memory_space<vmem_shared>>
      %dma_start3A_295 = tpu.memref_slice %arg20[%add3A_137] : memref<163840xf32, #tpu.memory_space<vmem_shared>> -> memref<640xf32, #tpu.memory_space<vmem_shared>>
      tpu.enqueue_dma source(%dma_start3A_295 : memref<640xf32, #tpu.memory_space<vmem_shared>>) target(%arg19 : memref<640xf32, #tpu.memory_space<vmem>>) target_semaphore(%run_scoped3A_294 : memref<!tpu.dma_semaphore, #tpu.memory_space<semaphore_mem>>)
      %dma_wait3A = tpu.memref_slice %arg20[%add3A_137] : memref<163840xf32, #tpu.memory_space<vmem_shared>> -> memref<640xf32, #tpu.memory_space<vmem_shared>>
      %dma_wait3A_296 = tpu.memref_slice %arg20[%add3A_137] : memref<163840xf32, #tpu.memory_space<vmem_shared>> -> memref<640xf32, #tpu.memory_space<vmem_shared>>
      tpu.wait_dma2 semaphore(%run_scoped3A_294 : memref<!tpu.dma_semaphore, #tpu.memory_space<semaphore_mem>>) src(%dma_wait3A_296 : memref<640xf32, #tpu.memory_space<vmem_shared>>) dst(%arg19 : memref<640xf32, #tpu.memory_space<vmem>>)
      tpu.yield
    }) : () -> ()
    %scan3A_138 = arith.constant 0 : i32
    %scan3A_139 = arith.constant 0 : i32
    %scan3A_140 = arith.constant 40 : i32
    %scan3A_141 = arith.addi %scan3A_139, %scan3A_140 : i32
    %scan3A_142 = arith.constant 1 : i32
    %scan3A_143 = scf.for %scan3A_294 = %scan3A_139 to %scan3A_141 step %scan3A_142 iter_args(%scan3A_295 = %scan3A_138) -> (i32)  : i32 {
      %mul3A_296 = arith.constant 16 : i32
      %mul3A_297 = arith.muli %scan3A_294, %mul3A_296 : i32
      %multiple_of3A_298 = tpu.assume_multiple %mul3A_297, 16 : i32
      %get3A = arith.index_cast %multiple_of3A_298 : i32 to index
      %get3A_299 = tpu.vector_load %arg18[%get3A] {strides = array<i32>} : memref<640xf32, #tpu.memory_space<vmem>>, vector<16xf32>,
      %get3A_300 = arith.index_cast %multiple_of3A_298 : i32 to index
      %get3A_301 = tpu.vector_load %arg19[%get3A_300] {strides = array<i32>} : memref<640xf32, #tpu.memory_space<vmem>>, vector<16xf32>,
      %add3A_302 = arith.addf %get3A_299, %get3A_301 : vector<16xf32>
      %swap3A = arith.index_cast %multiple_of3A_298 : i32 to index
      %swap3A_303 = tpu.vector_load %arg18[%swap3A] {strides = array<i32>} : memref<640xf32, #tpu.memory_space<vmem>>, vector<16xf32>,
      tpu.vector_store %arg18[%swap3A], %add3A_302 {strides = array<i32>} : memref<640xf32, #tpu.memory_space<vmem>>, vector<16xf32>,
      %scan3A_304 = arith.constant 0 : i32
      scf.yield %scan3A_304 : i32
    }
    %scan3A_144 = arith.constant 40 : i32
    %multiple_of3A_145 = arith.constant 122880 : i32
    %multiple_of3A_146 = tpu.assume_multiple %multiple_of3A_145, 8 : i32
    %add3A_147 = arith.addi %multiple_of3A_146, %multiple_of3A_34 : i32
    "tpu.region"() ({
      %run_scoped3A_294 = tpu.sem_alloc : memref<!tpu.dma_semaphore, #tpu.memory_space<semaphore_mem>>
      %dma_start3A = tpu.memref_slice %arg20[%add3A_147] : memref<163840xf32, #tpu.memory_space<vmem_shared>> -> memref<640xf32, #tpu.memory_space<vmem_shared>>
      %dma_start3A_295 = tpu.memref_slice %arg20[%add3A_147] : memref<163840xf32, #tpu.memory_space<vmem_shared>> -> memref<640xf32, #tpu.memory_space<vmem_shared>>
      tpu.enqueue_dma source(%dma_start3A_295 : memref<640xf32, #tpu.memory_space<vmem_shared>>) target(%arg19 : memref<640xf32, #tpu.memory_space<vmem>>) target_semaphore(%run_scoped3A_294 : memref<!tpu.dma_semaphore, #tpu.memory_space<semaphore_mem>>)
      %dma_wait3A = tpu.memref_slice %arg20[%add3A_147] : memref<163840xf32, #tpu.memory_space<vmem_shared>> -> memref<640xf32, #tpu.memory_space<vmem_shared>>
      %dma_wait3A_296 = tpu.memref_slice %arg20[%add3A_147] : memref<163840xf32, #tpu.memory_space<vmem_shared>> -> memref<640xf32, #tpu.memory_space<vmem_shared>>
      tpu.wait_dma2 semaphore(%run_scoped3A_294 : memref<!tpu.dma_semaphore, #tpu.memory_space<semaphore_mem>>) src(%dma_wait3A_296 : memref<640xf32, #tpu.memory_space<vmem_shared>>) dst(%arg19 : memref<640xf32, #tpu.memory_space<vmem>>)
      tpu.yield
    }) : () -> ()
    %scan3A_148 = arith.constant 0 : i32
    %scan3A_149 = arith.constant 0 : i32
    %scan3A_150 = arith.constant 40 : i32
    %scan3A_151 = arith.addi %scan3A_149, %scan3A_150 : i32
    %scan3A_152 = arith.constant 1 : i32
    %scan3A_153 = scf.for %scan3A_294 = %scan3A_149 to %scan3A_151 step %scan3A_152 iter_args(%scan3A_295 = %scan3A_148) -> (i32)  : i32 {
      %mul3A_296 = arith.constant 16 : i32
      %mul3A_297 = arith.muli %scan3A_294, %mul3A_296 : i32
      %multiple_of3A_298 = tpu.assume_multiple %mul3A_297, 16 : i32
      %get3A = arith.index_cast %multiple_of3A_298 : i32 to index
      %get3A_299 = tpu.vector_load %arg18[%get3A] {strides = array<i32>} : memref<640xf32, #tpu.memory_space<vmem>>, vector<16xf32>,
      %get3A_300 = arith.index_cast %multiple_of3A_298 : i32 to index
      %get3A_301 = tpu.vector_load %arg19[%get3A_300] {strides = array<i32>} : memref<640xf32, #tpu.memory_space<vmem>>, vector<16xf32>,
      %add3A_302 = arith.addf %get3A_299, %get3A_301 : vector<16xf32>
      %swap3A = arith.index_cast %multiple_of3A_298 : i32 to index
      %swap3A_303 = tpu.vector_load %arg18[%swap3A] {strides = array<i32>} : memref<640xf32, #tpu.memory_space<vmem>>, vector<16xf32>,
      tpu.vector_store %arg18[%swap3A], %add3A_302 {strides = array<i32>} : memref<640xf32, #tpu.memory_space<vmem>>, vector<16xf32>,
      %scan3A_304 = arith.constant 0 : i32
      scf.yield %scan3A_304 : i32
    }
    %scan3A_154 = arith.constant 40 : i32
    %multiple_of3A_155 = arith.constant 133120 : i32
    %multiple_of3A_156 = tpu.assume_multiple %multiple_of3A_155, 8 : i32
    %add3A_157 = arith.addi %multiple_of3A_156, %multiple_of3A_34 : i32
    "tpu.region"() ({
      %run_scoped3A_294 = tpu.sem_alloc : memref<!tpu.dma_semaphore, #tpu.memory_space<semaphore_mem>>
      %dma_start3A = tpu.memref_slice %arg20[%add3A_157] : memref<163840xf32, #tpu.memory_space<vmem_shared>> -> memref<640xf32, #tpu.memory_space<vmem_shared>>
      %dma_start3A_295 = tpu.memref_slice %arg20[%add3A_157] : memref<163840xf32, #tpu.memory_space<vmem_shared>> -> memref<640xf32, #tpu.memory_space<vmem_shared>>
      tpu.enqueue_dma source(%dma_start3A_295 : memref<640xf32, #tpu.memory_space<vmem_shared>>) target(%arg19 : memref<640xf32, #tpu.memory_space<vmem>>) target_semaphore(%run_scoped3A_294 : memref<!tpu.dma_semaphore, #tpu.memory_space<semaphore_mem>>)
      %dma_wait3A = tpu.memref_slice %arg20[%add3A_157] : memref<163840xf32, #tpu.memory_space<vmem_shared>> -> memref<640xf32, #tpu.memory_space<vmem_shared>>
      %dma_wait3A_296 = tpu.memref_slice %arg20[%add3A_157] : memref<163840xf32, #tpu.memory_space<vmem_shared>> -> memref<640xf32, #tpu.memory_space<vmem_shared>>
      tpu.wait_dma2 semaphore(%run_scoped3A_294 : memref<!tpu.dma_semaphore, #tpu.memory_space<semaphore_mem>>) src(%dma_wait3A_296 : memref<640xf32, #tpu.memory_space<vmem_shared>>) dst(%arg19 : memref<640xf32, #tpu.memory_space<vmem>>)
      tpu.yield
    }) : () -> ()
    %scan3A_158 = arith.constant 0 : i32
    %scan3A_159 = arith.constant 0 : i32
    %scan3A_160 = arith.constant 40 : i32
    %scan3A_161 = arith.addi %scan3A_159, %scan3A_160 : i32
    %scan3A_162 = arith.constant 1 : i32
    %scan3A_163 = scf.for %scan3A_294 = %scan3A_159 to %scan3A_161 step %scan3A_162 iter_args(%scan3A_295 = %scan3A_158) -> (i32)  : i32 {
      %mul3A_296 = arith.constant 16 : i32
      %mul3A_297 = arith.muli %scan3A_294, %mul3A_296 : i32
      %multiple_of3A_298 = tpu.assume_multiple %mul3A_297, 16 : i32
      %get3A = arith.index_cast %multiple_of3A_298 : i32 to index
      %get3A_299 = tpu.vector_load %arg18[%get3A] {strides = array<i32>} : memref<640xf32, #tpu.memory_space<vmem>>, vector<16xf32>,
      %get3A_300 = arith.index_cast %multiple_of3A_298 : i32 to index
      %get3A_301 = tpu.vector_load %arg19[%get3A_300] {strides = array<i32>} : memref<640xf32, #tpu.memory_space<vmem>>, vector<16xf32>,
      %add3A_302 = arith.addf %get3A_299, %get3A_301 : vector<16xf32>
      %swap3A = arith.index_cast %multiple_of3A_298 : i32 to index
      %swap3A_303 = tpu.vector_load %arg18[%swap3A] {strides = array<i32>} : memref<640xf32, #tpu.memory_space<vmem>>, vector<16xf32>,
      tpu.vector_store %arg18[%swap3A], %add3A_302 {strides = array<i32>} : memref<640xf32, #tpu.memory_space<vmem>>, vector<16xf32>,
      %scan3A_304 = arith.constant 0 : i32
      scf.yield %scan3A_304 : i32
    }
    %scan3A_164 = arith.constant 40 : i32
    %multiple_of3A_165 = arith.constant 143360 : i32
    %multiple_of3A_166 = tpu.assume_multiple %multiple_of3A_165, 8 : i32
    %add3A_167 = arith.addi %multiple_of3A_166, %multiple_of3A_34 : i32
    "tpu.region"() ({
      %run_scoped3A_294 = tpu.sem_alloc : memref<!tpu.dma_semaphore, #tpu.memory_space<semaphore_mem>>
      %dma_start3A = tpu.memref_slice %arg20[%add3A_167] : memref<163840xf32, #tpu.memory_space<vmem_shared>> -> memref<640xf32, #tpu.memory_space<vmem_shared>>
      %dma_start3A_295 = tpu.memref_slice %arg20[%add3A_167] : memref<163840xf32, #tpu.memory_space<vmem_shared>> -> memref<640xf32, #tpu.memory_space<vmem_shared>>
      tpu.enqueue_dma source(%dma_start3A_295 : memref<640xf32, #tpu.memory_space<vmem_shared>>) target(%arg19 : memref<640xf32, #tpu.memory_space<vmem>>) target_semaphore(%run_scoped3A_294 : memref<!tpu.dma_semaphore, #tpu.memory_space<semaphore_mem>>)
      %dma_wait3A = tpu.memref_slice %arg20[%add3A_167] : memref<163840xf32, #tpu.memory_space<vmem_shared>> -> memref<640xf32, #tpu.memory_space<vmem_shared>>
      %dma_wait3A_296 = tpu.memref_slice %arg20[%add3A_167] : memref<163840xf32, #tpu.memory_space<vmem_shared>> -> memref<640xf32, #tpu.memory_space<vmem_shared>>
      tpu.wait_dma2 semaphore(%run_scoped3A_294 : memref<!tpu.dma_semaphore, #tpu.memory_space<semaphore_mem>>) src(%dma_wait3A_296 : memref<640xf32, #tpu.memory_space<vmem_shared>>) dst(%arg19 : memref<640xf32, #tpu.memory_space<vmem>>)
      tpu.yield
    }) : () -> ()
    %scan3A_168 = arith.constant 0 : i32
    %scan3A_169 = arith.constant 0 : i32
    %scan3A_170 = arith.constant 40 : i32
    %scan3A_171 = arith.addi %scan3A_169, %scan3A_170 : i32
    %scan3A_172 = arith.constant 1 : i32
    %scan3A_173 = scf.for %scan3A_294 = %scan3A_169 to %scan3A_171 step %scan3A_172 iter_args(%scan3A_295 = %scan3A_168) -> (i32)  : i32 {
      %mul3A_296 = arith.constant 16 : i32
      %mul3A_297 = arith.muli %scan3A_294, %mul3A_296 : i32
      %multiple_of3A_298 = tpu.assume_multiple %mul3A_297, 16 : i32
      %get3A = arith.index_cast %multiple_of3A_298 : i32 to index
      %get3A_299 = tpu.vector_load %arg18[%get3A] {strides = array<i32>} : memref<640xf32, #tpu.memory_space<vmem>>, vector<16xf32>,
      %get3A_300 = arith.index_cast %multiple_of3A_298 : i32 to index
      %get3A_301 = tpu.vector_load %arg19[%get3A_300] {strides = array<i32>} : memref<640xf32, #tpu.memory_space<vmem>>, vector<16xf32>,
      %add3A_302 = arith.addf %get3A_299, %get3A_301 : vector<16xf32>
      %swap3A = arith.index_cast %multiple_of3A_298 : i32 to index
      %swap3A_303 = tpu.vector_load %arg18[%swap3A] {strides = array<i32>} : memref<640xf32, #tpu.memory_space<vmem>>, vector<16xf32>,
      tpu.vector_store %arg18[%swap3A], %add3A_302 {strides = array<i32>} : memref<640xf32, #tpu.memory_space<vmem>>, vector<16xf32>,
      %scan3A_304 = arith.constant 0 : i32
      scf.yield %scan3A_304 : i32
    }
    %scan3A_174 = arith.constant 40 : i32
    %multiple_of3A_175 = arith.constant 153600 : i32
    %multiple_of3A_176 = tpu.assume_multiple %multiple_of3A_175, 8 : i32
    %add3A_177 = arith.addi %multiple_of3A_176, %multiple_of3A_34 : i32
    "tpu.region"() ({
      %run_scoped3A_294 = tpu.sem_alloc : memref<!tpu.dma_semaphore, #tpu.memory_space<semaphore_mem>>
      %dma_start3A = tpu.memref_slice %arg20[%add3A_177] : memref<163840xf32, #tpu.memory_space<vmem_shared>> -> memref<640xf32, #tpu.memory_space<vmem_shared>>
      %dma_start3A_295 = tpu.memref_slice %arg20[%add3A_177] : memref<163840xf32, #tpu.memory_space<vmem_shared>> -> memref<640xf32, #tpu.memory_space<vmem_shared>>
      tpu.enqueue_dma source(%dma_start3A_295 : memref<640xf32, #tpu.memory_space<vmem_shared>>) target(%arg19 : memref<640xf32, #tpu.memory_space<vmem>>) target_semaphore(%run_scoped3A_294 : memref<!tpu.dma_semaphore, #tpu.memory_space<semaphore_mem>>)
      %dma_wait3A = tpu.memref_slice %arg20[%add3A_177] : memref<163840xf32, #tpu.memory_space<vmem_shared>> -> memref<640xf32, #tpu.memory_space<vmem_shared>>
      %dma_wait3A_296 = tpu.memref_slice %arg20[%add3A_177] : memref<163840xf32, #tpu.memory_space<vmem_shared>> -> memref<640xf32, #tpu.memory_space<vmem_shared>>
      tpu.wait_dma2 semaphore(%run_scoped3A_294 : memref<!tpu.dma_semaphore, #tpu.memory_space<semaphore_mem>>) src(%dma_wait3A_296 : memref<640xf32, #tpu.memory_space<vmem_shared>>) dst(%arg19 : memref<640xf32, #tpu.memory_space<vmem>>)
      tpu.yield
    }) : () -> ()
    %scan3A_178 = arith.constant 0 : i32
    %scan3A_179 = arith.constant 0 : i32
    %scan3A_180 = arith.constant 40 : i32
    %scan3A_181 = arith.addi %scan3A_179, %scan3A_180 : i32
    %scan3A_182 = arith.constant 1 : i32
    %scan3A_183 = scf.for %scan3A_294 = %scan3A_179 to %scan3A_181 step %scan3A_182 iter_args(%scan3A_295 = %scan3A_178) -> (i32)  : i32 {
      %mul3A_296 = arith.constant 16 : i32
      %mul3A_297 = arith.muli %scan3A_294, %mul3A_296 : i32
      %multiple_of3A_298 = tpu.assume_multiple %mul3A_297, 16 : i32
      %get3A = arith.index_cast %multiple_of3A_298 : i32 to index
      %get3A_299 = tpu.vector_load %arg18[%get3A] {strides = array<i32>} : memref<640xf32, #tpu.memory_space<vmem>>, vector<16xf32>,
      %get3A_300 = arith.index_cast %multiple_of3A_298 : i32 to index
      %get3A_301 = tpu.vector_load %arg19[%get3A_300] {strides = array<i32>} : memref<640xf32, #tpu.memory_space<vmem>>, vector<16xf32>,
      %add3A_302 = arith.addf %get3A_299, %get3A_301 : vector<16xf32>
      %swap3A = arith.index_cast %multiple_of3A_298 : i32 to index
      %swap3A_303 = tpu.vector_load %arg18[%swap3A] {strides = array<i32>} : memref<640xf32, #tpu.memory_space<vmem>>, vector<16xf32>,
      tpu.vector_store %arg18[%swap3A], %add3A_302 {strides = array<i32>} : memref<640xf32, #tpu.memory_space<vmem>>, vector<16xf32>,
      %scan3A_304 = arith.constant 0 : i32
      scf.yield %scan3A_304 : i32
    }
    %scan3A_184 = arith.constant 40 : i32
    "tpu.region"() ({
      %run_scoped3A_294 = tpu.sem_alloc : memref<!tpu.dma_semaphore, #tpu.memory_space<semaphore_mem>>
      %dma_start3A = tpu.memref_slice %arg21[%multiple_of3A_34] : memref<10240xf32, #tpu.memory_space<vmem_shared>> -> memref<640xf32, #tpu.memory_space<vmem_shared>>
      %dma_start3A_295 = tpu.memref_slice %arg21[%multiple_of3A_34] : memref<10240xf32, #tpu.memory_space<vmem_shared>> -> memref<640xf32, #tpu.memory_space<vmem_shared>>
      tpu.enqueue_dma source(%arg18 : memref<640xf32, #tpu.memory_space<vmem>>) target(%dma_start3A_295 : memref<640xf32, #tpu.memory_space<vmem_shared>>) target_semaphore(%run_scoped3A_294 : memref<!tpu.dma_semaphore, #tpu.memory_space<semaphore_mem>>)
      %dma_wait3A = tpu.memref_slice %arg21[%multiple_of3A_34] : memref<10240xf32, #tpu.memory_space<vmem_shared>> -> memref<640xf32, #tpu.memory_space<vmem_shared>>
      %dma_wait3A_296 = tpu.memref_slice %arg21[%multiple_of3A_34] : memref<10240xf32, #tpu.memory_space<vmem_shared>> -> memref<640xf32, #tpu.memory_space<vmem_shared>>
      tpu.wait_dma2 semaphore(%run_scoped3A_294 : memref<!tpu.dma_semaphore, #tpu.memory_space<semaphore_mem>>) src(%arg18 : memref<640xf32, #tpu.memory_space<vmem>>) dst(%dma_wait3A_296 : memref<640xf32, #tpu.memory_space<vmem_shared>>)
      tpu.yield
    }) : () -> ()
    %barrier3A_185 = arith.constant 0 : index
    tpu.barrier barrier_id(%barrier3A_185)
    "tpu.region"() ({
      %run_scoped3A_294 = tpu.sem_alloc : memref<!tpu.dma_semaphore, #tpu.memory_space<semaphore_mem>>
      tpu.enqueue_dma source(%arg21 : memref<10240xf32, #tpu.memory_space<vmem_shared>>) target(%arg14 : memref<10240xf32, #tpu.memory_space<vmem>>) target_semaphore(%run_scoped3A_294 : memref<!tpu.dma_semaphore, #tpu.memory_space<semaphore_mem>>)
      tpu.wait_dma2 semaphore(%run_scoped3A_294 : memref<!tpu.dma_semaphore, #tpu.memory_space<semaphore_mem>>) src(%arg21 : memref<10240xf32, #tpu.memory_space<vmem_shared>>) dst(%arg14 : memref<10240xf32, #tpu.memory_space<vmem>>)
      tpu.yield
    }) : () -> ()
    %mul3A_186 = arith.constant 20000 : i32
    %mul3A_187 = arith.muli %arg0, %mul3A_186 : i32
    %scan3A_188 = arith.constant 0 : i32
    %scan3A_189 = arith.constant 0 : i32
    %scan3A_190 = arith.constant 79 : i32
    %scan3A_191 = arith.addi %scan3A_189, %scan3A_190 : i32
    %scan3A_192 = arith.constant 1 : i32
    %scan3A_193 = scf.for %scan3A_294 = %scan3A_189 to %scan3A_191 step %scan3A_192 iter_args(%scan3A_295 = %scan3A_188) -> (i32)  : i32 {
      %get3A = arith.index_cast %scan3A_294 : i32 to index
      %get3A_296 = arith.constant 0 : index
      %get3A_297 = tpu.vector_load %arg11[%get3A, %get3A_296] {strides = array<i32>} : memref<79x128xi32, #tpu.memory_space<vmem>>, vector<16xi32>,
      %gather3A = tpu.vector_load_idx %arg14[%get3A_297] : memref<10240xf32, #tpu.memory_space<vmem>>[vector<16xi32>], vector<16xf32>,
      %get3A_298 = arith.index_cast %scan3A_294 : i32 to index
      %get3A_299 = arith.constant 0 : index
      %get3A_300 = tpu.vector_load %arg15[%get3A_298, %get3A_299] {strides = array<i32>} : memref<79x128xf32, #tpu.memory_space<vmem>>, vector<16xf32>,
      %add3A_301 = arith.constant 9.99999971E-10 : f32
      %add3A_302 = vector.broadcast %add3A_301 : f32 to vector<16xf32>
      %add3A_303 = arith.addf %gather3A, %add3A_302 : vector<16xf32>
      %div3A = arith.divf %get3A_300, %add3A_303 : vector<16xf32>
      %swap3A = arith.index_cast %scan3A_294 : i32 to index
      %swap3A_304 = arith.constant 0 : index
      %swap3A_305 = tpu.vector_load %arg15[%swap3A, %swap3A_304] {strides = array<i32>} : memref<79x128xf32, #tpu.memory_space<vmem>>, vector<16xf32>,
      tpu.vector_store %arg15[%swap3A, %swap3A_304], %div3A {strides = array<i32>} : memref<79x128xf32, #tpu.memory_space<vmem>>, vector<16xf32>,
      %get3A_306 = arith.index_cast %scan3A_294 : i32 to index
      %get3A_307 = arith.constant 0 : index
      %get3A_308 = tpu.vector_load %arg10[%get3A_306, %get3A_307] {strides = array<i32>} : memref<79x128xi32, #tpu.memory_space<vmem>>, vector<16xi32>,
      %add3A_309 = vector.broadcast %mul3A_187 : i32 to vector<16xi32>
      %add3A_310 = arith.addi %get3A_308, %add3A_309 : vector<16xi32>
      %swap3A_311 = arith.index_cast %scan3A_294 : i32 to index
      %swap3A_312 = arith.constant 0 : index
      %swap3A_313 = tpu.vector_load %arg10[%swap3A_311, %swap3A_312] {strides = array<i32>} : memref<79x128xi32, #tpu.memory_space<vmem>>, vector<16xi32>,
      tpu.vector_store %arg10[%swap3A_311, %swap3A_312], %add3A_310 {strides = array<i32>} : memref<79x128xi32, #tpu.memory_space<vmem>>, vector<16xi32>,
      %get3A_314 = arith.index_cast %scan3A_294 : i32 to index
      %get3A_315 = arith.constant 16 : index
      %get3A_316 = tpu.vector_load %arg11[%get3A_314, %get3A_315] {strides = array<i32>} : memref<79x128xi32, #tpu.memory_space<vmem>>, vector<16xi32>,
      %gather3A_317 = tpu.vector_load_idx %arg14[%get3A_316] : memref<10240xf32, #tpu.memory_space<vmem>>[vector<16xi32>], vector<16xf32>,
      %get3A_318 = arith.index_cast %scan3A_294 : i32 to index
      %get3A_319 = arith.constant 16 : index
      %get3A_320 = tpu.vector_load %arg15[%get3A_318, %get3A_319] {strides = array<i32>} : memref<79x128xf32, #tpu.memory_space<vmem>>, vector<16xf32>,
      %add3A_321 = arith.constant 9.99999971E-10 : f32
      %add3A_322 = vector.broadcast %add3A_321 : f32 to vector<16xf32>
      %add3A_323 = arith.addf %gather3A_317, %add3A_322 : vector<16xf32>
      %div3A_324 = arith.divf %get3A_320, %add3A_323 : vector<16xf32>
      %swap3A_325 = arith.index_cast %scan3A_294 : i32 to index
      %swap3A_326 = arith.constant 16 : index
      %swap3A_327 = tpu.vector_load %arg15[%swap3A_325, %swap3A_326] {strides = array<i32>} : memref<79x128xf32, #tpu.memory_space<vmem>>, vector<16xf32>,
      tpu.vector_store %arg15[%swap3A_325, %swap3A_326], %div3A_324 {strides = array<i32>} : memref<79x128xf32, #tpu.memory_space<vmem>>, vector<16xf32>,
      %get3A_328 = arith.index_cast %scan3A_294 : i32 to index
      %get3A_329 = arith.constant 16 : index
      %get3A_330 = tpu.vector_load %arg10[%get3A_328, %get3A_329] {strides = array<i32>} : memref<79x128xi32, #tpu.memory_space<vmem>>, vector<16xi32>,
      %add3A_331 = vector.broadcast %mul3A_187 : i32 to vector<16xi32>
      %add3A_332 = arith.addi %get3A_330, %add3A_331 : vector<16xi32>
      %swap3A_333 = arith.index_cast %scan3A_294 : i32 to index
      %swap3A_334 = arith.constant 16 : index
      %swap3A_335 = tpu.vector_load %arg10[%swap3A_333, %swap3A_334] {strides = array<i32>} : memref<79x128xi32, #tpu.memory_space<vmem>>, vector<16xi32>,
      tpu.vector_store %arg10[%swap3A_333, %swap3A_334], %add3A_332 {strides = array<i32>} : memref<79x128xi32, #tpu.memory_space<vmem>>, vector<16xi32>,
      %get3A_336 = arith.index_cast %scan3A_294 : i32 to index
      %get3A_337 = arith.constant 32 : index
      %get3A_338 = tpu.vector_load %arg11[%get3A_336, %get3A_337] {strides = array<i32>} : memref<79x128xi32, #tpu.memory_space<vmem>>, vector<16xi32>,
      %gather3A_339 = tpu.vector_load_idx %arg14[%get3A_338] : memref<10240xf32, #tpu.memory_space<vmem>>[vector<16xi32>], vector<16xf32>,
      %get3A_340 = arith.index_cast %scan3A_294 : i32 to index
      %get3A_341 = arith.constant 32 : index
      %get3A_342 = tpu.vector_load %arg15[%get3A_340, %get3A_341] {strides = array<i32>} : memref<79x128xf32, #tpu.memory_space<vmem>>, vector<16xf32>,
      %add3A_343 = arith.constant 9.99999971E-10 : f32
      %add3A_344 = vector.broadcast %add3A_343 : f32 to vector<16xf32>
      %add3A_345 = arith.addf %gather3A_339, %add3A_344 : vector<16xf32>
      %div3A_346 = arith.divf %get3A_342, %add3A_345 : vector<16xf32>
      %swap3A_347 = arith.index_cast %scan3A_294 : i32 to index
      %swap3A_348 = arith.constant 32 : index
      %swap3A_349 = tpu.vector_load %arg15[%swap3A_347, %swap3A_348] {strides = array<i32>} : memref<79x128xf32, #tpu.memory_space<vmem>>, vector<16xf32>,
      tpu.vector_store %arg15[%swap3A_347, %swap3A_348], %div3A_346 {strides = array<i32>} : memref<79x128xf32, #tpu.memory_space<vmem>>, vector<16xf32>,
      %get3A_350 = arith.index_cast %scan3A_294 : i32 to index
      %get3A_351 = arith.constant 32 : index
      %get3A_352 = tpu.vector_load %arg10[%get3A_350, %get3A_351] {strides = array<i32>} : memref<79x128xi32, #tpu.memory_space<vmem>>, vector<16xi32>,
      %add3A_353 = vector.broadcast %mul3A_187 : i32 to vector<16xi32>
      %add3A_354 = arith.addi %get3A_352, %add3A_353 : vector<16xi32>
      %swap3A_355 = arith.index_cast %scan3A_294 : i32 to index
      %swap3A_356 = arith.constant 32 : index
      %swap3A_357 = tpu.vector_load %arg10[%swap3A_355, %swap3A_356] {strides = array<i32>} : memref<79x128xi32, #tpu.memory_space<vmem>>, vector<16xi32>,
      tpu.vector_store %arg10[%swap3A_355, %swap3A_356], %add3A_354 {strides = array<i32>} : memref<79x128xi32, #tpu.memory_space<vmem>>, vector<16xi32>,
      %get3A_358 = arith.index_cast %scan3A_294 : i32 to index
      %get3A_359 = arith.constant 48 : index
      %get3A_360 = tpu.vector_load %arg11[%get3A_358, %get3A_359] {strides = array<i32>} : memref<79x128xi32, #tpu.memory_space<vmem>>, vector<16xi32>,
      %gather3A_361 = tpu.vector_load_idx %arg14[%get3A_360] : memref<10240xf32, #tpu.memory_space<vmem>>[vector<16xi32>], vector<16xf32>,
      %get3A_362 = arith.index_cast %scan3A_294 : i32 to index
      %get3A_363 = arith.constant 48 : index
      %get3A_364 = tpu.vector_load %arg15[%get3A_362, %get3A_363] {strides = array<i32>} : memref<79x128xf32, #tpu.memory_space<vmem>>, vector<16xf32>,
      %add3A_365 = arith.constant 9.99999971E-10 : f32
      %add3A_366 = vector.broadcast %add3A_365 : f32 to vector<16xf32>
      %add3A_367 = arith.addf %gather3A_361, %add3A_366 : vector<16xf32>
      %div3A_368 = arith.divf %get3A_364, %add3A_367 : vector<16xf32>
      %swap3A_369 = arith.index_cast %scan3A_294 : i32 to index
      %swap3A_370 = arith.constant 48 : index
      %swap3A_371 = tpu.vector_load %arg15[%swap3A_369, %swap3A_370] {strides = array<i32>} : memref<79x128xf32, #tpu.memory_space<vmem>>, vector<16xf32>,
      tpu.vector_store %arg15[%swap3A_369, %swap3A_370], %div3A_368 {strides = array<i32>} : memref<79x128xf32, #tpu.memory_space<vmem>>, vector<16xf32>,
      %get3A_372 = arith.index_cast %scan3A_294 : i32 to index
      %get3A_373 = arith.constant 48 : index
      %get3A_374 = tpu.vector_load %arg10[%get3A_372, %get3A_373] {strides = array<i32>} : memref<79x128xi32, #tpu.memory_space<vmem>>, vector<16xi32>,
      %add3A_375 = vector.broadcast %mul3A_187 : i32 to vector<16xi32>
      %add3A_376 = arith.addi %get3A_374, %add3A_375 : vector<16xi32>
      %swap3A_377 = arith.index_cast %scan3A_294 : i32 to index
      %swap3A_378 = arith.constant 48 : index
      %swap3A_379 = tpu.vector_load %arg10[%swap3A_377, %swap3A_378] {strides = array<i32>} : memref<79x128xi32, #tpu.memory_space<vmem>>, vector<16xi32>,
      tpu.vector_store %arg10[%swap3A_377, %swap3A_378], %add3A_376 {strides = array<i32>} : memref<79x128xi32, #tpu.memory_space<vmem>>, vector<16xi32>,
      %get3A_380 = arith.index_cast %scan3A_294 : i32 to index
      %get3A_381 = arith.constant 64 : index
      %get3A_382 = tpu.vector_load %arg11[%get3A_380, %get3A_381] {strides = array<i32>} : memref<79x128xi32, #tpu.memory_space<vmem>>, vector<16xi32>,
      %gather3A_383 = tpu.vector_load_idx %arg14[%get3A_382] : memref<10240xf32, #tpu.memory_space<vmem>>[vector<16xi32>], vector<16xf32>,
      %get3A_384 = arith.index_cast %scan3A_294 : i32 to index
      %get3A_385 = arith.constant 64 : index
      %get3A_386 = tpu.vector_load %arg15[%get3A_384, %get3A_385] {strides = array<i32>} : memref<79x128xf32, #tpu.memory_space<vmem>>, vector<16xf32>,
      %add3A_387 = arith.constant 9.99999971E-10 : f32
      %add3A_388 = vector.broadcast %add3A_387 : f32 to vector<16xf32>
      %add3A_389 = arith.addf %gather3A_383, %add3A_388 : vector<16xf32>
      %div3A_390 = arith.divf %get3A_386, %add3A_389 : vector<16xf32>
      %swap3A_391 = arith.index_cast %scan3A_294 : i32 to index
      %swap3A_392 = arith.constant 64 : index
      %swap3A_393 = tpu.vector_load %arg15[%swap3A_391, %swap3A_392] {strides = array<i32>} : memref<79x128xf32, #tpu.memory_space<vmem>>, vector<16xf32>,
      tpu.vector_store %arg15[%swap3A_391, %swap3A_392], %div3A_390 {strides = array<i32>} : memref<79x128xf32, #tpu.memory_space<vmem>>, vector<16xf32>,
      %get3A_394 = arith.index_cast %scan3A_294 : i32 to index
      %get3A_395 = arith.constant 64 : index
      %get3A_396 = tpu.vector_load %arg10[%get3A_394, %get3A_395] {strides = array<i32>} : memref<79x128xi32, #tpu.memory_space<vmem>>, vector<16xi32>,
      %add3A_397 = vector.broadcast %mul3A_187 : i32 to vector<16xi32>
      %add3A_398 = arith.addi %get3A_396, %add3A_397 : vector<16xi32>
      %swap3A_399 = arith.index_cast %scan3A_294 : i32 to index
      %swap3A_400 = arith.constant 64 : index
      %swap3A_401 = tpu.vector_load %arg10[%swap3A_399, %swap3A_400] {strides = array<i32>} : memref<79x128xi32, #tpu.memory_space<vmem>>, vector<16xi32>,
      tpu.vector_store %arg10[%swap3A_399, %swap3A_400], %add3A_398 {strides = array<i32>} : memref<79x128xi32, #tpu.memory_space<vmem>>, vector<16xi32>,
      %get3A_402 = arith.index_cast %scan3A_294 : i32 to index
      %get3A_403 = arith.constant 80 : index
      %get3A_404 = tpu.vector_load %arg11[%get3A_402, %get3A_403] {strides = array<i32>} : memref<79x128xi32, #tpu.memory_space<vmem>>, vector<16xi32>,
      %gather3A_405 = tpu.vector_load_idx %arg14[%get3A_404] : memref<10240xf32, #tpu.memory_space<vmem>>[vector<16xi32>], vector<16xf32>,
      %get3A_406 = arith.index_cast %scan3A_294 : i32 to index
      %get3A_407 = arith.constant 80 : index
      %get3A_408 = tpu.vector_load %arg15[%get3A_406, %get3A_407] {strides = array<i32>} : memref<79x128xf32, #tpu.memory_space<vmem>>, vector<16xf32>,
      %add3A_409 = arith.constant 9.99999971E-10 : f32
      %add3A_410 = vector.broadcast %add3A_409 : f32 to vector<16xf32>
      %add3A_411 = arith.addf %gather3A_405, %add3A_410 : vector<16xf32>
      %div3A_412 = arith.divf %get3A_408, %add3A_411 : vector<16xf32>
      %swap3A_413 = arith.index_cast %scan3A_294 : i32 to index
      %swap3A_414 = arith.constant 80 : index
      %swap3A_415 = tpu.vector_load %arg15[%swap3A_413, %swap3A_414] {strides = array<i32>} : memref<79x128xf32, #tpu.memory_space<vmem>>, vector<16xf32>,
      tpu.vector_store %arg15[%swap3A_413, %swap3A_414], %div3A_412 {strides = array<i32>} : memref<79x128xf32, #tpu.memory_space<vmem>>, vector<16xf32>,
      %get3A_416 = arith.index_cast %scan3A_294 : i32 to index
      %get3A_417 = arith.constant 80 : index
      %get3A_418 = tpu.vector_load %arg10[%get3A_416, %get3A_417] {strides = array<i32>} : memref<79x128xi32, #tpu.memory_space<vmem>>, vector<16xi32>,
      %add3A_419 = vector.broadcast %mul3A_187 : i32 to vector<16xi32>
      %add3A_420 = arith.addi %get3A_418, %add3A_419 : vector<16xi32>
      %swap3A_421 = arith.index_cast %scan3A_294 : i32 to index
      %swap3A_422 = arith.constant 80 : index
      %swap3A_423 = tpu.vector_load %arg10[%swap3A_421, %swap3A_422] {strides = array<i32>} : memref<79x128xi32, #tpu.memory_space<vmem>>, vector<16xi32>,
      tpu.vector_store %arg10[%swap3A_421, %swap3A_422], %add3A_420 {strides = array<i32>} : memref<79x128xi32, #tpu.memory_space<vmem>>, vector<16xi32>,
      %get3A_424 = arith.index_cast %scan3A_294 : i32 to index
      %get3A_425 = arith.constant 96 : index
      %get3A_426 = tpu.vector_load %arg11[%get3A_424, %get3A_425] {strides = array<i32>} : memref<79x128xi32, #tpu.memory_space<vmem>>, vector<16xi32>,
      %gather3A_427 = tpu.vector_load_idx %arg14[%get3A_426] : memref<10240xf32, #tpu.memory_space<vmem>>[vector<16xi32>], vector<16xf32>,
      %get3A_428 = arith.index_cast %scan3A_294 : i32 to index
      %get3A_429 = arith.constant 96 : index
      %get3A_430 = tpu.vector_load %arg15[%get3A_428, %get3A_429] {strides = array<i32>} : memref<79x128xf32, #tpu.memory_space<vmem>>, vector<16xf32>,
      %add3A_431 = arith.constant 9.99999971E-10 : f32
      %add3A_432 = vector.broadcast %add3A_431 : f32 to vector<16xf32>
      %add3A_433 = arith.addf %gather3A_427, %add3A_432 : vector<16xf32>
      %div3A_434 = arith.divf %get3A_430, %add3A_433 : vector<16xf32>
      %swap3A_435 = arith.index_cast %scan3A_294 : i32 to index
      %swap3A_436 = arith.constant 96 : index
      %swap3A_437 = tpu.vector_load %arg15[%swap3A_435, %swap3A_436] {strides = array<i32>} : memref<79x128xf32, #tpu.memory_space<vmem>>, vector<16xf32>,
      tpu.vector_store %arg15[%swap3A_435, %swap3A_436], %div3A_434 {strides = array<i32>} : memref<79x128xf32, #tpu.memory_space<vmem>>, vector<16xf32>,
      %get3A_438 = arith.index_cast %scan3A_294 : i32 to index
      %get3A_439 = arith.constant 96 : index
      %get3A_440 = tpu.vector_load %arg10[%get3A_438, %get3A_439] {strides = array<i32>} : memref<79x128xi32, #tpu.memory_space<vmem>>, vector<16xi32>,
      %add3A_441 = vector.broadcast %mul3A_187 : i32 to vector<16xi32>
      %add3A_442 = arith.addi %get3A_440, %add3A_441 : vector<16xi32>
      %swap3A_443 = arith.index_cast %scan3A_294 : i32 to index
      %swap3A_444 = arith.constant 96 : index
      %swap3A_445 = tpu.vector_load %arg10[%swap3A_443, %swap3A_444] {strides = array<i32>} : memref<79x128xi32, #tpu.memory_space<vmem>>, vector<16xi32>,
      tpu.vector_store %arg10[%swap3A_443, %swap3A_444], %add3A_442 {strides = array<i32>} : memref<79x128xi32, #tpu.memory_space<vmem>>, vector<16xi32>,
      %get3A_446 = arith.index_cast %scan3A_294 : i32 to index
      %get3A_447 = arith.constant 112 : index
      %get3A_448 = tpu.vector_load %arg11[%get3A_446, %get3A_447] {strides = array<i32>} : memref<79x128xi32, #tpu.memory_space<vmem>>, vector<16xi32>,
      %gather3A_449 = tpu.vector_load_idx %arg14[%get3A_448] : memref<10240xf32, #tpu.memory_space<vmem>>[vector<16xi32>], vector<16xf32>,
      %get3A_450 = arith.index_cast %scan3A_294 : i32 to index
      %get3A_451 = arith.constant 112 : index
      %get3A_452 = tpu.vector_load %arg15[%get3A_450, %get3A_451] {strides = array<i32>} : memref<79x128xf32, #tpu.memory_space<vmem>>, vector<16xf32>,
      %add3A_453 = arith.constant 9.99999971E-10 : f32
      %add3A_454 = vector.broadcast %add3A_453 : f32 to vector<16xf32>
      %add3A_455 = arith.addf %gather3A_449, %add3A_454 : vector<16xf32>
      %div3A_456 = arith.divf %get3A_452, %add3A_455 : vector<16xf32>
      %swap3A_457 = arith.index_cast %scan3A_294 : i32 to index
      %swap3A_458 = arith.constant 112 : index
      %swap3A_459 = tpu.vector_load %arg15[%swap3A_457, %swap3A_458] {strides = array<i32>} : memref<79x128xf32, #tpu.memory_space<vmem>>, vector<16xf32>,
      tpu.vector_store %arg15[%swap3A_457, %swap3A_458], %div3A_456 {strides = array<i32>} : memref<79x128xf32, #tpu.memory_space<vmem>>, vector<16xf32>,
      %get3A_460 = arith.index_cast %scan3A_294 : i32 to index
      %get3A_461 = arith.constant 112 : index
      %get3A_462 = tpu.vector_load %arg10[%get3A_460, %get3A_461] {strides = array<i32>} : memref<79x128xi32, #tpu.memory_space<vmem>>, vector<16xi32>,
      %add3A_463 = vector.broadcast %mul3A_187 : i32 to vector<16xi32>
      %add3A_464 = arith.addi %get3A_462, %add3A_463 : vector<16xi32>
      %swap3A_465 = arith.index_cast %scan3A_294 : i32 to index
      %swap3A_466 = arith.constant 112 : index
      %swap3A_467 = tpu.vector_load %arg10[%swap3A_465, %swap3A_466] {strides = array<i32>} : memref<79x128xi32, #tpu.memory_space<vmem>>, vector<16xi32>,
      tpu.vector_store %arg10[%swap3A_465, %swap3A_466], %add3A_464 {strides = array<i32>} : memref<79x128xi32, #tpu.memory_space<vmem>>, vector<16xi32>,
      %get3A_468 = arith.index_cast %scan3A_294 : i32 to index
      %get3A_469 = arith.constant 0 : index
      %get3A_470 = tpu.vector_load %arg13[%get3A_468, %get3A_469] {strides = array<i32>} : memref<79x128xi32, #tpu.memory_space<vmem>>, vector<16xi32>,
      %gather3A_471 = tpu.vector_load_idx %arg14[%get3A_470] : memref<10240xf32, #tpu.memory_space<vmem>>[vector<16xi32>], vector<16xf32>,
      %get3A_472 = arith.index_cast %scan3A_294 : i32 to index
      %get3A_473 = arith.constant 0 : index
      %get3A_474 = tpu.vector_load %arg16[%get3A_472, %get3A_473] {strides = array<i32>} : memref<79x128xf32, #tpu.memory_space<vmem>>, vector<16xf32>,
      %add3A_475 = arith.constant 9.99999971E-10 : f32
      %add3A_476 = vector.broadcast %add3A_475 : f32 to vector<16xf32>
      %add3A_477 = arith.addf %gather3A_471, %add3A_476 : vector<16xf32>
      %div3A_478 = arith.divf %get3A_474, %add3A_477 : vector<16xf32>
      %swap3A_479 = arith.index_cast %scan3A_294 : i32 to index
      %swap3A_480 = arith.constant 0 : index
      %swap3A_481 = tpu.vector_load %arg16[%swap3A_479, %swap3A_480] {strides = array<i32>} : memref<79x128xf32, #tpu.memory_space<vmem>>, vector<16xf32>,
      tpu.vector_store %arg16[%swap3A_479, %swap3A_480], %div3A_478 {strides = array<i32>} : memref<79x128xf32, #tpu.memory_space<vmem>>, vector<16xf32>,
      %get3A_482 = arith.index_cast %scan3A_294 : i32 to index
      %get3A_483 = arith.constant 0 : index
      %get3A_484 = tpu.vector_load %arg12[%get3A_482, %get3A_483] {strides = array<i32>} : memref<79x128xi32, #tpu.memory_space<vmem>>, vector<16xi32>,
      %add3A_485 = vector.broadcast %mul3A_187 : i32 to vector<16xi32>
      %add3A_486 = arith.addi %get3A_484, %add3A_485 : vector<16xi32>
      %swap3A_487 = arith.index_cast %scan3A_294 : i32 to index
      %swap3A_488 = arith.constant 0 : index
      %swap3A_489 = tpu.vector_load %arg12[%swap3A_487, %swap3A_488] {strides = array<i32>} : memref<79x128xi32, #tpu.memory_space<vmem>>, vector<16xi32>,
      tpu.vector_store %arg12[%swap3A_487, %swap3A_488], %add3A_486 {strides = array<i32>} : memref<79x128xi32, #tpu.memory_space<vmem>>, vector<16xi32>,
      %get3A_490 = arith.index_cast %scan3A_294 : i32 to index
      %get3A_491 = arith.constant 16 : index
      %get3A_492 = tpu.vector_load %arg13[%get3A_490, %get3A_491] {strides = array<i32>} : memref<79x128xi32, #tpu.memory_space<vmem>>, vector<16xi32>,
      %gather3A_493 = tpu.vector_load_idx %arg14[%get3A_492] : memref<10240xf32, #tpu.memory_space<vmem>>[vector<16xi32>], vector<16xf32>,
      %get3A_494 = arith.index_cast %scan3A_294 : i32 to index
      %get3A_495 = arith.constant 16 : index
      %get3A_496 = tpu.vector_load %arg16[%get3A_494, %get3A_495] {strides = array<i32>} : memref<79x128xf32, #tpu.memory_space<vmem>>, vector<16xf32>,
      %add3A_497 = arith.constant 9.99999971E-10 : f32
      %add3A_498 = vector.broadcast %add3A_497 : f32 to vector<16xf32>
      %add3A_499 = arith.addf %gather3A_493, %add3A_498 : vector<16xf32>
      %div3A_500 = arith.divf %get3A_496, %add3A_499 : vector<16xf32>
      %swap3A_501 = arith.index_cast %scan3A_294 : i32 to index
      %swap3A_502 = arith.constant 16 : index
      %swap3A_503 = tpu.vector_load %arg16[%swap3A_501, %swap3A_502] {strides = array<i32>} : memref<79x128xf32, #tpu.memory_space<vmem>>, vector<16xf32>,
      tpu.vector_store %arg16[%swap3A_501, %swap3A_502], %div3A_500 {strides = array<i32>} : memref<79x128xf32, #tpu.memory_space<vmem>>, vector<16xf32>,
      %get3A_504 = arith.index_cast %scan3A_294 : i32 to index
      %get3A_505 = arith.constant 16 : index
      %get3A_506 = tpu.vector_load %arg12[%get3A_504, %get3A_505] {strides = array<i32>} : memref<79x128xi32, #tpu.memory_space<vmem>>, vector<16xi32>,
      %add3A_507 = vector.broadcast %mul3A_187 : i32 to vector<16xi32>
      %add3A_508 = arith.addi %get3A_506, %add3A_507 : vector<16xi32>
      %swap3A_509 = arith.index_cast %scan3A_294 : i32 to index
      %swap3A_510 = arith.constant 16 : index
      %swap3A_511 = tpu.vector_load %arg12[%swap3A_509, %swap3A_510] {strides = array<i32>} : memref<79x128xi32, #tpu.memory_space<vmem>>, vector<16xi32>,
      tpu.vector_store %arg12[%swap3A_509, %swap3A_510], %add3A_508 {strides = array<i32>} : memref<79x128xi32, #tpu.memory_space<vmem>>, vector<16xi32>,
      %get3A_512 = arith.index_cast %scan3A_294 : i32 to index
      %get3A_513 = arith.constant 32 : index
      %get3A_514 = tpu.vector_load %arg13[%get3A_512, %get3A_513] {strides = array<i32>} : memref<79x128xi32, #tpu.memory_space<vmem>>, vector<16xi32>,
      %gather3A_515 = tpu.vector_load_idx %arg14[%get3A_514] : memref<10240xf32, #tpu.memory_space<vmem>>[vector<16xi32>], vector<16xf32>,
      %get3A_516 = arith.index_cast %scan3A_294 : i32 to index
      %get3A_517 = arith.constant 32 : index
      %get3A_518 = tpu.vector_load %arg16[%get3A_516, %get3A_517] {strides = array<i32>} : memref<79x128xf32, #tpu.memory_space<vmem>>, vector<16xf32>,
      %add3A_519 = arith.constant 9.99999971E-10 : f32
      %add3A_520 = vector.broadcast %add3A_519 : f32 to vector<16xf32>
      %add3A_521 = arith.addf %gather3A_515, %add3A_520 : vector<16xf32>
      %div3A_522 = arith.divf %get3A_518, %add3A_521 : vector<16xf32>
      %swap3A_523 = arith.index_cast %scan3A_294 : i32 to index
      %swap3A_524 = arith.constant 32 : index
      %swap3A_525 = tpu.vector_load %arg16[%swap3A_523, %swap3A_524] {strides = array<i32>} : memref<79x128xf32, #tpu.memory_space<vmem>>, vector<16xf32>,
      tpu.vector_store %arg16[%swap3A_523, %swap3A_524], %div3A_522 {strides = array<i32>} : memref<79x128xf32, #tpu.memory_space<vmem>>, vector<16xf32>,
      %get3A_526 = arith.index_cast %scan3A_294 : i32 to index
      %get3A_527 = arith.constant 32 : index
      %get3A_528 = tpu.vector_load %arg12[%get3A_526, %get3A_527] {strides = array<i32>} : memref<79x128xi32, #tpu.memory_space<vmem>>, vector<16xi32>,
      %add3A_529 = vector.broadcast %mul3A_187 : i32 to vector<16xi32>
      %add3A_530 = arith.addi %get3A_528, %add3A_529 : vector<16xi32>
      %swap3A_531 = arith.index_cast %scan3A_294 : i32 to index
      %swap3A_532 = arith.constant 32 : index
      %swap3A_533 = tpu.vector_load %arg12[%swap3A_531, %swap3A_532] {strides = array<i32>} : memref<79x128xi32, #tpu.memory_space<vmem>>, vector<16xi32>,
      tpu.vector_store %arg12[%swap3A_531, %swap3A_532], %add3A_530 {strides = array<i32>} : memref<79x128xi32, #tpu.memory_space<vmem>>, vector<16xi32>,
      %get3A_534 = arith.index_cast %scan3A_294 : i32 to index
      %get3A_535 = arith.constant 48 : index
      %get3A_536 = tpu.vector_load %arg13[%get3A_534, %get3A_535] {strides = array<i32>} : memref<79x128xi32, #tpu.memory_space<vmem>>, vector<16xi32>,
      %gather3A_537 = tpu.vector_load_idx %arg14[%get3A_536] : memref<10240xf32, #tpu.memory_space<vmem>>[vector<16xi32>], vector<16xf32>,
      %get3A_538 = arith.index_cast %scan3A_294 : i32 to index
      %get3A_539 = arith.constant 48 : index
      %get3A_540 = tpu.vector_load %arg16[%get3A_538, %get3A_539] {strides = array<i32>} : memref<79x128xf32, #tpu.memory_space<vmem>>, vector<16xf32>,
      %add3A_541 = arith.constant 9.99999971E-10 : f32
      %add3A_542 = vector.broadcast %add3A_541 : f32 to vector<16xf32>
      %add3A_543 = arith.addf %gather3A_537, %add3A_542 : vector<16xf32>
      %div3A_544 = arith.divf %get3A_540, %add3A_543 : vector<16xf32>
      %swap3A_545 = arith.index_cast %scan3A_294 : i32 to index
      %swap3A_546 = arith.constant 48 : index
      %swap3A_547 = tpu.vector_load %arg16[%swap3A_545, %swap3A_546] {strides = array<i32>} : memref<79x128xf32, #tpu.memory_space<vmem>>, vector<16xf32>,
      tpu.vector_store %arg16[%swap3A_545, %swap3A_546], %div3A_544 {strides = array<i32>} : memref<79x128xf32, #tpu.memory_space<vmem>>, vector<16xf32>,
      %get3A_548 = arith.index_cast %scan3A_294 : i32 to index
      %get3A_549 = arith.constant 48 : index
      %get3A_550 = tpu.vector_load %arg12[%get3A_548, %get3A_549] {strides = array<i32>} : memref<79x128xi32, #tpu.memory_space<vmem>>, vector<16xi32>,
      %add3A_551 = vector.broadcast %mul3A_187 : i32 to vector<16xi32>
      %add3A_552 = arith.addi %get3A_550, %add3A_551 : vector<16xi32>
      %swap3A_553 = arith.index_cast %scan3A_294 : i32 to index
      %swap3A_554 = arith.constant 48 : index
      %swap3A_555 = tpu.vector_load %arg12[%swap3A_553, %swap3A_554] {strides = array<i32>} : memref<79x128xi32, #tpu.memory_space<vmem>>, vector<16xi32>,
      tpu.vector_store %arg12[%swap3A_553, %swap3A_554], %add3A_552 {strides = array<i32>} : memref<79x128xi32, #tpu.memory_space<vmem>>, vector<16xi32>,
      %get3A_556 = arith.index_cast %scan3A_294 : i32 to index
      %get3A_557 = arith.constant 64 : index
      %get3A_558 = tpu.vector_load %arg13[%get3A_556, %get3A_557] {strides = array<i32>} : memref<79x128xi32, #tpu.memory_space<vmem>>, vector<16xi32>,
      %gather3A_559 = tpu.vector_load_idx %arg14[%get3A_558] : memref<10240xf32, #tpu.memory_space<vmem>>[vector<16xi32>], vector<16xf32>,
      %get3A_560 = arith.index_cast %scan3A_294 : i32 to index
      %get3A_561 = arith.constant 64 : index
      %get3A_562 = tpu.vector_load %arg16[%get3A_560, %get3A_561] {strides = array<i32>} : memref<79x128xf32, #tpu.memory_space<vmem>>, vector<16xf32>,
      %add3A_563 = arith.constant 9.99999971E-10 : f32
      %add3A_564 = vector.broadcast %add3A_563 : f32 to vector<16xf32>
      %add3A_565 = arith.addf %gather3A_559, %add3A_564 : vector<16xf32>
      %div3A_566 = arith.divf %get3A_562, %add3A_565 : vector<16xf32>
      %swap3A_567 = arith.index_cast %scan3A_294 : i32 to index
      %swap3A_568 = arith.constant 64 : index
      %swap3A_569 = tpu.vector_load %arg16[%swap3A_567, %swap3A_568] {strides = array<i32>} : memref<79x128xf32, #tpu.memory_space<vmem>>, vector<16xf32>,
      tpu.vector_store %arg16[%swap3A_567, %swap3A_568], %div3A_566 {strides = array<i32>} : memref<79x128xf32, #tpu.memory_space<vmem>>, vector<16xf32>,
      %get3A_570 = arith.index_cast %scan3A_294 : i32 to index
      %get3A_571 = arith.constant 64 : index
      %get3A_572 = tpu.vector_load %arg12[%get3A_570, %get3A_571] {strides = array<i32>} : memref<79x128xi32, #tpu.memory_space<vmem>>, vector<16xi32>,
      %add3A_573 = vector.broadcast %mul3A_187 : i32 to vector<16xi32>
      %add3A_574 = arith.addi %get3A_572, %add3A_573 : vector<16xi32>
      %swap3A_575 = arith.index_cast %scan3A_294 : i32 to index
      %swap3A_576 = arith.constant 64 : index
      %swap3A_577 = tpu.vector_load %arg12[%swap3A_575, %swap3A_576] {strides = array<i32>} : memref<79x128xi32, #tpu.memory_space<vmem>>, vector<16xi32>,
      tpu.vector_store %arg12[%swap3A_575, %swap3A_576], %add3A_574 {strides = array<i32>} : memref<79x128xi32, #tpu.memory_space<vmem>>, vector<16xi32>,
      %get3A_578 = arith.index_cast %scan3A_294 : i32 to index
      %get3A_579 = arith.constant 80 : index
      %get3A_580 = tpu.vector_load %arg13[%get3A_578, %get3A_579] {strides = array<i32>} : memref<79x128xi32, #tpu.memory_space<vmem>>, vector<16xi32>,
      %gather3A_581 = tpu.vector_load_idx %arg14[%get3A_580] : memref<10240xf32, #tpu.memory_space<vmem>>[vector<16xi32>], vector<16xf32>,
      %get3A_582 = arith.index_cast %scan3A_294 : i32 to index
      %get3A_583 = arith.constant 80 : index
      %get3A_584 = tpu.vector_load %arg16[%get3A_582, %get3A_583] {strides = array<i32>} : memref<79x128xf32, #tpu.memory_space<vmem>>, vector<16xf32>,
      %add3A_585 = arith.constant 9.99999971E-10 : f32
      %add3A_586 = vector.broadcast %add3A_585 : f32 to vector<16xf32>
      %add3A_587 = arith.addf %gather3A_581, %add3A_586 : vector<16xf32>
      %div3A_588 = arith.divf %get3A_584, %add3A_587 : vector<16xf32>
      %swap3A_589 = arith.index_cast %scan3A_294 : i32 to index
      %swap3A_590 = arith.constant 80 : index
      %swap3A_591 = tpu.vector_load %arg16[%swap3A_589, %swap3A_590] {strides = array<i32>} : memref<79x128xf32, #tpu.memory_space<vmem>>, vector<16xf32>,
      tpu.vector_store %arg16[%swap3A_589, %swap3A_590], %div3A_588 {strides = array<i32>} : memref<79x128xf32, #tpu.memory_space<vmem>>, vector<16xf32>,
      %get3A_592 = arith.index_cast %scan3A_294 : i32 to index
      %get3A_593 = arith.constant 80 : index
      %get3A_594 = tpu.vector_load %arg12[%get3A_592, %get3A_593] {strides = array<i32>} : memref<79x128xi32, #tpu.memory_space<vmem>>, vector<16xi32>,
      %add3A_595 = vector.broadcast %mul3A_187 : i32 to vector<16xi32>
      %add3A_596 = arith.addi %get3A_594, %add3A_595 : vector<16xi32>
      %swap3A_597 = arith.index_cast %scan3A_294 : i32 to index
      %swap3A_598 = arith.constant 80 : index
      %swap3A_599 = tpu.vector_load %arg12[%swap3A_597, %swap3A_598] {strides = array<i32>} : memref<79x128xi32, #tpu.memory_space<vmem>>, vector<16xi32>,
      tpu.vector_store %arg12[%swap3A_597, %swap3A_598], %add3A_596 {strides = array<i32>} : memref<79x128xi32, #tpu.memory_space<vmem>>, vector<16xi32>,
      %get3A_600 = arith.index_cast %scan3A_294 : i32 to index
      %get3A_601 = arith.constant 96 : index
      %get3A_602 = tpu.vector_load %arg13[%get3A_600, %get3A_601] {strides = array<i32>} : memref<79x128xi32, #tpu.memory_space<vmem>>, vector<16xi32>,
      %gather3A_603 = tpu.vector_load_idx %arg14[%get3A_602] : memref<10240xf32, #tpu.memory_space<vmem>>[vector<16xi32>], vector<16xf32>,
      %get3A_604 = arith.index_cast %scan3A_294 : i32 to index
      %get3A_605 = arith.constant 96 : index
      %get3A_606 = tpu.vector_load %arg16[%get3A_604, %get3A_605] {strides = array<i32>} : memref<79x128xf32, #tpu.memory_space<vmem>>, vector<16xf32>,
      %add3A_607 = arith.constant 9.99999971E-10 : f32
      %add3A_608 = vector.broadcast %add3A_607 : f32 to vector<16xf32>
      %add3A_609 = arith.addf %gather3A_603, %add3A_608 : vector<16xf32>
      %div3A_610 = arith.divf %get3A_606, %add3A_609 : vector<16xf32>
      %swap3A_611 = arith.index_cast %scan3A_294 : i32 to index
      %swap3A_612 = arith.constant 96 : index
      %swap3A_613 = tpu.vector_load %arg16[%swap3A_611, %swap3A_612] {strides = array<i32>} : memref<79x128xf32, #tpu.memory_space<vmem>>, vector<16xf32>,
      tpu.vector_store %arg16[%swap3A_611, %swap3A_612], %div3A_610 {strides = array<i32>} : memref<79x128xf32, #tpu.memory_space<vmem>>, vector<16xf32>,
      %get3A_614 = arith.index_cast %scan3A_294 : i32 to index
      %get3A_615 = arith.constant 96 : index
      %get3A_616 = tpu.vector_load %arg12[%get3A_614, %get3A_615] {strides = array<i32>} : memref<79x128xi32, #tpu.memory_space<vmem>>, vector<16xi32>,
      %add3A_617 = vector.broadcast %mul3A_187 : i32 to vector<16xi32>
      %add3A_618 = arith.addi %get3A_616, %add3A_617 : vector<16xi32>
      %swap3A_619 = arith.index_cast %scan3A_294 : i32 to index
      %swap3A_620 = arith.constant 96 : index
      %swap3A_621 = tpu.vector_load %arg12[%swap3A_619, %swap3A_620] {strides = array<i32>} : memref<79x128xi32, #tpu.memory_space<vmem>>, vector<16xi32>,
      tpu.vector_store %arg12[%swap3A_619, %swap3A_620], %add3A_618 {strides = array<i32>} : memref<79x128xi32, #tpu.memory_space<vmem>>, vector<16xi32>,
      %get3A_622 = arith.index_cast %scan3A_294 : i32 to index
      %get3A_623 = arith.constant 112 : index
      %get3A_624 = tpu.vector_load %arg13[%get3A_622, %get3A_623] {strides = array<i32>} : memref<79x128xi32, #tpu.memory_space<vmem>>, vector<16xi32>,
      %gather3A_625 = tpu.vector_load_idx %arg14[%get3A_624] : memref<10240xf32, #tpu.memory_space<vmem>>[vector<16xi32>], vector<16xf32>,
      %get3A_626 = arith.index_cast %scan3A_294 : i32 to index
      %get3A_627 = arith.constant 112 : index
      %get3A_628 = tpu.vector_load %arg16[%get3A_626, %get3A_627] {strides = array<i32>} : memref<79x128xf32, #tpu.memory_space<vmem>>, vector<16xf32>,
      %add3A_629 = arith.constant 9.99999971E-10 : f32
      %add3A_630 = vector.broadcast %add3A_629 : f32 to vector<16xf32>
      %add3A_631 = arith.addf %gather3A_625, %add3A_630 : vector<16xf32>
      %div3A_632 = arith.divf %get3A_628, %add3A_631 : vector<16xf32>
      %swap3A_633 = arith.index_cast %scan3A_294 : i32 to index
      %swap3A_634 = arith.constant 112 : index
      %swap3A_635 = tpu.vector_load %arg16[%swap3A_633, %swap3A_634] {strides = array<i32>} : memref<79x128xf32, #tpu.memory_space<vmem>>, vector<16xf32>,
      tpu.vector_store %arg16[%swap3A_633, %swap3A_634], %div3A_632 {strides = array<i32>} : memref<79x128xf32, #tpu.memory_space<vmem>>, vector<16xf32>,
      %get3A_636 = arith.index_cast %scan3A_294 : i32 to index
      %get3A_637 = arith.constant 112 : index
      %get3A_638 = tpu.vector_load %arg12[%get3A_636, %get3A_637] {strides = array<i32>} : memref<79x128xi32, #tpu.memory_space<vmem>>, vector<16xi32>,
      %add3A_639 = vector.broadcast %mul3A_187 : i32 to vector<16xi32>
      %add3A_640 = arith.addi %get3A_638, %add3A_639 : vector<16xi32>
      %swap3A_641 = arith.index_cast %scan3A_294 : i32 to index
      %swap3A_642 = arith.constant 112 : index
      %swap3A_643 = tpu.vector_load %arg12[%swap3A_641, %swap3A_642] {strides = array<i32>} : memref<79x128xi32, #tpu.memory_space<vmem>>, vector<16xi32>,
      tpu.vector_store %arg12[%swap3A_641, %swap3A_642], %add3A_640 {strides = array<i32>} : memref<79x128xi32, #tpu.memory_space<vmem>>, vector<16xi32>,
      %scan3A_644 = arith.constant 0 : i32
      scf.yield %scan3A_644 : i32
    }
    %scan3A_194 = arith.constant 79 : i32
    %mul3A_195 = arith.constant 624 : i32
    %mul3A_196 = arith.muli %arg1, %mul3A_195 : i32
    %multiple_of3A_197 = tpu.assume_multiple %mul3A_196, 8 : i32
    %mul3A_198 = arith.constant 8 : i32
    %mul3A_199 = arith.muli %arg1, %mul3A_198 : i32
    %add3A_200 = arith.constant 9984 : i32
    %add3A_201 = arith.addi %add3A_200, %mul3A_199 : i32
    %multiple_of3A_202 = tpu.assume_multiple %add3A_201, 8 : i32
    %scan3A_203 = arith.constant 0 : i32
    %scan3A_204 = arith.constant 0 : i32
    %scan3A_205 = arith.constant 128 : i32
    %scan3A_206 = arith.addi %scan3A_204, %scan3A_205 : i32
    %scan3A_207 = arith.constant 1 : i32
    %scan3A_208 = scf.for %scan3A_294 = %scan3A_204 to %scan3A_206 step %scan3A_207 iter_args(%scan3A_295 = %scan3A_203) -> (i32)  : i32 {
      %broadcast_in_dim3A = arith.constant 0.000000e+00 : f32
      %broadcast_in_dim3A_296 = vector.broadcast %broadcast_in_dim3A : f32 to vector<16xf32>
      %swap3A = arith.index_cast %scan3A_294 : i32 to index
      %swap3A_297 = arith.constant 0 : index
      %swap3A_298 = tpu.vector_load %arg17[%swap3A, %swap3A_297] {strides = array<i32>} : memref<128x32xf32, #tpu.memory_space<vmem>>, vector<16xf32>,
      tpu.vector_store %arg17[%swap3A, %swap3A_297], %broadcast_in_dim3A_296 {strides = array<i32>} : memref<128x32xf32, #tpu.memory_space<vmem>>, vector<16xf32>,
      %broadcast_in_dim3A_299 = arith.constant 0.000000e+00 : f32
      %broadcast_in_dim3A_300 = vector.broadcast %broadcast_in_dim3A_299 : f32 to vector<16xf32>
      %swap3A_301 = arith.index_cast %scan3A_294 : i32 to index
      %swap3A_302 = arith.constant 16 : index
      %swap3A_303 = tpu.vector_load %arg17[%swap3A_301, %swap3A_302] {strides = array<i32>} : memref<128x32xf32, #tpu.memory_space<vmem>>, vector<16xf32>,
      tpu.vector_store %arg17[%swap3A_301, %swap3A_302], %broadcast_in_dim3A_300 {strides = array<i32>} : memref<128x32xf32, #tpu.memory_space<vmem>>, vector<16xf32>,
      %scan3A_304 = arith.constant 0 : i32
      scf.yield %scan3A_304 : i32
    }
    %scan3A_209 = arith.constant 128 : i32
    %add3A_210 = arith.constant 0 : i32
    %add3A_211 = arith.addi %multiple_of3A_197, %add3A_210 : i32
    "tpu.region"() ({
      %run_scoped3A_294 = tpu.sem_alloc : memref<!tpu.dma_semaphore, #tpu.memory_space<semaphore_mem>>
      %dma_start3A = arith.constant 0 : i32
      %dma_start3A_295 = tpu.memref_slice %arg22[%add3A_211, %dma_start3A] : memref<10000x32xf32, #tpu.memory_space<vmem_shared>> -> memref<128x32xf32, #tpu.memory_space<vmem_shared>>
      %dma_start3A_296 = arith.constant 0 : i32
      %dma_start3A_297 = tpu.memref_slice %arg22[%add3A_211, %dma_start3A_296] : memref<10000x32xf32, #tpu.memory_space<vmem_shared>> -> memref<128x32xf32, #tpu.memory_space<vmem_shared>>
      tpu.enqueue_dma source(%arg17 : memref<128x32xf32, #tpu.memory_space<vmem>>) target(%dma_start3A_297 : memref<128x32xf32, #tpu.memory_space<vmem_shared>>) target_semaphore(%run_scoped3A_294 : memref<!tpu.dma_semaphore, #tpu.memory_space<semaphore_mem>>)
      %dma_wait3A = arith.constant 0 : i32
      %dma_wait3A_298 = tpu.memref_slice %arg22[%add3A_211, %dma_wait3A] : memref<10000x32xf32, #tpu.memory_space<vmem_shared>> -> memref<128x32xf32, #tpu.memory_space<vmem_shared>>
      %dma_wait3A_299 = arith.constant 0 : i32
      %dma_wait3A_300 = tpu.memref_slice %arg22[%add3A_211, %dma_wait3A_299] : memref<10000x32xf32, #tpu.memory_space<vmem_shared>> -> memref<128x32xf32, #tpu.memory_space<vmem_shared>>
      tpu.wait_dma2 semaphore(%run_scoped3A_294 : memref<!tpu.dma_semaphore, #tpu.memory_space<semaphore_mem>>) src(%arg17 : memref<128x32xf32, #tpu.memory_space<vmem>>) dst(%dma_wait3A_300 : memref<128x32xf32, #tpu.memory_space<vmem_shared>>)
      tpu.yield
    }) : () -> ()
    %add3A_212 = arith.constant 128 : i32
    %add3A_213 = arith.addi %multiple_of3A_197, %add3A_212 : i32
    "tpu.region"() ({
      %run_scoped3A_294 = tpu.sem_alloc : memref<!tpu.dma_semaphore, #tpu.memory_space<semaphore_mem>>
      %dma_start3A = arith.constant 0 : i32
      %dma_start3A_295 = tpu.memref_slice %arg22[%add3A_213, %dma_start3A] : memref<10000x32xf32, #tpu.memory_space<vmem_shared>> -> memref<128x32xf32, #tpu.memory_space<vmem_shared>>
      %dma_start3A_296 = arith.constant 0 : i32
      %dma_start3A_297 = tpu.memref_slice %arg22[%add3A_213, %dma_start3A_296] : memref<10000x32xf32, #tpu.memory_space<vmem_shared>> -> memref<128x32xf32, #tpu.memory_space<vmem_shared>>
      tpu.enqueue_dma source(%arg17 : memref<128x32xf32, #tpu.memory_space<vmem>>) target(%dma_start3A_297 : memref<128x32xf32, #tpu.memory_space<vmem_shared>>) target_semaphore(%run_scoped3A_294 : memref<!tpu.dma_semaphore, #tpu.memory_space<semaphore_mem>>)
      %dma_wait3A = arith.constant 0 : i32
      %dma_wait3A_298 = tpu.memref_slice %arg22[%add3A_213, %dma_wait3A] : memref<10000x32xf32, #tpu.memory_space<vmem_shared>> -> memref<128x32xf32, #tpu.memory_space<vmem_shared>>
      %dma_wait3A_299 = arith.constant 0 : i32
      %dma_wait3A_300 = tpu.memref_slice %arg22[%add3A_213, %dma_wait3A_299] : memref<10000x32xf32, #tpu.memory_space<vmem_shared>> -> memref<128x32xf32, #tpu.memory_space<vmem_shared>>
      tpu.wait_dma2 semaphore(%run_scoped3A_294 : memref<!tpu.dma_semaphore, #tpu.memory_space<semaphore_mem>>) src(%arg17 : memref<128x32xf32, #tpu.memory_space<vmem>>) dst(%dma_wait3A_300 : memref<128x32xf32, #tpu.memory_space<vmem_shared>>)
      tpu.yield
    }) : () -> ()
    %add3A_214 = arith.constant 256 : i32
    %add3A_215 = arith.addi %multiple_of3A_197, %add3A_214 : i32
    "tpu.region"() ({
      %run_scoped3A_294 = tpu.sem_alloc : memref<!tpu.dma_semaphore, #tpu.memory_space<semaphore_mem>>
      %dma_start3A = arith.constant 0 : i32
      %dma_start3A_295 = tpu.memref_slice %arg22[%add3A_215, %dma_start3A] : memref<10000x32xf32, #tpu.memory_space<vmem_shared>> -> memref<128x32xf32, #tpu.memory_space<vmem_shared>>
      %dma_start3A_296 = arith.constant 0 : i32
      %dma_start3A_297 = tpu.memref_slice %arg22[%add3A_215, %dma_start3A_296] : memref<10000x32xf32, #tpu.memory_space<vmem_shared>> -> memref<128x32xf32, #tpu.memory_space<vmem_shared>>
      tpu.enqueue_dma source(%arg17 : memref<128x32xf32, #tpu.memory_space<vmem>>) target(%dma_start3A_297 : memref<128x32xf32, #tpu.memory_space<vmem_shared>>) target_semaphore(%run_scoped3A_294 : memref<!tpu.dma_semaphore, #tpu.memory_space<semaphore_mem>>)
      %dma_wait3A = arith.constant 0 : i32
      %dma_wait3A_298 = tpu.memref_slice %arg22[%add3A_215, %dma_wait3A] : memref<10000x32xf32, #tpu.memory_space<vmem_shared>> -> memref<128x32xf32, #tpu.memory_space<vmem_shared>>
      %dma_wait3A_299 = arith.constant 0 : i32
      %dma_wait3A_300 = tpu.memref_slice %arg22[%add3A_215, %dma_wait3A_299] : memref<10000x32xf32, #tpu.memory_space<vmem_shared>> -> memref<128x32xf32, #tpu.memory_space<vmem_shared>>
      tpu.wait_dma2 semaphore(%run_scoped3A_294 : memref<!tpu.dma_semaphore, #tpu.memory_space<semaphore_mem>>) src(%arg17 : memref<128x32xf32, #tpu.memory_space<vmem>>) dst(%dma_wait3A_300 : memref<128x32xf32, #tpu.memory_space<vmem_shared>>)
      tpu.yield
    }) : () -> ()
    %add3A_216 = arith.constant 384 : i32
    %add3A_217 = arith.addi %multiple_of3A_197, %add3A_216 : i32
    "tpu.region"() ({
      %run_scoped3A_294 = tpu.sem_alloc : memref<!tpu.dma_semaphore, #tpu.memory_space<semaphore_mem>>
      %dma_start3A = arith.constant 0 : i32
      %dma_start3A_295 = tpu.memref_slice %arg22[%add3A_217, %dma_start3A] : memref<10000x32xf32, #tpu.memory_space<vmem_shared>> -> memref<128x32xf32, #tpu.memory_space<vmem_shared>>
      %dma_start3A_296 = arith.constant 0 : i32
      %dma_start3A_297 = tpu.memref_slice %arg22[%add3A_217, %dma_start3A_296] : memref<10000x32xf32, #tpu.memory_space<vmem_shared>> -> memref<128x32xf32, #tpu.memory_space<vmem_shared>>
      tpu.enqueue_dma source(%arg17 : memref<128x32xf32, #tpu.memory_space<vmem>>) target(%dma_start3A_297 : memref<128x32xf32, #tpu.memory_space<vmem_shared>>) target_semaphore(%run_scoped3A_294 : memref<!tpu.dma_semaphore, #tpu.memory_space<semaphore_mem>>)
      %dma_wait3A = arith.constant 0 : i32
      %dma_wait3A_298 = tpu.memref_slice %arg22[%add3A_217, %dma_wait3A] : memref<10000x32xf32, #tpu.memory_space<vmem_shared>> -> memref<128x32xf32, #tpu.memory_space<vmem_shared>>
      %dma_wait3A_299 = arith.constant 0 : i32
      %dma_wait3A_300 = tpu.memref_slice %arg22[%add3A_217, %dma_wait3A_299] : memref<10000x32xf32, #tpu.memory_space<vmem_shared>> -> memref<128x32xf32, #tpu.memory_space<vmem_shared>>
      tpu.wait_dma2 semaphore(%run_scoped3A_294 : memref<!tpu.dma_semaphore, #tpu.memory_space<semaphore_mem>>) src(%arg17 : memref<128x32xf32, #tpu.memory_space<vmem>>) dst(%dma_wait3A_300 : memref<128x32xf32, #tpu.memory_space<vmem_shared>>)
      tpu.yield
    }) : () -> ()
    %add3A_218 = arith.constant 512 : i32
    %add3A_219 = arith.addi %multiple_of3A_197, %add3A_218 : i32
    "tpu.region"() ({
      %run_scoped3A_294 = tpu.sem_alloc : memref<!tpu.dma_semaphore, #tpu.memory_space<semaphore_mem>>
      %dma_start3A = arith.constant 0 : i32
      %dma_start3A_295 = arith.constant 0 : i32
      %dma_start3A_296 = tpu.memref_slice %arg17[%dma_start3A, %dma_start3A_295] : memref<128x32xf32, #tpu.memory_space<vmem>> -> memref<112x32xf32, #tpu.memory_space<vmem>>
      %dma_start3A_297 = arith.constant 0 : i32
      %dma_start3A_298 = tpu.memref_slice %arg22[%add3A_219, %dma_start3A_297] : memref<10000x32xf32, #tpu.memory_space<vmem_shared>> -> memref<112x32xf32, #tpu.memory_space<vmem_shared>>
      %dma_start3A_299 = arith.constant 0 : i32
      %dma_start3A_300 = tpu.memref_slice %arg22[%add3A_219, %dma_start3A_299] : memref<10000x32xf32, #tpu.memory_space<vmem_shared>> -> memref<112x32xf32, #tpu.memory_space<vmem_shared>>
      %dma_start3A_301 = arith.constant 0 : i32
      %dma_start3A_302 = arith.constant 0 : i32
      %dma_start3A_303 = tpu.memref_slice %arg17[%dma_start3A_301, %dma_start3A_302] : memref<128x32xf32, #tpu.memory_space<vmem>> -> memref<112x32xf32, #tpu.memory_space<vmem>>
      tpu.enqueue_dma source(%dma_start3A_303 : memref<112x32xf32, #tpu.memory_space<vmem>>) target(%dma_start3A_300 : memref<112x32xf32, #tpu.memory_space<vmem_shared>>) target_semaphore(%run_scoped3A_294 : memref<!tpu.dma_semaphore, #tpu.memory_space<semaphore_mem>>)
      %dma_wait3A = arith.constant 0 : i32
      %dma_wait3A_304 = arith.constant 0 : i32
      %dma_wait3A_305 = tpu.memref_slice %arg17[%dma_wait3A, %dma_wait3A_304] : memref<128x32xf32, #tpu.memory_space<vmem>> -> memref<112x32xf32, #tpu.memory_space<vmem>>
      %dma_wait3A_306 = arith.constant 0 : i32
      %dma_wait3A_307 = tpu.memref_slice %arg22[%add3A_219, %dma_wait3A_306] : memref<10000x32xf32, #tpu.memory_space<vmem_shared>> -> memref<112x32xf32, #tpu.memory_space<vmem_shared>>
      %dma_wait3A_308 = arith.constant 0 : i32
      %dma_wait3A_309 = tpu.memref_slice %arg22[%add3A_219, %dma_wait3A_308] : memref<10000x32xf32, #tpu.memory_space<vmem_shared>> -> memref<112x32xf32, #tpu.memory_space<vmem_shared>>
      %dma_wait3A_310 = arith.constant 0 : i32
      %dma_wait3A_311 = arith.constant 0 : i32
      %dma_wait3A_312 = tpu.memref_slice %arg17[%dma_wait3A_310, %dma_wait3A_311] : memref<128x32xf32, #tpu.memory_space<vmem>> -> memref<112x32xf32, #tpu.memory_space<vmem>>
      tpu.wait_dma2 semaphore(%run_scoped3A_294 : memref<!tpu.dma_semaphore, #tpu.memory_space<semaphore_mem>>) src(%dma_wait3A_312 : memref<112x32xf32, #tpu.memory_space<vmem>>) dst(%dma_wait3A_309 : memref<112x32xf32, #tpu.memory_space<vmem_shared>>)
      tpu.yield
    }) : () -> ()
    %lt3A = arith.constant 2 : i32
    %lt3A_220 = arith.cmpi slt, %arg1, %lt3A : i32
    %convert_element_type3A = arith.extui %lt3A_220 : i1 to i32
    %cond3A = arith.constant 0 : i32
    %cond3A_221 = arith.cmpi ne, %convert_element_type3A, %cond3A : i32
    scf.if %cond3A_221 {
      "tpu.region"() ({
        %run_scoped3A_294 = tpu.sem_alloc : memref<!tpu.dma_semaphore, #tpu.memory_space<semaphore_mem>>
        %dma_start3A = arith.constant 0 : i32
        %dma_start3A_295 = arith.constant 0 : i32
        %dma_start3A_296 = tpu.memref_slice %arg17[%dma_start3A, %dma_start3A_295] : memref<128x32xf32, #tpu.memory_space<vmem>> -> memref<8x32xf32, #tpu.memory_space<vmem>>
        %dma_start3A_297 = arith.constant 0 : i32
        %dma_start3A_298 = tpu.memref_slice %arg22[%multiple_of3A_202, %dma_start3A_297] : memref<10000x32xf32, #tpu.memory_space<vmem_shared>> -> memref<8x32xf32, #tpu.memory_space<vmem_shared>>
        %dma_start3A_299 = arith.constant 0 : i32
        %dma_start3A_300 = tpu.memref_slice %arg22[%multiple_of3A_202, %dma_start3A_299] : memref<10000x32xf32, #tpu.memory_space<vmem_shared>> -> memref<8x32xf32, #tpu.memory_space<vmem_shared>>
        %dma_start3A_301 = arith.constant 0 : i32
        %dma_start3A_302 = arith.constant 0 : i32
        %dma_start3A_303 = tpu.memref_slice %arg17[%dma_start3A_301, %dma_start3A_302] : memref<128x32xf32, #tpu.memory_space<vmem>> -> memref<8x32xf32, #tpu.memory_space<vmem>>
        tpu.enqueue_dma source(%dma_start3A_303 : memref<8x32xf32, #tpu.memory_space<vmem>>) target(%dma_start3A_300 : memref<8x32xf32, #tpu.memory_space<vmem_shared>>) target_semaphore(%run_scoped3A_294 : memref<!tpu.dma_semaphore, #tpu.memory_space<semaphore_mem>>)
        %dma_wait3A = arith.constant 0 : i32
        %dma_wait3A_304 = arith.constant 0 : i32
        %dma_wait3A_305 = tpu.memref_slice %arg17[%dma_wait3A, %dma_wait3A_304] : memref<128x32xf32, #tpu.memory_space<vmem>> -> memref<8x32xf32, #tpu.memory_space<vmem>>
        %dma_wait3A_306 = arith.constant 0 : i32
        %dma_wait3A_307 = tpu.memref_slice %arg22[%multiple_of3A_202, %dma_wait3A_306] : memref<10000x32xf32, #tpu.memory_space<vmem_shared>> -> memref<8x32xf32, #tpu.memory_space<vmem_shared>>
        %dma_wait3A_308 = arith.constant 0 : i32
        %dma_wait3A_309 = tpu.memref_slice %arg22[%multiple_of3A_202, %dma_wait3A_308] : memref<10000x32xf32, #tpu.memory_space<vmem_shared>> -> memref<8x32xf32, #tpu.memory_space<vmem_shared>>
        %dma_wait3A_310 = arith.constant 0 : i32
        %dma_wait3A_311 = arith.constant 0 : i32
        %dma_wait3A_312 = tpu.memref_slice %arg17[%dma_wait3A_310, %dma_wait3A_311] : memref<128x32xf32, #tpu.memory_space<vmem>> -> memref<8x32xf32, #tpu.memory_space<vmem>>
        tpu.wait_dma2 semaphore(%run_scoped3A_294 : memref<!tpu.dma_semaphore, #tpu.memory_space<semaphore_mem>>) src(%dma_wait3A_312 : memref<8x32xf32, #tpu.memory_space<vmem>>) dst(%dma_wait3A_309 : memref<8x32xf32, #tpu.memory_space<vmem_shared>>)
        tpu.yield
      }) : () -> ()
    } else {
    }
    %barrier3A_222 = arith.constant 0 : index
    tpu.barrier barrier_id(%barrier3A_222)
    %scan3A_223 = arith.constant 0 : i32
    %scan3A_224 = arith.constant 0 : i32
    %scan3A_225 = arith.constant 79 : i32
    %scan3A_226 = arith.addi %scan3A_224, %scan3A_225 : i32
    %scan3A_227 = arith.constant 1 : i32
    %scan3A_228 = scf.for %scan3A_294 = %scan3A_224 to %scan3A_226 step %scan3A_227 iter_args(%scan3A_295 = %scan3A_223) -> (i32)  : i32 {
      %dma_start3A = arith.constant 0 : i32
      %dma_start3A_296 = tpu.memref_slice %arg10[%scan3A_294, %dma_start3A] : memref<79x128xi32, #tpu.memory_space<vmem>> -> memref<1x128xi32, #tpu.memory_space<vmem>>
      %dma_start3A_297 = tpu.memref_squeeze %dma_start3A_296 : memref<1x128xi32, #tpu.memory_space<vmem>> -> memref<128xi32, #tpu.memory_space<vmem>>
      %dma_start3A_298 = arith.constant 0 : i32
      %dma_start3A_299 = arith.constant 0 : i32
      %dma_start3A_300 = tpu.memref_slice %arg6[%dma_start3A_298, %dma_start3A_299] : memref<40000x32xf32, #tpu.memory_space<hbm>> -> memref<40000x32xf32, #tpu.memory_space<hbm>>
      tpu.enqueue_indirect_dma source(%dma_start3A_300 : memref<40000x32xf32, #tpu.memory_space<hbm>>) target(%arg17 : memref<128x32xf32, #tpu.memory_space<vmem>>) offsets(%dma_start3A_297 : memref<128xi32, #tpu.memory_space<vmem>>) semaphore(%arg23 : memref<!tpu.dma_semaphore, #tpu.memory_space<semaphore_mem>>)
      %dma_wait3A = arith.constant 0 : i32
      %dma_wait3A_301 = tpu.memref_slice %arg10[%scan3A_294, %dma_wait3A] : memref<79x128xi32, #tpu.memory_space<vmem>> -> memref<1x128xi32, #tpu.memory_space<vmem>>
      %dma_wait3A_302 = tpu.memref_squeeze %dma_wait3A_301 : memref<1x128xi32, #tpu.memory_space<vmem>> -> memref<128xi32, #tpu.memory_space<vmem>>
      %dma_wait3A_303 = arith.constant 0 : i32
      %dma_wait3A_304 = arith.constant 0 : i32
      %dma_wait3A_305 = tpu.memref_slice %arg6[%dma_wait3A_303, %dma_wait3A_304] : memref<40000x32xf32, #tpu.memory_space<hbm>> -> memref<40000x32xf32, #tpu.memory_space<hbm>>
      tpu.wait_indirect_dma semaphore(%arg23 : memref<!tpu.dma_semaphore, #tpu.memory_space<semaphore_mem>>) src(%dma_wait3A_305 : memref<40000x32xf32, #tpu.memory_space<hbm>>) dst(%arg17 : memref<128x32xf32, #tpu.memory_space<vmem>>)
      %scan3A_306 = arith.constant 0 : i32
      %scan3A_307 = arith.constant 0 : i32
      %scan3A_308 = arith.constant 8 : i32
      %scan3A_309 = arith.addi %scan3A_307, %scan3A_308 : i32
      %scan3A_310 = arith.constant 1 : i32
      %scan3A_311 = scf.for %scan3A_314 = %scan3A_307 to %scan3A_309 step %scan3A_310 iter_args(%scan3A_315 = %scan3A_306) -> (i32)  : i32 {
        %mul3A_316 = arith.constant 16 : i32
        %mul3A_317 = arith.muli %scan3A_314, %mul3A_316 : i32
        %get3A = arith.index_cast %scan3A_294 : i32 to index
        %get3A_318 = arith.index_cast %mul3A_317 : i32 to index
        %get3A_319 = tpu.vector_load %arg15[%get3A, %get3A_318] {strides = array<i32>} : memref<79x128xf32, #tpu.memory_space<vmem>>, vector<16xf32>,
        %slice3A = vector.extract_strided_slice %get3A_319 {offsets = [0], sizes = [1], strides = [1]} : vector<16xf32> to vector<1xf32>
        %squeeze3A = vector.extract %slice3A[0] : f32 from vector<1xf32>
        %mul3A_320 = arith.constant 16 : i32
        %mul3A_321 = arith.muli %scan3A_314, %mul3A_320 : i32
        %add3A_322 = arith.constant 0 : i32
        %add3A_323 = arith.addi %mul3A_321, %add3A_322 : i32
        %get3A_324 = arith.index_cast %add3A_323 : i32 to index
        %get3A_325 = arith.constant 0 : index
        %get3A_326 = tpu.vector_load %arg17[%get3A_324, %get3A_325] {strides = array<i32>} : memref<128x32xf32, #tpu.memory_space<vmem>>, vector<16xf32>,
        %mul3A_327 = vector.broadcast %squeeze3A : f32 to vector<16xf32>
        %mul3A_328 = arith.mulf %get3A_326, %mul3A_327 : vector<16xf32>
        %swap3A = arith.index_cast %add3A_323 : i32 to index
        %swap3A_329 = arith.constant 0 : index
        %swap3A_330 = tpu.vector_load %arg17[%swap3A, %swap3A_329] {strides = array<i32>} : memref<128x32xf32, #tpu.memory_space<vmem>>, vector<16xf32>,
        tpu.vector_store %arg17[%swap3A, %swap3A_329], %mul3A_328 {strides = array<i32>} : memref<128x32xf32, #tpu.memory_space<vmem>>, vector<16xf32>,
        %get3A_331 = arith.index_cast %add3A_323 : i32 to index
        %get3A_332 = arith.constant 16 : index
        %get3A_333 = tpu.vector_load %arg17[%get3A_331, %get3A_332] {strides = array<i32>} : memref<128x32xf32, #tpu.memory_space<vmem>>, vector<16xf32>,
        %mul3A_334 = vector.broadcast %squeeze3A : f32 to vector<16xf32>
        %mul3A_335 = arith.mulf %get3A_333, %mul3A_334 : vector<16xf32>
        %swap3A_336 = arith.index_cast %add3A_323 : i32 to index
        %swap3A_337 = arith.constant 16 : index
        %swap3A_338 = tpu.vector_load %arg17[%swap3A_336, %swap3A_337] {strides = array<i32>} : memref<128x32xf32, #tpu.memory_space<vmem>>, vector<16xf32>,
        tpu.vector_store %arg17[%swap3A_336, %swap3A_337], %mul3A_335 {strides = array<i32>} : memref<128x32xf32, #tpu.memory_space<vmem>>, vector<16xf32>,
        %slice3A_339 = vector.extract_strided_slice %get3A_319 {offsets = [1], sizes = [1], strides = [1]} : vector<16xf32> to vector<1xf32>
        %squeeze3A_340 = vector.extract %slice3A_339[0] : f32 from vector<1xf32>
        %mul3A_341 = arith.constant 16 : i32
        %mul3A_342 = arith.muli %scan3A_314, %mul3A_341 : i32
        %add3A_343 = arith.constant 1 : i32
        %add3A_344 = arith.addi %mul3A_342, %add3A_343 : i32
        %get3A_345 = arith.index_cast %add3A_344 : i32 to index
        %get3A_346 = arith.constant 0 : index
        %get3A_347 = tpu.vector_load %arg17[%get3A_345, %get3A_346] {strides = array<i32>} : memref<128x32xf32, #tpu.memory_space<vmem>>, vector<16xf32>,
        %mul3A_348 = vector.broadcast %squeeze3A_340 : f32 to vector<16xf32>
        %mul3A_349 = arith.mulf %get3A_347, %mul3A_348 : vector<16xf32>
        %swap3A_350 = arith.index_cast %add3A_344 : i32 to index
        %swap3A_351 = arith.constant 0 : index
        %swap3A_352 = tpu.vector_load %arg17[%swap3A_350, %swap3A_351] {strides = array<i32>} : memref<128x32xf32, #tpu.memory_space<vmem>>, vector<16xf32>,
        tpu.vector_store %arg17[%swap3A_350, %swap3A_351], %mul3A_349 {strides = array<i32>} : memref<128x32xf32, #tpu.memory_space<vmem>>, vector<16xf32>,
        %get3A_353 = arith.index_cast %add3A_344 : i32 to index
        %get3A_354 = arith.constant 16 : index
        %get3A_355 = tpu.vector_load %arg17[%get3A_353, %get3A_354] {strides = array<i32>} : memref<128x32xf32, #tpu.memory_space<vmem>>, vector<16xf32>,
        %mul3A_356 = vector.broadcast %squeeze3A_340 : f32 to vector<16xf32>
        %mul3A_357 = arith.mulf %get3A_355, %mul3A_356 : vector<16xf32>
        %swap3A_358 = arith.index_cast %add3A_344 : i32 to index
        %swap3A_359 = arith.constant 16 : index
        %swap3A_360 = tpu.vector_load %arg17[%swap3A_358, %swap3A_359] {strides = array<i32>} : memref<128x32xf32, #tpu.memory_space<vmem>>, vector<16xf32>,
        tpu.vector_store %arg17[%swap3A_358, %swap3A_359], %mul3A_357 {strides = array<i32>} : memref<128x32xf32, #tpu.memory_space<vmem>>, vector<16xf32>,
        %slice3A_361 = vector.extract_strided_slice %get3A_319 {offsets = [2], sizes = [1], strides = [1]} : vector<16xf32> to vector<1xf32>
        %squeeze3A_362 = vector.extract %slice3A_361[0] : f32 from vector<1xf32>
        %mul3A_363 = arith.constant 16 : i32
        %mul3A_364 = arith.muli %scan3A_314, %mul3A_363 : i32
        %add3A_365 = arith.constant 2 : i32
        %add3A_366 = arith.addi %mul3A_364, %add3A_365 : i32
        %get3A_367 = arith.index_cast %add3A_366 : i32 to index
        %get3A_368 = arith.constant 0 : index
        %get3A_369 = tpu.vector_load %arg17[%get3A_367, %get3A_368] {strides = array<i32>} : memref<128x32xf32, #tpu.memory_space<vmem>>, vector<16xf32>,
        %mul3A_370 = vector.broadcast %squeeze3A_362 : f32 to vector<16xf32>
        %mul3A_371 = arith.mulf %get3A_369, %mul3A_370 : vector<16xf32>
        %swap3A_372 = arith.index_cast %add3A_366 : i32 to index
        %swap3A_373 = arith.constant 0 : index
        %swap3A_374 = tpu.vector_load %arg17[%swap3A_372, %swap3A_373] {strides = array<i32>} : memref<128x32xf32, #tpu.memory_space<vmem>>, vector<16xf32>,
        tpu.vector_store %arg17[%swap3A_372, %swap3A_373], %mul3A_371 {strides = array<i32>} : memref<128x32xf32, #tpu.memory_space<vmem>>, vector<16xf32>,
        %get3A_375 = arith.index_cast %add3A_366 : i32 to index
        %get3A_376 = arith.constant 16 : index
        %get3A_377 = tpu.vector_load %arg17[%get3A_375, %get3A_376] {strides = array<i32>} : memref<128x32xf32, #tpu.memory_space<vmem>>, vector<16xf32>,
        %mul3A_378 = vector.broadcast %squeeze3A_362 : f32 to vector<16xf32>
        %mul3A_379 = arith.mulf %get3A_377, %mul3A_378 : vector<16xf32>
        %swap3A_380 = arith.index_cast %add3A_366 : i32 to index
        %swap3A_381 = arith.constant 16 : index
        %swap3A_382 = tpu.vector_load %arg17[%swap3A_380, %swap3A_381] {strides = array<i32>} : memref<128x32xf32, #tpu.memory_space<vmem>>, vector<16xf32>,
        tpu.vector_store %arg17[%swap3A_380, %swap3A_381], %mul3A_379 {strides = array<i32>} : memref<128x32xf32, #tpu.memory_space<vmem>>, vector<16xf32>,
        %slice3A_383 = vector.extract_strided_slice %get3A_319 {offsets = [3], sizes = [1], strides = [1]} : vector<16xf32> to vector<1xf32>
        %squeeze3A_384 = vector.extract %slice3A_383[0] : f32 from vector<1xf32>
        %mul3A_385 = arith.constant 16 : i32
        %mul3A_386 = arith.muli %scan3A_314, %mul3A_385 : i32
        %add3A_387 = arith.constant 3 : i32
        %add3A_388 = arith.addi %mul3A_386, %add3A_387 : i32
        %get3A_389 = arith.index_cast %add3A_388 : i32 to index
        %get3A_390 = arith.constant 0 : index
        %get3A_391 = tpu.vector_load %arg17[%get3A_389, %get3A_390] {strides = array<i32>} : memref<128x32xf32, #tpu.memory_space<vmem>>, vector<16xf32>,
        %mul3A_392 = vector.broadcast %squeeze3A_384 : f32 to vector<16xf32>
        %mul3A_393 = arith.mulf %get3A_391, %mul3A_392 : vector<16xf32>
        %swap3A_394 = arith.index_cast %add3A_388 : i32 to index
        %swap3A_395 = arith.constant 0 : index
        %swap3A_396 = tpu.vector_load %arg17[%swap3A_394, %swap3A_395] {strides = array<i32>} : memref<128x32xf32, #tpu.memory_space<vmem>>, vector<16xf32>,
        tpu.vector_store %arg17[%swap3A_394, %swap3A_395], %mul3A_393 {strides = array<i32>} : memref<128x32xf32, #tpu.memory_space<vmem>>, vector<16xf32>,
        %get3A_397 = arith.index_cast %add3A_388 : i32 to index
        %get3A_398 = arith.constant 16 : index
        %get3A_399 = tpu.vector_load %arg17[%get3A_397, %get3A_398] {strides = array<i32>} : memref<128x32xf32, #tpu.memory_space<vmem>>, vector<16xf32>,
        %mul3A_400 = vector.broadcast %squeeze3A_384 : f32 to vector<16xf32>
        %mul3A_401 = arith.mulf %get3A_399, %mul3A_400 : vector<16xf32>
        %swap3A_402 = arith.index_cast %add3A_388 : i32 to index
        %swap3A_403 = arith.constant 16 : index
        %swap3A_404 = tpu.vector_load %arg17[%swap3A_402, %swap3A_403] {strides = array<i32>} : memref<128x32xf32, #tpu.memory_space<vmem>>, vector<16xf32>,
        tpu.vector_store %arg17[%swap3A_402, %swap3A_403], %mul3A_401 {strides = array<i32>} : memref<128x32xf32, #tpu.memory_space<vmem>>, vector<16xf32>,
        %slice3A_405 = vector.extract_strided_slice %get3A_319 {offsets = [4], sizes = [1], strides = [1]} : vector<16xf32> to vector<1xf32>
        %squeeze3A_406 = vector.extract %slice3A_405[0] : f32 from vector<1xf32>
        %mul3A_407 = arith.constant 16 : i32
        %mul3A_408 = arith.muli %scan3A_314, %mul3A_407 : i32
        %add3A_409 = arith.constant 4 : i32
        %add3A_410 = arith.addi %mul3A_408, %add3A_409 : i32
        %get3A_411 = arith.index_cast %add3A_410 : i32 to index
        %get3A_412 = arith.constant 0 : index
        %get3A_413 = tpu.vector_load %arg17[%get3A_411, %get3A_412] {strides = array<i32>} : memref<128x32xf32, #tpu.memory_space<vmem>>, vector<16xf32>,
        %mul3A_414 = vector.broadcast %squeeze3A_406 : f32 to vector<16xf32>
        %mul3A_415 = arith.mulf %get3A_413, %mul3A_414 : vector<16xf32>
        %swap3A_416 = arith.index_cast %add3A_410 : i32 to index
        %swap3A_417 = arith.constant 0 : index
        %swap3A_418 = tpu.vector_load %arg17[%swap3A_416, %swap3A_417] {strides = array<i32>} : memref<128x32xf32, #tpu.memory_space<vmem>>, vector<16xf32>,
        tpu.vector_store %arg17[%swap3A_416, %swap3A_417], %mul3A_415 {strides = array<i32>} : memref<128x32xf32, #tpu.memory_space<vmem>>, vector<16xf32>,
        %get3A_419 = arith.index_cast %add3A_410 : i32 to index
        %get3A_420 = arith.constant 16 : index
        %get3A_421 = tpu.vector_load %arg17[%get3A_419, %get3A_420] {strides = array<i32>} : memref<128x32xf32, #tpu.memory_space<vmem>>, vector<16xf32>,
        %mul3A_422 = vector.broadcast %squeeze3A_406 : f32 to vector<16xf32>
        %mul3A_423 = arith.mulf %get3A_421, %mul3A_422 : vector<16xf32>
        %swap3A_424 = arith.index_cast %add3A_410 : i32 to index
        %swap3A_425 = arith.constant 16 : index
        %swap3A_426 = tpu.vector_load %arg17[%swap3A_424, %swap3A_425] {strides = array<i32>} : memref<128x32xf32, #tpu.memory_space<vmem>>, vector<16xf32>,
        tpu.vector_store %arg17[%swap3A_424, %swap3A_425], %mul3A_423 {strides = array<i32>} : memref<128x32xf32, #tpu.memory_space<vmem>>, vector<16xf32>,
        %slice3A_427 = vector.extract_strided_slice %get3A_319 {offsets = [5], sizes = [1], strides = [1]} : vector<16xf32> to vector<1xf32>
        %squeeze3A_428 = vector.extract %slice3A_427[0] : f32 from vector<1xf32>
        %mul3A_429 = arith.constant 16 : i32
        %mul3A_430 = arith.muli %scan3A_314, %mul3A_429 : i32
        %add3A_431 = arith.constant 5 : i32
        %add3A_432 = arith.addi %mul3A_430, %add3A_431 : i32
        %get3A_433 = arith.index_cast %add3A_432 : i32 to index
        %get3A_434 = arith.constant 0 : index
        %get3A_435 = tpu.vector_load %arg17[%get3A_433, %get3A_434] {strides = array<i32>} : memref<128x32xf32, #tpu.memory_space<vmem>>, vector<16xf32>,
        %mul3A_436 = vector.broadcast %squeeze3A_428 : f32 to vector<16xf32>
        %mul3A_437 = arith.mulf %get3A_435, %mul3A_436 : vector<16xf32>
        %swap3A_438 = arith.index_cast %add3A_432 : i32 to index
        %swap3A_439 = arith.constant 0 : index
        %swap3A_440 = tpu.vector_load %arg17[%swap3A_438, %swap3A_439] {strides = array<i32>} : memref<128x32xf32, #tpu.memory_space<vmem>>, vector<16xf32>,
        tpu.vector_store %arg17[%swap3A_438, %swap3A_439], %mul3A_437 {strides = array<i32>} : memref<128x32xf32, #tpu.memory_space<vmem>>, vector<16xf32>,
        %get3A_441 = arith.index_cast %add3A_432 : i32 to index
        %get3A_442 = arith.constant 16 : index
        %get3A_443 = tpu.vector_load %arg17[%get3A_441, %get3A_442] {strides = array<i32>} : memref<128x32xf32, #tpu.memory_space<vmem>>, vector<16xf32>,
        %mul3A_444 = vector.broadcast %squeeze3A_428 : f32 to vector<16xf32>
        %mul3A_445 = arith.mulf %get3A_443, %mul3A_444 : vector<16xf32>
        %swap3A_446 = arith.index_cast %add3A_432 : i32 to index
        %swap3A_447 = arith.constant 16 : index
        %swap3A_448 = tpu.vector_load %arg17[%swap3A_446, %swap3A_447] {strides = array<i32>} : memref<128x32xf32, #tpu.memory_space<vmem>>, vector<16xf32>,
        tpu.vector_store %arg17[%swap3A_446, %swap3A_447], %mul3A_445 {strides = array<i32>} : memref<128x32xf32, #tpu.memory_space<vmem>>, vector<16xf32>,
        %slice3A_449 = vector.extract_strided_slice %get3A_319 {offsets = [6], sizes = [1], strides = [1]} : vector<16xf32> to vector<1xf32>
        %squeeze3A_450 = vector.extract %slice3A_449[0] : f32 from vector<1xf32>
        %mul3A_451 = arith.constant 16 : i32
        %mul3A_452 = arith.muli %scan3A_314, %mul3A_451 : i32
        %add3A_453 = arith.constant 6 : i32
        %add3A_454 = arith.addi %mul3A_452, %add3A_453 : i32
        %get3A_455 = arith.index_cast %add3A_454 : i32 to index
        %get3A_456 = arith.constant 0 : index
        %get3A_457 = tpu.vector_load %arg17[%get3A_455, %get3A_456] {strides = array<i32>} : memref<128x32xf32, #tpu.memory_space<vmem>>, vector<16xf32>,
        %mul3A_458 = vector.broadcast %squeeze3A_450 : f32 to vector<16xf32>
        %mul3A_459 = arith.mulf %get3A_457, %mul3A_458 : vector<16xf32>
        %swap3A_460 = arith.index_cast %add3A_454 : i32 to index
        %swap3A_461 = arith.constant 0 : index
        %swap3A_462 = tpu.vector_load %arg17[%swap3A_460, %swap3A_461] {strides = array<i32>} : memref<128x32xf32, #tpu.memory_space<vmem>>, vector<16xf32>,
        tpu.vector_store %arg17[%swap3A_460, %swap3A_461], %mul3A_459 {strides = array<i32>} : memref<128x32xf32, #tpu.memory_space<vmem>>, vector<16xf32>,
        %get3A_463 = arith.index_cast %add3A_454 : i32 to index
        %get3A_464 = arith.constant 16 : index
        %get3A_465 = tpu.vector_load %arg17[%get3A_463, %get3A_464] {strides = array<i32>} : memref<128x32xf32, #tpu.memory_space<vmem>>, vector<16xf32>,
        %mul3A_466 = vector.broadcast %squeeze3A_450 : f32 to vector<16xf32>
        %mul3A_467 = arith.mulf %get3A_465, %mul3A_466 : vector<16xf32>
        %swap3A_468 = arith.index_cast %add3A_454 : i32 to index
        %swap3A_469 = arith.constant 16 : index
        %swap3A_470 = tpu.vector_load %arg17[%swap3A_468, %swap3A_469] {strides = array<i32>} : memref<128x32xf32, #tpu.memory_space<vmem>>, vector<16xf32>,
        tpu.vector_store %arg17[%swap3A_468, %swap3A_469], %mul3A_467 {strides = array<i32>} : memref<128x32xf32, #tpu.memory_space<vmem>>, vector<16xf32>,
        %slice3A_471 = vector.extract_strided_slice %get3A_319 {offsets = [7], sizes = [1], strides = [1]} : vector<16xf32> to vector<1xf32>
        %squeeze3A_472 = vector.extract %slice3A_471[0] : f32 from vector<1xf32>
        %mul3A_473 = arith.constant 16 : i32
        %mul3A_474 = arith.muli %scan3A_314, %mul3A_473 : i32
        %add3A_475 = arith.constant 7 : i32
        %add3A_476 = arith.addi %mul3A_474, %add3A_475 : i32
        %get3A_477 = arith.index_cast %add3A_476 : i32 to index
        %get3A_478 = arith.constant 0 : index
        %get3A_479 = tpu.vector_load %arg17[%get3A_477, %get3A_478] {strides = array<i32>} : memref<128x32xf32, #tpu.memory_space<vmem>>, vector<16xf32>,
        %mul3A_480 = vector.broadcast %squeeze3A_472 : f32 to vector<16xf32>
        %mul3A_481 = arith.mulf %get3A_479, %mul3A_480 : vector<16xf32>
        %swap3A_482 = arith.index_cast %add3A_476 : i32 to index
        %swap3A_483 = arith.constant 0 : index
        %swap3A_484 = tpu.vector_load %arg17[%swap3A_482, %swap3A_483] {strides = array<i32>} : memref<128x32xf32, #tpu.memory_space<vmem>>, vector<16xf32>,
        tpu.vector_store %arg17[%swap3A_482, %swap3A_483], %mul3A_481 {strides = array<i32>} : memref<128x32xf32, #tpu.memory_space<vmem>>, vector<16xf32>,
        %get3A_485 = arith.index_cast %add3A_476 : i32 to index
        %get3A_486 = arith.constant 16 : index
        %get3A_487 = tpu.vector_load %arg17[%get3A_485, %get3A_486] {strides = array<i32>} : memref<128x32xf32, #tpu.memory_space<vmem>>, vector<16xf32>,
        %mul3A_488 = vector.broadcast %squeeze3A_472 : f32 to vector<16xf32>
        %mul3A_489 = arith.mulf %get3A_487, %mul3A_488 : vector<16xf32>
        %swap3A_490 = arith.index_cast %add3A_476 : i32 to index
        %swap3A_491 = arith.constant 16 : index
        %swap3A_492 = tpu.vector_load %arg17[%swap3A_490, %swap3A_491] {strides = array<i32>} : memref<128x32xf32, #tpu.memory_space<vmem>>, vector<16xf32>,
        tpu.vector_store %arg17[%swap3A_490, %swap3A_491], %mul3A_489 {strides = array<i32>} : memref<128x32xf32, #tpu.memory_space<vmem>>, vector<16xf32>,
        %slice3A_493 = vector.extract_strided_slice %get3A_319 {offsets = [8], sizes = [1], strides = [1]} : vector<16xf32> to vector<1xf32>
        %squeeze3A_494 = vector.extract %slice3A_493[0] : f32 from vector<1xf32>
        %mul3A_495 = arith.constant 16 : i32
        %mul3A_496 = arith.muli %scan3A_314, %mul3A_495 : i32
        %add3A_497 = arith.constant 8 : i32
        %add3A_498 = arith.addi %mul3A_496, %add3A_497 : i32
        %get3A_499 = arith.index_cast %add3A_498 : i32 to index
        %get3A_500 = arith.constant 0 : index
        %get3A_501 = tpu.vector_load %arg17[%get3A_499, %get3A_500] {strides = array<i32>} : memref<128x32xf32, #tpu.memory_space<vmem>>, vector<16xf32>,
        %mul3A_502 = vector.broadcast %squeeze3A_494 : f32 to vector<16xf32>
        %mul3A_503 = arith.mulf %get3A_501, %mul3A_502 : vector<16xf32>
        %swap3A_504 = arith.index_cast %add3A_498 : i32 to index
        %swap3A_505 = arith.constant 0 : index
        %swap3A_506 = tpu.vector_load %arg17[%swap3A_504, %swap3A_505] {strides = array<i32>} : memref<128x32xf32, #tpu.memory_space<vmem>>, vector<16xf32>,
        tpu.vector_store %arg17[%swap3A_504, %swap3A_505], %mul3A_503 {strides = array<i32>} : memref<128x32xf32, #tpu.memory_space<vmem>>, vector<16xf32>,
        %get3A_507 = arith.index_cast %add3A_498 : i32 to index
        %get3A_508 = arith.constant 16 : index
        %get3A_509 = tpu.vector_load %arg17[%get3A_507, %get3A_508] {strides = array<i32>} : memref<128x32xf32, #tpu.memory_space<vmem>>, vector<16xf32>,
        %mul3A_510 = vector.broadcast %squeeze3A_494 : f32 to vector<16xf32>
        %mul3A_511 = arith.mulf %get3A_509, %mul3A_510 : vector<16xf32>
        %swap3A_512 = arith.index_cast %add3A_498 : i32 to index
        %swap3A_513 = arith.constant 16 : index
        %swap3A_514 = tpu.vector_load %arg17[%swap3A_512, %swap3A_513] {strides = array<i32>} : memref<128x32xf32, #tpu.memory_space<vmem>>, vector<16xf32>,
        tpu.vector_store %arg17[%swap3A_512, %swap3A_513], %mul3A_511 {strides = array<i32>} : memref<128x32xf32, #tpu.memory_space<vmem>>, vector<16xf32>,
        %slice3A_515 = vector.extract_strided_slice %get3A_319 {offsets = [9], sizes = [1], strides = [1]} : vector<16xf32> to vector<1xf32>
        %squeeze3A_516 = vector.extract %slice3A_515[0] : f32 from vector<1xf32>
        %mul3A_517 = arith.constant 16 : i32
        %mul3A_518 = arith.muli %scan3A_314, %mul3A_517 : i32
        %add3A_519 = arith.constant 9 : i32
        %add3A_520 = arith.addi %mul3A_518, %add3A_519 : i32
        %get3A_521 = arith.index_cast %add3A_520 : i32 to index
        %get3A_522 = arith.constant 0 : index
        %get3A_523 = tpu.vector_load %arg17[%get3A_521, %get3A_522] {strides = array<i32>} : memref<128x32xf32, #tpu.memory_space<vmem>>, vector<16xf32>,
        %mul3A_524 = vector.broadcast %squeeze3A_516 : f32 to vector<16xf32>
        %mul3A_525 = arith.mulf %get3A_523, %mul3A_524 : vector<16xf32>
        %swap3A_526 = arith.index_cast %add3A_520 : i32 to index
        %swap3A_527 = arith.constant 0 : index
        %swap3A_528 = tpu.vector_load %arg17[%swap3A_526, %swap3A_527] {strides = array<i32>} : memref<128x32xf32, #tpu.memory_space<vmem>>, vector<16xf32>,
        tpu.vector_store %arg17[%swap3A_526, %swap3A_527], %mul3A_525 {strides = array<i32>} : memref<128x32xf32, #tpu.memory_space<vmem>>, vector<16xf32>,
        %get3A_529 = arith.index_cast %add3A_520 : i32 to index
        %get3A_530 = arith.constant 16 : index
        %get3A_531 = tpu.vector_load %arg17[%get3A_529, %get3A_530] {strides = array<i32>} : memref<128x32xf32, #tpu.memory_space<vmem>>, vector<16xf32>,
        %mul3A_532 = vector.broadcast %squeeze3A_516 : f32 to vector<16xf32>
        %mul3A_533 = arith.mulf %get3A_531, %mul3A_532 : vector<16xf32>
        %swap3A_534 = arith.index_cast %add3A_520 : i32 to index
        %swap3A_535 = arith.constant 16 : index
        %swap3A_536 = tpu.vector_load %arg17[%swap3A_534, %swap3A_535] {strides = array<i32>} : memref<128x32xf32, #tpu.memory_space<vmem>>, vector<16xf32>,
        tpu.vector_store %arg17[%swap3A_534, %swap3A_535], %mul3A_533 {strides = array<i32>} : memref<128x32xf32, #tpu.memory_space<vmem>>, vector<16xf32>,
        %slice3A_537 = vector.extract_strided_slice %get3A_319 {offsets = [10], sizes = [1], strides = [1]} : vector<16xf32> to vector<1xf32>
        %squeeze3A_538 = vector.extract %slice3A_537[0] : f32 from vector<1xf32>
        %mul3A_539 = arith.constant 16 : i32
        %mul3A_540 = arith.muli %scan3A_314, %mul3A_539 : i32
        %add3A_541 = arith.constant 10 : i32
        %add3A_542 = arith.addi %mul3A_540, %add3A_541 : i32
        %get3A_543 = arith.index_cast %add3A_542 : i32 to index
        %get3A_544 = arith.constant 0 : index
        %get3A_545 = tpu.vector_load %arg17[%get3A_543, %get3A_544] {strides = array<i32>} : memref<128x32xf32, #tpu.memory_space<vmem>>, vector<16xf32>,
        %mul3A_546 = vector.broadcast %squeeze3A_538 : f32 to vector<16xf32>
        %mul3A_547 = arith.mulf %get3A_545, %mul3A_546 : vector<16xf32>
        %swap3A_548 = arith.index_cast %add3A_542 : i32 to index
        %swap3A_549 = arith.constant 0 : index
        %swap3A_550 = tpu.vector_load %arg17[%swap3A_548, %swap3A_549] {strides = array<i32>} : memref<128x32xf32, #tpu.memory_space<vmem>>, vector<16xf32>,
        tpu.vector_store %arg17[%swap3A_548, %swap3A_549], %mul3A_547 {strides = array<i32>} : memref<128x32xf32, #tpu.memory_space<vmem>>, vector<16xf32>,
        %get3A_551 = arith.index_cast %add3A_542 : i32 to index
        %get3A_552 = arith.constant 16 : index
        %get3A_553 = tpu.vector_load %arg17[%get3A_551, %get3A_552] {strides = array<i32>} : memref<128x32xf32, #tpu.memory_space<vmem>>, vector<16xf32>,
        %mul3A_554 = vector.broadcast %squeeze3A_538 : f32 to vector<16xf32>
        %mul3A_555 = arith.mulf %get3A_553, %mul3A_554 : vector<16xf32>
        %swap3A_556 = arith.index_cast %add3A_542 : i32 to index
        %swap3A_557 = arith.constant 16 : index
        %swap3A_558 = tpu.vector_load %arg17[%swap3A_556, %swap3A_557] {strides = array<i32>} : memref<128x32xf32, #tpu.memory_space<vmem>>, vector<16xf32>,
        tpu.vector_store %arg17[%swap3A_556, %swap3A_557], %mul3A_555 {strides = array<i32>} : memref<128x32xf32, #tpu.memory_space<vmem>>, vector<16xf32>,
        %slice3A_559 = vector.extract_strided_slice %get3A_319 {offsets = [11], sizes = [1], strides = [1]} : vector<16xf32> to vector<1xf32>
        %squeeze3A_560 = vector.extract %slice3A_559[0] : f32 from vector<1xf32>
        %mul3A_561 = arith.constant 16 : i32
        %mul3A_562 = arith.muli %scan3A_314, %mul3A_561 : i32
        %add3A_563 = arith.constant 11 : i32
        %add3A_564 = arith.addi %mul3A_562, %add3A_563 : i32
        %get3A_565 = arith.index_cast %add3A_564 : i32 to index
        %get3A_566 = arith.constant 0 : index
        %get3A_567 = tpu.vector_load %arg17[%get3A_565, %get3A_566] {strides = array<i32>} : memref<128x32xf32, #tpu.memory_space<vmem>>, vector<16xf32>,
        %mul3A_568 = vector.broadcast %squeeze3A_560 : f32 to vector<16xf32>
        %mul3A_569 = arith.mulf %get3A_567, %mul3A_568 : vector<16xf32>
        %swap3A_570 = arith.index_cast %add3A_564 : i32 to index
        %swap3A_571 = arith.constant 0 : index
        %swap3A_572 = tpu.vector_load %arg17[%swap3A_570, %swap3A_571] {strides = array<i32>} : memref<128x32xf32, #tpu.memory_space<vmem>>, vector<16xf32>,
        tpu.vector_store %arg17[%swap3A_570, %swap3A_571], %mul3A_569 {strides = array<i32>} : memref<128x32xf32, #tpu.memory_space<vmem>>, vector<16xf32>,
        %get3A_573 = arith.index_cast %add3A_564 : i32 to index
        %get3A_574 = arith.constant 16 : index
        %get3A_575 = tpu.vector_load %arg17[%get3A_573, %get3A_574] {strides = array<i32>} : memref<128x32xf32, #tpu.memory_space<vmem>>, vector<16xf32>,
        %mul3A_576 = vector.broadcast %squeeze3A_560 : f32 to vector<16xf32>
        %mul3A_577 = arith.mulf %get3A_575, %mul3A_576 : vector<16xf32>
        %swap3A_578 = arith.index_cast %add3A_564 : i32 to index
        %swap3A_579 = arith.constant 16 : index
        %swap3A_580 = tpu.vector_load %arg17[%swap3A_578, %swap3A_579] {strides = array<i32>} : memref<128x32xf32, #tpu.memory_space<vmem>>, vector<16xf32>,
        tpu.vector_store %arg17[%swap3A_578, %swap3A_579], %mul3A_577 {strides = array<i32>} : memref<128x32xf32, #tpu.memory_space<vmem>>, vector<16xf32>,
        %slice3A_581 = vector.extract_strided_slice %get3A_319 {offsets = [12], sizes = [1], strides = [1]} : vector<16xf32> to vector<1xf32>
        %squeeze3A_582 = vector.extract %slice3A_581[0] : f32 from vector<1xf32>
        %mul3A_583 = arith.constant 16 : i32
        %mul3A_584 = arith.muli %scan3A_314, %mul3A_583 : i32
        %add3A_585 = arith.constant 12 : i32
        %add3A_586 = arith.addi %mul3A_584, %add3A_585 : i32
        %get3A_587 = arith.index_cast %add3A_586 : i32 to index
        %get3A_588 = arith.constant 0 : index
        %get3A_589 = tpu.vector_load %arg17[%get3A_587, %get3A_588] {strides = array<i32>} : memref<128x32xf32, #tpu.memory_space<vmem>>, vector<16xf32>,
        %mul3A_590 = vector.broadcast %squeeze3A_582 : f32 to vector<16xf32>
        %mul3A_591 = arith.mulf %get3A_589, %mul3A_590 : vector<16xf32>
        %swap3A_592 = arith.index_cast %add3A_586 : i32 to index
        %swap3A_593 = arith.constant 0 : index
        %swap3A_594 = tpu.vector_load %arg17[%swap3A_592, %swap3A_593] {strides = array<i32>} : memref<128x32xf32, #tpu.memory_space<vmem>>, vector<16xf32>,
        tpu.vector_store %arg17[%swap3A_592, %swap3A_593], %mul3A_591 {strides = array<i32>} : memref<128x32xf32, #tpu.memory_space<vmem>>, vector<16xf32>,
        %get3A_595 = arith.index_cast %add3A_586 : i32 to index
        %get3A_596 = arith.constant 16 : index
        %get3A_597 = tpu.vector_load %arg17[%get3A_595, %get3A_596] {strides = array<i32>} : memref<128x32xf32, #tpu.memory_space<vmem>>, vector<16xf32>,
        %mul3A_598 = vector.broadcast %squeeze3A_582 : f32 to vector<16xf32>
        %mul3A_599 = arith.mulf %get3A_597, %mul3A_598 : vector<16xf32>
        %swap3A_600 = arith.index_cast %add3A_586 : i32 to index
        %swap3A_601 = arith.constant 16 : index
        %swap3A_602 = tpu.vector_load %arg17[%swap3A_600, %swap3A_601] {strides = array<i32>} : memref<128x32xf32, #tpu.memory_space<vmem>>, vector<16xf32>,
        tpu.vector_store %arg17[%swap3A_600, %swap3A_601], %mul3A_599 {strides = array<i32>} : memref<128x32xf32, #tpu.memory_space<vmem>>, vector<16xf32>,
        %slice3A_603 = vector.extract_strided_slice %get3A_319 {offsets = [13], sizes = [1], strides = [1]} : vector<16xf32> to vector<1xf32>
        %squeeze3A_604 = vector.extract %slice3A_603[0] : f32 from vector<1xf32>
        %mul3A_605 = arith.constant 16 : i32
        %mul3A_606 = arith.muli %scan3A_314, %mul3A_605 : i32
        %add3A_607 = arith.constant 13 : i32
        %add3A_608 = arith.addi %mul3A_606, %add3A_607 : i32
        %get3A_609 = arith.index_cast %add3A_608 : i32 to index
        %get3A_610 = arith.constant 0 : index
        %get3A_611 = tpu.vector_load %arg17[%get3A_609, %get3A_610] {strides = array<i32>} : memref<128x32xf32, #tpu.memory_space<vmem>>, vector<16xf32>,
        %mul3A_612 = vector.broadcast %squeeze3A_604 : f32 to vector<16xf32>
        %mul3A_613 = arith.mulf %get3A_611, %mul3A_612 : vector<16xf32>
        %swap3A_614 = arith.index_cast %add3A_608 : i32 to index
        %swap3A_615 = arith.constant 0 : index
        %swap3A_616 = tpu.vector_load %arg17[%swap3A_614, %swap3A_615] {strides = array<i32>} : memref<128x32xf32, #tpu.memory_space<vmem>>, vector<16xf32>,
        tpu.vector_store %arg17[%swap3A_614, %swap3A_615], %mul3A_613 {strides = array<i32>} : memref<128x32xf32, #tpu.memory_space<vmem>>, vector<16xf32>,
        %get3A_617 = arith.index_cast %add3A_608 : i32 to index
        %get3A_618 = arith.constant 16 : index
        %get3A_619 = tpu.vector_load %arg17[%get3A_617, %get3A_618] {strides = array<i32>} : memref<128x32xf32, #tpu.memory_space<vmem>>, vector<16xf32>,
        %mul3A_620 = vector.broadcast %squeeze3A_604 : f32 to vector<16xf32>
        %mul3A_621 = arith.mulf %get3A_619, %mul3A_620 : vector<16xf32>
        %swap3A_622 = arith.index_cast %add3A_608 : i32 to index
        %swap3A_623 = arith.constant 16 : index
        %swap3A_624 = tpu.vector_load %arg17[%swap3A_622, %swap3A_623] {strides = array<i32>} : memref<128x32xf32, #tpu.memory_space<vmem>>, vector<16xf32>,
        tpu.vector_store %arg17[%swap3A_622, %swap3A_623], %mul3A_621 {strides = array<i32>} : memref<128x32xf32, #tpu.memory_space<vmem>>, vector<16xf32>,
        %slice3A_625 = vector.extract_strided_slice %get3A_319 {offsets = [14], sizes = [1], strides = [1]} : vector<16xf32> to vector<1xf32>
        %squeeze3A_626 = vector.extract %slice3A_625[0] : f32 from vector<1xf32>
        %mul3A_627 = arith.constant 16 : i32
        %mul3A_628 = arith.muli %scan3A_314, %mul3A_627 : i32
        %add3A_629 = arith.constant 14 : i32
        %add3A_630 = arith.addi %mul3A_628, %add3A_629 : i32
        %get3A_631 = arith.index_cast %add3A_630 : i32 to index
        %get3A_632 = arith.constant 0 : index
        %get3A_633 = tpu.vector_load %arg17[%get3A_631, %get3A_632] {strides = array<i32>} : memref<128x32xf32, #tpu.memory_space<vmem>>, vector<16xf32>,
        %mul3A_634 = vector.broadcast %squeeze3A_626 : f32 to vector<16xf32>
        %mul3A_635 = arith.mulf %get3A_633, %mul3A_634 : vector<16xf32>
        %swap3A_636 = arith.index_cast %add3A_630 : i32 to index
        %swap3A_637 = arith.constant 0 : index
        %swap3A_638 = tpu.vector_load %arg17[%swap3A_636, %swap3A_637] {strides = array<i32>} : memref<128x32xf32, #tpu.memory_space<vmem>>, vector<16xf32>,
        tpu.vector_store %arg17[%swap3A_636, %swap3A_637], %mul3A_635 {strides = array<i32>} : memref<128x32xf32, #tpu.memory_space<vmem>>, vector<16xf32>,
        %get3A_639 = arith.index_cast %add3A_630 : i32 to index
        %get3A_640 = arith.constant 16 : index
        %get3A_641 = tpu.vector_load %arg17[%get3A_639, %get3A_640] {strides = array<i32>} : memref<128x32xf32, #tpu.memory_space<vmem>>, vector<16xf32>,
        %mul3A_642 = vector.broadcast %squeeze3A_626 : f32 to vector<16xf32>
        %mul3A_643 = arith.mulf %get3A_641, %mul3A_642 : vector<16xf32>
        %swap3A_644 = arith.index_cast %add3A_630 : i32 to index
        %swap3A_645 = arith.constant 16 : index
        %swap3A_646 = tpu.vector_load %arg17[%swap3A_644, %swap3A_645] {strides = array<i32>} : memref<128x32xf32, #tpu.memory_space<vmem>>, vector<16xf32>,
        tpu.vector_store %arg17[%swap3A_644, %swap3A_645], %mul3A_643 {strides = array<i32>} : memref<128x32xf32, #tpu.memory_space<vmem>>, vector<16xf32>,
        %slice3A_647 = vector.extract_strided_slice %get3A_319 {offsets = [15], sizes = [1], strides = [1]} : vector<16xf32> to vector<1xf32>
        %squeeze3A_648 = vector.extract %slice3A_647[0] : f32 from vector<1xf32>
        %mul3A_649 = arith.constant 16 : i32
        %mul3A_650 = arith.muli %scan3A_314, %mul3A_649 : i32
        %add3A_651 = arith.constant 15 : i32
        %add3A_652 = arith.addi %mul3A_650, %add3A_651 : i32
        %get3A_653 = arith.index_cast %add3A_652 : i32 to index
        %get3A_654 = arith.constant 0 : index
        %get3A_655 = tpu.vector_load %arg17[%get3A_653, %get3A_654] {strides = array<i32>} : memref<128x32xf32, #tpu.memory_space<vmem>>, vector<16xf32>,
        %mul3A_656 = vector.broadcast %squeeze3A_648 : f32 to vector<16xf32>
        %mul3A_657 = arith.mulf %get3A_655, %mul3A_656 : vector<16xf32>
        %swap3A_658 = arith.index_cast %add3A_652 : i32 to index
        %swap3A_659 = arith.constant 0 : index
        %swap3A_660 = tpu.vector_load %arg17[%swap3A_658, %swap3A_659] {strides = array<i32>} : memref<128x32xf32, #tpu.memory_space<vmem>>, vector<16xf32>,
        tpu.vector_store %arg17[%swap3A_658, %swap3A_659], %mul3A_657 {strides = array<i32>} : memref<128x32xf32, #tpu.memory_space<vmem>>, vector<16xf32>,
        %get3A_661 = arith.index_cast %add3A_652 : i32 to index
        %get3A_662 = arith.constant 16 : index
        %get3A_663 = tpu.vector_load %arg17[%get3A_661, %get3A_662] {strides = array<i32>} : memref<128x32xf32, #tpu.memory_space<vmem>>, vector<16xf32>,
        %mul3A_664 = vector.broadcast %squeeze3A_648 : f32 to vector<16xf32>
        %mul3A_665 = arith.mulf %get3A_663, %mul3A_664 : vector<16xf32>
        %swap3A_666 = arith.index_cast %add3A_652 : i32 to index
        %swap3A_667 = arith.constant 16 : index
        %swap3A_668 = tpu.vector_load %arg17[%swap3A_666, %swap3A_667] {strides = array<i32>} : memref<128x32xf32, #tpu.memory_space<vmem>>, vector<16xf32>,
        tpu.vector_store %arg17[%swap3A_666, %swap3A_667], %mul3A_665 {strides = array<i32>} : memref<128x32xf32, #tpu.memory_space<vmem>>, vector<16xf32>,
        %scan3A_669 = arith.constant 0 : i32
        scf.yield %scan3A_669 : i32
      }
      %scan3A_312 = arith.constant 8 : i32
      "tpu.region"() ({
        %run_scoped3A_314 = tpu.sem_alloc : memref<!tpu.dma_semaphore, #tpu.memory_space<semaphore_mem>>
        %dma_start3A_315 = arith.constant 0 : i32
        %dma_start3A_316 = tpu.memref_slice %arg11[%scan3A_294, %dma_start3A_315] : memref<79x128xi32, #tpu.memory_space<vmem>> -> memref<1x128xi32, #tpu.memory_space<vmem>>
        %dma_start3A_317 = tpu.memref_squeeze %dma_start3A_316 : memref<1x128xi32, #tpu.memory_space<vmem>> -> memref<128xi32, #tpu.memory_space<vmem>>
        %dma_start3A_318 = arith.constant 0 : i32
        %dma_start3A_319 = arith.constant 0 : i32
        %dma_start3A_320 = tpu.memref_slice %arg22[%dma_start3A_318, %dma_start3A_319] : memref<10000x32xf32, #tpu.memory_space<vmem_shared>> -> memref<10000x32xf32, #tpu.memory_space<vmem_shared>>
        tpu.enqueue_indirect_dma source(%arg17 : memref<128x32xf32, #tpu.memory_space<vmem>>) target(%dma_start3A_320 : memref<10000x32xf32, #tpu.memory_space<vmem_shared>>) offsets(%dma_start3A_317 : memref<128xi32, #tpu.memory_space<vmem>>) semaphore(%run_scoped3A_314 : memref<!tpu.dma_semaphore, #tpu.memory_space<semaphore_mem>>) {add = true}
        %dma_wait3A_321 = arith.constant 0 : i32
        %dma_wait3A_322 = tpu.memref_slice %arg11[%scan3A_294, %dma_wait3A_321] : memref<79x128xi32, #tpu.memory_space<vmem>> -> memref<1x128xi32, #tpu.memory_space<vmem>>
        %dma_wait3A_323 = tpu.memref_squeeze %dma_wait3A_322 : memref<1x128xi32, #tpu.memory_space<vmem>> -> memref<128xi32, #tpu.memory_space<vmem>>
        %dma_wait3A_324 = arith.constant 0 : i32
        %dma_wait3A_325 = arith.constant 0 : i32
        %dma_wait3A_326 = tpu.memref_slice %arg22[%dma_wait3A_324, %dma_wait3A_325] : memref<10000x32xf32, #tpu.memory_space<vmem_shared>> -> memref<10000x32xf32, #tpu.memory_space<vmem_shared>>
        tpu.wait_indirect_dma semaphore(%run_scoped3A_314 : memref<!tpu.dma_semaphore, #tpu.memory_space<semaphore_mem>>) src(%arg17 : memref<128x32xf32, #tpu.memory_space<vmem>>) dst(%dma_wait3A_326 : memref<10000x32xf32, #tpu.memory_space<vmem_shared>>)
        tpu.yield
      }) : () -> ()
      %scan3A_313 = arith.constant 0 : i32
      scf.yield %scan3A_313 : i32
    }
    %scan3A_229 = arith.constant 79 : i32
    %scan3A_230 = arith.constant 0 : i32
    %scan3A_231 = arith.constant 0 : i32
    %scan3A_232 = arith.constant 79 : i32
    %scan3A_233 = arith.addi %scan3A_231, %scan3A_232 : i32
    %scan3A_234 = arith.constant 1 : i32
    %scan3A_235 = scf.for %scan3A_294 = %scan3A_231 to %scan3A_233 step %scan3A_234 iter_args(%scan3A_295 = %scan3A_230) -> (i32)  : i32 {
      %dma_start3A = arith.constant 0 : i32
      %dma_start3A_296 = tpu.memref_slice %arg12[%scan3A_294, %dma_start3A] : memref<79x128xi32, #tpu.memory_space<vmem>> -> memref<1x128xi32, #tpu.memory_space<vmem>>
      %dma_start3A_297 = tpu.memref_squeeze %dma_start3A_296 : memref<1x128xi32, #tpu.memory_space<vmem>> -> memref<128xi32, #tpu.memory_space<vmem>>
      %dma_start3A_298 = arith.constant 0 : i32
      %dma_start3A_299 = arith.constant 0 : i32
      %dma_start3A_300 = tpu.memref_slice %arg6[%dma_start3A_298, %dma_start3A_299] : memref<40000x32xf32, #tpu.memory_space<hbm>> -> memref<40000x32xf32, #tpu.memory_space<hbm>>
      tpu.enqueue_indirect_dma source(%dma_start3A_300 : memref<40000x32xf32, #tpu.memory_space<hbm>>) target(%arg17 : memref<128x32xf32, #tpu.memory_space<vmem>>) offsets(%dma_start3A_297 : memref<128xi32, #tpu.memory_space<vmem>>) semaphore(%arg23 : memref<!tpu.dma_semaphore, #tpu.memory_space<semaphore_mem>>)
      %dma_wait3A = arith.constant 0 : i32
      %dma_wait3A_301 = tpu.memref_slice %arg12[%scan3A_294, %dma_wait3A] : memref<79x128xi32, #tpu.memory_space<vmem>> -> memref<1x128xi32, #tpu.memory_space<vmem>>
      %dma_wait3A_302 = tpu.memref_squeeze %dma_wait3A_301 : memref<1x128xi32, #tpu.memory_space<vmem>> -> memref<128xi32, #tpu.memory_space<vmem>>
      %dma_wait3A_303 = arith.constant 0 : i32
      %dma_wait3A_304 = arith.constant 0 : i32
      %dma_wait3A_305 = tpu.memref_slice %arg6[%dma_wait3A_303, %dma_wait3A_304] : memref<40000x32xf32, #tpu.memory_space<hbm>> -> memref<40000x32xf32, #tpu.memory_space<hbm>>
      tpu.wait_indirect_dma semaphore(%arg23 : memref<!tpu.dma_semaphore, #tpu.memory_space<semaphore_mem>>) src(%dma_wait3A_305 : memref<40000x32xf32, #tpu.memory_space<hbm>>) dst(%arg17 : memref<128x32xf32, #tpu.memory_space<vmem>>)
      %scan3A_306 = arith.constant 0 : i32
      %scan3A_307 = arith.constant 0 : i32
      %scan3A_308 = arith.constant 8 : i32
      %scan3A_309 = arith.addi %scan3A_307, %scan3A_308 : i32
      %scan3A_310 = arith.constant 1 : i32
      %scan3A_311 = scf.for %scan3A_314 = %scan3A_307 to %scan3A_309 step %scan3A_310 iter_args(%scan3A_315 = %scan3A_306) -> (i32)  : i32 {
        %mul3A_316 = arith.constant 16 : i32
        %mul3A_317 = arith.muli %scan3A_314, %mul3A_316 : i32
        %get3A = arith.index_cast %scan3A_294 : i32 to index
        %get3A_318 = arith.index_cast %mul3A_317 : i32 to index
        %get3A_319 = tpu.vector_load %arg16[%get3A, %get3A_318] {strides = array<i32>} : memref<79x128xf32, #tpu.memory_space<vmem>>, vector<16xf32>,
        %slice3A = vector.extract_strided_slice %get3A_319 {offsets = [0], sizes = [1], strides = [1]} : vector<16xf32> to vector<1xf32>
        %squeeze3A = vector.extract %slice3A[0] : f32 from vector<1xf32>
        %mul3A_320 = arith.constant 16 : i32
        %mul3A_321 = arith.muli %scan3A_314, %mul3A_320 : i32
        %add3A_322 = arith.constant 0 : i32
        %add3A_323 = arith.addi %mul3A_321, %add3A_322 : i32
        %get3A_324 = arith.index_cast %add3A_323 : i32 to index
        %get3A_325 = arith.constant 0 : index
        %get3A_326 = tpu.vector_load %arg17[%get3A_324, %get3A_325] {strides = array<i32>} : memref<128x32xf32, #tpu.memory_space<vmem>>, vector<16xf32>,
        %mul3A_327 = vector.broadcast %squeeze3A : f32 to vector<16xf32>
        %mul3A_328 = arith.mulf %get3A_326, %mul3A_327 : vector<16xf32>
        %swap3A = arith.index_cast %add3A_323 : i32 to index
        %swap3A_329 = arith.constant 0 : index
        %swap3A_330 = tpu.vector_load %arg17[%swap3A, %swap3A_329] {strides = array<i32>} : memref<128x32xf32, #tpu.memory_space<vmem>>, vector<16xf32>,
        tpu.vector_store %arg17[%swap3A, %swap3A_329], %mul3A_328 {strides = array<i32>} : memref<128x32xf32, #tpu.memory_space<vmem>>, vector<16xf32>,
        %get3A_331 = arith.index_cast %add3A_323 : i32 to index
        %get3A_332 = arith.constant 16 : index
        %get3A_333 = tpu.vector_load %arg17[%get3A_331, %get3A_332] {strides = array<i32>} : memref<128x32xf32, #tpu.memory_space<vmem>>, vector<16xf32>,
        %mul3A_334 = vector.broadcast %squeeze3A : f32 to vector<16xf32>
        %mul3A_335 = arith.mulf %get3A_333, %mul3A_334 : vector<16xf32>
        %swap3A_336 = arith.index_cast %add3A_323 : i32 to index
        %swap3A_337 = arith.constant 16 : index
        %swap3A_338 = tpu.vector_load %arg17[%swap3A_336, %swap3A_337] {strides = array<i32>} : memref<128x32xf32, #tpu.memory_space<vmem>>, vector<16xf32>,
        tpu.vector_store %arg17[%swap3A_336, %swap3A_337], %mul3A_335 {strides = array<i32>} : memref<128x32xf32, #tpu.memory_space<vmem>>, vector<16xf32>,
        %slice3A_339 = vector.extract_strided_slice %get3A_319 {offsets = [1], sizes = [1], strides = [1]} : vector<16xf32> to vector<1xf32>
        %squeeze3A_340 = vector.extract %slice3A_339[0] : f32 from vector<1xf32>
        %mul3A_341 = arith.constant 16 : i32
        %mul3A_342 = arith.muli %scan3A_314, %mul3A_341 : i32
        %add3A_343 = arith.constant 1 : i32
        %add3A_344 = arith.addi %mul3A_342, %add3A_343 : i32
        %get3A_345 = arith.index_cast %add3A_344 : i32 to index
        %get3A_346 = arith.constant 0 : index
        %get3A_347 = tpu.vector_load %arg17[%get3A_345, %get3A_346] {strides = array<i32>} : memref<128x32xf32, #tpu.memory_space<vmem>>, vector<16xf32>,
        %mul3A_348 = vector.broadcast %squeeze3A_340 : f32 to vector<16xf32>
        %mul3A_349 = arith.mulf %get3A_347, %mul3A_348 : vector<16xf32>
        %swap3A_350 = arith.index_cast %add3A_344 : i32 to index
        %swap3A_351 = arith.constant 0 : index
        %swap3A_352 = tpu.vector_load %arg17[%swap3A_350, %swap3A_351] {strides = array<i32>} : memref<128x32xf32, #tpu.memory_space<vmem>>, vector<16xf32>,
        tpu.vector_store %arg17[%swap3A_350, %swap3A_351], %mul3A_349 {strides = array<i32>} : memref<128x32xf32, #tpu.memory_space<vmem>>, vector<16xf32>,
        %get3A_353 = arith.index_cast %add3A_344 : i32 to index
        %get3A_354 = arith.constant 16 : index
        %get3A_355 = tpu.vector_load %arg17[%get3A_353, %get3A_354] {strides = array<i32>} : memref<128x32xf32, #tpu.memory_space<vmem>>, vector<16xf32>,
        %mul3A_356 = vector.broadcast %squeeze3A_340 : f32 to vector<16xf32>
        %mul3A_357 = arith.mulf %get3A_355, %mul3A_356 : vector<16xf32>
        %swap3A_358 = arith.index_cast %add3A_344 : i32 to index
        %swap3A_359 = arith.constant 16 : index
        %swap3A_360 = tpu.vector_load %arg17[%swap3A_358, %swap3A_359] {strides = array<i32>} : memref<128x32xf32, #tpu.memory_space<vmem>>, vector<16xf32>,
        tpu.vector_store %arg17[%swap3A_358, %swap3A_359], %mul3A_357 {strides = array<i32>} : memref<128x32xf32, #tpu.memory_space<vmem>>, vector<16xf32>,
        %slice3A_361 = vector.extract_strided_slice %get3A_319 {offsets = [2], sizes = [1], strides = [1]} : vector<16xf32> to vector<1xf32>
        %squeeze3A_362 = vector.extract %slice3A_361[0] : f32 from vector<1xf32>
        %mul3A_363 = arith.constant 16 : i32
        %mul3A_364 = arith.muli %scan3A_314, %mul3A_363 : i32
        %add3A_365 = arith.constant 2 : i32
        %add3A_366 = arith.addi %mul3A_364, %add3A_365 : i32
        %get3A_367 = arith.index_cast %add3A_366 : i32 to index
        %get3A_368 = arith.constant 0 : index
        %get3A_369 = tpu.vector_load %arg17[%get3A_367, %get3A_368] {strides = array<i32>} : memref<128x32xf32, #tpu.memory_space<vmem>>, vector<16xf32>,
        %mul3A_370 = vector.broadcast %squeeze3A_362 : f32 to vector<16xf32>
        %mul3A_371 = arith.mulf %get3A_369, %mul3A_370 : vector<16xf32>
        %swap3A_372 = arith.index_cast %add3A_366 : i32 to index
        %swap3A_373 = arith.constant 0 : index
        %swap3A_374 = tpu.vector_load %arg17[%swap3A_372, %swap3A_373] {strides = array<i32>} : memref<128x32xf32, #tpu.memory_space<vmem>>, vector<16xf32>,
        tpu.vector_store %arg17[%swap3A_372, %swap3A_373], %mul3A_371 {strides = array<i32>} : memref<128x32xf32, #tpu.memory_space<vmem>>, vector<16xf32>,
        %get3A_375 = arith.index_cast %add3A_366 : i32 to index
        %get3A_376 = arith.constant 16 : index
        %get3A_377 = tpu.vector_load %arg17[%get3A_375, %get3A_376] {strides = array<i32>} : memref<128x32xf32, #tpu.memory_space<vmem>>, vector<16xf32>,
        %mul3A_378 = vector.broadcast %squeeze3A_362 : f32 to vector<16xf32>
        %mul3A_379 = arith.mulf %get3A_377, %mul3A_378 : vector<16xf32>
        %swap3A_380 = arith.index_cast %add3A_366 : i32 to index
        %swap3A_381 = arith.constant 16 : index
        %swap3A_382 = tpu.vector_load %arg17[%swap3A_380, %swap3A_381] {strides = array<i32>} : memref<128x32xf32, #tpu.memory_space<vmem>>, vector<16xf32>,
        tpu.vector_store %arg17[%swap3A_380, %swap3A_381], %mul3A_379 {strides = array<i32>} : memref<128x32xf32, #tpu.memory_space<vmem>>, vector<16xf32>,
        %slice3A_383 = vector.extract_strided_slice %get3A_319 {offsets = [3], sizes = [1], strides = [1]} : vector<16xf32> to vector<1xf32>
        %squeeze3A_384 = vector.extract %slice3A_383[0] : f32 from vector<1xf32>
        %mul3A_385 = arith.constant 16 : i32
        %mul3A_386 = arith.muli %scan3A_314, %mul3A_385 : i32
        %add3A_387 = arith.constant 3 : i32
        %add3A_388 = arith.addi %mul3A_386, %add3A_387 : i32
        %get3A_389 = arith.index_cast %add3A_388 : i32 to index
        %get3A_390 = arith.constant 0 : index
        %get3A_391 = tpu.vector_load %arg17[%get3A_389, %get3A_390] {strides = array<i32>} : memref<128x32xf32, #tpu.memory_space<vmem>>, vector<16xf32>,
        %mul3A_392 = vector.broadcast %squeeze3A_384 : f32 to vector<16xf32>
        %mul3A_393 = arith.mulf %get3A_391, %mul3A_392 : vector<16xf32>
        %swap3A_394 = arith.index_cast %add3A_388 : i32 to index
        %swap3A_395 = arith.constant 0 : index
        %swap3A_396 = tpu.vector_load %arg17[%swap3A_394, %swap3A_395] {strides = array<i32>} : memref<128x32xf32, #tpu.memory_space<vmem>>, vector<16xf32>,
        tpu.vector_store %arg17[%swap3A_394, %swap3A_395], %mul3A_393 {strides = array<i32>} : memref<128x32xf32, #tpu.memory_space<vmem>>, vector<16xf32>,
        %get3A_397 = arith.index_cast %add3A_388 : i32 to index
        %get3A_398 = arith.constant 16 : index
        %get3A_399 = tpu.vector_load %arg17[%get3A_397, %get3A_398] {strides = array<i32>} : memref<128x32xf32, #tpu.memory_space<vmem>>, vector<16xf32>,
        %mul3A_400 = vector.broadcast %squeeze3A_384 : f32 to vector<16xf32>
        %mul3A_401 = arith.mulf %get3A_399, %mul3A_400 : vector<16xf32>
        %swap3A_402 = arith.index_cast %add3A_388 : i32 to index
        %swap3A_403 = arith.constant 16 : index
        %swap3A_404 = tpu.vector_load %arg17[%swap3A_402, %swap3A_403] {strides = array<i32>} : memref<128x32xf32, #tpu.memory_space<vmem>>, vector<16xf32>,
        tpu.vector_store %arg17[%swap3A_402, %swap3A_403], %mul3A_401 {strides = array<i32>} : memref<128x32xf32, #tpu.memory_space<vmem>>, vector<16xf32>,
        %slice3A_405 = vector.extract_strided_slice %get3A_319 {offsets = [4], sizes = [1], strides = [1]} : vector<16xf32> to vector<1xf32>
        %squeeze3A_406 = vector.extract %slice3A_405[0] : f32 from vector<1xf32>
        %mul3A_407 = arith.constant 16 : i32
        %mul3A_408 = arith.muli %scan3A_314, %mul3A_407 : i32
        %add3A_409 = arith.constant 4 : i32
        %add3A_410 = arith.addi %mul3A_408, %add3A_409 : i32
        %get3A_411 = arith.index_cast %add3A_410 : i32 to index
        %get3A_412 = arith.constant 0 : index
        %get3A_413 = tpu.vector_load %arg17[%get3A_411, %get3A_412] {strides = array<i32>} : memref<128x32xf32, #tpu.memory_space<vmem>>, vector<16xf32>,
        %mul3A_414 = vector.broadcast %squeeze3A_406 : f32 to vector<16xf32>
        %mul3A_415 = arith.mulf %get3A_413, %mul3A_414 : vector<16xf32>
        %swap3A_416 = arith.index_cast %add3A_410 : i32 to index
        %swap3A_417 = arith.constant 0 : index
        %swap3A_418 = tpu.vector_load %arg17[%swap3A_416, %swap3A_417] {strides = array<i32>} : memref<128x32xf32, #tpu.memory_space<vmem>>, vector<16xf32>,
        tpu.vector_store %arg17[%swap3A_416, %swap3A_417], %mul3A_415 {strides = array<i32>} : memref<128x32xf32, #tpu.memory_space<vmem>>, vector<16xf32>,
        %get3A_419 = arith.index_cast %add3A_410 : i32 to index
        %get3A_420 = arith.constant 16 : index
        %get3A_421 = tpu.vector_load %arg17[%get3A_419, %get3A_420] {strides = array<i32>} : memref<128x32xf32, #tpu.memory_space<vmem>>, vector<16xf32>,
        %mul3A_422 = vector.broadcast %squeeze3A_406 : f32 to vector<16xf32>
        %mul3A_423 = arith.mulf %get3A_421, %mul3A_422 : vector<16xf32>
        %swap3A_424 = arith.index_cast %add3A_410 : i32 to index
        %swap3A_425 = arith.constant 16 : index
        %swap3A_426 = tpu.vector_load %arg17[%swap3A_424, %swap3A_425] {strides = array<i32>} : memref<128x32xf32, #tpu.memory_space<vmem>>, vector<16xf32>,
        tpu.vector_store %arg17[%swap3A_424, %swap3A_425], %mul3A_423 {strides = array<i32>} : memref<128x32xf32, #tpu.memory_space<vmem>>, vector<16xf32>,
        %slice3A_427 = vector.extract_strided_slice %get3A_319 {offsets = [5], sizes = [1], strides = [1]} : vector<16xf32> to vector<1xf32>
        %squeeze3A_428 = vector.extract %slice3A_427[0] : f32 from vector<1xf32>
        %mul3A_429 = arith.constant 16 : i32
        %mul3A_430 = arith.muli %scan3A_314, %mul3A_429 : i32
        %add3A_431 = arith.constant 5 : i32
        %add3A_432 = arith.addi %mul3A_430, %add3A_431 : i32
        %get3A_433 = arith.index_cast %add3A_432 : i32 to index
        %get3A_434 = arith.constant 0 : index
        %get3A_435 = tpu.vector_load %arg17[%get3A_433, %get3A_434] {strides = array<i32>} : memref<128x32xf32, #tpu.memory_space<vmem>>, vector<16xf32>,
        %mul3A_436 = vector.broadcast %squeeze3A_428 : f32 to vector<16xf32>
        %mul3A_437 = arith.mulf %get3A_435, %mul3A_436 : vector<16xf32>
        %swap3A_438 = arith.index_cast %add3A_432 : i32 to index
        %swap3A_439 = arith.constant 0 : index
        %swap3A_440 = tpu.vector_load %arg17[%swap3A_438, %swap3A_439] {strides = array<i32>} : memref<128x32xf32, #tpu.memory_space<vmem>>, vector<16xf32>,
        tpu.vector_store %arg17[%swap3A_438, %swap3A_439], %mul3A_437 {strides = array<i32>} : memref<128x32xf32, #tpu.memory_space<vmem>>, vector<16xf32>,
        %get3A_441 = arith.index_cast %add3A_432 : i32 to index
        %get3A_442 = arith.constant 16 : index
        %get3A_443 = tpu.vector_load %arg17[%get3A_441, %get3A_442] {strides = array<i32>} : memref<128x32xf32, #tpu.memory_space<vmem>>, vector<16xf32>,
        %mul3A_444 = vector.broadcast %squeeze3A_428 : f32 to vector<16xf32>
        %mul3A_445 = arith.mulf %get3A_443, %mul3A_444 : vector<16xf32>
        %swap3A_446 = arith.index_cast %add3A_432 : i32 to index
        %swap3A_447 = arith.constant 16 : index
        %swap3A_448 = tpu.vector_load %arg17[%swap3A_446, %swap3A_447] {strides = array<i32>} : memref<128x32xf32, #tpu.memory_space<vmem>>, vector<16xf32>,
        tpu.vector_store %arg17[%swap3A_446, %swap3A_447], %mul3A_445 {strides = array<i32>} : memref<128x32xf32, #tpu.memory_space<vmem>>, vector<16xf32>,
        %slice3A_449 = vector.extract_strided_slice %get3A_319 {offsets = [6], sizes = [1], strides = [1]} : vector<16xf32> to vector<1xf32>
        %squeeze3A_450 = vector.extract %slice3A_449[0] : f32 from vector<1xf32>
        %mul3A_451 = arith.constant 16 : i32
        %mul3A_452 = arith.muli %scan3A_314, %mul3A_451 : i32
        %add3A_453 = arith.constant 6 : i32
        %add3A_454 = arith.addi %mul3A_452, %add3A_453 : i32
        %get3A_455 = arith.index_cast %add3A_454 : i32 to index
        %get3A_456 = arith.constant 0 : index
        %get3A_457 = tpu.vector_load %arg17[%get3A_455, %get3A_456] {strides = array<i32>} : memref<128x32xf32, #tpu.memory_space<vmem>>, vector<16xf32>,
        %mul3A_458 = vector.broadcast %squeeze3A_450 : f32 to vector<16xf32>
        %mul3A_459 = arith.mulf %get3A_457, %mul3A_458 : vector<16xf32>
        %swap3A_460 = arith.index_cast %add3A_454 : i32 to index
        %swap3A_461 = arith.constant 0 : index
        %swap3A_462 = tpu.vector_load %arg17[%swap3A_460, %swap3A_461] {strides = array<i32>} : memref<128x32xf32, #tpu.memory_space<vmem>>, vector<16xf32>,
        tpu.vector_store %arg17[%swap3A_460, %swap3A_461], %mul3A_459 {strides = array<i32>} : memref<128x32xf32, #tpu.memory_space<vmem>>, vector<16xf32>,
        %get3A_463 = arith.index_cast %add3A_454 : i32 to index
        %get3A_464 = arith.constant 16 : index
        %get3A_465 = tpu.vector_load %arg17[%get3A_463, %get3A_464] {strides = array<i32>} : memref<128x32xf32, #tpu.memory_space<vmem>>, vector<16xf32>,
        %mul3A_466 = vector.broadcast %squeeze3A_450 : f32 to vector<16xf32>
        %mul3A_467 = arith.mulf %get3A_465, %mul3A_466 : vector<16xf32>
        %swap3A_468 = arith.index_cast %add3A_454 : i32 to index
        %swap3A_469 = arith.constant 16 : index
        %swap3A_470 = tpu.vector_load %arg17[%swap3A_468, %swap3A_469] {strides = array<i32>} : memref<128x32xf32, #tpu.memory_space<vmem>>, vector<16xf32>,
        tpu.vector_store %arg17[%swap3A_468, %swap3A_469], %mul3A_467 {strides = array<i32>} : memref<128x32xf32, #tpu.memory_space<vmem>>, vector<16xf32>,
        %slice3A_471 = vector.extract_strided_slice %get3A_319 {offsets = [7], sizes = [1], strides = [1]} : vector<16xf32> to vector<1xf32>
        %squeeze3A_472 = vector.extract %slice3A_471[0] : f32 from vector<1xf32>
        %mul3A_473 = arith.constant 16 : i32
        %mul3A_474 = arith.muli %scan3A_314, %mul3A_473 : i32
        %add3A_475 = arith.constant 7 : i32
        %add3A_476 = arith.addi %mul3A_474, %add3A_475 : i32
        %get3A_477 = arith.index_cast %add3A_476 : i32 to index
        %get3A_478 = arith.constant 0 : index
        %get3A_479 = tpu.vector_load %arg17[%get3A_477, %get3A_478] {strides = array<i32>} : memref<128x32xf32, #tpu.memory_space<vmem>>, vector<16xf32>,
        %mul3A_480 = vector.broadcast %squeeze3A_472 : f32 to vector<16xf32>
        %mul3A_481 = arith.mulf %get3A_479, %mul3A_480 : vector<16xf32>
        %swap3A_482 = arith.index_cast %add3A_476 : i32 to index
        %swap3A_483 = arith.constant 0 : index
        %swap3A_484 = tpu.vector_load %arg17[%swap3A_482, %swap3A_483] {strides = array<i32>} : memref<128x32xf32, #tpu.memory_space<vmem>>, vector<16xf32>,
        tpu.vector_store %arg17[%swap3A_482, %swap3A_483], %mul3A_481 {strides = array<i32>} : memref<128x32xf32, #tpu.memory_space<vmem>>, vector<16xf32>,
        %get3A_485 = arith.index_cast %add3A_476 : i32 to index
        %get3A_486 = arith.constant 16 : index
        %get3A_487 = tpu.vector_load %arg17[%get3A_485, %get3A_486] {strides = array<i32>} : memref<128x32xf32, #tpu.memory_space<vmem>>, vector<16xf32>,
        %mul3A_488 = vector.broadcast %squeeze3A_472 : f32 to vector<16xf32>
        %mul3A_489 = arith.mulf %get3A_487, %mul3A_488 : vector<16xf32>
        %swap3A_490 = arith.index_cast %add3A_476 : i32 to index
        %swap3A_491 = arith.constant 16 : index
        %swap3A_492 = tpu.vector_load %arg17[%swap3A_490, %swap3A_491] {strides = array<i32>} : memref<128x32xf32, #tpu.memory_space<vmem>>, vector<16xf32>,
        tpu.vector_store %arg17[%swap3A_490, %swap3A_491], %mul3A_489 {strides = array<i32>} : memref<128x32xf32, #tpu.memory_space<vmem>>, vector<16xf32>,
        %slice3A_493 = vector.extract_strided_slice %get3A_319 {offsets = [8], sizes = [1], strides = [1]} : vector<16xf32> to vector<1xf32>
        %squeeze3A_494 = vector.extract %slice3A_493[0] : f32 from vector<1xf32>
        %mul3A_495 = arith.constant 16 : i32
        %mul3A_496 = arith.muli %scan3A_314, %mul3A_495 : i32
        %add3A_497 = arith.constant 8 : i32
        %add3A_498 = arith.addi %mul3A_496, %add3A_497 : i32
        %get3A_499 = arith.index_cast %add3A_498 : i32 to index
        %get3A_500 = arith.constant 0 : index
        %get3A_501 = tpu.vector_load %arg17[%get3A_499, %get3A_500] {strides = array<i32>} : memref<128x32xf32, #tpu.memory_space<vmem>>, vector<16xf32>,
        %mul3A_502 = vector.broadcast %squeeze3A_494 : f32 to vector<16xf32>
        %mul3A_503 = arith.mulf %get3A_501, %mul3A_502 : vector<16xf32>
        %swap3A_504 = arith.index_cast %add3A_498 : i32 to index
        %swap3A_505 = arith.constant 0 : index
        %swap3A_506 = tpu.vector_load %arg17[%swap3A_504, %swap3A_505] {strides = array<i32>} : memref<128x32xf32, #tpu.memory_space<vmem>>, vector<16xf32>,
        tpu.vector_store %arg17[%swap3A_504, %swap3A_505], %mul3A_503 {strides = array<i32>} : memref<128x32xf32, #tpu.memory_space<vmem>>, vector<16xf32>,
        %get3A_507 = arith.index_cast %add3A_498 : i32 to index
        %get3A_508 = arith.constant 16 : index
        %get3A_509 = tpu.vector_load %arg17[%get3A_507, %get3A_508] {strides = array<i32>} : memref<128x32xf32, #tpu.memory_space<vmem>>, vector<16xf32>,
        %mul3A_510 = vector.broadcast %squeeze3A_494 : f32 to vector<16xf32>
        %mul3A_511 = arith.mulf %get3A_509, %mul3A_510 : vector<16xf32>
        %swap3A_512 = arith.index_cast %add3A_498 : i32 to index
        %swap3A_513 = arith.constant 16 : index
        %swap3A_514 = tpu.vector_load %arg17[%swap3A_512, %swap3A_513] {strides = array<i32>} : memref<128x32xf32, #tpu.memory_space<vmem>>, vector<16xf32>,
        tpu.vector_store %arg17[%swap3A_512, %swap3A_513], %mul3A_511 {strides = array<i32>} : memref<128x32xf32, #tpu.memory_space<vmem>>, vector<16xf32>,
        %slice3A_515 = vector.extract_strided_slice %get3A_319 {offsets = [9], sizes = [1], strides = [1]} : vector<16xf32> to vector<1xf32>
        %squeeze3A_516 = vector.extract %slice3A_515[0] : f32 from vector<1xf32>
        %mul3A_517 = arith.constant 16 : i32
        %mul3A_518 = arith.muli %scan3A_314, %mul3A_517 : i32
        %add3A_519 = arith.constant 9 : i32
        %add3A_520 = arith.addi %mul3A_518, %add3A_519 : i32
        %get3A_521 = arith.index_cast %add3A_520 : i32 to index
        %get3A_522 = arith.constant 0 : index
        %get3A_523 = tpu.vector_load %arg17[%get3A_521, %get3A_522] {strides = array<i32>} : memref<128x32xf32, #tpu.memory_space<vmem>>, vector<16xf32>,
        %mul3A_524 = vector.broadcast %squeeze3A_516 : f32 to vector<16xf32>
        %mul3A_525 = arith.mulf %get3A_523, %mul3A_524 : vector<16xf32>
        %swap3A_526 = arith.index_cast %add3A_520 : i32 to index
        %swap3A_527 = arith.constant 0 : index
        %swap3A_528 = tpu.vector_load %arg17[%swap3A_526, %swap3A_527] {strides = array<i32>} : memref<128x32xf32, #tpu.memory_space<vmem>>, vector<16xf32>,
        tpu.vector_store %arg17[%swap3A_526, %swap3A_527], %mul3A_525 {strides = array<i32>} : memref<128x32xf32, #tpu.memory_space<vmem>>, vector<16xf32>,
        %get3A_529 = arith.index_cast %add3A_520 : i32 to index
        %get3A_530 = arith.constant 16 : index
        %get3A_531 = tpu.vector_load %arg17[%get3A_529, %get3A_530] {strides = array<i32>} : memref<128x32xf32, #tpu.memory_space<vmem>>, vector<16xf32>,
        %mul3A_532 = vector.broadcast %squeeze3A_516 : f32 to vector<16xf32>
        %mul3A_533 = arith.mulf %get3A_531, %mul3A_532 : vector<16xf32>
        %swap3A_534 = arith.index_cast %add3A_520 : i32 to index
        %swap3A_535 = arith.constant 16 : index
        %swap3A_536 = tpu.vector_load %arg17[%swap3A_534, %swap3A_535] {strides = array<i32>} : memref<128x32xf32, #tpu.memory_space<vmem>>, vector<16xf32>,
        tpu.vector_store %arg17[%swap3A_534, %swap3A_535], %mul3A_533 {strides = array<i32>} : memref<128x32xf32, #tpu.memory_space<vmem>>, vector<16xf32>,
        %slice3A_537 = vector.extract_strided_slice %get3A_319 {offsets = [10], sizes = [1], strides = [1]} : vector<16xf32> to vector<1xf32>
        %squeeze3A_538 = vector.extract %slice3A_537[0] : f32 from vector<1xf32>
        %mul3A_539 = arith.constant 16 : i32
        %mul3A_540 = arith.muli %scan3A_314, %mul3A_539 : i32
        %add3A_541 = arith.constant 10 : i32
        %add3A_542 = arith.addi %mul3A_540, %add3A_541 : i32
        %get3A_543 = arith.index_cast %add3A_542 : i32 to index
        %get3A_544 = arith.constant 0 : index
        %get3A_545 = tpu.vector_load %arg17[%get3A_543, %get3A_544] {strides = array<i32>} : memref<128x32xf32, #tpu.memory_space<vmem>>, vector<16xf32>,
        %mul3A_546 = vector.broadcast %squeeze3A_538 : f32 to vector<16xf32>
        %mul3A_547 = arith.mulf %get3A_545, %mul3A_546 : vector<16xf32>
        %swap3A_548 = arith.index_cast %add3A_542 : i32 to index
        %swap3A_549 = arith.constant 0 : index
        %swap3A_550 = tpu.vector_load %arg17[%swap3A_548, %swap3A_549] {strides = array<i32>} : memref<128x32xf32, #tpu.memory_space<vmem>>, vector<16xf32>,
        tpu.vector_store %arg17[%swap3A_548, %swap3A_549], %mul3A_547 {strides = array<i32>} : memref<128x32xf32, #tpu.memory_space<vmem>>, vector<16xf32>,
        %get3A_551 = arith.index_cast %add3A_542 : i32 to index
        %get3A_552 = arith.constant 16 : index
        %get3A_553 = tpu.vector_load %arg17[%get3A_551, %get3A_552] {strides = array<i32>} : memref<128x32xf32, #tpu.memory_space<vmem>>, vector<16xf32>,
        %mul3A_554 = vector.broadcast %squeeze3A_538 : f32 to vector<16xf32>
        %mul3A_555 = arith.mulf %get3A_553, %mul3A_554 : vector<16xf32>
        %swap3A_556 = arith.index_cast %add3A_542 : i32 to index
        %swap3A_557 = arith.constant 16 : index
        %swap3A_558 = tpu.vector_load %arg17[%swap3A_556, %swap3A_557] {strides = array<i32>} : memref<128x32xf32, #tpu.memory_space<vmem>>, vector<16xf32>,
        tpu.vector_store %arg17[%swap3A_556, %swap3A_557], %mul3A_555 {strides = array<i32>} : memref<128x32xf32, #tpu.memory_space<vmem>>, vector<16xf32>,
        %slice3A_559 = vector.extract_strided_slice %get3A_319 {offsets = [11], sizes = [1], strides = [1]} : vector<16xf32> to vector<1xf32>
        %squeeze3A_560 = vector.extract %slice3A_559[0] : f32 from vector<1xf32>
        %mul3A_561 = arith.constant 16 : i32
        %mul3A_562 = arith.muli %scan3A_314, %mul3A_561 : i32
        %add3A_563 = arith.constant 11 : i32
        %add3A_564 = arith.addi %mul3A_562, %add3A_563 : i32
        %get3A_565 = arith.index_cast %add3A_564 : i32 to index
        %get3A_566 = arith.constant 0 : index
        %get3A_567 = tpu.vector_load %arg17[%get3A_565, %get3A_566] {strides = array<i32>} : memref<128x32xf32, #tpu.memory_space<vmem>>, vector<16xf32>,
        %mul3A_568 = vector.broadcast %squeeze3A_560 : f32 to vector<16xf32>
        %mul3A_569 = arith.mulf %get3A_567, %mul3A_568 : vector<16xf32>
        %swap3A_570 = arith.index_cast %add3A_564 : i32 to index
        %swap3A_571 = arith.constant 0 : index
        %swap3A_572 = tpu.vector_load %arg17[%swap3A_570, %swap3A_571] {strides = array<i32>} : memref<128x32xf32, #tpu.memory_space<vmem>>, vector<16xf32>,
        tpu.vector_store %arg17[%swap3A_570, %swap3A_571], %mul3A_569 {strides = array<i32>} : memref<128x32xf32, #tpu.memory_space<vmem>>, vector<16xf32>,
        %get3A_573 = arith.index_cast %add3A_564 : i32 to index
        %get3A_574 = arith.constant 16 : index
        %get3A_575 = tpu.vector_load %arg17[%get3A_573, %get3A_574] {strides = array<i32>} : memref<128x32xf32, #tpu.memory_space<vmem>>, vector<16xf32>,
        %mul3A_576 = vector.broadcast %squeeze3A_560 : f32 to vector<16xf32>
        %mul3A_577 = arith.mulf %get3A_575, %mul3A_576 : vector<16xf32>
        %swap3A_578 = arith.index_cast %add3A_564 : i32 to index
        %swap3A_579 = arith.constant 16 : index
        %swap3A_580 = tpu.vector_load %arg17[%swap3A_578, %swap3A_579] {strides = array<i32>} : memref<128x32xf32, #tpu.memory_space<vmem>>, vector<16xf32>,
        tpu.vector_store %arg17[%swap3A_578, %swap3A_579], %mul3A_577 {strides = array<i32>} : memref<128x32xf32, #tpu.memory_space<vmem>>, vector<16xf32>,
        %slice3A_581 = vector.extract_strided_slice %get3A_319 {offsets = [12], sizes = [1], strides = [1]} : vector<16xf32> to vector<1xf32>
        %squeeze3A_582 = vector.extract %slice3A_581[0] : f32 from vector<1xf32>
        %mul3A_583 = arith.constant 16 : i32
        %mul3A_584 = arith.muli %scan3A_314, %mul3A_583 : i32
        %add3A_585 = arith.constant 12 : i32
        %add3A_586 = arith.addi %mul3A_584, %add3A_585 : i32
        %get3A_587 = arith.index_cast %add3A_586 : i32 to index
        %get3A_588 = arith.constant 0 : index
        %get3A_589 = tpu.vector_load %arg17[%get3A_587, %get3A_588] {strides = array<i32>} : memref<128x32xf32, #tpu.memory_space<vmem>>, vector<16xf32>,
        %mul3A_590 = vector.broadcast %squeeze3A_582 : f32 to vector<16xf32>
        %mul3A_591 = arith.mulf %get3A_589, %mul3A_590 : vector<16xf32>
        %swap3A_592 = arith.index_cast %add3A_586 : i32 to index
        %swap3A_593 = arith.constant 0 : index
        %swap3A_594 = tpu.vector_load %arg17[%swap3A_592, %swap3A_593] {strides = array<i32>} : memref<128x32xf32, #tpu.memory_space<vmem>>, vector<16xf32>,
        tpu.vector_store %arg17[%swap3A_592, %swap3A_593], %mul3A_591 {strides = array<i32>} : memref<128x32xf32, #tpu.memory_space<vmem>>, vector<16xf32>,
        %get3A_595 = arith.index_cast %add3A_586 : i32 to index
        %get3A_596 = arith.constant 16 : index
        %get3A_597 = tpu.vector_load %arg17[%get3A_595, %get3A_596] {strides = array<i32>} : memref<128x32xf32, #tpu.memory_space<vmem>>, vector<16xf32>,
        %mul3A_598 = vector.broadcast %squeeze3A_582 : f32 to vector<16xf32>
        %mul3A_599 = arith.mulf %get3A_597, %mul3A_598 : vector<16xf32>
        %swap3A_600 = arith.index_cast %add3A_586 : i32 to index
        %swap3A_601 = arith.constant 16 : index
        %swap3A_602 = tpu.vector_load %arg17[%swap3A_600, %swap3A_601] {strides = array<i32>} : memref<128x32xf32, #tpu.memory_space<vmem>>, vector<16xf32>,
        tpu.vector_store %arg17[%swap3A_600, %swap3A_601], %mul3A_599 {strides = array<i32>} : memref<128x32xf32, #tpu.memory_space<vmem>>, vector<16xf32>,
        %slice3A_603 = vector.extract_strided_slice %get3A_319 {offsets = [13], sizes = [1], strides = [1]} : vector<16xf32> to vector<1xf32>
        %squeeze3A_604 = vector.extract %slice3A_603[0] : f32 from vector<1xf32>
        %mul3A_605 = arith.constant 16 : i32
        %mul3A_606 = arith.muli %scan3A_314, %mul3A_605 : i32
        %add3A_607 = arith.constant 13 : i32
        %add3A_608 = arith.addi %mul3A_606, %add3A_607 : i32
        %get3A_609 = arith.index_cast %add3A_608 : i32 to index
        %get3A_610 = arith.constant 0 : index
        %get3A_611 = tpu.vector_load %arg17[%get3A_609, %get3A_610] {strides = array<i32>} : memref<128x32xf32, #tpu.memory_space<vmem>>, vector<16xf32>,
        %mul3A_612 = vector.broadcast %squeeze3A_604 : f32 to vector<16xf32>
        %mul3A_613 = arith.mulf %get3A_611, %mul3A_612 : vector<16xf32>
        %swap3A_614 = arith.index_cast %add3A_608 : i32 to index
        %swap3A_615 = arith.constant 0 : index
        %swap3A_616 = tpu.vector_load %arg17[%swap3A_614, %swap3A_615] {strides = array<i32>} : memref<128x32xf32, #tpu.memory_space<vmem>>, vector<16xf32>,
        tpu.vector_store %arg17[%swap3A_614, %swap3A_615], %mul3A_613 {strides = array<i32>} : memref<128x32xf32, #tpu.memory_space<vmem>>, vector<16xf32>,
        %get3A_617 = arith.index_cast %add3A_608 : i32 to index
        %get3A_618 = arith.constant 16 : index
        %get3A_619 = tpu.vector_load %arg17[%get3A_617, %get3A_618] {strides = array<i32>} : memref<128x32xf32, #tpu.memory_space<vmem>>, vector<16xf32>,
        %mul3A_620 = vector.broadcast %squeeze3A_604 : f32 to vector<16xf32>
        %mul3A_621 = arith.mulf %get3A_619, %mul3A_620 : vector<16xf32>
        %swap3A_622 = arith.index_cast %add3A_608 : i32 to index
        %swap3A_623 = arith.constant 16 : index
        %swap3A_624 = tpu.vector_load %arg17[%swap3A_622, %swap3A_623] {strides = array<i32>} : memref<128x32xf32, #tpu.memory_space<vmem>>, vector<16xf32>,
        tpu.vector_store %arg17[%swap3A_622, %swap3A_623], %mul3A_621 {strides = array<i32>} : memref<128x32xf32, #tpu.memory_space<vmem>>, vector<16xf32>,
        %slice3A_625 = vector.extract_strided_slice %get3A_319 {offsets = [14], sizes = [1], strides = [1]} : vector<16xf32> to vector<1xf32>
        %squeeze3A_626 = vector.extract %slice3A_625[0] : f32 from vector<1xf32>
        %mul3A_627 = arith.constant 16 : i32
        %mul3A_628 = arith.muli %scan3A_314, %mul3A_627 : i32
        %add3A_629 = arith.constant 14 : i32
        %add3A_630 = arith.addi %mul3A_628, %add3A_629 : i32
        %get3A_631 = arith.index_cast %add3A_630 : i32 to index
        %get3A_632 = arith.constant 0 : index
        %get3A_633 = tpu.vector_load %arg17[%get3A_631, %get3A_632] {strides = array<i32>} : memref<128x32xf32, #tpu.memory_space<vmem>>, vector<16xf32>,
        %mul3A_634 = vector.broadcast %squeeze3A_626 : f32 to vector<16xf32>
        %mul3A_635 = arith.mulf %get3A_633, %mul3A_634 : vector<16xf32>
        %swap3A_636 = arith.index_cast %add3A_630 : i32 to index
        %swap3A_637 = arith.constant 0 : index
        %swap3A_638 = tpu.vector_load %arg17[%swap3A_636, %swap3A_637] {strides = array<i32>} : memref<128x32xf32, #tpu.memory_space<vmem>>, vector<16xf32>,
        tpu.vector_store %arg17[%swap3A_636, %swap3A_637], %mul3A_635 {strides = array<i32>} : memref<128x32xf32, #tpu.memory_space<vmem>>, vector<16xf32>,
        %get3A_639 = arith.index_cast %add3A_630 : i32 to index
        %get3A_640 = arith.constant 16 : index
        %get3A_641 = tpu.vector_load %arg17[%get3A_639, %get3A_640] {strides = array<i32>} : memref<128x32xf32, #tpu.memory_space<vmem>>, vector<16xf32>,
        %mul3A_642 = vector.broadcast %squeeze3A_626 : f32 to vector<16xf32>
        %mul3A_643 = arith.mulf %get3A_641, %mul3A_642 : vector<16xf32>
        %swap3A_644 = arith.index_cast %add3A_630 : i32 to index
        %swap3A_645 = arith.constant 16 : index
        %swap3A_646 = tpu.vector_load %arg17[%swap3A_644, %swap3A_645] {strides = array<i32>} : memref<128x32xf32, #tpu.memory_space<vmem>>, vector<16xf32>,
        tpu.vector_store %arg17[%swap3A_644, %swap3A_645], %mul3A_643 {strides = array<i32>} : memref<128x32xf32, #tpu.memory_space<vmem>>, vector<16xf32>,
        %slice3A_647 = vector.extract_strided_slice %get3A_319 {offsets = [15], sizes = [1], strides = [1]} : vector<16xf32> to vector<1xf32>
        %squeeze3A_648 = vector.extract %slice3A_647[0] : f32 from vector<1xf32>
        %mul3A_649 = arith.constant 16 : i32
        %mul3A_650 = arith.muli %scan3A_314, %mul3A_649 : i32
        %add3A_651 = arith.constant 15 : i32
        %add3A_652 = arith.addi %mul3A_650, %add3A_651 : i32
        %get3A_653 = arith.index_cast %add3A_652 : i32 to index
        %get3A_654 = arith.constant 0 : index
        %get3A_655 = tpu.vector_load %arg17[%get3A_653, %get3A_654] {strides = array<i32>} : memref<128x32xf32, #tpu.memory_space<vmem>>, vector<16xf32>,
        %mul3A_656 = vector.broadcast %squeeze3A_648 : f32 to vector<16xf32>
        %mul3A_657 = arith.mulf %get3A_655, %mul3A_656 : vector<16xf32>
        %swap3A_658 = arith.index_cast %add3A_652 : i32 to index
        %swap3A_659 = arith.constant 0 : index
        %swap3A_660 = tpu.vector_load %arg17[%swap3A_658, %swap3A_659] {strides = array<i32>} : memref<128x32xf32, #tpu.memory_space<vmem>>, vector<16xf32>,
        tpu.vector_store %arg17[%swap3A_658, %swap3A_659], %mul3A_657 {strides = array<i32>} : memref<128x32xf32, #tpu.memory_space<vmem>>, vector<16xf32>,
        %get3A_661 = arith.index_cast %add3A_652 : i32 to index
        %get3A_662 = arith.constant 16 : index
        %get3A_663 = tpu.vector_load %arg17[%get3A_661, %get3A_662] {strides = array<i32>} : memref<128x32xf32, #tpu.memory_space<vmem>>, vector<16xf32>,
        %mul3A_664 = vector.broadcast %squeeze3A_648 : f32 to vector<16xf32>
        %mul3A_665 = arith.mulf %get3A_663, %mul3A_664 : vector<16xf32>
        %swap3A_666 = arith.index_cast %add3A_652 : i32 to index
        %swap3A_667 = arith.constant 16 : index
        %swap3A_668 = tpu.vector_load %arg17[%swap3A_666, %swap3A_667] {strides = array<i32>} : memref<128x32xf32, #tpu.memory_space<vmem>>, vector<16xf32>,
        tpu.vector_store %arg17[%swap3A_666, %swap3A_667], %mul3A_665 {strides = array<i32>} : memref<128x32xf32, #tpu.memory_space<vmem>>, vector<16xf32>,
        %scan3A_669 = arith.constant 0 : i32
        scf.yield %scan3A_669 : i32
      }
      %scan3A_312 = arith.constant 8 : i32
      "tpu.region"() ({
        %run_scoped3A_314 = tpu.sem_alloc : memref<!tpu.dma_semaphore, #tpu.memory_space<semaphore_mem>>
        %dma_start3A_315 = arith.constant 0 : i32
        %dma_start3A_316 = tpu.memref_slice %arg13[%scan3A_294, %dma_start3A_315] : memref<79x128xi32, #tpu.memory_space<vmem>> -> memref<1x128xi32, #tpu.memory_space<vmem>>
        %dma_start3A_317 = tpu.memref_squeeze %dma_start3A_316 : memref<1x128xi32, #tpu.memory_space<vmem>> -> memref<128xi32, #tpu.memory_space<vmem>>
        %dma_start3A_318 = arith.constant 0 : i32
        %dma_start3A_319 = arith.constant 0 : i32
        %dma_start3A_320 = tpu.memref_slice %arg22[%dma_start3A_318, %dma_start3A_319] : memref<10000x32xf32, #tpu.memory_space<vmem_shared>> -> memref<10000x32xf32, #tpu.memory_space<vmem_shared>>
        tpu.enqueue_indirect_dma source(%arg17 : memref<128x32xf32, #tpu.memory_space<vmem>>) target(%dma_start3A_320 : memref<10000x32xf32, #tpu.memory_space<vmem_shared>>) offsets(%dma_start3A_317 : memref<128xi32, #tpu.memory_space<vmem>>) semaphore(%run_scoped3A_314 : memref<!tpu.dma_semaphore, #tpu.memory_space<semaphore_mem>>) {add = true}
        %dma_wait3A_321 = arith.constant 0 : i32
        %dma_wait3A_322 = tpu.memref_slice %arg13[%scan3A_294, %dma_wait3A_321] : memref<79x128xi32, #tpu.memory_space<vmem>> -> memref<1x128xi32, #tpu.memory_space<vmem>>
        %dma_wait3A_323 = tpu.memref_squeeze %dma_wait3A_322 : memref<1x128xi32, #tpu.memory_space<vmem>> -> memref<128xi32, #tpu.memory_space<vmem>>
        %dma_wait3A_324 = arith.constant 0 : i32
        %dma_wait3A_325 = arith.constant 0 : i32
        %dma_wait3A_326 = tpu.memref_slice %arg22[%dma_wait3A_324, %dma_wait3A_325] : memref<10000x32xf32, #tpu.memory_space<vmem_shared>> -> memref<10000x32xf32, #tpu.memory_space<vmem_shared>>
        tpu.wait_indirect_dma semaphore(%run_scoped3A_314 : memref<!tpu.dma_semaphore, #tpu.memory_space<semaphore_mem>>) src(%arg17 : memref<128x32xf32, #tpu.memory_space<vmem>>) dst(%dma_wait3A_326 : memref<10000x32xf32, #tpu.memory_space<vmem_shared>>)
        tpu.yield
      }) : () -> ()
      %scan3A_313 = arith.constant 0 : i32
      scf.yield %scan3A_313 : i32
    }
    %scan3A_236 = arith.constant 79 : i32
    %barrier3A_237 = arith.constant 0 : index
    tpu.barrier barrier_id(%barrier3A_237)
    %run_scoped3A = arith.constant 0 : i32
    "tpu.region"() ({
      %run_scoped3A_294 = tpu.sem_alloc : memref<!tpu.dma_semaphore, #tpu.memory_space<semaphore_mem>>
      %dma_start3A = arith.constant 0 : i32
      %dma_start3A_295 = tpu.memref_slice %arg7[%arg0, %run_scoped3A, %multiple_of3A_197, %dma_start3A] : memref<2x2x10000x32xf32, #tpu.memory_space<hbm>> -> memref<1x1x624x32xf32, #tpu.memory_space<hbm>>
      %dma_start3A_296 = tpu.memref_squeeze %dma_start3A_295 : memref<1x1x624x32xf32, #tpu.memory_space<hbm>> -> memref<624x32xf32, #tpu.memory_space<hbm>>
      %dma_start3A_297 = arith.constant 0 : i32
      %dma_start3A_298 = tpu.memref_slice %arg22[%multiple_of3A_197, %dma_start3A_297] : memref<10000x32xf32, #tpu.memory_space<vmem_shared>> -> memref<624x32xf32, #tpu.memory_space<vmem_shared>>
      tpu.enqueue_dma source(%dma_start3A_298 : memref<624x32xf32, #tpu.memory_space<vmem_shared>>) target(%dma_start3A_296 : memref<624x32xf32, #tpu.memory_space<hbm>>) target_semaphore(%run_scoped3A_294 : memref<!tpu.dma_semaphore, #tpu.memory_space<semaphore_mem>>)
      %dma_wait3A = arith.constant 0 : i32
      %dma_wait3A_299 = tpu.memref_slice %arg7[%arg0, %run_scoped3A, %multiple_of3A_197, %dma_wait3A] : memref<2x2x10000x32xf32, #tpu.memory_space<hbm>> -> memref<1x1x624x32xf32, #tpu.memory_space<hbm>>
      %dma_wait3A_300 = tpu.memref_squeeze %dma_wait3A_299 : memref<1x1x624x32xf32, #tpu.memory_space<hbm>> -> memref<624x32xf32, #tpu.memory_space<hbm>>
      %dma_wait3A_301 = arith.constant 0 : i32
      %dma_wait3A_302 = tpu.memref_slice %arg22[%multiple_of3A_197, %dma_wait3A_301] : memref<10000x32xf32, #tpu.memory_space<vmem_shared>> -> memref<624x32xf32, #tpu.memory_space<vmem_shared>>
      tpu.wait_dma2 semaphore(%run_scoped3A_294 : memref<!tpu.dma_semaphore, #tpu.memory_space<semaphore_mem>>) src(%dma_wait3A_302 : memref<624x32xf32, #tpu.memory_space<vmem_shared>>) dst(%dma_wait3A_300 : memref<624x32xf32, #tpu.memory_space<hbm>>)
      tpu.yield
    }) : () -> ()
    %lt3A_238 = arith.constant 2 : i32
    %lt3A_239 = arith.cmpi slt, %arg1, %lt3A_238 : i32
    %convert_element_type3A_240 = arith.extui %lt3A_239 : i1 to i32
    %cond3A_241 = arith.constant 0 : i32
    %cond3A_242 = arith.cmpi ne, %convert_element_type3A_240, %cond3A_241 : i32
    scf.if %cond3A_242 {
      %run_scoped3A_294 = arith.constant 0 : i32
      "tpu.region"() ({
        %run_scoped3A_295 = tpu.sem_alloc : memref<!tpu.dma_semaphore, #tpu.memory_space<semaphore_mem>>
        %dma_start3A = arith.constant 0 : i32
        %dma_start3A_296 = tpu.memref_slice %arg7[%arg0, %run_scoped3A_294, %multiple_of3A_202, %dma_start3A] : memref<2x2x10000x32xf32, #tpu.memory_space<hbm>> -> memref<1x1x8x32xf32, #tpu.memory_space<hbm>>
        %dma_start3A_297 = tpu.memref_squeeze %dma_start3A_296 : memref<1x1x8x32xf32, #tpu.memory_space<hbm>> -> memref<8x32xf32, #tpu.memory_space<hbm>>
        %dma_start3A_298 = arith.constant 0 : i32
        %dma_start3A_299 = tpu.memref_slice %arg22[%multiple_of3A_202, %dma_start3A_298] : memref<10000x32xf32, #tpu.memory_space<vmem_shared>> -> memref<8x32xf32, #tpu.memory_space<vmem_shared>>
        tpu.enqueue_dma source(%dma_start3A_299 : memref<8x32xf32, #tpu.memory_space<vmem_shared>>) target(%dma_start3A_297 : memref<8x32xf32, #tpu.memory_space<hbm>>) target_semaphore(%run_scoped3A_295 : memref<!tpu.dma_semaphore, #tpu.memory_space<semaphore_mem>>)
        %dma_wait3A = arith.constant 0 : i32
        %dma_wait3A_300 = tpu.memref_slice %arg7[%arg0, %run_scoped3A_294, %multiple_of3A_202, %dma_wait3A] : memref<2x2x10000x32xf32, #tpu.memory_space<hbm>> -> memref<1x1x8x32xf32, #tpu.memory_space<hbm>>
        %dma_wait3A_301 = tpu.memref_squeeze %dma_wait3A_300 : memref<1x1x8x32xf32, #tpu.memory_space<hbm>> -> memref<8x32xf32, #tpu.memory_space<hbm>>
        %dma_wait3A_302 = arith.constant 0 : i32
        %dma_wait3A_303 = tpu.memref_slice %arg22[%multiple_of3A_202, %dma_wait3A_302] : memref<10000x32xf32, #tpu.memory_space<vmem_shared>> -> memref<8x32xf32, #tpu.memory_space<vmem_shared>>
        tpu.wait_dma2 semaphore(%run_scoped3A_295 : memref<!tpu.dma_semaphore, #tpu.memory_space<semaphore_mem>>) src(%dma_wait3A_303 : memref<8x32xf32, #tpu.memory_space<vmem_shared>>) dst(%dma_wait3A_301 : memref<8x32xf32, #tpu.memory_space<hbm>>)
        tpu.yield
      }) : () -> ()
    } else {
    }
    %scan3A_243 = arith.constant 0 : i32
    %scan3A_244 = arith.constant 0 : i32
    %scan3A_245 = arith.constant 79 : i32
    %scan3A_246 = arith.addi %scan3A_244, %scan3A_245 : i32
    %scan3A_247 = arith.constant 1 : i32
    %scan3A_248 = scf.for %scan3A_294 = %scan3A_244 to %scan3A_246 step %scan3A_247 iter_args(%scan3A_295 = %scan3A_243) -> (i32)  : i32 {
      %get3A = arith.index_cast %scan3A_294 : i32 to index
      %get3A_296 = arith.constant 0 : index
      %get3A_297 = tpu.vector_load %arg10[%get3A, %get3A_296] {strides = array<i32>} : memref<79x128xi32, #tpu.memory_space<vmem>>, vector<16xi32>,
      %add3A_298 = arith.constant 10000 : i32
      %add3A_299 = vector.broadcast %add3A_298 : i32 to vector<16xi32>
      %add3A_300 = arith.addi %get3A_297, %add3A_299 : vector<16xi32>
      %swap3A = arith.index_cast %scan3A_294 : i32 to index
      %swap3A_301 = arith.constant 0 : index
      %swap3A_302 = tpu.vector_load %arg10[%swap3A, %swap3A_301] {strides = array<i32>} : memref<79x128xi32, #tpu.memory_space<vmem>>, vector<16xi32>,
      tpu.vector_store %arg10[%swap3A, %swap3A_301], %add3A_300 {strides = array<i32>} : memref<79x128xi32, #tpu.memory_space<vmem>>, vector<16xi32>,
      %get3A_303 = arith.index_cast %scan3A_294 : i32 to index
      %get3A_304 = arith.constant 16 : index
      %get3A_305 = tpu.vector_load %arg10[%get3A_303, %get3A_304] {strides = array<i32>} : memref<79x128xi32, #tpu.memory_space<vmem>>, vector<16xi32>,
      %add3A_306 = arith.constant 10000 : i32
      %add3A_307 = vector.broadcast %add3A_306 : i32 to vector<16xi32>
      %add3A_308 = arith.addi %get3A_305, %add3A_307 : vector<16xi32>
      %swap3A_309 = arith.index_cast %scan3A_294 : i32 to index
      %swap3A_310 = arith.constant 16 : index
      %swap3A_311 = tpu.vector_load %arg10[%swap3A_309, %swap3A_310] {strides = array<i32>} : memref<79x128xi32, #tpu.memory_space<vmem>>, vector<16xi32>,
      tpu.vector_store %arg10[%swap3A_309, %swap3A_310], %add3A_308 {strides = array<i32>} : memref<79x128xi32, #tpu.memory_space<vmem>>, vector<16xi32>,
      %get3A_312 = arith.index_cast %scan3A_294 : i32 to index
      %get3A_313 = arith.constant 32 : index
      %get3A_314 = tpu.vector_load %arg10[%get3A_312, %get3A_313] {strides = array<i32>} : memref<79x128xi32, #tpu.memory_space<vmem>>, vector<16xi32>,
      %add3A_315 = arith.constant 10000 : i32
      %add3A_316 = vector.broadcast %add3A_315 : i32 to vector<16xi32>
      %add3A_317 = arith.addi %get3A_314, %add3A_316 : vector<16xi32>
      %swap3A_318 = arith.index_cast %scan3A_294 : i32 to index
      %swap3A_319 = arith.constant 32 : index
      %swap3A_320 = tpu.vector_load %arg10[%swap3A_318, %swap3A_319] {strides = array<i32>} : memref<79x128xi32, #tpu.memory_space<vmem>>, vector<16xi32>,
      tpu.vector_store %arg10[%swap3A_318, %swap3A_319], %add3A_317 {strides = array<i32>} : memref<79x128xi32, #tpu.memory_space<vmem>>, vector<16xi32>,
      %get3A_321 = arith.index_cast %scan3A_294 : i32 to index
      %get3A_322 = arith.constant 48 : index
      %get3A_323 = tpu.vector_load %arg10[%get3A_321, %get3A_322] {strides = array<i32>} : memref<79x128xi32, #tpu.memory_space<vmem>>, vector<16xi32>,
      %add3A_324 = arith.constant 10000 : i32
      %add3A_325 = vector.broadcast %add3A_324 : i32 to vector<16xi32>
      %add3A_326 = arith.addi %get3A_323, %add3A_325 : vector<16xi32>
      %swap3A_327 = arith.index_cast %scan3A_294 : i32 to index
      %swap3A_328 = arith.constant 48 : index
      %swap3A_329 = tpu.vector_load %arg10[%swap3A_327, %swap3A_328] {strides = array<i32>} : memref<79x128xi32, #tpu.memory_space<vmem>>, vector<16xi32>,
      tpu.vector_store %arg10[%swap3A_327, %swap3A_328], %add3A_326 {strides = array<i32>} : memref<79x128xi32, #tpu.memory_space<vmem>>, vector<16xi32>,
      %get3A_330 = arith.index_cast %scan3A_294 : i32 to index
      %get3A_331 = arith.constant 64 : index
      %get3A_332 = tpu.vector_load %arg10[%get3A_330, %get3A_331] {strides = array<i32>} : memref<79x128xi32, #tpu.memory_space<vmem>>, vector<16xi32>,
      %add3A_333 = arith.constant 10000 : i32
      %add3A_334 = vector.broadcast %add3A_333 : i32 to vector<16xi32>
      %add3A_335 = arith.addi %get3A_332, %add3A_334 : vector<16xi32>
      %swap3A_336 = arith.index_cast %scan3A_294 : i32 to index
      %swap3A_337 = arith.constant 64 : index
      %swap3A_338 = tpu.vector_load %arg10[%swap3A_336, %swap3A_337] {strides = array<i32>} : memref<79x128xi32, #tpu.memory_space<vmem>>, vector<16xi32>,
      tpu.vector_store %arg10[%swap3A_336, %swap3A_337], %add3A_335 {strides = array<i32>} : memref<79x128xi32, #tpu.memory_space<vmem>>, vector<16xi32>,
      %get3A_339 = arith.index_cast %scan3A_294 : i32 to index
      %get3A_340 = arith.constant 80 : index
      %get3A_341 = tpu.vector_load %arg10[%get3A_339, %get3A_340] {strides = array<i32>} : memref<79x128xi32, #tpu.memory_space<vmem>>, vector<16xi32>,
      %add3A_342 = arith.constant 10000 : i32
      %add3A_343 = vector.broadcast %add3A_342 : i32 to vector<16xi32>
      %add3A_344 = arith.addi %get3A_341, %add3A_343 : vector<16xi32>
      %swap3A_345 = arith.index_cast %scan3A_294 : i32 to index
      %swap3A_346 = arith.constant 80 : index
      %swap3A_347 = tpu.vector_load %arg10[%swap3A_345, %swap3A_346] {strides = array<i32>} : memref<79x128xi32, #tpu.memory_space<vmem>>, vector<16xi32>,
      tpu.vector_store %arg10[%swap3A_345, %swap3A_346], %add3A_344 {strides = array<i32>} : memref<79x128xi32, #tpu.memory_space<vmem>>, vector<16xi32>,
      %get3A_348 = arith.index_cast %scan3A_294 : i32 to index
      %get3A_349 = arith.constant 96 : index
      %get3A_350 = tpu.vector_load %arg10[%get3A_348, %get3A_349] {strides = array<i32>} : memref<79x128xi32, #tpu.memory_space<vmem>>, vector<16xi32>,
      %add3A_351 = arith.constant 10000 : i32
      %add3A_352 = vector.broadcast %add3A_351 : i32 to vector<16xi32>
      %add3A_353 = arith.addi %get3A_350, %add3A_352 : vector<16xi32>
      %swap3A_354 = arith.index_cast %scan3A_294 : i32 to index
      %swap3A_355 = arith.constant 96 : index
      %swap3A_356 = tpu.vector_load %arg10[%swap3A_354, %swap3A_355] {strides = array<i32>} : memref<79x128xi32, #tpu.memory_space<vmem>>, vector<16xi32>,
      tpu.vector_store %arg10[%swap3A_354, %swap3A_355], %add3A_353 {strides = array<i32>} : memref<79x128xi32, #tpu.memory_space<vmem>>, vector<16xi32>,
      %get3A_357 = arith.index_cast %scan3A_294 : i32 to index
      %get3A_358 = arith.constant 112 : index
      %get3A_359 = tpu.vector_load %arg10[%get3A_357, %get3A_358] {strides = array<i32>} : memref<79x128xi32, #tpu.memory_space<vmem>>, vector<16xi32>,
      %add3A_360 = arith.constant 10000 : i32
      %add3A_361 = vector.broadcast %add3A_360 : i32 to vector<16xi32>
      %add3A_362 = arith.addi %get3A_359, %add3A_361 : vector<16xi32>
      %swap3A_363 = arith.index_cast %scan3A_294 : i32 to index
      %swap3A_364 = arith.constant 112 : index
      %swap3A_365 = tpu.vector_load %arg10[%swap3A_363, %swap3A_364] {strides = array<i32>} : memref<79x128xi32, #tpu.memory_space<vmem>>, vector<16xi32>,
      tpu.vector_store %arg10[%swap3A_363, %swap3A_364], %add3A_362 {strides = array<i32>} : memref<79x128xi32, #tpu.memory_space<vmem>>, vector<16xi32>,
      %get3A_366 = arith.index_cast %scan3A_294 : i32 to index
      %get3A_367 = arith.constant 0 : index
      %get3A_368 = tpu.vector_load %arg12[%get3A_366, %get3A_367] {strides = array<i32>} : memref<79x128xi32, #tpu.memory_space<vmem>>, vector<16xi32>,
      %add3A_369 = arith.constant 10000 : i32
      %add3A_370 = vector.broadcast %add3A_369 : i32 to vector<16xi32>
      %add3A_371 = arith.addi %get3A_368, %add3A_370 : vector<16xi32>
      %swap3A_372 = arith.index_cast %scan3A_294 : i32 to index
      %swap3A_373 = arith.constant 0 : index
      %swap3A_374 = tpu.vector_load %arg12[%swap3A_372, %swap3A_373] {strides = array<i32>} : memref<79x128xi32, #tpu.memory_space<vmem>>, vector<16xi32>,
      tpu.vector_store %arg12[%swap3A_372, %swap3A_373], %add3A_371 {strides = array<i32>} : memref<79x128xi32, #tpu.memory_space<vmem>>, vector<16xi32>,
      %get3A_375 = arith.index_cast %scan3A_294 : i32 to index
      %get3A_376 = arith.constant 16 : index
      %get3A_377 = tpu.vector_load %arg12[%get3A_375, %get3A_376] {strides = array<i32>} : memref<79x128xi32, #tpu.memory_space<vmem>>, vector<16xi32>,
      %add3A_378 = arith.constant 10000 : i32
      %add3A_379 = vector.broadcast %add3A_378 : i32 to vector<16xi32>
      %add3A_380 = arith.addi %get3A_377, %add3A_379 : vector<16xi32>
      %swap3A_381 = arith.index_cast %scan3A_294 : i32 to index
      %swap3A_382 = arith.constant 16 : index
      %swap3A_383 = tpu.vector_load %arg12[%swap3A_381, %swap3A_382] {strides = array<i32>} : memref<79x128xi32, #tpu.memory_space<vmem>>, vector<16xi32>,
      tpu.vector_store %arg12[%swap3A_381, %swap3A_382], %add3A_380 {strides = array<i32>} : memref<79x128xi32, #tpu.memory_space<vmem>>, vector<16xi32>,
      %get3A_384 = arith.index_cast %scan3A_294 : i32 to index
      %get3A_385 = arith.constant 32 : index
      %get3A_386 = tpu.vector_load %arg12[%get3A_384, %get3A_385] {strides = array<i32>} : memref<79x128xi32, #tpu.memory_space<vmem>>, vector<16xi32>,
      %add3A_387 = arith.constant 10000 : i32
      %add3A_388 = vector.broadcast %add3A_387 : i32 to vector<16xi32>
      %add3A_389 = arith.addi %get3A_386, %add3A_388 : vector<16xi32>
      %swap3A_390 = arith.index_cast %scan3A_294 : i32 to index
      %swap3A_391 = arith.constant 32 : index
      %swap3A_392 = tpu.vector_load %arg12[%swap3A_390, %swap3A_391] {strides = array<i32>} : memref<79x128xi32, #tpu.memory_space<vmem>>, vector<16xi32>,
      tpu.vector_store %arg12[%swap3A_390, %swap3A_391], %add3A_389 {strides = array<i32>} : memref<79x128xi32, #tpu.memory_space<vmem>>, vector<16xi32>,
      %get3A_393 = arith.index_cast %scan3A_294 : i32 to index
      %get3A_394 = arith.constant 48 : index
      %get3A_395 = tpu.vector_load %arg12[%get3A_393, %get3A_394] {strides = array<i32>} : memref<79x128xi32, #tpu.memory_space<vmem>>, vector<16xi32>,
      %add3A_396 = arith.constant 10000 : i32
      %add3A_397 = vector.broadcast %add3A_396 : i32 to vector<16xi32>
      %add3A_398 = arith.addi %get3A_395, %add3A_397 : vector<16xi32>
      %swap3A_399 = arith.index_cast %scan3A_294 : i32 to index
      %swap3A_400 = arith.constant 48 : index
      %swap3A_401 = tpu.vector_load %arg12[%swap3A_399, %swap3A_400] {strides = array<i32>} : memref<79x128xi32, #tpu.memory_space<vmem>>, vector<16xi32>,
      tpu.vector_store %arg12[%swap3A_399, %swap3A_400], %add3A_398 {strides = array<i32>} : memref<79x128xi32, #tpu.memory_space<vmem>>, vector<16xi32>,
      %get3A_402 = arith.index_cast %scan3A_294 : i32 to index
      %get3A_403 = arith.constant 64 : index
      %get3A_404 = tpu.vector_load %arg12[%get3A_402, %get3A_403] {strides = array<i32>} : memref<79x128xi32, #tpu.memory_space<vmem>>, vector<16xi32>,
      %add3A_405 = arith.constant 10000 : i32
      %add3A_406 = vector.broadcast %add3A_405 : i32 to vector<16xi32>
      %add3A_407 = arith.addi %get3A_404, %add3A_406 : vector<16xi32>
      %swap3A_408 = arith.index_cast %scan3A_294 : i32 to index
      %swap3A_409 = arith.constant 64 : index
      %swap3A_410 = tpu.vector_load %arg12[%swap3A_408, %swap3A_409] {strides = array<i32>} : memref<79x128xi32, #tpu.memory_space<vmem>>, vector<16xi32>,
      tpu.vector_store %arg12[%swap3A_408, %swap3A_409], %add3A_407 {strides = array<i32>} : memref<79x128xi32, #tpu.memory_space<vmem>>, vector<16xi32>,
      %get3A_411 = arith.index_cast %scan3A_294 : i32 to index
      %get3A_412 = arith.constant 80 : index
      %get3A_413 = tpu.vector_load %arg12[%get3A_411, %get3A_412] {strides = array<i32>} : memref<79x128xi32, #tpu.memory_space<vmem>>, vector<16xi32>,
      %add3A_414 = arith.constant 10000 : i32
      %add3A_415 = vector.broadcast %add3A_414 : i32 to vector<16xi32>
      %add3A_416 = arith.addi %get3A_413, %add3A_415 : vector<16xi32>
      %swap3A_417 = arith.index_cast %scan3A_294 : i32 to index
      %swap3A_418 = arith.constant 80 : index
      %swap3A_419 = tpu.vector_load %arg12[%swap3A_417, %swap3A_418] {strides = array<i32>} : memref<79x128xi32, #tpu.memory_space<vmem>>, vector<16xi32>,
      tpu.vector_store %arg12[%swap3A_417, %swap3A_418], %add3A_416 {strides = array<i32>} : memref<79x128xi32, #tpu.memory_space<vmem>>, vector<16xi32>,
      %get3A_420 = arith.index_cast %scan3A_294 : i32 to index
      %get3A_421 = arith.constant 96 : index
      %get3A_422 = tpu.vector_load %arg12[%get3A_420, %get3A_421] {strides = array<i32>} : memref<79x128xi32, #tpu.memory_space<vmem>>, vector<16xi32>,
      %add3A_423 = arith.constant 10000 : i32
      %add3A_424 = vector.broadcast %add3A_423 : i32 to vector<16xi32>
      %add3A_425 = arith.addi %get3A_422, %add3A_424 : vector<16xi32>
      %swap3A_426 = arith.index_cast %scan3A_294 : i32 to index
      %swap3A_427 = arith.constant 96 : index
      %swap3A_428 = tpu.vector_load %arg12[%swap3A_426, %swap3A_427] {strides = array<i32>} : memref<79x128xi32, #tpu.memory_space<vmem>>, vector<16xi32>,
      tpu.vector_store %arg12[%swap3A_426, %swap3A_427], %add3A_425 {strides = array<i32>} : memref<79x128xi32, #tpu.memory_space<vmem>>, vector<16xi32>,
      %get3A_429 = arith.index_cast %scan3A_294 : i32 to index
      %get3A_430 = arith.constant 112 : index
      %get3A_431 = tpu.vector_load %arg12[%get3A_429, %get3A_430] {strides = array<i32>} : memref<79x128xi32, #tpu.memory_space<vmem>>, vector<16xi32>,
      %add3A_432 = arith.constant 10000 : i32
      %add3A_433 = vector.broadcast %add3A_432 : i32 to vector<16xi32>
      %add3A_434 = arith.addi %get3A_431, %add3A_433 : vector<16xi32>
      %swap3A_435 = arith.index_cast %scan3A_294 : i32 to index
      %swap3A_436 = arith.constant 112 : index
      %swap3A_437 = tpu.vector_load %arg12[%swap3A_435, %swap3A_436] {strides = array<i32>} : memref<79x128xi32, #tpu.memory_space<vmem>>, vector<16xi32>,
      tpu.vector_store %arg12[%swap3A_435, %swap3A_436], %add3A_434 {strides = array<i32>} : memref<79x128xi32, #tpu.memory_space<vmem>>, vector<16xi32>,
      %scan3A_438 = arith.constant 0 : i32
      scf.yield %scan3A_438 : i32
    }
    %scan3A_249 = arith.constant 79 : i32
    %scan3A_250 = arith.constant 0 : i32
    %scan3A_251 = arith.constant 0 : i32
    %scan3A_252 = arith.constant 128 : i32
    %scan3A_253 = arith.addi %scan3A_251, %scan3A_252 : i32
    %scan3A_254 = arith.constant 1 : i32
    %scan3A_255 = scf.for %scan3A_294 = %scan3A_251 to %scan3A_253 step %scan3A_254 iter_args(%scan3A_295 = %scan3A_250) -> (i32)  : i32 {
      %broadcast_in_dim3A = arith.constant 0.000000e+00 : f32
      %broadcast_in_dim3A_296 = vector.broadcast %broadcast_in_dim3A : f32 to vector<16xf32>
      %swap3A = arith.index_cast %scan3A_294 : i32 to index
      %swap3A_297 = arith.constant 0 : index
      %swap3A_298 = tpu.vector_load %arg17[%swap3A, %swap3A_297] {strides = array<i32>} : memref<128x32xf32, #tpu.memory_space<vmem>>, vector<16xf32>,
      tpu.vector_store %arg17[%swap3A, %swap3A_297], %broadcast_in_dim3A_296 {strides = array<i32>} : memref<128x32xf32, #tpu.memory_space<vmem>>, vector<16xf32>,
      %broadcast_in_dim3A_299 = arith.constant 0.000000e+00 : f32
      %broadcast_in_dim3A_300 = vector.broadcast %broadcast_in_dim3A_299 : f32 to vector<16xf32>
      %swap3A_301 = arith.index_cast %scan3A_294 : i32 to index
      %swap3A_302 = arith.constant 16 : index
      %swap3A_303 = tpu.vector_load %arg17[%swap3A_301, %swap3A_302] {strides = array<i32>} : memref<128x32xf32, #tpu.memory_space<vmem>>, vector<16xf32>,
      tpu.vector_store %arg17[%swap3A_301, %swap3A_302], %broadcast_in_dim3A_300 {strides = array<i32>} : memref<128x32xf32, #tpu.memory_space<vmem>>, vector<16xf32>,
      %scan3A_304 = arith.constant 0 : i32
      scf.yield %scan3A_304 : i32
    }
    %scan3A_256 = arith.constant 128 : i32
    %add3A_257 = arith.constant 0 : i32
    %add3A_258 = arith.addi %multiple_of3A_197, %add3A_257 : i32
    "tpu.region"() ({
      %run_scoped3A_294 = tpu.sem_alloc : memref<!tpu.dma_semaphore, #tpu.memory_space<semaphore_mem>>
      %dma_start3A = arith.constant 0 : i32
      %dma_start3A_295 = tpu.memref_slice %arg22[%add3A_258, %dma_start3A] : memref<10000x32xf32, #tpu.memory_space<vmem_shared>> -> memref<128x32xf32, #tpu.memory_space<vmem_shared>>
      %dma_start3A_296 = arith.constant 0 : i32
      %dma_start3A_297 = tpu.memref_slice %arg22[%add3A_258, %dma_start3A_296] : memref<10000x32xf32, #tpu.memory_space<vmem_shared>> -> memref<128x32xf32, #tpu.memory_space<vmem_shared>>
      tpu.enqueue_dma source(%arg17 : memref<128x32xf32, #tpu.memory_space<vmem>>) target(%dma_start3A_297 : memref<128x32xf32, #tpu.memory_space<vmem_shared>>) target_semaphore(%run_scoped3A_294 : memref<!tpu.dma_semaphore, #tpu.memory_space<semaphore_mem>>)
      %dma_wait3A = arith.constant 0 : i32
      %dma_wait3A_298 = tpu.memref_slice %arg22[%add3A_258, %dma_wait3A] : memref<10000x32xf32, #tpu.memory_space<vmem_shared>> -> memref<128x32xf32, #tpu.memory_space<vmem_shared>>
      %dma_wait3A_299 = arith.constant 0 : i32
      %dma_wait3A_300 = tpu.memref_slice %arg22[%add3A_258, %dma_wait3A_299] : memref<10000x32xf32, #tpu.memory_space<vmem_shared>> -> memref<128x32xf32, #tpu.memory_space<vmem_shared>>
      tpu.wait_dma2 semaphore(%run_scoped3A_294 : memref<!tpu.dma_semaphore, #tpu.memory_space<semaphore_mem>>) src(%arg17 : memref<128x32xf32, #tpu.memory_space<vmem>>) dst(%dma_wait3A_300 : memref<128x32xf32, #tpu.memory_space<vmem_shared>>)
      tpu.yield
    }) : () -> ()
    %add3A_259 = arith.constant 128 : i32
    %add3A_260 = arith.addi %multiple_of3A_197, %add3A_259 : i32
    "tpu.region"() ({
      %run_scoped3A_294 = tpu.sem_alloc : memref<!tpu.dma_semaphore, #tpu.memory_space<semaphore_mem>>
      %dma_start3A = arith.constant 0 : i32
      %dma_start3A_295 = tpu.memref_slice %arg22[%add3A_260, %dma_start3A] : memref<10000x32xf32, #tpu.memory_space<vmem_shared>> -> memref<128x32xf32, #tpu.memory_space<vmem_shared>>
      %dma_start3A_296 = arith.constant 0 : i32
      %dma_start3A_297 = tpu.memref_slice %arg22[%add3A_260, %dma_start3A_296] : memref<10000x32xf32, #tpu.memory_space<vmem_shared>> -> memref<128x32xf32, #tpu.memory_space<vmem_shared>>
      tpu.enqueue_dma source(%arg17 : memref<128x32xf32, #tpu.memory_space<vmem>>) target(%dma_start3A_297 : memref<128x32xf32, #tpu.memory_space<vmem_shared>>) target_semaphore(%run_scoped3A_294 : memref<!tpu.dma_semaphore, #tpu.memory_space<semaphore_mem>>)
      %dma_wait3A = arith.constant 0 : i32
      %dma_wait3A_298 = tpu.memref_slice %arg22[%add3A_260, %dma_wait3A] : memref<10000x32xf32, #tpu.memory_space<vmem_shared>> -> memref<128x32xf32, #tpu.memory_space<vmem_shared>>
      %dma_wait3A_299 = arith.constant 0 : i32
      %dma_wait3A_300 = tpu.memref_slice %arg22[%add3A_260, %dma_wait3A_299] : memref<10000x32xf32, #tpu.memory_space<vmem_shared>> -> memref<128x32xf32, #tpu.memory_space<vmem_shared>>
      tpu.wait_dma2 semaphore(%run_scoped3A_294 : memref<!tpu.dma_semaphore, #tpu.memory_space<semaphore_mem>>) src(%arg17 : memref<128x32xf32, #tpu.memory_space<vmem>>) dst(%dma_wait3A_300 : memref<128x32xf32, #tpu.memory_space<vmem_shared>>)
      tpu.yield
    }) : () -> ()
    %add3A_261 = arith.constant 256 : i32
    %add3A_262 = arith.addi %multiple_of3A_197, %add3A_261 : i32
    "tpu.region"() ({
      %run_scoped3A_294 = tpu.sem_alloc : memref<!tpu.dma_semaphore, #tpu.memory_space<semaphore_mem>>
      %dma_start3A = arith.constant 0 : i32
      %dma_start3A_295 = tpu.memref_slice %arg22[%add3A_262, %dma_start3A] : memref<10000x32xf32, #tpu.memory_space<vmem_shared>> -> memref<128x32xf32, #tpu.memory_space<vmem_shared>>
      %dma_start3A_296 = arith.constant 0 : i32
      %dma_start3A_297 = tpu.memref_slice %arg22[%add3A_262, %dma_start3A_296] : memref<10000x32xf32, #tpu.memory_space<vmem_shared>> -> memref<128x32xf32, #tpu.memory_space<vmem_shared>>
      tpu.enqueue_dma source(%arg17 : memref<128x32xf32, #tpu.memory_space<vmem>>) target(%dma_start3A_297 : memref<128x32xf32, #tpu.memory_space<vmem_shared>>) target_semaphore(%run_scoped3A_294 : memref<!tpu.dma_semaphore, #tpu.memory_space<semaphore_mem>>)
      %dma_wait3A = arith.constant 0 : i32
      %dma_wait3A_298 = tpu.memref_slice %arg22[%add3A_262, %dma_wait3A] : memref<10000x32xf32, #tpu.memory_space<vmem_shared>> -> memref<128x32xf32, #tpu.memory_space<vmem_shared>>
      %dma_wait3A_299 = arith.constant 0 : i32
      %dma_wait3A_300 = tpu.memref_slice %arg22[%add3A_262, %dma_wait3A_299] : memref<10000x32xf32, #tpu.memory_space<vmem_shared>> -> memref<128x32xf32, #tpu.memory_space<vmem_shared>>
      tpu.wait_dma2 semaphore(%run_scoped3A_294 : memref<!tpu.dma_semaphore, #tpu.memory_space<semaphore_mem>>) src(%arg17 : memref<128x32xf32, #tpu.memory_space<vmem>>) dst(%dma_wait3A_300 : memref<128x32xf32, #tpu.memory_space<vmem_shared>>)
      tpu.yield
    }) : () -> ()
    %add3A_263 = arith.constant 384 : i32
    %add3A_264 = arith.addi %multiple_of3A_197, %add3A_263 : i32
    "tpu.region"() ({
      %run_scoped3A_294 = tpu.sem_alloc : memref<!tpu.dma_semaphore, #tpu.memory_space<semaphore_mem>>
      %dma_start3A = arith.constant 0 : i32
      %dma_start3A_295 = tpu.memref_slice %arg22[%add3A_264, %dma_start3A] : memref<10000x32xf32, #tpu.memory_space<vmem_shared>> -> memref<128x32xf32, #tpu.memory_space<vmem_shared>>
      %dma_start3A_296 = arith.constant 0 : i32
      %dma_start3A_297 = tpu.memref_slice %arg22[%add3A_264, %dma_start3A_296] : memref<10000x32xf32, #tpu.memory_space<vmem_shared>> -> memref<128x32xf32, #tpu.memory_space<vmem_shared>>
      tpu.enqueue_dma source(%arg17 : memref<128x32xf32, #tpu.memory_space<vmem>>) target(%dma_start3A_297 : memref<128x32xf32, #tpu.memory_space<vmem_shared>>) target_semaphore(%run_scoped3A_294 : memref<!tpu.dma_semaphore, #tpu.memory_space<semaphore_mem>>)
      %dma_wait3A = arith.constant 0 : i32
      %dma_wait3A_298 = tpu.memref_slice %arg22[%add3A_264, %dma_wait3A] : memref<10000x32xf32, #tpu.memory_space<vmem_shared>> -> memref<128x32xf32, #tpu.memory_space<vmem_shared>>
      %dma_wait3A_299 = arith.constant 0 : i32
      %dma_wait3A_300 = tpu.memref_slice %arg22[%add3A_264, %dma_wait3A_299] : memref<10000x32xf32, #tpu.memory_space<vmem_shared>> -> memref<128x32xf32, #tpu.memory_space<vmem_shared>>
      tpu.wait_dma2 semaphore(%run_scoped3A_294 : memref<!tpu.dma_semaphore, #tpu.memory_space<semaphore_mem>>) src(%arg17 : memref<128x32xf32, #tpu.memory_space<vmem>>) dst(%dma_wait3A_300 : memref<128x32xf32, #tpu.memory_space<vmem_shared>>)
      tpu.yield
    }) : () -> ()
    %add3A_265 = arith.constant 512 : i32
    %add3A_266 = arith.addi %multiple_of3A_197, %add3A_265 : i32
    "tpu.region"() ({
      %run_scoped3A_294 = tpu.sem_alloc : memref<!tpu.dma_semaphore, #tpu.memory_space<semaphore_mem>>
      %dma_start3A = arith.constant 0 : i32
      %dma_start3A_295 = arith.constant 0 : i32
      %dma_start3A_296 = tpu.memref_slice %arg17[%dma_start3A, %dma_start3A_295] : memref<128x32xf32, #tpu.memory_space<vmem>> -> memref<112x32xf32, #tpu.memory_space<vmem>>
      %dma_start3A_297 = arith.constant 0 : i32
      %dma_start3A_298 = tpu.memref_slice %arg22[%add3A_266, %dma_start3A_297] : memref<10000x32xf32, #tpu.memory_space<vmem_shared>> -> memref<112x32xf32, #tpu.memory_space<vmem_shared>>
      %dma_start3A_299 = arith.constant 0 : i32
      %dma_start3A_300 = tpu.memref_slice %arg22[%add3A_266, %dma_start3A_299] : memref<10000x32xf32, #tpu.memory_space<vmem_shared>> -> memref<112x32xf32, #tpu.memory_space<vmem_shared>>
      %dma_start3A_301 = arith.constant 0 : i32
      %dma_start3A_302 = arith.constant 0 : i32
      %dma_start3A_303 = tpu.memref_slice %arg17[%dma_start3A_301, %dma_start3A_302] : memref<128x32xf32, #tpu.memory_space<vmem>> -> memref<112x32xf32, #tpu.memory_space<vmem>>
      tpu.enqueue_dma source(%dma_start3A_303 : memref<112x32xf32, #tpu.memory_space<vmem>>) target(%dma_start3A_300 : memref<112x32xf32, #tpu.memory_space<vmem_shared>>) target_semaphore(%run_scoped3A_294 : memref<!tpu.dma_semaphore, #tpu.memory_space<semaphore_mem>>)
      %dma_wait3A = arith.constant 0 : i32
      %dma_wait3A_304 = arith.constant 0 : i32
      %dma_wait3A_305 = tpu.memref_slice %arg17[%dma_wait3A, %dma_wait3A_304] : memref<128x32xf32, #tpu.memory_space<vmem>> -> memref<112x32xf32, #tpu.memory_space<vmem>>
      %dma_wait3A_306 = arith.constant 0 : i32
      %dma_wait3A_307 = tpu.memref_slice %arg22[%add3A_266, %dma_wait3A_306] : memref<10000x32xf32, #tpu.memory_space<vmem_shared>> -> memref<112x32xf32, #tpu.memory_space<vmem_shared>>
      %dma_wait3A_308 = arith.constant 0 : i32
      %dma_wait3A_309 = tpu.memref_slice %arg22[%add3A_266, %dma_wait3A_308] : memref<10000x32xf32, #tpu.memory_space<vmem_shared>> -> memref<112x32xf32, #tpu.memory_space<vmem_shared>>
      %dma_wait3A_310 = arith.constant 0 : i32
      %dma_wait3A_311 = arith.constant 0 : i32
      %dma_wait3A_312 = tpu.memref_slice %arg17[%dma_wait3A_310, %dma_wait3A_311] : memref<128x32xf32, #tpu.memory_space<vmem>> -> memref<112x32xf32, #tpu.memory_space<vmem>>
      tpu.wait_dma2 semaphore(%run_scoped3A_294 : memref<!tpu.dma_semaphore, #tpu.memory_space<semaphore_mem>>) src(%dma_wait3A_312 : memref<112x32xf32, #tpu.memory_space<vmem>>) dst(%dma_wait3A_309 : memref<112x32xf32, #tpu.memory_space<vmem_shared>>)
      tpu.yield
    }) : () -> ()
    %lt3A_267 = arith.constant 2 : i32
    %lt3A_268 = arith.cmpi slt, %arg1, %lt3A_267 : i32
    %convert_element_type3A_269 = arith.extui %lt3A_268 : i1 to i32
    %cond3A_270 = arith.constant 0 : i32
    %cond3A_271 = arith.cmpi ne, %convert_element_type3A_269, %cond3A_270 : i32
    scf.if %cond3A_271 {
      "tpu.region"() ({
        %run_scoped3A_294 = tpu.sem_alloc : memref<!tpu.dma_semaphore, #tpu.memory_space<semaphore_mem>>
        %dma_start3A = arith.constant 0 : i32
        %dma_start3A_295 = arith.constant 0 : i32
        %dma_start3A_296 = tpu.memref_slice %arg17[%dma_start3A, %dma_start3A_295] : memref<128x32xf32, #tpu.memory_space<vmem>> -> memref<8x32xf32, #tpu.memory_space<vmem>>
        %dma_start3A_297 = arith.constant 0 : i32
        %dma_start3A_298 = tpu.memref_slice %arg22[%multiple_of3A_202, %dma_start3A_297] : memref<10000x32xf32, #tpu.memory_space<vmem_shared>> -> memref<8x32xf32, #tpu.memory_space<vmem_shared>>
        %dma_start3A_299 = arith.constant 0 : i32
        %dma_start3A_300 = tpu.memref_slice %arg22[%multiple_of3A_202, %dma_start3A_299] : memref<10000x32xf32, #tpu.memory_space<vmem_shared>> -> memref<8x32xf32, #tpu.memory_space<vmem_shared>>
        %dma_start3A_301 = arith.constant 0 : i32
        %dma_start3A_302 = arith.constant 0 : i32
        %dma_start3A_303 = tpu.memref_slice %arg17[%dma_start3A_301, %dma_start3A_302] : memref<128x32xf32, #tpu.memory_space<vmem>> -> memref<8x32xf32, #tpu.memory_space<vmem>>
        tpu.enqueue_dma source(%dma_start3A_303 : memref<8x32xf32, #tpu.memory_space<vmem>>) target(%dma_start3A_300 : memref<8x32xf32, #tpu.memory_space<vmem_shared>>) target_semaphore(%run_scoped3A_294 : memref<!tpu.dma_semaphore, #tpu.memory_space<semaphore_mem>>)
        %dma_wait3A = arith.constant 0 : i32
        %dma_wait3A_304 = arith.constant 0 : i32
        %dma_wait3A_305 = tpu.memref_slice %arg17[%dma_wait3A, %dma_wait3A_304] : memref<128x32xf32, #tpu.memory_space<vmem>> -> memref<8x32xf32, #tpu.memory_space<vmem>>
        %dma_wait3A_306 = arith.constant 0 : i32
        %dma_wait3A_307 = tpu.memref_slice %arg22[%multiple_of3A_202, %dma_wait3A_306] : memref<10000x32xf32, #tpu.memory_space<vmem_shared>> -> memref<8x32xf32, #tpu.memory_space<vmem_shared>>
        %dma_wait3A_308 = arith.constant 0 : i32
        %dma_wait3A_309 = tpu.memref_slice %arg22[%multiple_of3A_202, %dma_wait3A_308] : memref<10000x32xf32, #tpu.memory_space<vmem_shared>> -> memref<8x32xf32, #tpu.memory_space<vmem_shared>>
        %dma_wait3A_310 = arith.constant 0 : i32
        %dma_wait3A_311 = arith.constant 0 : i32
        %dma_wait3A_312 = tpu.memref_slice %arg17[%dma_wait3A_310, %dma_wait3A_311] : memref<128x32xf32, #tpu.memory_space<vmem>> -> memref<8x32xf32, #tpu.memory_space<vmem>>
        tpu.wait_dma2 semaphore(%run_scoped3A_294 : memref<!tpu.dma_semaphore, #tpu.memory_space<semaphore_mem>>) src(%dma_wait3A_312 : memref<8x32xf32, #tpu.memory_space<vmem>>) dst(%dma_wait3A_309 : memref<8x32xf32, #tpu.memory_space<vmem_shared>>)
        tpu.yield
      }) : () -> ()
    } else {
    }
    %barrier3A_272 = arith.constant 0 : index
    tpu.barrier barrier_id(%barrier3A_272)
    %scan3A_273 = arith.constant 0 : i32
    %scan3A_274 = arith.constant 0 : i32
    %scan3A_275 = arith.constant 79 : i32
    %scan3A_276 = arith.addi %scan3A_274, %scan3A_275 : i32
    %scan3A_277 = arith.constant 1 : i32
    %scan3A_278 = scf.for %scan3A_294 = %scan3A_274 to %scan3A_276 step %scan3A_277 iter_args(%scan3A_295 = %scan3A_273) -> (i32)  : i32 {
      %dma_start3A = arith.constant 0 : i32
      %dma_start3A_296 = tpu.memref_slice %arg10[%scan3A_294, %dma_start3A] : memref<79x128xi32, #tpu.memory_space<vmem>> -> memref<1x128xi32, #tpu.memory_space<vmem>>
      %dma_start3A_297 = tpu.memref_squeeze %dma_start3A_296 : memref<1x128xi32, #tpu.memory_space<vmem>> -> memref<128xi32, #tpu.memory_space<vmem>>
      %dma_start3A_298 = arith.constant 0 : i32
      %dma_start3A_299 = arith.constant 0 : i32
      %dma_start3A_300 = tpu.memref_slice %arg6[%dma_start3A_298, %dma_start3A_299] : memref<40000x32xf32, #tpu.memory_space<hbm>> -> memref<40000x32xf32, #tpu.memory_space<hbm>>
      tpu.enqueue_indirect_dma source(%dma_start3A_300 : memref<40000x32xf32, #tpu.memory_space<hbm>>) target(%arg17 : memref<128x32xf32, #tpu.memory_space<vmem>>) offsets(%dma_start3A_297 : memref<128xi32, #tpu.memory_space<vmem>>) semaphore(%arg23 : memref<!tpu.dma_semaphore, #tpu.memory_space<semaphore_mem>>)
      %dma_wait3A = arith.constant 0 : i32
      %dma_wait3A_301 = tpu.memref_slice %arg10[%scan3A_294, %dma_wait3A] : memref<79x128xi32, #tpu.memory_space<vmem>> -> memref<1x128xi32, #tpu.memory_space<vmem>>
      %dma_wait3A_302 = tpu.memref_squeeze %dma_wait3A_301 : memref<1x128xi32, #tpu.memory_space<vmem>> -> memref<128xi32, #tpu.memory_space<vmem>>
      %dma_wait3A_303 = arith.constant 0 : i32
      %dma_wait3A_304 = arith.constant 0 : i32
      %dma_wait3A_305 = tpu.memref_slice %arg6[%dma_wait3A_303, %dma_wait3A_304] : memref<40000x32xf32, #tpu.memory_space<hbm>> -> memref<40000x32xf32, #tpu.memory_space<hbm>>
      tpu.wait_indirect_dma semaphore(%arg23 : memref<!tpu.dma_semaphore, #tpu.memory_space<semaphore_mem>>) src(%dma_wait3A_305 : memref<40000x32xf32, #tpu.memory_space<hbm>>) dst(%arg17 : memref<128x32xf32, #tpu.memory_space<vmem>>)
      %scan3A_306 = arith.constant 0 : i32
      %scan3A_307 = arith.constant 0 : i32
      %scan3A_308 = arith.constant 8 : i32
      %scan3A_309 = arith.addi %scan3A_307, %scan3A_308 : i32
      %scan3A_310 = arith.constant 1 : i32
      %scan3A_311 = scf.for %scan3A_314 = %scan3A_307 to %scan3A_309 step %scan3A_310 iter_args(%scan3A_315 = %scan3A_306) -> (i32)  : i32 {
        %mul3A_316 = arith.constant 16 : i32
        %mul3A_317 = arith.muli %scan3A_314, %mul3A_316 : i32
        %get3A = arith.index_cast %scan3A_294 : i32 to index
        %get3A_318 = arith.index_cast %mul3A_317 : i32 to index
        %get3A_319 = tpu.vector_load %arg15[%get3A, %get3A_318] {strides = array<i32>} : memref<79x128xf32, #tpu.memory_space<vmem>>, vector<16xf32>,
        %slice3A = vector.extract_strided_slice %get3A_319 {offsets = [0], sizes = [1], strides = [1]} : vector<16xf32> to vector<1xf32>
        %squeeze3A = vector.extract %slice3A[0] : f32 from vector<1xf32>
        %mul3A_320 = arith.constant 16 : i32
        %mul3A_321 = arith.muli %scan3A_314, %mul3A_320 : i32
        %add3A_322 = arith.constant 0 : i32
        %add3A_323 = arith.addi %mul3A_321, %add3A_322 : i32
        %get3A_324 = arith.index_cast %add3A_323 : i32 to index
        %get3A_325 = arith.constant 0 : index
        %get3A_326 = tpu.vector_load %arg17[%get3A_324, %get3A_325] {strides = array<i32>} : memref<128x32xf32, #tpu.memory_space<vmem>>, vector<16xf32>,
        %mul3A_327 = vector.broadcast %squeeze3A : f32 to vector<16xf32>
        %mul3A_328 = arith.mulf %get3A_326, %mul3A_327 : vector<16xf32>
        %swap3A = arith.index_cast %add3A_323 : i32 to index
        %swap3A_329 = arith.constant 0 : index
        %swap3A_330 = tpu.vector_load %arg17[%swap3A, %swap3A_329] {strides = array<i32>} : memref<128x32xf32, #tpu.memory_space<vmem>>, vector<16xf32>,
        tpu.vector_store %arg17[%swap3A, %swap3A_329], %mul3A_328 {strides = array<i32>} : memref<128x32xf32, #tpu.memory_space<vmem>>, vector<16xf32>,
        %get3A_331 = arith.index_cast %add3A_323 : i32 to index
        %get3A_332 = arith.constant 16 : index
        %get3A_333 = tpu.vector_load %arg17[%get3A_331, %get3A_332] {strides = array<i32>} : memref<128x32xf32, #tpu.memory_space<vmem>>, vector<16xf32>,
        %mul3A_334 = vector.broadcast %squeeze3A : f32 to vector<16xf32>
        %mul3A_335 = arith.mulf %get3A_333, %mul3A_334 : vector<16xf32>
        %swap3A_336 = arith.index_cast %add3A_323 : i32 to index
        %swap3A_337 = arith.constant 16 : index
        %swap3A_338 = tpu.vector_load %arg17[%swap3A_336, %swap3A_337] {strides = array<i32>} : memref<128x32xf32, #tpu.memory_space<vmem>>, vector<16xf32>,
        tpu.vector_store %arg17[%swap3A_336, %swap3A_337], %mul3A_335 {strides = array<i32>} : memref<128x32xf32, #tpu.memory_space<vmem>>, vector<16xf32>,
        %slice3A_339 = vector.extract_strided_slice %get3A_319 {offsets = [1], sizes = [1], strides = [1]} : vector<16xf32> to vector<1xf32>
        %squeeze3A_340 = vector.extract %slice3A_339[0] : f32 from vector<1xf32>
        %mul3A_341 = arith.constant 16 : i32
        %mul3A_342 = arith.muli %scan3A_314, %mul3A_341 : i32
        %add3A_343 = arith.constant 1 : i32
        %add3A_344 = arith.addi %mul3A_342, %add3A_343 : i32
        %get3A_345 = arith.index_cast %add3A_344 : i32 to index
        %get3A_346 = arith.constant 0 : index
        %get3A_347 = tpu.vector_load %arg17[%get3A_345, %get3A_346] {strides = array<i32>} : memref<128x32xf32, #tpu.memory_space<vmem>>, vector<16xf32>,
        %mul3A_348 = vector.broadcast %squeeze3A_340 : f32 to vector<16xf32>
        %mul3A_349 = arith.mulf %get3A_347, %mul3A_348 : vector<16xf32>
        %swap3A_350 = arith.index_cast %add3A_344 : i32 to index
        %swap3A_351 = arith.constant 0 : index
        %swap3A_352 = tpu.vector_load %arg17[%swap3A_350, %swap3A_351] {strides = array<i32>} : memref<128x32xf32, #tpu.memory_space<vmem>>, vector<16xf32>,
        tpu.vector_store %arg17[%swap3A_350, %swap3A_351], %mul3A_349 {strides = array<i32>} : memref<128x32xf32, #tpu.memory_space<vmem>>, vector<16xf32>,
        %get3A_353 = arith.index_cast %add3A_344 : i32 to index
        %get3A_354 = arith.constant 16 : index
        %get3A_355 = tpu.vector_load %arg17[%get3A_353, %get3A_354] {strides = array<i32>} : memref<128x32xf32, #tpu.memory_space<vmem>>, vector<16xf32>,
        %mul3A_356 = vector.broadcast %squeeze3A_340 : f32 to vector<16xf32>
        %mul3A_357 = arith.mulf %get3A_355, %mul3A_356 : vector<16xf32>
        %swap3A_358 = arith.index_cast %add3A_344 : i32 to index
        %swap3A_359 = arith.constant 16 : index
        %swap3A_360 = tpu.vector_load %arg17[%swap3A_358, %swap3A_359] {strides = array<i32>} : memref<128x32xf32, #tpu.memory_space<vmem>>, vector<16xf32>,
        tpu.vector_store %arg17[%swap3A_358, %swap3A_359], %mul3A_357 {strides = array<i32>} : memref<128x32xf32, #tpu.memory_space<vmem>>, vector<16xf32>,
        %slice3A_361 = vector.extract_strided_slice %get3A_319 {offsets = [2], sizes = [1], strides = [1]} : vector<16xf32> to vector<1xf32>
        %squeeze3A_362 = vector.extract %slice3A_361[0] : f32 from vector<1xf32>
        %mul3A_363 = arith.constant 16 : i32
        %mul3A_364 = arith.muli %scan3A_314, %mul3A_363 : i32
        %add3A_365 = arith.constant 2 : i32
        %add3A_366 = arith.addi %mul3A_364, %add3A_365 : i32
        %get3A_367 = arith.index_cast %add3A_366 : i32 to index
        %get3A_368 = arith.constant 0 : index
        %get3A_369 = tpu.vector_load %arg17[%get3A_367, %get3A_368] {strides = array<i32>} : memref<128x32xf32, #tpu.memory_space<vmem>>, vector<16xf32>,
        %mul3A_370 = vector.broadcast %squeeze3A_362 : f32 to vector<16xf32>
        %mul3A_371 = arith.mulf %get3A_369, %mul3A_370 : vector<16xf32>
        %swap3A_372 = arith.index_cast %add3A_366 : i32 to index
        %swap3A_373 = arith.constant 0 : index
        %swap3A_374 = tpu.vector_load %arg17[%swap3A_372, %swap3A_373] {strides = array<i32>} : memref<128x32xf32, #tpu.memory_space<vmem>>, vector<16xf32>,
        tpu.vector_store %arg17[%swap3A_372, %swap3A_373], %mul3A_371 {strides = array<i32>} : memref<128x32xf32, #tpu.memory_space<vmem>>, vector<16xf32>,
        %get3A_375 = arith.index_cast %add3A_366 : i32 to index
        %get3A_376 = arith.constant 16 : index
        %get3A_377 = tpu.vector_load %arg17[%get3A_375, %get3A_376] {strides = array<i32>} : memref<128x32xf32, #tpu.memory_space<vmem>>, vector<16xf32>,
        %mul3A_378 = vector.broadcast %squeeze3A_362 : f32 to vector<16xf32>
        %mul3A_379 = arith.mulf %get3A_377, %mul3A_378 : vector<16xf32>
        %swap3A_380 = arith.index_cast %add3A_366 : i32 to index
        %swap3A_381 = arith.constant 16 : index
        %swap3A_382 = tpu.vector_load %arg17[%swap3A_380, %swap3A_381] {strides = array<i32>} : memref<128x32xf32, #tpu.memory_space<vmem>>, vector<16xf32>,
        tpu.vector_store %arg17[%swap3A_380, %swap3A_381], %mul3A_379 {strides = array<i32>} : memref<128x32xf32, #tpu.memory_space<vmem>>, vector<16xf32>,
        %slice3A_383 = vector.extract_strided_slice %get3A_319 {offsets = [3], sizes = [1], strides = [1]} : vector<16xf32> to vector<1xf32>
        %squeeze3A_384 = vector.extract %slice3A_383[0] : f32 from vector<1xf32>
        %mul3A_385 = arith.constant 16 : i32
        %mul3A_386 = arith.muli %scan3A_314, %mul3A_385 : i32
        %add3A_387 = arith.constant 3 : i32
        %add3A_388 = arith.addi %mul3A_386, %add3A_387 : i32
        %get3A_389 = arith.index_cast %add3A_388 : i32 to index
        %get3A_390 = arith.constant 0 : index
        %get3A_391 = tpu.vector_load %arg17[%get3A_389, %get3A_390] {strides = array<i32>} : memref<128x32xf32, #tpu.memory_space<vmem>>, vector<16xf32>,
        %mul3A_392 = vector.broadcast %squeeze3A_384 : f32 to vector<16xf32>
        %mul3A_393 = arith.mulf %get3A_391, %mul3A_392 : vector<16xf32>
        %swap3A_394 = arith.index_cast %add3A_388 : i32 to index
        %swap3A_395 = arith.constant 0 : index
        %swap3A_396 = tpu.vector_load %arg17[%swap3A_394, %swap3A_395] {strides = array<i32>} : memref<128x32xf32, #tpu.memory_space<vmem>>, vector<16xf32>,
        tpu.vector_store %arg17[%swap3A_394, %swap3A_395], %mul3A_393 {strides = array<i32>} : memref<128x32xf32, #tpu.memory_space<vmem>>, vector<16xf32>,
        %get3A_397 = arith.index_cast %add3A_388 : i32 to index
        %get3A_398 = arith.constant 16 : index
        %get3A_399 = tpu.vector_load %arg17[%get3A_397, %get3A_398] {strides = array<i32>} : memref<128x32xf32, #tpu.memory_space<vmem>>, vector<16xf32>,
        %mul3A_400 = vector.broadcast %squeeze3A_384 : f32 to vector<16xf32>
        %mul3A_401 = arith.mulf %get3A_399, %mul3A_400 : vector<16xf32>
        %swap3A_402 = arith.index_cast %add3A_388 : i32 to index
        %swap3A_403 = arith.constant 16 : index
        %swap3A_404 = tpu.vector_load %arg17[%swap3A_402, %swap3A_403] {strides = array<i32>} : memref<128x32xf32, #tpu.memory_space<vmem>>, vector<16xf32>,
        tpu.vector_store %arg17[%swap3A_402, %swap3A_403], %mul3A_401 {strides = array<i32>} : memref<128x32xf32, #tpu.memory_space<vmem>>, vector<16xf32>,
        %slice3A_405 = vector.extract_strided_slice %get3A_319 {offsets = [4], sizes = [1], strides = [1]} : vector<16xf32> to vector<1xf32>
        %squeeze3A_406 = vector.extract %slice3A_405[0] : f32 from vector<1xf32>
        %mul3A_407 = arith.constant 16 : i32
        %mul3A_408 = arith.muli %scan3A_314, %mul3A_407 : i32
        %add3A_409 = arith.constant 4 : i32
        %add3A_410 = arith.addi %mul3A_408, %add3A_409 : i32
        %get3A_411 = arith.index_cast %add3A_410 : i32 to index
        %get3A_412 = arith.constant 0 : index
        %get3A_413 = tpu.vector_load %arg17[%get3A_411, %get3A_412] {strides = array<i32>} : memref<128x32xf32, #tpu.memory_space<vmem>>, vector<16xf32>,
        %mul3A_414 = vector.broadcast %squeeze3A_406 : f32 to vector<16xf32>
        %mul3A_415 = arith.mulf %get3A_413, %mul3A_414 : vector<16xf32>
        %swap3A_416 = arith.index_cast %add3A_410 : i32 to index
        %swap3A_417 = arith.constant 0 : index
        %swap3A_418 = tpu.vector_load %arg17[%swap3A_416, %swap3A_417] {strides = array<i32>} : memref<128x32xf32, #tpu.memory_space<vmem>>, vector<16xf32>,
        tpu.vector_store %arg17[%swap3A_416, %swap3A_417], %mul3A_415 {strides = array<i32>} : memref<128x32xf32, #tpu.memory_space<vmem>>, vector<16xf32>,
        %get3A_419 = arith.index_cast %add3A_410 : i32 to index
        %get3A_420 = arith.constant 16 : index
        %get3A_421 = tpu.vector_load %arg17[%get3A_419, %get3A_420] {strides = array<i32>} : memref<128x32xf32, #tpu.memory_space<vmem>>, vector<16xf32>,
        %mul3A_422 = vector.broadcast %squeeze3A_406 : f32 to vector<16xf32>
        %mul3A_423 = arith.mulf %get3A_421, %mul3A_422 : vector<16xf32>
        %swap3A_424 = arith.index_cast %add3A_410 : i32 to index
        %swap3A_425 = arith.constant 16 : index
        %swap3A_426 = tpu.vector_load %arg17[%swap3A_424, %swap3A_425] {strides = array<i32>} : memref<128x32xf32, #tpu.memory_space<vmem>>, vector<16xf32>,
        tpu.vector_store %arg17[%swap3A_424, %swap3A_425], %mul3A_423 {strides = array<i32>} : memref<128x32xf32, #tpu.memory_space<vmem>>, vector<16xf32>,
        %slice3A_427 = vector.extract_strided_slice %get3A_319 {offsets = [5], sizes = [1], strides = [1]} : vector<16xf32> to vector<1xf32>
        %squeeze3A_428 = vector.extract %slice3A_427[0] : f32 from vector<1xf32>
        %mul3A_429 = arith.constant 16 : i32
        %mul3A_430 = arith.muli %scan3A_314, %mul3A_429 : i32
        %add3A_431 = arith.constant 5 : i32
        %add3A_432 = arith.addi %mul3A_430, %add3A_431 : i32
        %get3A_433 = arith.index_cast %add3A_432 : i32 to index
        %get3A_434 = arith.constant 0 : index
        %get3A_435 = tpu.vector_load %arg17[%get3A_433, %get3A_434] {strides = array<i32>} : memref<128x32xf32, #tpu.memory_space<vmem>>, vector<16xf32>,
        %mul3A_436 = vector.broadcast %squeeze3A_428 : f32 to vector<16xf32>
        %mul3A_437 = arith.mulf %get3A_435, %mul3A_436 : vector<16xf32>
        %swap3A_438 = arith.index_cast %add3A_432 : i32 to index
        %swap3A_439 = arith.constant 0 : index
        %swap3A_440 = tpu.vector_load %arg17[%swap3A_438, %swap3A_439] {strides = array<i32>} : memref<128x32xf32, #tpu.memory_space<vmem>>, vector<16xf32>,
        tpu.vector_store %arg17[%swap3A_438, %swap3A_439], %mul3A_437 {strides = array<i32>} : memref<128x32xf32, #tpu.memory_space<vmem>>, vector<16xf32>,
        %get3A_441 = arith.index_cast %add3A_432 : i32 to index
        %get3A_442 = arith.constant 16 : index
        %get3A_443 = tpu.vector_load %arg17[%get3A_441, %get3A_442] {strides = array<i32>} : memref<128x32xf32, #tpu.memory_space<vmem>>, vector<16xf32>,
        %mul3A_444 = vector.broadcast %squeeze3A_428 : f32 to vector<16xf32>
        %mul3A_445 = arith.mulf %get3A_443, %mul3A_444 : vector<16xf32>
        %swap3A_446 = arith.index_cast %add3A_432 : i32 to index
        %swap3A_447 = arith.constant 16 : index
        %swap3A_448 = tpu.vector_load %arg17[%swap3A_446, %swap3A_447] {strides = array<i32>} : memref<128x32xf32, #tpu.memory_space<vmem>>, vector<16xf32>,
        tpu.vector_store %arg17[%swap3A_446, %swap3A_447], %mul3A_445 {strides = array<i32>} : memref<128x32xf32, #tpu.memory_space<vmem>>, vector<16xf32>,
        %slice3A_449 = vector.extract_strided_slice %get3A_319 {offsets = [6], sizes = [1], strides = [1]} : vector<16xf32> to vector<1xf32>
        %squeeze3A_450 = vector.extract %slice3A_449[0] : f32 from vector<1xf32>
        %mul3A_451 = arith.constant 16 : i32
        %mul3A_452 = arith.muli %scan3A_314, %mul3A_451 : i32
        %add3A_453 = arith.constant 6 : i32
        %add3A_454 = arith.addi %mul3A_452, %add3A_453 : i32
        %get3A_455 = arith.index_cast %add3A_454 : i32 to index
        %get3A_456 = arith.constant 0 : index
        %get3A_457 = tpu.vector_load %arg17[%get3A_455, %get3A_456] {strides = array<i32>} : memref<128x32xf32, #tpu.memory_space<vmem>>, vector<16xf32>,
        %mul3A_458 = vector.broadcast %squeeze3A_450 : f32 to vector<16xf32>
        %mul3A_459 = arith.mulf %get3A_457, %mul3A_458 : vector<16xf32>
        %swap3A_460 = arith.index_cast %add3A_454 : i32 to index
        %swap3A_461 = arith.constant 0 : index
        %swap3A_462 = tpu.vector_load %arg17[%swap3A_460, %swap3A_461] {strides = array<i32>} : memref<128x32xf32, #tpu.memory_space<vmem>>, vector<16xf32>,
        tpu.vector_store %arg17[%swap3A_460, %swap3A_461], %mul3A_459 {strides = array<i32>} : memref<128x32xf32, #tpu.memory_space<vmem>>, vector<16xf32>,
        %get3A_463 = arith.index_cast %add3A_454 : i32 to index
        %get3A_464 = arith.constant 16 : index
        %get3A_465 = tpu.vector_load %arg17[%get3A_463, %get3A_464] {strides = array<i32>} : memref<128x32xf32, #tpu.memory_space<vmem>>, vector<16xf32>,
        %mul3A_466 = vector.broadcast %squeeze3A_450 : f32 to vector<16xf32>
        %mul3A_467 = arith.mulf %get3A_465, %mul3A_466 : vector<16xf32>
        %swap3A_468 = arith.index_cast %add3A_454 : i32 to index
        %swap3A_469 = arith.constant 16 : index
        %swap3A_470 = tpu.vector_load %arg17[%swap3A_468, %swap3A_469] {strides = array<i32>} : memref<128x32xf32, #tpu.memory_space<vmem>>, vector<16xf32>,
        tpu.vector_store %arg17[%swap3A_468, %swap3A_469], %mul3A_467 {strides = array<i32>} : memref<128x32xf32, #tpu.memory_space<vmem>>, vector<16xf32>,
        %slice3A_471 = vector.extract_strided_slice %get3A_319 {offsets = [7], sizes = [1], strides = [1]} : vector<16xf32> to vector<1xf32>
        %squeeze3A_472 = vector.extract %slice3A_471[0] : f32 from vector<1xf32>
        %mul3A_473 = arith.constant 16 : i32
        %mul3A_474 = arith.muli %scan3A_314, %mul3A_473 : i32
        %add3A_475 = arith.constant 7 : i32
        %add3A_476 = arith.addi %mul3A_474, %add3A_475 : i32
        %get3A_477 = arith.index_cast %add3A_476 : i32 to index
        %get3A_478 = arith.constant 0 : index
        %get3A_479 = tpu.vector_load %arg17[%get3A_477, %get3A_478] {strides = array<i32>} : memref<128x32xf32, #tpu.memory_space<vmem>>, vector<16xf32>,
        %mul3A_480 = vector.broadcast %squeeze3A_472 : f32 to vector<16xf32>
        %mul3A_481 = arith.mulf %get3A_479, %mul3A_480 : vector<16xf32>
        %swap3A_482 = arith.index_cast %add3A_476 : i32 to index
        %swap3A_483 = arith.constant 0 : index
        %swap3A_484 = tpu.vector_load %arg17[%swap3A_482, %swap3A_483] {strides = array<i32>} : memref<128x32xf32, #tpu.memory_space<vmem>>, vector<16xf32>,
        tpu.vector_store %arg17[%swap3A_482, %swap3A_483], %mul3A_481 {strides = array<i32>} : memref<128x32xf32, #tpu.memory_space<vmem>>, vector<16xf32>,
        %get3A_485 = arith.index_cast %add3A_476 : i32 to index
        %get3A_486 = arith.constant 16 : index
        %get3A_487 = tpu.vector_load %arg17[%get3A_485, %get3A_486] {strides = array<i32>} : memref<128x32xf32, #tpu.memory_space<vmem>>, vector<16xf32>,
        %mul3A_488 = vector.broadcast %squeeze3A_472 : f32 to vector<16xf32>
        %mul3A_489 = arith.mulf %get3A_487, %mul3A_488 : vector<16xf32>
        %swap3A_490 = arith.index_cast %add3A_476 : i32 to index
        %swap3A_491 = arith.constant 16 : index
        %swap3A_492 = tpu.vector_load %arg17[%swap3A_490, %swap3A_491] {strides = array<i32>} : memref<128x32xf32, #tpu.memory_space<vmem>>, vector<16xf32>,
        tpu.vector_store %arg17[%swap3A_490, %swap3A_491], %mul3A_489 {strides = array<i32>} : memref<128x32xf32, #tpu.memory_space<vmem>>, vector<16xf32>,
        %slice3A_493 = vector.extract_strided_slice %get3A_319 {offsets = [8], sizes = [1], strides = [1]} : vector<16xf32> to vector<1xf32>
        %squeeze3A_494 = vector.extract %slice3A_493[0] : f32 from vector<1xf32>
        %mul3A_495 = arith.constant 16 : i32
        %mul3A_496 = arith.muli %scan3A_314, %mul3A_495 : i32
        %add3A_497 = arith.constant 8 : i32
        %add3A_498 = arith.addi %mul3A_496, %add3A_497 : i32
        %get3A_499 = arith.index_cast %add3A_498 : i32 to index
        %get3A_500 = arith.constant 0 : index
        %get3A_501 = tpu.vector_load %arg17[%get3A_499, %get3A_500] {strides = array<i32>} : memref<128x32xf32, #tpu.memory_space<vmem>>, vector<16xf32>,
        %mul3A_502 = vector.broadcast %squeeze3A_494 : f32 to vector<16xf32>
        %mul3A_503 = arith.mulf %get3A_501, %mul3A_502 : vector<16xf32>
        %swap3A_504 = arith.index_cast %add3A_498 : i32 to index
        %swap3A_505 = arith.constant 0 : index
        %swap3A_506 = tpu.vector_load %arg17[%swap3A_504, %swap3A_505] {strides = array<i32>} : memref<128x32xf32, #tpu.memory_space<vmem>>, vector<16xf32>,
        tpu.vector_store %arg17[%swap3A_504, %swap3A_505], %mul3A_503 {strides = array<i32>} : memref<128x32xf32, #tpu.memory_space<vmem>>, vector<16xf32>,
        %get3A_507 = arith.index_cast %add3A_498 : i32 to index
        %get3A_508 = arith.constant 16 : index
        %get3A_509 = tpu.vector_load %arg17[%get3A_507, %get3A_508] {strides = array<i32>} : memref<128x32xf32, #tpu.memory_space<vmem>>, vector<16xf32>,
        %mul3A_510 = vector.broadcast %squeeze3A_494 : f32 to vector<16xf32>
        %mul3A_511 = arith.mulf %get3A_509, %mul3A_510 : vector<16xf32>
        %swap3A_512 = arith.index_cast %add3A_498 : i32 to index
        %swap3A_513 = arith.constant 16 : index
        %swap3A_514 = tpu.vector_load %arg17[%swap3A_512, %swap3A_513] {strides = array<i32>} : memref<128x32xf32, #tpu.memory_space<vmem>>, vector<16xf32>,
        tpu.vector_store %arg17[%swap3A_512, %swap3A_513], %mul3A_511 {strides = array<i32>} : memref<128x32xf32, #tpu.memory_space<vmem>>, vector<16xf32>,
        %slice3A_515 = vector.extract_strided_slice %get3A_319 {offsets = [9], sizes = [1], strides = [1]} : vector<16xf32> to vector<1xf32>
        %squeeze3A_516 = vector.extract %slice3A_515[0] : f32 from vector<1xf32>
        %mul3A_517 = arith.constant 16 : i32
        %mul3A_518 = arith.muli %scan3A_314, %mul3A_517 : i32
        %add3A_519 = arith.constant 9 : i32
        %add3A_520 = arith.addi %mul3A_518, %add3A_519 : i32
        %get3A_521 = arith.index_cast %add3A_520 : i32 to index
        %get3A_522 = arith.constant 0 : index
        %get3A_523 = tpu.vector_load %arg17[%get3A_521, %get3A_522] {strides = array<i32>} : memref<128x32xf32, #tpu.memory_space<vmem>>, vector<16xf32>,
        %mul3A_524 = vector.broadcast %squeeze3A_516 : f32 to vector<16xf32>
        %mul3A_525 = arith.mulf %get3A_523, %mul3A_524 : vector<16xf32>
        %swap3A_526 = arith.index_cast %add3A_520 : i32 to index
        %swap3A_527 = arith.constant 0 : index
        %swap3A_528 = tpu.vector_load %arg17[%swap3A_526, %swap3A_527] {strides = array<i32>} : memref<128x32xf32, #tpu.memory_space<vmem>>, vector<16xf32>,
        tpu.vector_store %arg17[%swap3A_526, %swap3A_527], %mul3A_525 {strides = array<i32>} : memref<128x32xf32, #tpu.memory_space<vmem>>, vector<16xf32>,
        %get3A_529 = arith.index_cast %add3A_520 : i32 to index
        %get3A_530 = arith.constant 16 : index
        %get3A_531 = tpu.vector_load %arg17[%get3A_529, %get3A_530] {strides = array<i32>} : memref<128x32xf32, #tpu.memory_space<vmem>>, vector<16xf32>,
        %mul3A_532 = vector.broadcast %squeeze3A_516 : f32 to vector<16xf32>
        %mul3A_533 = arith.mulf %get3A_531, %mul3A_532 : vector<16xf32>
        %swap3A_534 = arith.index_cast %add3A_520 : i32 to index
        %swap3A_535 = arith.constant 16 : index
        %swap3A_536 = tpu.vector_load %arg17[%swap3A_534, %swap3A_535] {strides = array<i32>} : memref<128x32xf32, #tpu.memory_space<vmem>>, vector<16xf32>,
        tpu.vector_store %arg17[%swap3A_534, %swap3A_535], %mul3A_533 {strides = array<i32>} : memref<128x32xf32, #tpu.memory_space<vmem>>, vector<16xf32>,
        %slice3A_537 = vector.extract_strided_slice %get3A_319 {offsets = [10], sizes = [1], strides = [1]} : vector<16xf32> to vector<1xf32>
        %squeeze3A_538 = vector.extract %slice3A_537[0] : f32 from vector<1xf32>
        %mul3A_539 = arith.constant 16 : i32
        %mul3A_540 = arith.muli %scan3A_314, %mul3A_539 : i32
        %add3A_541 = arith.constant 10 : i32
        %add3A_542 = arith.addi %mul3A_540, %add3A_541 : i32
        %get3A_543 = arith.index_cast %add3A_542 : i32 to index
        %get3A_544 = arith.constant 0 : index
        %get3A_545 = tpu.vector_load %arg17[%get3A_543, %get3A_544] {strides = array<i32>} : memref<128x32xf32, #tpu.memory_space<vmem>>, vector<16xf32>,
        %mul3A_546 = vector.broadcast %squeeze3A_538 : f32 to vector<16xf32>
        %mul3A_547 = arith.mulf %get3A_545, %mul3A_546 : vector<16xf32>
        %swap3A_548 = arith.index_cast %add3A_542 : i32 to index
        %swap3A_549 = arith.constant 0 : index
        %swap3A_550 = tpu.vector_load %arg17[%swap3A_548, %swap3A_549] {strides = array<i32>} : memref<128x32xf32, #tpu.memory_space<vmem>>, vector<16xf32>,
        tpu.vector_store %arg17[%swap3A_548, %swap3A_549], %mul3A_547 {strides = array<i32>} : memref<128x32xf32, #tpu.memory_space<vmem>>, vector<16xf32>,
        %get3A_551 = arith.index_cast %add3A_542 : i32 to index
        %get3A_552 = arith.constant 16 : index
        %get3A_553 = tpu.vector_load %arg17[%get3A_551, %get3A_552] {strides = array<i32>} : memref<128x32xf32, #tpu.memory_space<vmem>>, vector<16xf32>,
        %mul3A_554 = vector.broadcast %squeeze3A_538 : f32 to vector<16xf32>
        %mul3A_555 = arith.mulf %get3A_553, %mul3A_554 : vector<16xf32>
        %swap3A_556 = arith.index_cast %add3A_542 : i32 to index
        %swap3A_557 = arith.constant 16 : index
        %swap3A_558 = tpu.vector_load %arg17[%swap3A_556, %swap3A_557] {strides = array<i32>} : memref<128x32xf32, #tpu.memory_space<vmem>>, vector<16xf32>,
        tpu.vector_store %arg17[%swap3A_556, %swap3A_557], %mul3A_555 {strides = array<i32>} : memref<128x32xf32, #tpu.memory_space<vmem>>, vector<16xf32>,
        %slice3A_559 = vector.extract_strided_slice %get3A_319 {offsets = [11], sizes = [1], strides = [1]} : vector<16xf32> to vector<1xf32>
        %squeeze3A_560 = vector.extract %slice3A_559[0] : f32 from vector<1xf32>
        %mul3A_561 = arith.constant 16 : i32
        %mul3A_562 = arith.muli %scan3A_314, %mul3A_561 : i32
        %add3A_563 = arith.constant 11 : i32
        %add3A_564 = arith.addi %mul3A_562, %add3A_563 : i32
        %get3A_565 = arith.index_cast %add3A_564 : i32 to index
        %get3A_566 = arith.constant 0 : index
        %get3A_567 = tpu.vector_load %arg17[%get3A_565, %get3A_566] {strides = array<i32>} : memref<128x32xf32, #tpu.memory_space<vmem>>, vector<16xf32>,
        %mul3A_568 = vector.broadcast %squeeze3A_560 : f32 to vector<16xf32>
        %mul3A_569 = arith.mulf %get3A_567, %mul3A_568 : vector<16xf32>
        %swap3A_570 = arith.index_cast %add3A_564 : i32 to index
        %swap3A_571 = arith.constant 0 : index
        %swap3A_572 = tpu.vector_load %arg17[%swap3A_570, %swap3A_571] {strides = array<i32>} : memref<128x32xf32, #tpu.memory_space<vmem>>, vector<16xf32>,
        tpu.vector_store %arg17[%swap3A_570, %swap3A_571], %mul3A_569 {strides = array<i32>} : memref<128x32xf32, #tpu.memory_space<vmem>>, vector<16xf32>,
        %get3A_573 = arith.index_cast %add3A_564 : i32 to index
        %get3A_574 = arith.constant 16 : index
        %get3A_575 = tpu.vector_load %arg17[%get3A_573, %get3A_574] {strides = array<i32>} : memref<128x32xf32, #tpu.memory_space<vmem>>, vector<16xf32>,
        %mul3A_576 = vector.broadcast %squeeze3A_560 : f32 to vector<16xf32>
        %mul3A_577 = arith.mulf %get3A_575, %mul3A_576 : vector<16xf32>
        %swap3A_578 = arith.index_cast %add3A_564 : i32 to index
        %swap3A_579 = arith.constant 16 : index
        %swap3A_580 = tpu.vector_load %arg17[%swap3A_578, %swap3A_579] {strides = array<i32>} : memref<128x32xf32, #tpu.memory_space<vmem>>, vector<16xf32>,
        tpu.vector_store %arg17[%swap3A_578, %swap3A_579], %mul3A_577 {strides = array<i32>} : memref<128x32xf32, #tpu.memory_space<vmem>>, vector<16xf32>,
        %slice3A_581 = vector.extract_strided_slice %get3A_319 {offsets = [12], sizes = [1], strides = [1]} : vector<16xf32> to vector<1xf32>
        %squeeze3A_582 = vector.extract %slice3A_581[0] : f32 from vector<1xf32>
        %mul3A_583 = arith.constant 16 : i32
        %mul3A_584 = arith.muli %scan3A_314, %mul3A_583 : i32
        %add3A_585 = arith.constant 12 : i32
        %add3A_586 = arith.addi %mul3A_584, %add3A_585 : i32
        %get3A_587 = arith.index_cast %add3A_586 : i32 to index
        %get3A_588 = arith.constant 0 : index
        %get3A_589 = tpu.vector_load %arg17[%get3A_587, %get3A_588] {strides = array<i32>} : memref<128x32xf32, #tpu.memory_space<vmem>>, vector<16xf32>,
        %mul3A_590 = vector.broadcast %squeeze3A_582 : f32 to vector<16xf32>
        %mul3A_591 = arith.mulf %get3A_589, %mul3A_590 : vector<16xf32>
        %swap3A_592 = arith.index_cast %add3A_586 : i32 to index
        %swap3A_593 = arith.constant 0 : index
        %swap3A_594 = tpu.vector_load %arg17[%swap3A_592, %swap3A_593] {strides = array<i32>} : memref<128x32xf32, #tpu.memory_space<vmem>>, vector<16xf32>,
        tpu.vector_store %arg17[%swap3A_592, %swap3A_593], %mul3A_591 {strides = array<i32>} : memref<128x32xf32, #tpu.memory_space<vmem>>, vector<16xf32>,
        %get3A_595 = arith.index_cast %add3A_586 : i32 to index
        %get3A_596 = arith.constant 16 : index
        %get3A_597 = tpu.vector_load %arg17[%get3A_595, %get3A_596] {strides = array<i32>} : memref<128x32xf32, #tpu.memory_space<vmem>>, vector<16xf32>,
        %mul3A_598 = vector.broadcast %squeeze3A_582 : f32 to vector<16xf32>
        %mul3A_599 = arith.mulf %get3A_597, %mul3A_598 : vector<16xf32>
        %swap3A_600 = arith.index_cast %add3A_586 : i32 to index
        %swap3A_601 = arith.constant 16 : index
        %swap3A_602 = tpu.vector_load %arg17[%swap3A_600, %swap3A_601] {strides = array<i32>} : memref<128x32xf32, #tpu.memory_space<vmem>>, vector<16xf32>,
        tpu.vector_store %arg17[%swap3A_600, %swap3A_601], %mul3A_599 {strides = array<i32>} : memref<128x32xf32, #tpu.memory_space<vmem>>, vector<16xf32>,
        %slice3A_603 = vector.extract_strided_slice %get3A_319 {offsets = [13], sizes = [1], strides = [1]} : vector<16xf32> to vector<1xf32>
        %squeeze3A_604 = vector.extract %slice3A_603[0] : f32 from vector<1xf32>
        %mul3A_605 = arith.constant 16 : i32
        %mul3A_606 = arith.muli %scan3A_314, %mul3A_605 : i32
        %add3A_607 = arith.constant 13 : i32
        %add3A_608 = arith.addi %mul3A_606, %add3A_607 : i32
        %get3A_609 = arith.index_cast %add3A_608 : i32 to index
        %get3A_610 = arith.constant 0 : index
        %get3A_611 = tpu.vector_load %arg17[%get3A_609, %get3A_610] {strides = array<i32>} : memref<128x32xf32, #tpu.memory_space<vmem>>, vector<16xf32>,
        %mul3A_612 = vector.broadcast %squeeze3A_604 : f32 to vector<16xf32>
        %mul3A_613 = arith.mulf %get3A_611, %mul3A_612 : vector<16xf32>
        %swap3A_614 = arith.index_cast %add3A_608 : i32 to index
        %swap3A_615 = arith.constant 0 : index
        %swap3A_616 = tpu.vector_load %arg17[%swap3A_614, %swap3A_615] {strides = array<i32>} : memref<128x32xf32, #tpu.memory_space<vmem>>, vector<16xf32>,
        tpu.vector_store %arg17[%swap3A_614, %swap3A_615], %mul3A_613 {strides = array<i32>} : memref<128x32xf32, #tpu.memory_space<vmem>>, vector<16xf32>,
        %get3A_617 = arith.index_cast %add3A_608 : i32 to index
        %get3A_618 = arith.constant 16 : index
        %get3A_619 = tpu.vector_load %arg17[%get3A_617, %get3A_618] {strides = array<i32>} : memref<128x32xf32, #tpu.memory_space<vmem>>, vector<16xf32>,
        %mul3A_620 = vector.broadcast %squeeze3A_604 : f32 to vector<16xf32>
        %mul3A_621 = arith.mulf %get3A_619, %mul3A_620 : vector<16xf32>
        %swap3A_622 = arith.index_cast %add3A_608 : i32 to index
        %swap3A_623 = arith.constant 16 : index
        %swap3A_624 = tpu.vector_load %arg17[%swap3A_622, %swap3A_623] {strides = array<i32>} : memref<128x32xf32, #tpu.memory_space<vmem>>, vector<16xf32>,
        tpu.vector_store %arg17[%swap3A_622, %swap3A_623], %mul3A_621 {strides = array<i32>} : memref<128x32xf32, #tpu.memory_space<vmem>>, vector<16xf32>,
        %slice3A_625 = vector.extract_strided_slice %get3A_319 {offsets = [14], sizes = [1], strides = [1]} : vector<16xf32> to vector<1xf32>
        %squeeze3A_626 = vector.extract %slice3A_625[0] : f32 from vector<1xf32>
        %mul3A_627 = arith.constant 16 : i32
        %mul3A_628 = arith.muli %scan3A_314, %mul3A_627 : i32
        %add3A_629 = arith.constant 14 : i32
        %add3A_630 = arith.addi %mul3A_628, %add3A_629 : i32
        %get3A_631 = arith.index_cast %add3A_630 : i32 to index
        %get3A_632 = arith.constant 0 : index
        %get3A_633 = tpu.vector_load %arg17[%get3A_631, %get3A_632] {strides = array<i32>} : memref<128x32xf32, #tpu.memory_space<vmem>>, vector<16xf32>,
        %mul3A_634 = vector.broadcast %squeeze3A_626 : f32 to vector<16xf32>
        %mul3A_635 = arith.mulf %get3A_633, %mul3A_634 : vector<16xf32>
        %swap3A_636 = arith.index_cast %add3A_630 : i32 to index
        %swap3A_637 = arith.constant 0 : index
        %swap3A_638 = tpu.vector_load %arg17[%swap3A_636, %swap3A_637] {strides = array<i32>} : memref<128x32xf32, #tpu.memory_space<vmem>>, vector<16xf32>,
        tpu.vector_store %arg17[%swap3A_636, %swap3A_637], %mul3A_635 {strides = array<i32>} : memref<128x32xf32, #tpu.memory_space<vmem>>, vector<16xf32>,
        %get3A_639 = arith.index_cast %add3A_630 : i32 to index
        %get3A_640 = arith.constant 16 : index
        %get3A_641 = tpu.vector_load %arg17[%get3A_639, %get3A_640] {strides = array<i32>} : memref<128x32xf32, #tpu.memory_space<vmem>>, vector<16xf32>,
        %mul3A_642 = vector.broadcast %squeeze3A_626 : f32 to vector<16xf32>
        %mul3A_643 = arith.mulf %get3A_641, %mul3A_642 : vector<16xf32>
        %swap3A_644 = arith.index_cast %add3A_630 : i32 to index
        %swap3A_645 = arith.constant 16 : index
        %swap3A_646 = tpu.vector_load %arg17[%swap3A_644, %swap3A_645] {strides = array<i32>} : memref<128x32xf32, #tpu.memory_space<vmem>>, vector<16xf32>,
        tpu.vector_store %arg17[%swap3A_644, %swap3A_645], %mul3A_643 {strides = array<i32>} : memref<128x32xf32, #tpu.memory_space<vmem>>, vector<16xf32>,
        %slice3A_647 = vector.extract_strided_slice %get3A_319 {offsets = [15], sizes = [1], strides = [1]} : vector<16xf32> to vector<1xf32>
        %squeeze3A_648 = vector.extract %slice3A_647[0] : f32 from vector<1xf32>
        %mul3A_649 = arith.constant 16 : i32
        %mul3A_650 = arith.muli %scan3A_314, %mul3A_649 : i32
        %add3A_651 = arith.constant 15 : i32
        %add3A_652 = arith.addi %mul3A_650, %add3A_651 : i32
        %get3A_653 = arith.index_cast %add3A_652 : i32 to index
        %get3A_654 = arith.constant 0 : index
        %get3A_655 = tpu.vector_load %arg17[%get3A_653, %get3A_654] {strides = array<i32>} : memref<128x32xf32, #tpu.memory_space<vmem>>, vector<16xf32>,
        %mul3A_656 = vector.broadcast %squeeze3A_648 : f32 to vector<16xf32>
        %mul3A_657 = arith.mulf %get3A_655, %mul3A_656 : vector<16xf32>
        %swap3A_658 = arith.index_cast %add3A_652 : i32 to index
        %swap3A_659 = arith.constant 0 : index
        %swap3A_660 = tpu.vector_load %arg17[%swap3A_658, %swap3A_659] {strides = array<i32>} : memref<128x32xf32, #tpu.memory_space<vmem>>, vector<16xf32>,
        tpu.vector_store %arg17[%swap3A_658, %swap3A_659], %mul3A_657 {strides = array<i32>} : memref<128x32xf32, #tpu.memory_space<vmem>>, vector<16xf32>,
        %get3A_661 = arith.index_cast %add3A_652 : i32 to index
        %get3A_662 = arith.constant 16 : index
        %get3A_663 = tpu.vector_load %arg17[%get3A_661, %get3A_662] {strides = array<i32>} : memref<128x32xf32, #tpu.memory_space<vmem>>, vector<16xf32>,
        %mul3A_664 = vector.broadcast %squeeze3A_648 : f32 to vector<16xf32>
        %mul3A_665 = arith.mulf %get3A_663, %mul3A_664 : vector<16xf32>
        %swap3A_666 = arith.index_cast %add3A_652 : i32 to index
        %swap3A_667 = arith.constant 16 : index
        %swap3A_668 = tpu.vector_load %arg17[%swap3A_666, %swap3A_667] {strides = array<i32>} : memref<128x32xf32, #tpu.memory_space<vmem>>, vector<16xf32>,
        tpu.vector_store %arg17[%swap3A_666, %swap3A_667], %mul3A_665 {strides = array<i32>} : memref<128x32xf32, #tpu.memory_space<vmem>>, vector<16xf32>,
        %scan3A_669 = arith.constant 0 : i32
        scf.yield %scan3A_669 : i32
      }
      %scan3A_312 = arith.constant 8 : i32
      "tpu.region"() ({
        %run_scoped3A_314 = tpu.sem_alloc : memref<!tpu.dma_semaphore, #tpu.memory_space<semaphore_mem>>
        %dma_start3A_315 = arith.constant 0 : i32
        %dma_start3A_316 = tpu.memref_slice %arg11[%scan3A_294, %dma_start3A_315] : memref<79x128xi32, #tpu.memory_space<vmem>> -> memref<1x128xi32, #tpu.memory_space<vmem>>
        %dma_start3A_317 = tpu.memref_squeeze %dma_start3A_316 : memref<1x128xi32, #tpu.memory_space<vmem>> -> memref<128xi32, #tpu.memory_space<vmem>>
        %dma_start3A_318 = arith.constant 0 : i32
        %dma_start3A_319 = arith.constant 0 : i32
        %dma_start3A_320 = tpu.memref_slice %arg22[%dma_start3A_318, %dma_start3A_319] : memref<10000x32xf32, #tpu.memory_space<vmem_shared>> -> memref<10000x32xf32, #tpu.memory_space<vmem_shared>>
        tpu.enqueue_indirect_dma source(%arg17 : memref<128x32xf32, #tpu.memory_space<vmem>>) target(%dma_start3A_320 : memref<10000x32xf32, #tpu.memory_space<vmem_shared>>) offsets(%dma_start3A_317 : memref<128xi32, #tpu.memory_space<vmem>>) semaphore(%run_scoped3A_314 : memref<!tpu.dma_semaphore, #tpu.memory_space<semaphore_mem>>) {add = true}
        %dma_wait3A_321 = arith.constant 0 : i32
        %dma_wait3A_322 = tpu.memref_slice %arg11[%scan3A_294, %dma_wait3A_321] : memref<79x128xi32, #tpu.memory_space<vmem>> -> memref<1x128xi32, #tpu.memory_space<vmem>>
        %dma_wait3A_323 = tpu.memref_squeeze %dma_wait3A_322 : memref<1x128xi32, #tpu.memory_space<vmem>> -> memref<128xi32, #tpu.memory_space<vmem>>
        %dma_wait3A_324 = arith.constant 0 : i32
        %dma_wait3A_325 = arith.constant 0 : i32
        %dma_wait3A_326 = tpu.memref_slice %arg22[%dma_wait3A_324, %dma_wait3A_325] : memref<10000x32xf32, #tpu.memory_space<vmem_shared>> -> memref<10000x32xf32, #tpu.memory_space<vmem_shared>>
        tpu.wait_indirect_dma semaphore(%run_scoped3A_314 : memref<!tpu.dma_semaphore, #tpu.memory_space<semaphore_mem>>) src(%arg17 : memref<128x32xf32, #tpu.memory_space<vmem>>) dst(%dma_wait3A_326 : memref<10000x32xf32, #tpu.memory_space<vmem_shared>>)
        tpu.yield
      }) : () -> ()
      %scan3A_313 = arith.constant 0 : i32
      scf.yield %scan3A_313 : i32
    }
    %scan3A_279 = arith.constant 79 : i32
    %scan3A_280 = arith.constant 0 : i32
    %scan3A_281 = arith.constant 0 : i32
    %scan3A_282 = arith.constant 79 : i32
    %scan3A_283 = arith.addi %scan3A_281, %scan3A_282 : i32
    %scan3A_284 = arith.constant 1 : i32
    %scan3A_285 = scf.for %scan3A_294 = %scan3A_281 to %scan3A_283 step %scan3A_284 iter_args(%scan3A_295 = %scan3A_280) -> (i32)  : i32 {
      %dma_start3A = arith.constant 0 : i32
      %dma_start3A_296 = tpu.memref_slice %arg12[%scan3A_294, %dma_start3A] : memref<79x128xi32, #tpu.memory_space<vmem>> -> memref<1x128xi32, #tpu.memory_space<vmem>>
      %dma_start3A_297 = tpu.memref_squeeze %dma_start3A_296 : memref<1x128xi32, #tpu.memory_space<vmem>> -> memref<128xi32, #tpu.memory_space<vmem>>
      %dma_start3A_298 = arith.constant 0 : i32
      %dma_start3A_299 = arith.constant 0 : i32
      %dma_start3A_300 = tpu.memref_slice %arg6[%dma_start3A_298, %dma_start3A_299] : memref<40000x32xf32, #tpu.memory_space<hbm>> -> memref<40000x32xf32, #tpu.memory_space<hbm>>
      tpu.enqueue_indirect_dma source(%dma_start3A_300 : memref<40000x32xf32, #tpu.memory_space<hbm>>) target(%arg17 : memref<128x32xf32, #tpu.memory_space<vmem>>) offsets(%dma_start3A_297 : memref<128xi32, #tpu.memory_space<vmem>>) semaphore(%arg23 : memref<!tpu.dma_semaphore, #tpu.memory_space<semaphore_mem>>)
      %dma_wait3A = arith.constant 0 : i32
      %dma_wait3A_301 = tpu.memref_slice %arg12[%scan3A_294, %dma_wait3A] : memref<79x128xi32, #tpu.memory_space<vmem>> -> memref<1x128xi32, #tpu.memory_space<vmem>>
      %dma_wait3A_302 = tpu.memref_squeeze %dma_wait3A_301 : memref<1x128xi32, #tpu.memory_space<vmem>> -> memref<128xi32, #tpu.memory_space<vmem>>
      %dma_wait3A_303 = arith.constant 0 : i32
      %dma_wait3A_304 = arith.constant 0 : i32
      %dma_wait3A_305 = tpu.memref_slice %arg6[%dma_wait3A_303, %dma_wait3A_304] : memref<40000x32xf32, #tpu.memory_space<hbm>> -> memref<40000x32xf32, #tpu.memory_space<hbm>>
      tpu.wait_indirect_dma semaphore(%arg23 : memref<!tpu.dma_semaphore, #tpu.memory_space<semaphore_mem>>) src(%dma_wait3A_305 : memref<40000x32xf32, #tpu.memory_space<hbm>>) dst(%arg17 : memref<128x32xf32, #tpu.memory_space<vmem>>)
      %scan3A_306 = arith.constant 0 : i32
      %scan3A_307 = arith.constant 0 : i32
      %scan3A_308 = arith.constant 8 : i32
      %scan3A_309 = arith.addi %scan3A_307, %scan3A_308 : i32
      %scan3A_310 = arith.constant 1 : i32
      %scan3A_311 = scf.for %scan3A_314 = %scan3A_307 to %scan3A_309 step %scan3A_310 iter_args(%scan3A_315 = %scan3A_306) -> (i32)  : i32 {
        %mul3A_316 = arith.constant 16 : i32
        %mul3A_317 = arith.muli %scan3A_314, %mul3A_316 : i32
        %get3A = arith.index_cast %scan3A_294 : i32 to index
        %get3A_318 = arith.index_cast %mul3A_317 : i32 to index
        %get3A_319 = tpu.vector_load %arg16[%get3A, %get3A_318] {strides = array<i32>} : memref<79x128xf32, #tpu.memory_space<vmem>>, vector<16xf32>,
        %slice3A = vector.extract_strided_slice %get3A_319 {offsets = [0], sizes = [1], strides = [1]} : vector<16xf32> to vector<1xf32>
        %squeeze3A = vector.extract %slice3A[0] : f32 from vector<1xf32>
        %mul3A_320 = arith.constant 16 : i32
        %mul3A_321 = arith.muli %scan3A_314, %mul3A_320 : i32
        %add3A_322 = arith.constant 0 : i32
        %add3A_323 = arith.addi %mul3A_321, %add3A_322 : i32
        %get3A_324 = arith.index_cast %add3A_323 : i32 to index
        %get3A_325 = arith.constant 0 : index
        %get3A_326 = tpu.vector_load %arg17[%get3A_324, %get3A_325] {strides = array<i32>} : memref<128x32xf32, #tpu.memory_space<vmem>>, vector<16xf32>,
        %mul3A_327 = vector.broadcast %squeeze3A : f32 to vector<16xf32>
        %mul3A_328 = arith.mulf %get3A_326, %mul3A_327 : vector<16xf32>
        %swap3A = arith.index_cast %add3A_323 : i32 to index
        %swap3A_329 = arith.constant 0 : index
        %swap3A_330 = tpu.vector_load %arg17[%swap3A, %swap3A_329] {strides = array<i32>} : memref<128x32xf32, #tpu.memory_space<vmem>>, vector<16xf32>,
        tpu.vector_store %arg17[%swap3A, %swap3A_329], %mul3A_328 {strides = array<i32>} : memref<128x32xf32, #tpu.memory_space<vmem>>, vector<16xf32>,
        %get3A_331 = arith.index_cast %add3A_323 : i32 to index
        %get3A_332 = arith.constant 16 : index
        %get3A_333 = tpu.vector_load %arg17[%get3A_331, %get3A_332] {strides = array<i32>} : memref<128x32xf32, #tpu.memory_space<vmem>>, vector<16xf32>,
        %mul3A_334 = vector.broadcast %squeeze3A : f32 to vector<16xf32>
        %mul3A_335 = arith.mulf %get3A_333, %mul3A_334 : vector<16xf32>
        %swap3A_336 = arith.index_cast %add3A_323 : i32 to index
        %swap3A_337 = arith.constant 16 : index
        %swap3A_338 = tpu.vector_load %arg17[%swap3A_336, %swap3A_337] {strides = array<i32>} : memref<128x32xf32, #tpu.memory_space<vmem>>, vector<16xf32>,
        tpu.vector_store %arg17[%swap3A_336, %swap3A_337], %mul3A_335 {strides = array<i32>} : memref<128x32xf32, #tpu.memory_space<vmem>>, vector<16xf32>,
        %slice3A_339 = vector.extract_strided_slice %get3A_319 {offsets = [1], sizes = [1], strides = [1]} : vector<16xf32> to vector<1xf32>
        %squeeze3A_340 = vector.extract %slice3A_339[0] : f32 from vector<1xf32>
        %mul3A_341 = arith.constant 16 : i32
        %mul3A_342 = arith.muli %scan3A_314, %mul3A_341 : i32
        %add3A_343 = arith.constant 1 : i32
        %add3A_344 = arith.addi %mul3A_342, %add3A_343 : i32
        %get3A_345 = arith.index_cast %add3A_344 : i32 to index
        %get3A_346 = arith.constant 0 : index
        %get3A_347 = tpu.vector_load %arg17[%get3A_345, %get3A_346] {strides = array<i32>} : memref<128x32xf32, #tpu.memory_space<vmem>>, vector<16xf32>,
        %mul3A_348 = vector.broadcast %squeeze3A_340 : f32 to vector<16xf32>
        %mul3A_349 = arith.mulf %get3A_347, %mul3A_348 : vector<16xf32>
        %swap3A_350 = arith.index_cast %add3A_344 : i32 to index
        %swap3A_351 = arith.constant 0 : index
        %swap3A_352 = tpu.vector_load %arg17[%swap3A_350, %swap3A_351] {strides = array<i32>} : memref<128x32xf32, #tpu.memory_space<vmem>>, vector<16xf32>,
        tpu.vector_store %arg17[%swap3A_350, %swap3A_351], %mul3A_349 {strides = array<i32>} : memref<128x32xf32, #tpu.memory_space<vmem>>, vector<16xf32>,
        %get3A_353 = arith.index_cast %add3A_344 : i32 to index
        %get3A_354 = arith.constant 16 : index
        %get3A_355 = tpu.vector_load %arg17[%get3A_353, %get3A_354] {strides = array<i32>} : memref<128x32xf32, #tpu.memory_space<vmem>>, vector<16xf32>,
        %mul3A_356 = vector.broadcast %squeeze3A_340 : f32 to vector<16xf32>
        %mul3A_357 = arith.mulf %get3A_355, %mul3A_356 : vector<16xf32>
        %swap3A_358 = arith.index_cast %add3A_344 : i32 to index
        %swap3A_359 = arith.constant 16 : index
        %swap3A_360 = tpu.vector_load %arg17[%swap3A_358, %swap3A_359] {strides = array<i32>} : memref<128x32xf32, #tpu.memory_space<vmem>>, vector<16xf32>,
        tpu.vector_store %arg17[%swap3A_358, %swap3A_359], %mul3A_357 {strides = array<i32>} : memref<128x32xf32, #tpu.memory_space<vmem>>, vector<16xf32>,
        %slice3A_361 = vector.extract_strided_slice %get3A_319 {offsets = [2], sizes = [1], strides = [1]} : vector<16xf32> to vector<1xf32>
        %squeeze3A_362 = vector.extract %slice3A_361[0] : f32 from vector<1xf32>
        %mul3A_363 = arith.constant 16 : i32
        %mul3A_364 = arith.muli %scan3A_314, %mul3A_363 : i32
        %add3A_365 = arith.constant 2 : i32
        %add3A_366 = arith.addi %mul3A_364, %add3A_365 : i32
        %get3A_367 = arith.index_cast %add3A_366 : i32 to index
        %get3A_368 = arith.constant 0 : index
        %get3A_369 = tpu.vector_load %arg17[%get3A_367, %get3A_368] {strides = array<i32>} : memref<128x32xf32, #tpu.memory_space<vmem>>, vector<16xf32>,
        %mul3A_370 = vector.broadcast %squeeze3A_362 : f32 to vector<16xf32>
        %mul3A_371 = arith.mulf %get3A_369, %mul3A_370 : vector<16xf32>
        %swap3A_372 = arith.index_cast %add3A_366 : i32 to index
        %swap3A_373 = arith.constant 0 : index
        %swap3A_374 = tpu.vector_load %arg17[%swap3A_372, %swap3A_373] {strides = array<i32>} : memref<128x32xf32, #tpu.memory_space<vmem>>, vector<16xf32>,
        tpu.vector_store %arg17[%swap3A_372, %swap3A_373], %mul3A_371 {strides = array<i32>} : memref<128x32xf32, #tpu.memory_space<vmem>>, vector<16xf32>,
        %get3A_375 = arith.index_cast %add3A_366 : i32 to index
        %get3A_376 = arith.constant 16 : index
        %get3A_377 = tpu.vector_load %arg17[%get3A_375, %get3A_376] {strides = array<i32>} : memref<128x32xf32, #tpu.memory_space<vmem>>, vector<16xf32>,
        %mul3A_378 = vector.broadcast %squeeze3A_362 : f32 to vector<16xf32>
        %mul3A_379 = arith.mulf %get3A_377, %mul3A_378 : vector<16xf32>
        %swap3A_380 = arith.index_cast %add3A_366 : i32 to index
        %swap3A_381 = arith.constant 16 : index
        %swap3A_382 = tpu.vector_load %arg17[%swap3A_380, %swap3A_381] {strides = array<i32>} : memref<128x32xf32, #tpu.memory_space<vmem>>, vector<16xf32>,
        tpu.vector_store %arg17[%swap3A_380, %swap3A_381], %mul3A_379 {strides = array<i32>} : memref<128x32xf32, #tpu.memory_space<vmem>>, vector<16xf32>,
        %slice3A_383 = vector.extract_strided_slice %get3A_319 {offsets = [3], sizes = [1], strides = [1]} : vector<16xf32> to vector<1xf32>
        %squeeze3A_384 = vector.extract %slice3A_383[0] : f32 from vector<1xf32>
        %mul3A_385 = arith.constant 16 : i32
        %mul3A_386 = arith.muli %scan3A_314, %mul3A_385 : i32
        %add3A_387 = arith.constant 3 : i32
        %add3A_388 = arith.addi %mul3A_386, %add3A_387 : i32
        %get3A_389 = arith.index_cast %add3A_388 : i32 to index
        %get3A_390 = arith.constant 0 : index
        %get3A_391 = tpu.vector_load %arg17[%get3A_389, %get3A_390] {strides = array<i32>} : memref<128x32xf32, #tpu.memory_space<vmem>>, vector<16xf32>,
        %mul3A_392 = vector.broadcast %squeeze3A_384 : f32 to vector<16xf32>
        %mul3A_393 = arith.mulf %get3A_391, %mul3A_392 : vector<16xf32>
        %swap3A_394 = arith.index_cast %add3A_388 : i32 to index
        %swap3A_395 = arith.constant 0 : index
        %swap3A_396 = tpu.vector_load %arg17[%swap3A_394, %swap3A_395] {strides = array<i32>} : memref<128x32xf32, #tpu.memory_space<vmem>>, vector<16xf32>,
        tpu.vector_store %arg17[%swap3A_394, %swap3A_395], %mul3A_393 {strides = array<i32>} : memref<128x32xf32, #tpu.memory_space<vmem>>, vector<16xf32>,
        %get3A_397 = arith.index_cast %add3A_388 : i32 to index
        %get3A_398 = arith.constant 16 : index
        %get3A_399 = tpu.vector_load %arg17[%get3A_397, %get3A_398] {strides = array<i32>} : memref<128x32xf32, #tpu.memory_space<vmem>>, vector<16xf32>,
        %mul3A_400 = vector.broadcast %squeeze3A_384 : f32 to vector<16xf32>
        %mul3A_401 = arith.mulf %get3A_399, %mul3A_400 : vector<16xf32>
        %swap3A_402 = arith.index_cast %add3A_388 : i32 to index
        %swap3A_403 = arith.constant 16 : index
        %swap3A_404 = tpu.vector_load %arg17[%swap3A_402, %swap3A_403] {strides = array<i32>} : memref<128x32xf32, #tpu.memory_space<vmem>>, vector<16xf32>,
        tpu.vector_store %arg17[%swap3A_402, %swap3A_403], %mul3A_401 {strides = array<i32>} : memref<128x32xf32, #tpu.memory_space<vmem>>, vector<16xf32>,
        %slice3A_405 = vector.extract_strided_slice %get3A_319 {offsets = [4], sizes = [1], strides = [1]} : vector<16xf32> to vector<1xf32>
        %squeeze3A_406 = vector.extract %slice3A_405[0] : f32 from vector<1xf32>
        %mul3A_407 = arith.constant 16 : i32
        %mul3A_408 = arith.muli %scan3A_314, %mul3A_407 : i32
        %add3A_409 = arith.constant 4 : i32
        %add3A_410 = arith.addi %mul3A_408, %add3A_409 : i32
        %get3A_411 = arith.index_cast %add3A_410 : i32 to index
        %get3A_412 = arith.constant 0 : index
        %get3A_413 = tpu.vector_load %arg17[%get3A_411, %get3A_412] {strides = array<i32>} : memref<128x32xf32, #tpu.memory_space<vmem>>, vector<16xf32>,
        %mul3A_414 = vector.broadcast %squeeze3A_406 : f32 to vector<16xf32>
        %mul3A_415 = arith.mulf %get3A_413, %mul3A_414 : vector<16xf32>
        %swap3A_416 = arith.index_cast %add3A_410 : i32 to index
        %swap3A_417 = arith.constant 0 : index
        %swap3A_418 = tpu.vector_load %arg17[%swap3A_416, %swap3A_417] {strides = array<i32>} : memref<128x32xf32, #tpu.memory_space<vmem>>, vector<16xf32>,
        tpu.vector_store %arg17[%swap3A_416, %swap3A_417], %mul3A_415 {strides = array<i32>} : memref<128x32xf32, #tpu.memory_space<vmem>>, vector<16xf32>,
        %get3A_419 = arith.index_cast %add3A_410 : i32 to index
        %get3A_420 = arith.constant 16 : index
        %get3A_421 = tpu.vector_load %arg17[%get3A_419, %get3A_420] {strides = array<i32>} : memref<128x32xf32, #tpu.memory_space<vmem>>, vector<16xf32>,
        %mul3A_422 = vector.broadcast %squeeze3A_406 : f32 to vector<16xf32>
        %mul3A_423 = arith.mulf %get3A_421, %mul3A_422 : vector<16xf32>
        %swap3A_424 = arith.index_cast %add3A_410 : i32 to index
        %swap3A_425 = arith.constant 16 : index
        %swap3A_426 = tpu.vector_load %arg17[%swap3A_424, %swap3A_425] {strides = array<i32>} : memref<128x32xf32, #tpu.memory_space<vmem>>, vector<16xf32>,
        tpu.vector_store %arg17[%swap3A_424, %swap3A_425], %mul3A_423 {strides = array<i32>} : memref<128x32xf32, #tpu.memory_space<vmem>>, vector<16xf32>,
        %slice3A_427 = vector.extract_strided_slice %get3A_319 {offsets = [5], sizes = [1], strides = [1]} : vector<16xf32> to vector<1xf32>
        %squeeze3A_428 = vector.extract %slice3A_427[0] : f32 from vector<1xf32>
        %mul3A_429 = arith.constant 16 : i32
        %mul3A_430 = arith.muli %scan3A_314, %mul3A_429 : i32
        %add3A_431 = arith.constant 5 : i32
        %add3A_432 = arith.addi %mul3A_430, %add3A_431 : i32
        %get3A_433 = arith.index_cast %add3A_432 : i32 to index
        %get3A_434 = arith.constant 0 : index
        %get3A_435 = tpu.vector_load %arg17[%get3A_433, %get3A_434] {strides = array<i32>} : memref<128x32xf32, #tpu.memory_space<vmem>>, vector<16xf32>,
        %mul3A_436 = vector.broadcast %squeeze3A_428 : f32 to vector<16xf32>
        %mul3A_437 = arith.mulf %get3A_435, %mul3A_436 : vector<16xf32>
        %swap3A_438 = arith.index_cast %add3A_432 : i32 to index
        %swap3A_439 = arith.constant 0 : index
        %swap3A_440 = tpu.vector_load %arg17[%swap3A_438, %swap3A_439] {strides = array<i32>} : memref<128x32xf32, #tpu.memory_space<vmem>>, vector<16xf32>,
        tpu.vector_store %arg17[%swap3A_438, %swap3A_439], %mul3A_437 {strides = array<i32>} : memref<128x32xf32, #tpu.memory_space<vmem>>, vector<16xf32>,
        %get3A_441 = arith.index_cast %add3A_432 : i32 to index
        %get3A_442 = arith.constant 16 : index
        %get3A_443 = tpu.vector_load %arg17[%get3A_441, %get3A_442] {strides = array<i32>} : memref<128x32xf32, #tpu.memory_space<vmem>>, vector<16xf32>,
        %mul3A_444 = vector.broadcast %squeeze3A_428 : f32 to vector<16xf32>
        %mul3A_445 = arith.mulf %get3A_443, %mul3A_444 : vector<16xf32>
        %swap3A_446 = arith.index_cast %add3A_432 : i32 to index
        %swap3A_447 = arith.constant 16 : index
        %swap3A_448 = tpu.vector_load %arg17[%swap3A_446, %swap3A_447] {strides = array<i32>} : memref<128x32xf32, #tpu.memory_space<vmem>>, vector<16xf32>,
        tpu.vector_store %arg17[%swap3A_446, %swap3A_447], %mul3A_445 {strides = array<i32>} : memref<128x32xf32, #tpu.memory_space<vmem>>, vector<16xf32>,
        %slice3A_449 = vector.extract_strided_slice %get3A_319 {offsets = [6], sizes = [1], strides = [1]} : vector<16xf32> to vector<1xf32>
        %squeeze3A_450 = vector.extract %slice3A_449[0] : f32 from vector<1xf32>
        %mul3A_451 = arith.constant 16 : i32
        %mul3A_452 = arith.muli %scan3A_314, %mul3A_451 : i32
        %add3A_453 = arith.constant 6 : i32
        %add3A_454 = arith.addi %mul3A_452, %add3A_453 : i32
        %get3A_455 = arith.index_cast %add3A_454 : i32 to index
        %get3A_456 = arith.constant 0 : index
        %get3A_457 = tpu.vector_load %arg17[%get3A_455, %get3A_456] {strides = array<i32>} : memref<128x32xf32, #tpu.memory_space<vmem>>, vector<16xf32>,
        %mul3A_458 = vector.broadcast %squeeze3A_450 : f32 to vector<16xf32>
        %mul3A_459 = arith.mulf %get3A_457, %mul3A_458 : vector<16xf32>
        %swap3A_460 = arith.index_cast %add3A_454 : i32 to index
        %swap3A_461 = arith.constant 0 : index
        %swap3A_462 = tpu.vector_load %arg17[%swap3A_460, %swap3A_461] {strides = array<i32>} : memref<128x32xf32, #tpu.memory_space<vmem>>, vector<16xf32>,
        tpu.vector_store %arg17[%swap3A_460, %swap3A_461], %mul3A_459 {strides = array<i32>} : memref<128x32xf32, #tpu.memory_space<vmem>>, vector<16xf32>,
        %get3A_463 = arith.index_cast %add3A_454 : i32 to index
        %get3A_464 = arith.constant 16 : index
        %get3A_465 = tpu.vector_load %arg17[%get3A_463, %get3A_464] {strides = array<i32>} : memref<128x32xf32, #tpu.memory_space<vmem>>, vector<16xf32>,
        %mul3A_466 = vector.broadcast %squeeze3A_450 : f32 to vector<16xf32>
        %mul3A_467 = arith.mulf %get3A_465, %mul3A_466 : vector<16xf32>
        %swap3A_468 = arith.index_cast %add3A_454 : i32 to index
        %swap3A_469 = arith.constant 16 : index
        %swap3A_470 = tpu.vector_load %arg17[%swap3A_468, %swap3A_469] {strides = array<i32>} : memref<128x32xf32, #tpu.memory_space<vmem>>, vector<16xf32>,
        tpu.vector_store %arg17[%swap3A_468, %swap3A_469], %mul3A_467 {strides = array<i32>} : memref<128x32xf32, #tpu.memory_space<vmem>>, vector<16xf32>,
        %slice3A_471 = vector.extract_strided_slice %get3A_319 {offsets = [7], sizes = [1], strides = [1]} : vector<16xf32> to vector<1xf32>
        %squeeze3A_472 = vector.extract %slice3A_471[0] : f32 from vector<1xf32>
        %mul3A_473 = arith.constant 16 : i32
        %mul3A_474 = arith.muli %scan3A_314, %mul3A_473 : i32
        %add3A_475 = arith.constant 7 : i32
        %add3A_476 = arith.addi %mul3A_474, %add3A_475 : i32
        %get3A_477 = arith.index_cast %add3A_476 : i32 to index
        %get3A_478 = arith.constant 0 : index
        %get3A_479 = tpu.vector_load %arg17[%get3A_477, %get3A_478] {strides = array<i32>} : memref<128x32xf32, #tpu.memory_space<vmem>>, vector<16xf32>,
        %mul3A_480 = vector.broadcast %squeeze3A_472 : f32 to vector<16xf32>
        %mul3A_481 = arith.mulf %get3A_479, %mul3A_480 : vector<16xf32>
        %swap3A_482 = arith.index_cast %add3A_476 : i32 to index
        %swap3A_483 = arith.constant 0 : index
        %swap3A_484 = tpu.vector_load %arg17[%swap3A_482, %swap3A_483] {strides = array<i32>} : memref<128x32xf32, #tpu.memory_space<vmem>>, vector<16xf32>,
        tpu.vector_store %arg17[%swap3A_482, %swap3A_483], %mul3A_481 {strides = array<i32>} : memref<128x32xf32, #tpu.memory_space<vmem>>, vector<16xf32>,
        %get3A_485 = arith.index_cast %add3A_476 : i32 to index
        %get3A_486 = arith.constant 16 : index
        %get3A_487 = tpu.vector_load %arg17[%get3A_485, %get3A_486] {strides = array<i32>} : memref<128x32xf32, #tpu.memory_space<vmem>>, vector<16xf32>,
        %mul3A_488 = vector.broadcast %squeeze3A_472 : f32 to vector<16xf32>
        %mul3A_489 = arith.mulf %get3A_487, %mul3A_488 : vector<16xf32>
        %swap3A_490 = arith.index_cast %add3A_476 : i32 to index
        %swap3A_491 = arith.constant 16 : index
        %swap3A_492 = tpu.vector_load %arg17[%swap3A_490, %swap3A_491] {strides = array<i32>} : memref<128x32xf32, #tpu.memory_space<vmem>>, vector<16xf32>,
        tpu.vector_store %arg17[%swap3A_490, %swap3A_491], %mul3A_489 {strides = array<i32>} : memref<128x32xf32, #tpu.memory_space<vmem>>, vector<16xf32>,
        %slice3A_493 = vector.extract_strided_slice %get3A_319 {offsets = [8], sizes = [1], strides = [1]} : vector<16xf32> to vector<1xf32>
        %squeeze3A_494 = vector.extract %slice3A_493[0] : f32 from vector<1xf32>
        %mul3A_495 = arith.constant 16 : i32
        %mul3A_496 = arith.muli %scan3A_314, %mul3A_495 : i32
        %add3A_497 = arith.constant 8 : i32
        %add3A_498 = arith.addi %mul3A_496, %add3A_497 : i32
        %get3A_499 = arith.index_cast %add3A_498 : i32 to index
        %get3A_500 = arith.constant 0 : index
        %get3A_501 = tpu.vector_load %arg17[%get3A_499, %get3A_500] {strides = array<i32>} : memref<128x32xf32, #tpu.memory_space<vmem>>, vector<16xf32>,
        %mul3A_502 = vector.broadcast %squeeze3A_494 : f32 to vector<16xf32>
        %mul3A_503 = arith.mulf %get3A_501, %mul3A_502 : vector<16xf32>
        %swap3A_504 = arith.index_cast %add3A_498 : i32 to index
        %swap3A_505 = arith.constant 0 : index
        %swap3A_506 = tpu.vector_load %arg17[%swap3A_504, %swap3A_505] {strides = array<i32>} : memref<128x32xf32, #tpu.memory_space<vmem>>, vector<16xf32>,
        tpu.vector_store %arg17[%swap3A_504, %swap3A_505], %mul3A_503 {strides = array<i32>} : memref<128x32xf32, #tpu.memory_space<vmem>>, vector<16xf32>,
        %get3A_507 = arith.index_cast %add3A_498 : i32 to index
        %get3A_508 = arith.constant 16 : index
        %get3A_509 = tpu.vector_load %arg17[%get3A_507, %get3A_508] {strides = array<i32>} : memref<128x32xf32, #tpu.memory_space<vmem>>, vector<16xf32>,
        %mul3A_510 = vector.broadcast %squeeze3A_494 : f32 to vector<16xf32>
        %mul3A_511 = arith.mulf %get3A_509, %mul3A_510 : vector<16xf32>
        %swap3A_512 = arith.index_cast %add3A_498 : i32 to index
        %swap3A_513 = arith.constant 16 : index
        %swap3A_514 = tpu.vector_load %arg17[%swap3A_512, %swap3A_513] {strides = array<i32>} : memref<128x32xf32, #tpu.memory_space<vmem>>, vector<16xf32>,
        tpu.vector_store %arg17[%swap3A_512, %swap3A_513], %mul3A_511 {strides = array<i32>} : memref<128x32xf32, #tpu.memory_space<vmem>>, vector<16xf32>,
        %slice3A_515 = vector.extract_strided_slice %get3A_319 {offsets = [9], sizes = [1], strides = [1]} : vector<16xf32> to vector<1xf32>
        %squeeze3A_516 = vector.extract %slice3A_515[0] : f32 from vector<1xf32>
        %mul3A_517 = arith.constant 16 : i32
        %mul3A_518 = arith.muli %scan3A_314, %mul3A_517 : i32
        %add3A_519 = arith.constant 9 : i32
        %add3A_520 = arith.addi %mul3A_518, %add3A_519 : i32
        %get3A_521 = arith.index_cast %add3A_520 : i32 to index
        %get3A_522 = arith.constant 0 : index
        %get3A_523 = tpu.vector_load %arg17[%get3A_521, %get3A_522] {strides = array<i32>} : memref<128x32xf32, #tpu.memory_space<vmem>>, vector<16xf32>,
        %mul3A_524 = vector.broadcast %squeeze3A_516 : f32 to vector<16xf32>
        %mul3A_525 = arith.mulf %get3A_523, %mul3A_524 : vector<16xf32>
        %swap3A_526 = arith.index_cast %add3A_520 : i32 to index
        %swap3A_527 = arith.constant 0 : index
        %swap3A_528 = tpu.vector_load %arg17[%swap3A_526, %swap3A_527] {strides = array<i32>} : memref<128x32xf32, #tpu.memory_space<vmem>>, vector<16xf32>,
        tpu.vector_store %arg17[%swap3A_526, %swap3A_527], %mul3A_525 {strides = array<i32>} : memref<128x32xf32, #tpu.memory_space<vmem>>, vector<16xf32>,
        %get3A_529 = arith.index_cast %add3A_520 : i32 to index
        %get3A_530 = arith.constant 16 : index
        %get3A_531 = tpu.vector_load %arg17[%get3A_529, %get3A_530] {strides = array<i32>} : memref<128x32xf32, #tpu.memory_space<vmem>>, vector<16xf32>,
        %mul3A_532 = vector.broadcast %squeeze3A_516 : f32 to vector<16xf32>
        %mul3A_533 = arith.mulf %get3A_531, %mul3A_532 : vector<16xf32>
        %swap3A_534 = arith.index_cast %add3A_520 : i32 to index
        %swap3A_535 = arith.constant 16 : index
        %swap3A_536 = tpu.vector_load %arg17[%swap3A_534, %swap3A_535] {strides = array<i32>} : memref<128x32xf32, #tpu.memory_space<vmem>>, vector<16xf32>,
        tpu.vector_store %arg17[%swap3A_534, %swap3A_535], %mul3A_533 {strides = array<i32>} : memref<128x32xf32, #tpu.memory_space<vmem>>, vector<16xf32>,
        %slice3A_537 = vector.extract_strided_slice %get3A_319 {offsets = [10], sizes = [1], strides = [1]} : vector<16xf32> to vector<1xf32>
        %squeeze3A_538 = vector.extract %slice3A_537[0] : f32 from vector<1xf32>
        %mul3A_539 = arith.constant 16 : i32
        %mul3A_540 = arith.muli %scan3A_314, %mul3A_539 : i32
        %add3A_541 = arith.constant 10 : i32
        %add3A_542 = arith.addi %mul3A_540, %add3A_541 : i32
        %get3A_543 = arith.index_cast %add3A_542 : i32 to index
        %get3A_544 = arith.constant 0 : index
        %get3A_545 = tpu.vector_load %arg17[%get3A_543, %get3A_544] {strides = array<i32>} : memref<128x32xf32, #tpu.memory_space<vmem>>, vector<16xf32>,
        %mul3A_546 = vector.broadcast %squeeze3A_538 : f32 to vector<16xf32>
        %mul3A_547 = arith.mulf %get3A_545, %mul3A_546 : vector<16xf32>
        %swap3A_548 = arith.index_cast %add3A_542 : i32 to index
        %swap3A_549 = arith.constant 0 : index
        %swap3A_550 = tpu.vector_load %arg17[%swap3A_548, %swap3A_549] {strides = array<i32>} : memref<128x32xf32, #tpu.memory_space<vmem>>, vector<16xf32>,
        tpu.vector_store %arg17[%swap3A_548, %swap3A_549], %mul3A_547 {strides = array<i32>} : memref<128x32xf32, #tpu.memory_space<vmem>>, vector<16xf32>,
        %get3A_551 = arith.index_cast %add3A_542 : i32 to index
        %get3A_552 = arith.constant 16 : index
        %get3A_553 = tpu.vector_load %arg17[%get3A_551, %get3A_552] {strides = array<i32>} : memref<128x32xf32, #tpu.memory_space<vmem>>, vector<16xf32>,
        %mul3A_554 = vector.broadcast %squeeze3A_538 : f32 to vector<16xf32>
        %mul3A_555 = arith.mulf %get3A_553, %mul3A_554 : vector<16xf32>
        %swap3A_556 = arith.index_cast %add3A_542 : i32 to index
        %swap3A_557 = arith.constant 16 : index
        %swap3A_558 = tpu.vector_load %arg17[%swap3A_556, %swap3A_557] {strides = array<i32>} : memref<128x32xf32, #tpu.memory_space<vmem>>, vector<16xf32>,
        tpu.vector_store %arg17[%swap3A_556, %swap3A_557], %mul3A_555 {strides = array<i32>} : memref<128x32xf32, #tpu.memory_space<vmem>>, vector<16xf32>,
        %slice3A_559 = vector.extract_strided_slice %get3A_319 {offsets = [11], sizes = [1], strides = [1]} : vector<16xf32> to vector<1xf32>
        %squeeze3A_560 = vector.extract %slice3A_559[0] : f32 from vector<1xf32>
        %mul3A_561 = arith.constant 16 : i32
        %mul3A_562 = arith.muli %scan3A_314, %mul3A_561 : i32
        %add3A_563 = arith.constant 11 : i32
        %add3A_564 = arith.addi %mul3A_562, %add3A_563 : i32
        %get3A_565 = arith.index_cast %add3A_564 : i32 to index
        %get3A_566 = arith.constant 0 : index
        %get3A_567 = tpu.vector_load %arg17[%get3A_565, %get3A_566] {strides = array<i32>} : memref<128x32xf32, #tpu.memory_space<vmem>>, vector<16xf32>,
        %mul3A_568 = vector.broadcast %squeeze3A_560 : f32 to vector<16xf32>
        %mul3A_569 = arith.mulf %get3A_567, %mul3A_568 : vector<16xf32>
        %swap3A_570 = arith.index_cast %add3A_564 : i32 to index
        %swap3A_571 = arith.constant 0 : index
        %swap3A_572 = tpu.vector_load %arg17[%swap3A_570, %swap3A_571] {strides = array<i32>} : memref<128x32xf32, #tpu.memory_space<vmem>>, vector<16xf32>,
        tpu.vector_store %arg17[%swap3A_570, %swap3A_571], %mul3A_569 {strides = array<i32>} : memref<128x32xf32, #tpu.memory_space<vmem>>, vector<16xf32>,
        %get3A_573 = arith.index_cast %add3A_564 : i32 to index
        %get3A_574 = arith.constant 16 : index
        %get3A_575 = tpu.vector_load %arg17[%get3A_573, %get3A_574] {strides = array<i32>} : memref<128x32xf32, #tpu.memory_space<vmem>>, vector<16xf32>,
        %mul3A_576 = vector.broadcast %squeeze3A_560 : f32 to vector<16xf32>
        %mul3A_577 = arith.mulf %get3A_575, %mul3A_576 : vector<16xf32>
        %swap3A_578 = arith.index_cast %add3A_564 : i32 to index
        %swap3A_579 = arith.constant 16 : index
        %swap3A_580 = tpu.vector_load %arg17[%swap3A_578, %swap3A_579] {strides = array<i32>} : memref<128x32xf32, #tpu.memory_space<vmem>>, vector<16xf32>,
        tpu.vector_store %arg17[%swap3A_578, %swap3A_579], %mul3A_577 {strides = array<i32>} : memref<128x32xf32, #tpu.memory_space<vmem>>, vector<16xf32>,
        %slice3A_581 = vector.extract_strided_slice %get3A_319 {offsets = [12], sizes = [1], strides = [1]} : vector<16xf32> to vector<1xf32>
        %squeeze3A_582 = vector.extract %slice3A_581[0] : f32 from vector<1xf32>
        %mul3A_583 = arith.constant 16 : i32
        %mul3A_584 = arith.muli %scan3A_314, %mul3A_583 : i32
        %add3A_585 = arith.constant 12 : i32
        %add3A_586 = arith.addi %mul3A_584, %add3A_585 : i32
        %get3A_587 = arith.index_cast %add3A_586 : i32 to index
        %get3A_588 = arith.constant 0 : index
        %get3A_589 = tpu.vector_load %arg17[%get3A_587, %get3A_588] {strides = array<i32>} : memref<128x32xf32, #tpu.memory_space<vmem>>, vector<16xf32>,
        %mul3A_590 = vector.broadcast %squeeze3A_582 : f32 to vector<16xf32>
        %mul3A_591 = arith.mulf %get3A_589, %mul3A_590 : vector<16xf32>
        %swap3A_592 = arith.index_cast %add3A_586 : i32 to index
        %swap3A_593 = arith.constant 0 : index
        %swap3A_594 = tpu.vector_load %arg17[%swap3A_592, %swap3A_593] {strides = array<i32>} : memref<128x32xf32, #tpu.memory_space<vmem>>, vector<16xf32>,
        tpu.vector_store %arg17[%swap3A_592, %swap3A_593], %mul3A_591 {strides = array<i32>} : memref<128x32xf32, #tpu.memory_space<vmem>>, vector<16xf32>,
        %get3A_595 = arith.index_cast %add3A_586 : i32 to index
        %get3A_596 = arith.constant 16 : index
        %get3A_597 = tpu.vector_load %arg17[%get3A_595, %get3A_596] {strides = array<i32>} : memref<128x32xf32, #tpu.memory_space<vmem>>, vector<16xf32>,
        %mul3A_598 = vector.broadcast %squeeze3A_582 : f32 to vector<16xf32>
        %mul3A_599 = arith.mulf %get3A_597, %mul3A_598 : vector<16xf32>
        %swap3A_600 = arith.index_cast %add3A_586 : i32 to index
        %swap3A_601 = arith.constant 16 : index
        %swap3A_602 = tpu.vector_load %arg17[%swap3A_600, %swap3A_601] {strides = array<i32>} : memref<128x32xf32, #tpu.memory_space<vmem>>, vector<16xf32>,
        tpu.vector_store %arg17[%swap3A_600, %swap3A_601], %mul3A_599 {strides = array<i32>} : memref<128x32xf32, #tpu.memory_space<vmem>>, vector<16xf32>,
        %slice3A_603 = vector.extract_strided_slice %get3A_319 {offsets = [13], sizes = [1], strides = [1]} : vector<16xf32> to vector<1xf32>
        %squeeze3A_604 = vector.extract %slice3A_603[0] : f32 from vector<1xf32>
        %mul3A_605 = arith.constant 16 : i32
        %mul3A_606 = arith.muli %scan3A_314, %mul3A_605 : i32
        %add3A_607 = arith.constant 13 : i32
        %add3A_608 = arith.addi %mul3A_606, %add3A_607 : i32
        %get3A_609 = arith.index_cast %add3A_608 : i32 to index
        %get3A_610 = arith.constant 0 : index
        %get3A_611 = tpu.vector_load %arg17[%get3A_609, %get3A_610] {strides = array<i32>} : memref<128x32xf32, #tpu.memory_space<vmem>>, vector<16xf32>,
        %mul3A_612 = vector.broadcast %squeeze3A_604 : f32 to vector<16xf32>
        %mul3A_613 = arith.mulf %get3A_611, %mul3A_612 : vector<16xf32>
        %swap3A_614 = arith.index_cast %add3A_608 : i32 to index
        %swap3A_615 = arith.constant 0 : index
        %swap3A_616 = tpu.vector_load %arg17[%swap3A_614, %swap3A_615] {strides = array<i32>} : memref<128x32xf32, #tpu.memory_space<vmem>>, vector<16xf32>,
        tpu.vector_store %arg17[%swap3A_614, %swap3A_615], %mul3A_613 {strides = array<i32>} : memref<128x32xf32, #tpu.memory_space<vmem>>, vector<16xf32>,
        %get3A_617 = arith.index_cast %add3A_608 : i32 to index
        %get3A_618 = arith.constant 16 : index
        %get3A_619 = tpu.vector_load %arg17[%get3A_617, %get3A_618] {strides = array<i32>} : memref<128x32xf32, #tpu.memory_space<vmem>>, vector<16xf32>,
        %mul3A_620 = vector.broadcast %squeeze3A_604 : f32 to vector<16xf32>
        %mul3A_621 = arith.mulf %get3A_619, %mul3A_620 : vector<16xf32>
        %swap3A_622 = arith.index_cast %add3A_608 : i32 to index
        %swap3A_623 = arith.constant 16 : index
        %swap3A_624 = tpu.vector_load %arg17[%swap3A_622, %swap3A_623] {strides = array<i32>} : memref<128x32xf32, #tpu.memory_space<vmem>>, vector<16xf32>,
        tpu.vector_store %arg17[%swap3A_622, %swap3A_623], %mul3A_621 {strides = array<i32>} : memref<128x32xf32, #tpu.memory_space<vmem>>, vector<16xf32>,
        %slice3A_625 = vector.extract_strided_slice %get3A_319 {offsets = [14], sizes = [1], strides = [1]} : vector<16xf32> to vector<1xf32>
        %squeeze3A_626 = vector.extract %slice3A_625[0] : f32 from vector<1xf32>
        %mul3A_627 = arith.constant 16 : i32
        %mul3A_628 = arith.muli %scan3A_314, %mul3A_627 : i32
        %add3A_629 = arith.constant 14 : i32
        %add3A_630 = arith.addi %mul3A_628, %add3A_629 : i32
        %get3A_631 = arith.index_cast %add3A_630 : i32 to index
        %get3A_632 = arith.constant 0 : index
        %get3A_633 = tpu.vector_load %arg17[%get3A_631, %get3A_632] {strides = array<i32>} : memref<128x32xf32, #tpu.memory_space<vmem>>, vector<16xf32>,
        %mul3A_634 = vector.broadcast %squeeze3A_626 : f32 to vector<16xf32>
        %mul3A_635 = arith.mulf %get3A_633, %mul3A_634 : vector<16xf32>
        %swap3A_636 = arith.index_cast %add3A_630 : i32 to index
        %swap3A_637 = arith.constant 0 : index
        %swap3A_638 = tpu.vector_load %arg17[%swap3A_636, %swap3A_637] {strides = array<i32>} : memref<128x32xf32, #tpu.memory_space<vmem>>, vector<16xf32>,
        tpu.vector_store %arg17[%swap3A_636, %swap3A_637], %mul3A_635 {strides = array<i32>} : memref<128x32xf32, #tpu.memory_space<vmem>>, vector<16xf32>,
        %get3A_639 = arith.index_cast %add3A_630 : i32 to index
        %get3A_640 = arith.constant 16 : index
        %get3A_641 = tpu.vector_load %arg17[%get3A_639, %get3A_640] {strides = array<i32>} : memref<128x32xf32, #tpu.memory_space<vmem>>, vector<16xf32>,
        %mul3A_642 = vector.broadcast %squeeze3A_626 : f32 to vector<16xf32>
        %mul3A_643 = arith.mulf %get3A_641, %mul3A_642 : vector<16xf32>
        %swap3A_644 = arith.index_cast %add3A_630 : i32 to index
        %swap3A_645 = arith.constant 16 : index
        %swap3A_646 = tpu.vector_load %arg17[%swap3A_644, %swap3A_645] {strides = array<i32>} : memref<128x32xf32, #tpu.memory_space<vmem>>, vector<16xf32>,
        tpu.vector_store %arg17[%swap3A_644, %swap3A_645], %mul3A_643 {strides = array<i32>} : memref<128x32xf32, #tpu.memory_space<vmem>>, vector<16xf32>,
        %slice3A_647 = vector.extract_strided_slice %get3A_319 {offsets = [15], sizes = [1], strides = [1]} : vector<16xf32> to vector<1xf32>
        %squeeze3A_648 = vector.extract %slice3A_647[0] : f32 from vector<1xf32>
        %mul3A_649 = arith.constant 16 : i32
        %mul3A_650 = arith.muli %scan3A_314, %mul3A_649 : i32
        %add3A_651 = arith.constant 15 : i32
        %add3A_652 = arith.addi %mul3A_650, %add3A_651 : i32
        %get3A_653 = arith.index_cast %add3A_652 : i32 to index
        %get3A_654 = arith.constant 0 : index
        %get3A_655 = tpu.vector_load %arg17[%get3A_653, %get3A_654] {strides = array<i32>} : memref<128x32xf32, #tpu.memory_space<vmem>>, vector<16xf32>,
        %mul3A_656 = vector.broadcast %squeeze3A_648 : f32 to vector<16xf32>
        %mul3A_657 = arith.mulf %get3A_655, %mul3A_656 : vector<16xf32>
        %swap3A_658 = arith.index_cast %add3A_652 : i32 to index
        %swap3A_659 = arith.constant 0 : index
        %swap3A_660 = tpu.vector_load %arg17[%swap3A_658, %swap3A_659] {strides = array<i32>} : memref<128x32xf32, #tpu.memory_space<vmem>>, vector<16xf32>,
        tpu.vector_store %arg17[%swap3A_658, %swap3A_659], %mul3A_657 {strides = array<i32>} : memref<128x32xf32, #tpu.memory_space<vmem>>, vector<16xf32>,
        %get3A_661 = arith.index_cast %add3A_652 : i32 to index
        %get3A_662 = arith.constant 16 : index
        %get3A_663 = tpu.vector_load %arg17[%get3A_661, %get3A_662] {strides = array<i32>} : memref<128x32xf32, #tpu.memory_space<vmem>>, vector<16xf32>,
        %mul3A_664 = vector.broadcast %squeeze3A_648 : f32 to vector<16xf32>
        %mul3A_665 = arith.mulf %get3A_663, %mul3A_664 : vector<16xf32>
        %swap3A_666 = arith.index_cast %add3A_652 : i32 to index
        %swap3A_667 = arith.constant 16 : index
        %swap3A_668 = tpu.vector_load %arg17[%swap3A_666, %swap3A_667] {strides = array<i32>} : memref<128x32xf32, #tpu.memory_space<vmem>>, vector<16xf32>,
        tpu.vector_store %arg17[%swap3A_666, %swap3A_667], %mul3A_665 {strides = array<i32>} : memref<128x32xf32, #tpu.memory_space<vmem>>, vector<16xf32>,
        %scan3A_669 = arith.constant 0 : i32
        scf.yield %scan3A_669 : i32
      }
      %scan3A_312 = arith.constant 8 : i32
      "tpu.region"() ({
        %run_scoped3A_314 = tpu.sem_alloc : memref<!tpu.dma_semaphore, #tpu.memory_space<semaphore_mem>>
        %dma_start3A_315 = arith.constant 0 : i32
        %dma_start3A_316 = tpu.memref_slice %arg13[%scan3A_294, %dma_start3A_315] : memref<79x128xi32, #tpu.memory_space<vmem>> -> memref<1x128xi32, #tpu.memory_space<vmem>>
        %dma_start3A_317 = tpu.memref_squeeze %dma_start3A_316 : memref<1x128xi32, #tpu.memory_space<vmem>> -> memref<128xi32, #tpu.memory_space<vmem>>
        %dma_start3A_318 = arith.constant 0 : i32
        %dma_start3A_319 = arith.constant 0 : i32
        %dma_start3A_320 = tpu.memref_slice %arg22[%dma_start3A_318, %dma_start3A_319] : memref<10000x32xf32, #tpu.memory_space<vmem_shared>> -> memref<10000x32xf32, #tpu.memory_space<vmem_shared>>
        tpu.enqueue_indirect_dma source(%arg17 : memref<128x32xf32, #tpu.memory_space<vmem>>) target(%dma_start3A_320 : memref<10000x32xf32, #tpu.memory_space<vmem_shared>>) offsets(%dma_start3A_317 : memref<128xi32, #tpu.memory_space<vmem>>) semaphore(%run_scoped3A_314 : memref<!tpu.dma_semaphore, #tpu.memory_space<semaphore_mem>>) {add = true}
        %dma_wait3A_321 = arith.constant 0 : i32
        %dma_wait3A_322 = tpu.memref_slice %arg13[%scan3A_294, %dma_wait3A_321] : memref<79x128xi32, #tpu.memory_space<vmem>> -> memref<1x128xi32, #tpu.memory_space<vmem>>
        %dma_wait3A_323 = tpu.memref_squeeze %dma_wait3A_322 : memref<1x128xi32, #tpu.memory_space<vmem>> -> memref<128xi32, #tpu.memory_space<vmem>>
        %dma_wait3A_324 = arith.constant 0 : i32
        %dma_wait3A_325 = arith.constant 0 : i32
        %dma_wait3A_326 = tpu.memref_slice %arg22[%dma_wait3A_324, %dma_wait3A_325] : memref<10000x32xf32, #tpu.memory_space<vmem_shared>> -> memref<10000x32xf32, #tpu.memory_space<vmem_shared>>
        tpu.wait_indirect_dma semaphore(%run_scoped3A_314 : memref<!tpu.dma_semaphore, #tpu.memory_space<semaphore_mem>>) src(%arg17 : memref<128x32xf32, #tpu.memory_space<vmem>>) dst(%dma_wait3A_326 : memref<10000x32xf32, #tpu.memory_space<vmem_shared>>)
        tpu.yield
      }) : () -> ()
      %scan3A_313 = arith.constant 0 : i32
      scf.yield %scan3A_313 : i32
    }
    %scan3A_286 = arith.constant 79 : i32
    %barrier3A_287 = arith.constant 0 : index
    tpu.barrier barrier_id(%barrier3A_287)
    %run_scoped3A_288 = arith.constant 1 : i32
    "tpu.region"() ({
      %run_scoped3A_294 = tpu.sem_alloc : memref<!tpu.dma_semaphore, #tpu.memory_space<semaphore_mem>>
      %dma_start3A = arith.constant 0 : i32
      %dma_start3A_295 = tpu.memref_slice %arg7[%arg0, %run_scoped3A_288, %multiple_of3A_197, %dma_start3A] : memref<2x2x10000x32xf32, #tpu.memory_space<hbm>> -> memref<1x1x624x32xf32, #tpu.memory_space<hbm>>
      %dma_start3A_296 = tpu.memref_squeeze %dma_start3A_295 : memref<1x1x624x32xf32, #tpu.memory_space<hbm>> -> memref<624x32xf32, #tpu.memory_space<hbm>>
      %dma_start3A_297 = arith.constant 0 : i32
      %dma_start3A_298 = tpu.memref_slice %arg22[%multiple_of3A_197, %dma_start3A_297] : memref<10000x32xf32, #tpu.memory_space<vmem_shared>> -> memref<624x32xf32, #tpu.memory_space<vmem_shared>>
      tpu.enqueue_dma source(%dma_start3A_298 : memref<624x32xf32, #tpu.memory_space<vmem_shared>>) target(%dma_start3A_296 : memref<624x32xf32, #tpu.memory_space<hbm>>) target_semaphore(%run_scoped3A_294 : memref<!tpu.dma_semaphore, #tpu.memory_space<semaphore_mem>>)
      %dma_wait3A = arith.constant 0 : i32
      %dma_wait3A_299 = tpu.memref_slice %arg7[%arg0, %run_scoped3A_288, %multiple_of3A_197, %dma_wait3A] : memref<2x2x10000x32xf32, #tpu.memory_space<hbm>> -> memref<1x1x624x32xf32, #tpu.memory_space<hbm>>
      %dma_wait3A_300 = tpu.memref_squeeze %dma_wait3A_299 : memref<1x1x624x32xf32, #tpu.memory_space<hbm>> -> memref<624x32xf32, #tpu.memory_space<hbm>>
      %dma_wait3A_301 = arith.constant 0 : i32
      %dma_wait3A_302 = tpu.memref_slice %arg22[%multiple_of3A_197, %dma_wait3A_301] : memref<10000x32xf32, #tpu.memory_space<vmem_shared>> -> memref<624x32xf32, #tpu.memory_space<vmem_shared>>
      tpu.wait_dma2 semaphore(%run_scoped3A_294 : memref<!tpu.dma_semaphore, #tpu.memory_space<semaphore_mem>>) src(%dma_wait3A_302 : memref<624x32xf32, #tpu.memory_space<vmem_shared>>) dst(%dma_wait3A_300 : memref<624x32xf32, #tpu.memory_space<hbm>>)
      tpu.yield
    }) : () -> ()
    %lt3A_289 = arith.constant 2 : i32
    %lt3A_290 = arith.cmpi slt, %arg1, %lt3A_289 : i32
    %convert_element_type3A_291 = arith.extui %lt3A_290 : i1 to i32
    %cond3A_292 = arith.constant 0 : i32
    %cond3A_293 = arith.cmpi ne, %convert_element_type3A_291, %cond3A_292 : i32
    scf.if %cond3A_293 {
      %run_scoped3A_294 = arith.constant 1 : i32
      "tpu.region"() ({
        %run_scoped3A_295 = tpu.sem_alloc : memref<!tpu.dma_semaphore, #tpu.memory_space<semaphore_mem>>
        %dma_start3A = arith.constant 0 : i32
        %dma_start3A_296 = tpu.memref_slice %arg7[%arg0, %run_scoped3A_294, %multiple_of3A_202, %dma_start3A] : memref<2x2x10000x32xf32, #tpu.memory_space<hbm>> -> memref<1x1x8x32xf32, #tpu.memory_space<hbm>>
        %dma_start3A_297 = tpu.memref_squeeze %dma_start3A_296 : memref<1x1x8x32xf32, #tpu.memory_space<hbm>> -> memref<8x32xf32, #tpu.memory_space<hbm>>
        %dma_start3A_298 = arith.constant 0 : i32
        %dma_start3A_299 = tpu.memref_slice %arg22[%multiple_of3A_202, %dma_start3A_298] : memref<10000x32xf32, #tpu.memory_space<vmem_shared>> -> memref<8x32xf32, #tpu.memory_space<vmem_shared>>
        tpu.enqueue_dma source(%dma_start3A_299 : memref<8x32xf32, #tpu.memory_space<vmem_shared>>) target(%dma_start3A_297 : memref<8x32xf32, #tpu.memory_space<hbm>>) target_semaphore(%run_scoped3A_295 : memref<!tpu.dma_semaphore, #tpu.memory_space<semaphore_mem>>)
        %dma_wait3A = arith.constant 0 : i32
        %dma_wait3A_300 = tpu.memref_slice %arg7[%arg0, %run_scoped3A_294, %multiple_of3A_202, %dma_wait3A] : memref<2x2x10000x32xf32, #tpu.memory_space<hbm>> -> memref<1x1x8x32xf32, #tpu.memory_space<hbm>>
        %dma_wait3A_301 = tpu.memref_squeeze %dma_wait3A_300 : memref<1x1x8x32xf32, #tpu.memory_space<hbm>> -> memref<8x32xf32, #tpu.memory_space<hbm>>
        %dma_wait3A_302 = arith.constant 0 : i32
        %dma_wait3A_303 = tpu.memref_slice %arg22[%multiple_of3A_202, %dma_wait3A_302] : memref<10000x32xf32, #tpu.memory_space<vmem_shared>> -> memref<8x32xf32, #tpu.memory_space<vmem_shared>>
        tpu.wait_dma2 semaphore(%run_scoped3A_295 : memref<!tpu.dma_semaphore, #tpu.memory_space<semaphore_mem>>) src(%dma_wait3A_303 : memref<8x32xf32, #tpu.memory_space<vmem_shared>>) dst(%dma_wait3A_301 : memref<8x32xf32, #tpu.memory_space<hbm>>)
        tpu.yield
      }) : () -> ()
    } else {
    }
    return
  }
}

</mosaic_0001>

<sc_bundles>
// kernel: _sc_edge.3.cloned.1.call-start
scs
__scs_entry_jumppad:
0x0: {  	(pc) =	sbr.rel $0x88, $3  }
0x1: {  	(tag) =	ssettag $0x0;
	lr =	simm.s32 $0x1  }
0x2: {  	[smem:$0x3F9C] =	sst lr;
	_ =	strace $0xD0000000  }
0x3: {  	_ = 	snop  }
0x4: {  	_ = 	snop  }
0x5: {  	_ = 	snop  }
0x6: {  	_ = 	snop  }
0x7: {  	_ = 	snop  }
__scs_overlays_trampoline_lowered:
0x8: {  	[smem:$0x3FAB] =	sst s0  }
0x9: {  	[smem:$0x3FAC] =	sst s1  }
0xa: {  	[smem:$0x3FAD] =	sst s2  }
0xb: {  	[smem:$0x3FAE] =	sst s3  }
0xc: {  	[smem:$0x3FAF] =	sst s4  }
0xd: {  	[smem:$0x3FB0] =	sst s5  }
0xe: {  	[smem:$0x3FB1] =	sst s6  }
0xf: {  	[smem:$0x3FB2] =	sst s7  }
0x10: {  	[smem:$0x3FB3] =	sst s8  }
0x11: {  	[smem:$0x3FB4] =	sst s9;
	s0 =	simm.s32 @!p0 $0x0  }
0x12: {  	s1 =	sld [smem:$0x3F9A];
	s0 =	simm.s32 @p0 $0x1  }
0x13: {  	[smem:$0x3FB5] =	sst s0;
	s0 =	simm.s32 @!p1 $0x0  }
0x14: {  	s2 =	sld [smem:$0x3F99];
	s0 =	simm.s32 @p1 $0x1  }
0x15: {  	[smem:$0x3FB6] =	sst s0;
	s0 =	simm.s32 @!p2 $0x0  }
0x16: {  	s3 =	sld [smem:$0x3FDB];
	s0 =	simm.s32 @p2 $0x1  }
0x17: {  	s4 =	simm.s32 $0x1BF5;
	[smem:$0x3FB8] =	sst s0  }
0x18: {  	s0 =	sld [smem:$0x3F9B];
	_ =	swait.ge [sflag:s4], $0x0  }
0x19: {  	s7 =	sld [smem:$0x3F9C]  }
0x1a: {  	s8 =	sadd.s32 $0xFFFFE003, lr  }
0x1b: {  	s9 =	sadd.s32 $0xFFFFFEF7, lr;
	s5 =	simm.s32 $0xFFFFFFFF;
	p2 =	slt.u32 s8, $0xFFFFF086  }
0x1c: {  	p1 =	slt.u32 s9, $0xF7A;
	s5 =	simm.s32 @!p2 $0x0  }
0x1d: {  	s5 =	simm.s32 @p1 $0x1;
	p0 =	seq.s32 s7, s2  }
0x1e: {  	s7 =	smul.u32 @!p0 $0xF7A, s2;
	p2 =	seq.s32 @!p0 s5, $0x0  }
0x1f: {  	s9 =	smul.u32 $0xF7A, s1;
	s8 =	simm.s32 @!p0 $0x1BF5;
	p2 =	por !p2, p0  }
0x20: {  	[sflag:s8] =	ssyncset.s32 @!p0 $0xFFFFF086;
	s6 =	sadd.s32 @!p0 s3, s7;
	s7 =	simm.s32 @!p0 $0x108  }
0x21: {  	s3 =	sadd.s32 s3, s9;
	s6 =	sadd.s32 @!p0 $0x88, s6;
	s7 =	simm.s32 @p2 $0x1082  }
0x22: {  	[simem:s7], [sflag:s8] =	dma.local @!p0 [hbm:s6], $0xF7A  }
0x23: {  	s9 =	sor.u32 $0xD0000000, s2;
	s6 =	simm.s32 $0x108;
	_ =	swait.ge @!p0 [sflag:s8], $0x0  }
0x24: {  	s3 =	sadd.s32 $0x88, s3;
	s6 =	simm.s32 @!p1 $0x1082;
	[sflag:s4] =	ssyncset.s32 $0xFFFFF086  }
0x25: {  	[simem:s6], [sflag:s4] =	dma.local [hbm:s3], $0xF7A  }
0x26: {  	[smem:$0x3F9C] =	sst s1;
	(tag) =	ssettag s2;
	_ =	strace s9  }
0x27: {  	s1 =	sld [smem:$0x3FAC]  }
0x28: {  	s2 =	sld [smem:$0x3FAD]  }
0x29: {  	s4 =	sld [smem:$0x3FAF]  }
0x2a: {  	p0 =	seq.s32 s5, $0x0;
	s5 =	sld [smem:$0x3FB0]  }
0x2b: {  	s6 =	sld [smem:$0x3FB1]  }
0x2c: {  	s7 =	sld [smem:$0x3FB2]  }
0x2d: {  	s3 =	simm.s32 $0x108;
	s8 =	sld [smem:$0x3FB3]  }
0x2e: {  	s3 =	simm.s32 @!p0 $0x1082;
	s9 =	sld [smem:$0x3FB4]  }
0x2f: {  	lr =	sadd.s32 s0, s3;
	s0 =	sld [smem:$0x3FAB]  }
0x30: {  	s3 =	sld [smem:$0x3FAE]  }
0x31: {  	[smem:$0x3FB7] =	sst s10  }
0x32: {  	s10 =	sld [smem:$0x3FB5];
	_ =	sdelay $0x3  }
0x33: {  	p0 =	seq.s32 s10, $0x1;
	s10 =	sld [smem:$0x3FB7];
	_ =	sdelay $0x3  }
0x34: {  	[smem:$0x3FB7] =	sst s10  }
0x35: {  	s10 =	sld [smem:$0x3FB6];
	_ =	sdelay $0x3  }
0x36: {  	p1 =	seq.s32 s10, $0x1;
	s10 =	sld [smem:$0x3FB7];
	_ =	sdelay $0x3  }
0x37: {  	[smem:$0x3FB7] =	sst s10  }
0x38: {  	s10 =	sld [smem:$0x3FB8]  }
0x39: {  	_ = 	snop;
	(pc) =	sbr.ind lr, $3  }
0x3a: {  	_ = 	snop  }
0x3b: {  	_ = 	snop  }
0x3c: {  	p2 =	seq.s32 s10, $0x1;
	s10 =	sld [smem:$0x3FB7]  }
0x3d: {  	_ =	shalt  }
0x3e: {  	_ =	shalt  }
0x3f: {  	_ =	shalt  }
0x40: {  	_ =	shalt  }
0x41: {  	_ =	shalt  }
0x42: {  	_ =	shalt  }
0x43: {  	_ =	shalt  }
0x44: {  	_ =	shalt  }
0x45: {  	_ =	shalt  }
0x46: {  	_ =	shalt  }
0x47: {  	_ =	shalt  }
0x48: {  	_ =	shalt  }
0x49: {  	_ =	shalt  }
0x4a: {  	_ =	shalt  }
0x4b: {  	_ =	shalt  }
0x4c: {  	_ =	shalt  }
0x4d: {  	_ =	shalt  }
0x4e: {  	_ =	shalt  }
0x4f: {  	_ =	shalt  }
0x50: {  	_ =	shalt  }
0x51: {  	_ =	shalt  }
0x52: {  	_ =	shalt  }
0x53: {  	_ =	shalt  }
0x54: {  	_ =	shalt  }
0x55: {  	_ =	shalt  }
0x56: {  	_ =	shalt  }
0x57: {  	_ =	shalt  }
0x58: {  	_ =	shalt  }
0x59: {  	_ =	shalt  }
0x5a: {  	_ =	shalt  }
0x5b: {  	_ =	shalt  }
0x5c: {  	_ =	shalt  }
0x5d: {  	_ =	shalt  }
0x5e: {  	_ =	shalt  }
0x5f: {  	_ =	shalt  }
0x60: {  	_ =	shalt  }
0x61: {  	_ =	shalt  }
0x62: {  	_ =	shalt  }
0x63: {  	_ =	shalt  }
0x64: {  	_ =	shalt  }
0x65: {  	_ =	shalt  }
0x66: {  	_ =	shalt  }
0x67: {  	_ =	shalt  }
0x68: {  	_ =	shalt  }
0x69: {  	_ =	shalt  }
0x6a: {  	_ =	shalt  }
0x6b: {  	_ =	shalt  }
0x6c: {  	_ =	shalt  }
0x6d: {  	_ =	shalt  }
0x6e: {  	_ =	shalt  }
0x6f: {  	_ =	shalt  }
0x70: {  	_ =	shalt  }
0x71: {  	_ =	shalt  }
0x72: {  	_ =	shalt  }
0x73: {  	_ =	shalt  }
0x74: {  	_ =	shalt  }
0x75: {  	_ =	shalt  }
0x76: {  	_ =	shalt  }
0x77: {  	_ =	shalt  }
0x78: {  	_ =	shalt  }
0x79: {  	_ =	shalt  }
0x7a: {  	_ =	shalt  }
0x7b: {  	_ =	shalt  }
0x7c: {  	_ =	shalt  }
0x7d: {  	_ =	shalt  }
0x7e: {  	_ =	shalt  }
0x7f: {  	_ =	shalt  }
0x80: {  	_ =	shalt  }
0x81: {  	_ =	shalt  }
0x82: {  	_ =	shalt  }
0x83: {  	_ =	shalt  }
0x84: {  	_ =	shalt  }
0x85: {  	_ =	shalt  }
0x86: {  	_ =	shalt  }
0x87: {  	_ =	shalt  }
.Lfunc_end0:
.L_simem_size_0:
called_computation_lowered:
.L_overlay_start_0:
0x88: {  	s2 =	sld [smem:$0x3FD9]  }
0x89: {  	s3 =	sld [smem:$0x3FFE];
	_ =	sdelay $0x1  }
0x8a: {  	s1 =	srdreg.scid  }
0x8b: {  	s0 =	sand.u32 $0x1, s1  }
0x8c: {  	s17 =	sshll.u32 s0, $0xA;
	s2 =	sadd.s32 s3, s2  }
0x8d: {  	s2 =	sadd.s32 s2, s17  }
0x8e: {  	[smem:$0x3FC3] =	sst s2  }
0x8f: {  	_ = 	snop  }
0x90: {  	s2 =	sld [smem:$0x3FC9]  }
0x91: {  	s18 =	sld [smem:$0x3FC8]  }
0x92: {  	s4 =	sld [smem:$0x3FD0];
	(tm) =	ssettm $0x1  }
0x93: {  	s5 =	sld [smem:$0x3FFB];
	_ =	sdelay $0x3  }
0x94: {  	_ =	strace s5  }
0x95: {  	s5 =	sld [smem:$0x3FFC];
	_ =	sdelay $0x3  }
0x96: {  	_ =	strace s5  }
0x97: {  	s5 =	sld [smem:$0x3FFD];
	_ =	sdelay $0x3  }
0x98: {  	_ =	strace s5  }
0x99: {  	_ =	strace $0x8FFFFFFF  }
0x9a: {  	s19 =	sld [smem:$0x3FDB];
	_ =	sdelay $0x1  }
0x9b: {  	s6 =	simm.s32 $_scs_section_size  }
0x9c: {  	s7 =	simm.s32 $_size__tile_overlayer_lowered;
	s8 =	simm.s32 $_tile_overlayer_lowered  }
0x9d: {  	s22 =	simm.s32 $0x1BFF;
	s21 =	sshll.u32 s8, $0x1;
	s5 =	sadd.s32 s6, s19  }
0x9e: {  	s9 =	simm.s32 $0x0;
	s20 =	sshll.u32 s7, $0x1;
	s7 =	sadd.s32 s21, s5  }
0x9f: {  	[timem:s9], [sflag:s22] =	dma.local [hbm:s7], s20  }
0xa0: {  	_ =	swait.ge [sflag:s22], s20  }
0xa1: {  	s6 =	ssub.s32 $0x0, s20;
	[sflag:s22] =	ssyncset.done $0x0  }
0xa2: {  	[sflag:s22] =	ssyncadd.s32 s6;
	_ =	sdelay $0x1  }
0xa3: {  	s23 =	simm.s32 $0x1B8B  }
0xa4: {  	_ =	swait.ge [sflag:s23], $0x1  }
0xa5: {  	[sflag:s23] =	ssyncset.done $0x0  }
0xa6: {  	s25 =	simm.s32 $0x1B8E;
	s24 =	sld [smem:$0x3FFE];
	[sflag:s23] =	ssyncadd.s32 $0xFFFFFFFF  }
0xa7: {  	s26 =	simm.s32 $execute0_lowered;
	[smem:$0x3FD2] =	sst s25  }
0xa8: {  	s7 =	sshll.u32 s26, $0x1;
	_ =	strace $0x80000046;
	[dreg:$0x1] =	wrdreg $0xFFFFFFFF  }
0xa9: {  	s28 =	simm.s32 $_size_execute0_lowered;
	s5 =	sadd.s32 s5, s7;
	[dreg:$0x0] =	wrdreg $0x0  }
0xaa: {  	s7 =	sshll.u32 s28, $0x1;
	[dreg:$0x2] =	wrdreg s5  }
0xab: {  	[dreg:$0x3] =	wrdreg s7  }
0xac: {  	[dreg:$0x4] =	wrdreg $0xC0  }
0xad: {  	_ =	task [dreg:s9], $0x5FFFF  }
0xae: {  	[dreg:$0x1] =	wrdreg $0xFFFFFFFF  }
0xaf: {  	[dreg:$0x0] =	wrdreg $0x60  }
0xb0: {  	[dreg:$0x2] =	wrdreg s2  }
0xb1: {  	[dreg:$0x3] =	wrdreg s18  }
0xb2: {  	[dreg:$0x4] =	wrdreg s24  }
0xb3: {  	[dreg:$0x5] =	wrdreg s4  }
0xb4: {  	[dreg:$0x6] =	wrdreg $0x178200  }
0xb5: {  	[dreg:$0x7] =	wrdreg $0x1A0200  }
0xb6: {  	[dreg:$0x8] =	wrdreg $0x1A2A00  }
0xb7: {  	[dreg:$0x9] =	wrdreg $0x9  }
0xb8: {  	_ =	task.clear_ibuf [dreg:s9], $0xAFFFF;
	_ =	strace $0x90000046  }
0xb9: {  	s29 =	simm.s32 $0x9;
	_ =	strace $0x80000048  }
0xba: {  	_ =	swait.ge [sflag:s29], $0x1  }
0xbb: {  	[sflag:s29] =	ssyncadd.s32 $0xFFFFFFFF  }
0xbc: {  	_ =	strace $0x90000048  }
0xbd: {  	_ =	sfence  }
0xbe: {  	s30 =	sld [smem:$0x0];
	_ =	sdelay $0x2  }
0xbf: {  	s31 =	sshll.u32 s1, $0xD;
	s1 =	sshrl.u32 s1, $0x2  }
0xc0: {  	s3 =	sand.u32 $0x4000, s31;
	s1 =	sadd.s32 s1, s30  }
0xc1: {  	s0 =	sor.u32 s3, s0;
	s1 =	sshll.u32 s1, $0x11  }
0xc2: {  	s0 =	sor.u32 s1, s0  }
0xc3: {  	s0 =	sadd.s32 $0x8F2B, s0  }
0xc4: {  	[sflag:s0] =	ssyncadd.remote.s32 $0x1  }
0xc5: {  	_ =	sfence.sel $0xFFFF  }
0xc6: {  	[dreg:$0x0] =	wrdreg $0xFFFFFFFF;
	(pc) =	sbr.abs _section_cstart, $3  }
0xc7: {  	[dreg:$0x1] =	wrdreg $0xFFFFFFFF  }
0xc8: {  	_ =	task.clear_ibuf [dreg:s9], $0x2FFFF;
	_ =	strace $0x9FFFFFFF  }
0xc9: {  	(tm) =	ssettm $0x7FFFFFFF  }
tec
execute0_lowered:
.L_overlay_start_1:
0x0: {  	(tag) =	ssettag $0x1  }
0x1: {  	s0 =	rddreg [dreg:$0x2]  }
0x2: {  	s3 =	rddreg [dreg:$0x3]  }
0x3: {  	s1 =	rddreg [dreg:$0x4]  }
0x4: {  	s15 =	rddreg [dreg:$0x5]  }
0x5: {  	s5 =	rddreg [dreg:$0x6];
	s6 =	simm.s32 $0x0  }
0x6: {  	s2 =	srdreg.scid;
	s17 =	stileid.u32;
	s28 =	simm.s32 $0x2710  }
0x7: {  	s29 =	simm.s32 $0xEC20;
	[smem:$0x7FF] =	sst s6;
	s26 =	smul.u32 $0xA000, s17  }
0x8: {  	s2 =	sand.u32 $0x1, s2;
	s7 =	sadd.s32 $0xA600, s0;
	s13 =	smul.u32 $0x280, s17  }
0x9: {  	s9 =	sadd.s32 $0x800, s0;
	s0 =	sadd.s32 $0x14400, s0;
	s20 =	smul.u32 $0x4E00, s17  }
0xa: {  	s21 =	smul.u32 $0x13800, s17;
	s24 =	sshll.u32 s17, $0x8;
	s4 =	sshll.u32 s2, $0x4  }
0xb: {  	p0 =	sgt.u32 s17, $0x1;
	s23 =	smul.u32 $0x9C400, s2;
	s8 =	sor.u32 s17, s4  }
0xc: {  	s10 =	ssub.s32 $0x2, s2;
	s4 =	ssub.s32 s17, s4;
	s11 =	smul.u32 $0x2780, s8  }
0xd: {  	_ =	strace $0x80000047;
	s12 =	sshrl.u32 s10, $0x1;
	s8 =	smul.u32 $0x2780, s4  }
0xe: {  	s22 =	sadd.s32 s13, s15;
	s4 =	ssub.s32 s10, s12;
	s25 =	sshrl.u32 s11, $0x3  }
0xf: {  	[dreg:$0xd] =	wrdreg s22;
	s16 =	sadd.s32 $0x27800, s8;
	s14 =	sadd.s32 s7, s25  }
0x10: {  	s10 =	sadd.s32 s9, s25;
	s18 =	sshrl.u32 s16, $0x3;
	[dreg:$0x8] =	wrdreg s14  }
0x11: {  	s19 =	sshrl.u32 s26, $0x2;
	[dreg:$0x9] =	wrdreg s10;
	s7 =	sadd.s32 s7, s18  }
0x12: {  	s26 =	smul.u32 $0x2780, s17;
	s9 =	sadd.s32 s9, s18;
	[dreg:$0xa] =	wrdreg s7  }
0x13: {  	s14 =	sadd.s32 s13, s1;
	[dreg:$0xb] =	wrdreg s9;
	s7 =	sadd.s32 s19, s1  }
0x14: {  	s12 =	smul.u32 $0x4E20, s2;
	s11 =	sadd.s32 $0x2800, s14;
	[dreg:$0xc] =	wrdreg s7  }
0x15: {  	s2 =	smul.u32 $0x27800, s2;
	s13 =	sadd.s32 $0x5000, s14;
	[dreg:$0x10] =	wrdreg s11  }
0x16: {  	s16 =	sadd.s32 s20, s5;
	s15 =	sadd.s32 $0x7800, s14;
	[dreg:$0x11] =	wrdreg s13  }
0x17: {  	s25 =	sadd.s32 s20, s23;
	s17 =	sadd.s32 $0xA000, s14;
	[dreg:$0x12] =	wrdreg s15  }
0x18: {  	s10 =	sshrl.u32 s25, $0x3;
	s25 =	sadd.s32 $0xC800, s14;
	[dreg:$0x13] =	wrdreg s17  }
0x19: {  	s20 =	sadd.s32 s26, s2;
	s26 =	sadd.s32 $0xF000, s14;
	[dreg:$0x14] =	wrdreg s25  }
0x1a: {  	s9 =	sor.u32 $0x4E000, s24;
	s2 =	sadd.s32 $0x14000, s14;
	[dreg:$0x15] =	wrdreg s26  }
0x1b: {  	s10 =	sadd.s32 s0, s10;
	s1 =	sadd.s32 s23, s9;
	[dreg:$0x17] =	wrdreg s2  }
0x1c: {  	s24 =	sadd.s32 s9, s5;
	s9 =	smax.u32 s4, $0x1;
	[dreg:$0xe] =	wrdreg s10  }
0x1d: {  	s30 =	simm.s32 $0x175A0;
	s4 =	sadd.s32 $0x16800, s14;
	[dreg:$0xf] =	wrdreg s9  }
0x1e: {  	s31 =	simm.s32 $0x16320;
	s11 =	sadd.s32 $0x1E000, s14;
	[dreg:$0x18] =	wrdreg s4  }
0x1f: {  	s7 =	sshrl.u32 s21, $0x2;
	s13 =	sadd.s32 $0x20800, s14;
	[dreg:$0x1b] =	wrdreg s11  }
0x20: {  	s15 =	sadd.s32 $0x23000, s14;
	s17 =	sadd.s32 $0x25800, s14;
	[dreg:$0x1c] =	wrdreg s13  }
0x21: {  	s25 =	sadd.s32 $0x9C40, s10;
	s2 =	simm.s32 $0x0;
	[dreg:$0x1d] =	wrdreg s15  }
0x22: {  	s7 =	sadd.s32 s7, s5;
	s1 =	sshrl.u32 s1, $0x3;
	[dreg:$0x1e] =	wrdreg s17  }
0x23: {  	s9 =	sadd.s32 $0x1B800, s14;
	[dreg:$0x1f] =	wrdreg s25;
	s15 =	simm.s32 $0x17320  }
0x24: {  	s18 =	sadd.s32 s0, s1;
	s19 =	sadd.s32 $0x1000, s7;
	s21 =	sadd.s32 $0x2000, s7  }
0x25: {  	v0 =	vlaneseq.u32;
	s22 =	sadd.s32 $0x3000, s7;
	s1 =	sadd.s32 $0x11800, s14;
	[dreg:$0x1a] =	wrdreg s9  }
0x26: {  	v2 =	vmul.u32 $0xFFFFFFFF, v0;
	s23 =	sadd.s32 $0x4000, s7;
	s7 =	sadd.s32 $0x19000, s14;
	[dreg:$0x16] =	wrdreg s1  }
0x27: {  	s0 =	simm.s32 $0x1;
	[dreg:$0x19] =	wrdreg s7;
	s26 =	sadd.s32 $0x9C40, s18  }
0x28: {  	v1 =	vimm.f32 $0.0e+00;
	v2 =	vadd.s32 $0x4E200, v2;
	v0 =	vmov s12;
	s1 =	simm.s32 $0x80;
	[smem:$0x7FD] =	sst s26;
	s26 =	simm.s32 $0x2  }
.LBB2_1:
0x29: {  	s4 =	rddreg [dreg:$0x0]  }
0x2a: {  	[tilespmem:s6], [sflag:$0x2] =	stream.linear.gather [hbm4b:s4+s6], $0x2710, $0x38;
	[tilespmem:$0x1F0C0] =	vst v63  }
0x2b: {  	_ =	swait.ge [sflag:s26], $0x2710  }
0x2c: {  	[sflag:s26] =	ssyncset.done $0x0  }
0x2d: {  	[sflag:s26] =	ssyncadd.s32 $0xFFFFD8F0  }
0x2e: {  	s7 =	rddreg [dreg:$0x1]  }
0x2f: {  	[tilespmem:s28], [sflag:$0x2] =	stream.linear.gather [hbm4b:s7+s6], $0x2710, $0x38;
	[tilespmem:$0x1F0C0] =	vst v63  }
0x30: {  	_ =	swait.ge [sflag:s26], $0x2710  }
0x31: {  	[sflag:s26] =	ssyncset.done $0x0  }
0x32: {  	s7 =	simm.s32 $0x4E20;
	s9 =	rddreg [dreg:$0x8];
	[sflag:s26] =	ssyncadd.s32 $0xFFFFD8F0  }
0x33: {  	[tilespmem:s7], [sflag:$0x2] =	stream.linear.gather [hbm4b:s9+s6], $0x2780, $0x38;
	[tilespmem:$0x1F0C0] =	vst v63  }
0x34: {  	_ =	swait.ge [sflag:s26], $0x2780  }
0x35: {  	[sflag:s26] =	ssyncset.done $0x0  }
0x36: {  	s11 =	simm.s32 $0x75A0;
	s10 =	rddreg [dreg:$0x9];
	[sflag:s26] =	ssyncadd.s32 $0xFFFFD880  }
0x37: {  	[tilespmem:s11], [sflag:$0x2] =	stream.linear.gather [hbm4b:s10+s6], $0x2780, $0x38;
	[tilespmem:$0x1F0C0] =	vst v63  }
0x38: {  	_ =	swait.ge [sflag:s26], $0x2780  }
0x39: {  	[sflag:s26] =	ssyncset.done $0x0  }
0x3a: {  	s13 =	simm.s32 $0x9D20;
	s12 =	rddreg [dreg:$0xa];
	[sflag:s26] =	ssyncadd.s32 $0xFFFFD880  }
0x3b: {  	[tilespmem:s13], [sflag:$0x2] =	stream.linear.gather [hbm4b:s12+s6], $0x2780, $0x38;
	[tilespmem:$0x1F0C0] =	vst v63  }
0x3c: {  	_ =	swait.ge [sflag:s26], $0x2780  }
0x3d: {  	[sflag:s26] =	ssyncset.done $0x0  }
0x3e: {  	s25 =	simm.s32 $0xC4A0;
	s17 =	rddreg [dreg:$0xb];
	[sflag:s26] =	ssyncadd.s32 $0xFFFFD880  }
0x3f: {  	[tilespmem:s25], [sflag:$0x2] =	stream.linear.gather [hbm4b:s17+s6], $0x2780, $0x38;
	[tilespmem:$0x1F0C0] =	vst v63  }
0x40: {  	_ =	swait.ge [sflag:s26], $0x2780  }
0x41: {  	[sflag:s26] =	ssyncset.done $0x0  }
0x42: {  	s4 =	simm.s32 $0x0;
	[sflag:s26] =	ssyncadd.s32 $0xFFFFD880  }
.LBB2_2:
0x43: {  	p1 =	sne.s32 s4, $0x9FC0  }
.Ltmp0:
0x44: {  	_ = 	snop;
	(pc) =	sbr.rel @p1 .LBB2_2-.Ltmp0, $3  }
0x45: {  	_ =	sdelay $0x1  }
0x46: {  	s7 =	sshra.s32 s4, $0x2  }
0x47: {  	s4 =	sadd.s32 $0x40, s4;
	[tilespmem:s7+$0xEC20] =	vst v1  }
0x48: {  	s4 =	simm.s32 $0x0;
	s7 =	simm.s32 $0x11460  }
0x49: {  	s9 =	simm.s32 $0x4E60;
	s10 =	simm.s32 $0x75E0;
	s11 =	simm.s32 $0x0  }
.LBB2_4:
0x4a: {  	v3 =	vld [tilespmem:s10+$0xFFFFFFC0]  }
0x4b: {  	v4 =	vld [tilespmem:s9+$0xFFFFFFC0];
	_ =	sdelay $0x6  }
0x4c: {  	v5 =	vld.idx.msk [tilespmem:v3+s4+$0x0], $0xffff  }
0x4d: {  	v4 =	vld.idx.msk [tilespmem:v4+s28+$0x0], $0xffff;
	_ =	sdelay $0x4  }
0x4e: {  	v4 =	vadd.f32 v4, v5;
	_ =	sdelay $0x1  }
0x4f: {  	v5 =	vmul.f32 $2.000000030e-01, v4  }
0x50: {  	vm0 =	vge.f32 v4, $0.0e+00  }
0x51: {  	v4 =	vsel vm0, v4, v5  }
0x52: {  	v4 =	vmul.f32 $1.442695020e+00, v4;
	_ =	sdelay $0x1  }
0x53: {  	(erf) = vpow2.f32 v4;
	_ =	sdelay $0x7  }
0x54: {  	s12 =	sadd.s32 s11, s20  }
0x55: {  	p1 =	slt.u32 s12, $0x4E200;
	v4 =	vpop (erf)  }
0x56: {  	v4 =	vpsel !p1, $0x0, v4  }
0x57: {  	[tilespmem:s7+$0xFFFFFFC0] =	vst v4  }
0x58: {  	[tilespmem:v3+s29+$0x0] =	vst.idx.add.f32.msk $0xffff, v4  }
0x59: {  	v3 =	vld [tilespmem:s10+$0xFFFFFFD0]  }
0x5a: {  	v4 =	vld [tilespmem:s9+$0xFFFFFFD0];
	_ =	sdelay $0x6  }
0x5b: {  	v57 =	vld.idx.msk [tilespmem:v3+s4+$0x0], $0xffff  }
0x5c: {  	v4 =	vld.idx.msk [tilespmem:v4+s28+$0x0], $0xffff;
	_ =	sdelay $0x4  }
0x5d: {  	v4 =	vadd.f32 v4, v57;
	_ =	sdelay $0x1  }
0x5e: {  	v5 =	vmul.f32 $2.000000030e-01, v4  }
0x5f: {  	vm9 =	vge.f32 v4, $0.0e+00  }
0x60: {  	v4 =	vsel vm9, v4, v5  }
0x61: {  	v4 =	vmul.f32 $1.442695020e+00, v4;
	_ =	sdelay $0x1  }
0x62: {  	(erf) = vpow2.f32 v4;
	_ =	sdelay $0x7  }
0x63: {  	s13 =	sadd.s32 $0x10, s12  }
0x64: {  	p5 =	slt.u32 s13, $0x4E200;
	v4 =	vpop (erf)  }
0x65: {  	v4 =	vpsel !p5, $0x0, v4  }
0x66: {  	[tilespmem:s7+$0xFFFFFFD0] =	vst v4  }
0x67: {  	[tilespmem:v3+s29+$0x0] =	vst.idx.add.f32.msk $0xffff, v4  }
0x68: {  	v3 =	vld [tilespmem:s10+$0xFFFFFFE0]  }
0x69: {  	v4 =	vld [tilespmem:s9+$0xFFFFFFE0];
	_ =	sdelay $0x6  }
0x6a: {  	v58 =	vld.idx.msk [tilespmem:v3+s4+$0x0], $0xffff  }
0x6b: {  	v4 =	vld.idx.msk [tilespmem:v4+s28+$0x0], $0xffff;
	_ =	sdelay $0x4  }
0x6c: {  	v4 =	vadd.f32 v4, v58;
	_ =	sdelay $0x1  }
0x6d: {  	v5 =	vmul.f32 $2.000000030e-01, v4  }
0x6e: {  	vm10 =	vge.f32 v4, $0.0e+00  }
0x6f: {  	v4 =	vsel vm10, v4, v5  }
0x70: {  	v4 =	vmul.f32 $1.442695020e+00, v4;
	_ =	sdelay $0x1  }
0x71: {  	(erf) = vpow2.f32 v4;
	_ =	sdelay $0x7  }
0x72: {  	s25 =	sadd.s32 $0x20, s12  }
0x73: {  	p6 =	slt.u32 s25, $0x4E200;
	v4 =	vpop (erf)  }
0x74: {  	v4 =	vpsel !p6, $0x0, v4  }
0x75: {  	[tilespmem:s7+$0xFFFFFFE0] =	vst v4  }
0x76: {  	[tilespmem:v3+s29+$0x0] =	vst.idx.add.f32.msk $0xffff, v4  }
0x77: {  	v3 =	vld [tilespmem:s10+$0xFFFFFFF0]  }
0x78: {  	v4 =	vld [tilespmem:s9+$0xFFFFFFF0];
	_ =	sdelay $0x6  }
0x79: {  	v59 =	vld.idx.msk [tilespmem:v3+s4+$0x0], $0xffff  }
0x7a: {  	v4 =	vld.idx.msk [tilespmem:v4+s28+$0x0], $0xffff;
	_ =	sdelay $0x4  }
0x7b: {  	v4 =	vadd.f32 v4, v59;
	_ =	sdelay $0x1  }
0x7c: {  	v5 =	vmul.f32 $2.000000030e-01, v4  }
0x7d: {  	vm11 =	vge.f32 v4, $0.0e+00  }
0x7e: {  	v4 =	vsel vm11, v4, v5  }
0x7f: {  	v4 =	vmul.f32 $1.442695020e+00, v4;
	_ =	sdelay $0x1  }
0x80: {  	(erf) = vpow2.f32 v4;
	_ =	sdelay $0x7  }
0x81: {  	s17 =	sadd.s32 $0x30, s12  }
0x82: {  	p2 =	slt.u32 s17, $0x4E200;
	v4 =	vpop (erf)  }
0x83: {  	v4 =	vpsel !p2, $0x0, v4  }
0x84: {  	[tilespmem:s7+$0xFFFFFFF0] =	vst v4  }
0x85: {  	[tilespmem:v3+s29+$0x0] =	vst.idx.add.f32.msk $0xffff, v4  }
0x86: {  	v3 =	vld [tilespmem:s10+$0x0]  }
0x87: {  	v4 =	vld [tilespmem:s9+$0x0];
	_ =	sdelay $0x6  }
0x88: {  	v60 =	vld.idx.msk [tilespmem:v3+s4+$0x0], $0xffff  }
0x89: {  	v4 =	vld.idx.msk [tilespmem:v4+s28+$0x0], $0xffff;
	_ =	sdelay $0x4  }
0x8a: {  	v4 =	vadd.f32 v4, v60;
	_ =	sdelay $0x1  }
0x8b: {  	v5 =	vmul.f32 $2.000000030e-01, v4  }
0x8c: {  	vm12 =	vge.f32 v4, $0.0e+00  }
0x8d: {  	v4 =	vsel vm12, v4, v5  }
0x8e: {  	v4 =	vmul.f32 $1.442695020e+00, v4;
	_ =	sdelay $0x1  }
0x8f: {  	(erf) = vpow2.f32 v4;
	_ =	sdelay $0x7  }
0x90: {  	s25 =	sadd.s32 $0x40, s12  }
0x91: {  	p3 =	slt.u32 s25, $0x4E200;
	v4 =	vpop (erf)  }
0x92: {  	v4 =	vpsel !p3, $0x0, v4  }
0x93: {  	[tilespmem:s7+$0x0] =	vst v4  }
0x94: {  	[tilespmem:v3+s29+$0x0] =	vst.idx.add.f32.msk $0xffff, v4  }
0x95: {  	v3 =	vld [tilespmem:s10+$0x10]  }
0x96: {  	v4 =	vld [tilespmem:s9+$0x10];
	_ =	sdelay $0x6  }
0x97: {  	v61 =	vld.idx.msk [tilespmem:v3+s4+$0x0], $0xffff  }
0x98: {  	v4 =	vld.idx.msk [tilespmem:v4+s28+$0x0], $0xffff;
	_ =	sdelay $0x4  }
0x99: {  	v4 =	vadd.f32 v4, v61;
	_ =	sdelay $0x1  }
0x9a: {  	v5 =	vmul.f32 $2.000000030e-01, v4  }
0x9b: {  	vm13 =	vge.f32 v4, $0.0e+00  }
0x9c: {  	v4 =	vsel vm13, v4, v5  }
0x9d: {  	v4 =	vmul.f32 $1.442695020e+00, v4;
	_ =	sdelay $0x1  }
0x9e: {  	(erf) = vpow2.f32 v4;
	_ =	sdelay $0x7  }
0x9f: {  	s17 =	sadd.s32 $0x50, s12  }
0xa0: {  	p4 =	slt.u32 s17, $0x4E200;
	v4 =	vpop (erf)  }
0xa1: {  	v4 =	vpsel !p4, $0x0, v4  }
0xa2: {  	[tilespmem:s7+$0x10] =	vst v4  }
0xa3: {  	[tilespmem:v3+s29+$0x0] =	vst.idx.add.f32.msk $0xffff, v4  }
0xa4: {  	v3 =	vld [tilespmem:s10+$0x20]  }
0xa5: {  	v4 =	vld [tilespmem:s9+$0x20];
	_ =	sdelay $0x6  }
0xa6: {  	v62 =	vld.idx.msk [tilespmem:v3+s4+$0x0], $0xffff  }
0xa7: {  	v4 =	vld.idx.msk [tilespmem:v4+s28+$0x0], $0xffff;
	_ =	sdelay $0x4  }
0xa8: {  	v4 =	vadd.f32 v4, v62;
	_ =	sdelay $0x1  }
0xa9: {  	v5 =	vmul.f32 $2.000000030e-01, v4  }
0xaa: {  	vm14 =	vge.f32 v4, $0.0e+00  }
0xab: {  	v4 =	vsel vm14, v4, v5  }
0xac: {  	v4 =	vmul.f32 $1.442695020e+00, v4;
	_ =	sdelay $0x1  }
0xad: {  	(erf) = vpow2.f32 v4;
	_ =	sdelay $0x7  }
0xae: {  	s25 =	sadd.s32 $0x60, s12  }
0xaf: {  	p5 =	slt.u32 s25, $0x4E200;
	v4 =	vpop (erf)  }
0xb0: {  	v4 =	vpsel !p5, $0x0, v4  }
0xb1: {  	[tilespmem:s7+$0x20] =	vst v4  }
0xb2: {  	[tilespmem:v3+s29+$0x0] =	vst.idx.add.f32.msk $0xffff, v4  }
0xb3: {  	v3 =	vld [tilespmem:s10+$0x30]  }
0xb4: {  	v4 =	vld [tilespmem:s9+$0x30];
	_ =	sdelay $0x6  }
0xb5: {  	v63 =	vld.idx.msk [tilespmem:v3+s4+$0x0], $0xffff  }
0xb6: {  	v4 =	vld.idx.msk [tilespmem:v4+s28+$0x0], $0xffff;
	_ =	sdelay $0x4  }
0xb7: {  	v4 =	vadd.f32 v4, v63;
	_ =	sdelay $0x1  }
0xb8: {  	v5 =	vmul.f32 $2.000000030e-01, v4  }
0xb9: {  	vm15 =	vge.f32 v4, $0.0e+00  }
0xba: {  	v4 =	vsel vm15, v4, v5  }
0xbb: {  	v4 =	vmul.f32 $1.442695020e+00, v4;
	_ =	sdelay $0x1  }
0xbc: {  	(erf) = vpow2.f32 v4;
	_ =	sdelay $0x6  }
0xbd: {  	p1 =	sne.s32 s11, $0x2700  }
.Ltmp1:
0xbe: {  	s12 =	sadd.s32 $0x70, s12;
	(pc) =	sbr.rel @p1 .LBB2_4-.Ltmp1, $4  }
0xbf: {  	p6 =	slt.u32 s12, $0x4E200;
	v4 =	vpop (erf)  }
0xc0: {  	v4 =	vpsel !p6, $0x0, v4  }
0xc1: {  	s11 =	sadd.s32 $0x80, s11;
	[tilespmem:s7+$0x30] =	vst v4  }
0xc2: {  	s9 =	sadd.s32 $0x80, s9;
	s10 =	sadd.s32 $0x80, s10;
	s7 =	sadd.s32 $0x80, s7;
	[tilespmem:v3+s29+$0x0] =	vst.idx.add.f32.msk $0xffff, v4  }
0xc3: {  	s7 =	simm.s32 $0x13BE0;
	s9 =	simm.s32 $0x9D60;
	s10 =	simm.s32 $0xC4E0  }
.LBB2_6:
0xc4: {  	v3 =	vld [tilespmem:s10+$0xFFFFFFC0]  }
0xc5: {  	v4 =	vld [tilespmem:s9+$0xFFFFFFC0];
	_ =	sdelay $0x6  }
0xc6: {  	v5 =	vld.idx.msk [tilespmem:v3+s6+$0x0], $0xffff  }
0xc7: {  	v4 =	vld.idx.msk [tilespmem:v4+s28+$0x0], $0xffff;
	_ =	sdelay $0x4  }
0xc8: {  	v4 =	vadd.f32 v4, v5;
	_ =	sdelay $0x1  }
0xc9: {  	v5 =	vmul.f32 $2.000000030e-01, v4  }
0xca: {  	vm0 =	vge.f32 v4, $0.0e+00  }
0xcb: {  	v4 =	vsel vm0, v4, v5  }
0xcc: {  	v4 =	vmul.f32 $1.442695020e+00, v4;
	_ =	sdelay $0x1  }
0xcd: {  	(erf) = vpow2.f32 v4;
	_ =	sdelay $0x5  }
0xce: {  	s11 =	sadd.s32 s4, s8  }
0xcf: {  	s12 =	sadd.s32 $0x27800, s11  }
0xd0: {  	v41 =	vmov s12  }
0xd1: {  	vm13 =	vlt.s32 v41, v2;
	v42 =	vpop (erf)  }
0xd2: {  	v4 =	vnsel vm13, $0x0, v42  }
0xd3: {  	[tilespmem:s7+$0xFFFFFFC0] =	vst v4  }
0xd4: {  	[tilespmem:v3+s29+$0x0] =	vst.idx.add.f32.msk $0xffff, v4  }
0xd5: {  	v3 =	vld [tilespmem:s10+$0xFFFFFFD0]  }
0xd6: {  	v4 =	vld [tilespmem:s9+$0xFFFFFFD0];
	_ =	sdelay $0x6  }
0xd7: {  	v43 =	vld.idx.msk [tilespmem:v3+s6+$0x0], $0xffff  }
0xd8: {  	v4 =	vld.idx.msk [tilespmem:v4+s28+$0x0], $0xffff;
	_ =	sdelay $0x4  }
0xd9: {  	v4 =	vadd.f32 v4, v43;
	_ =	sdelay $0x1  }
0xda: {  	v5 =	vmul.f32 $2.000000030e-01, v4  }
0xdb: {  	vm14 =	vge.f32 v4, $0.0e+00  }
0xdc: {  	v4 =	vsel vm14, v4, v5  }
0xdd: {  	v4 =	vmul.f32 $1.442695020e+00, v4;
	_ =	sdelay $0x1  }
0xde: {  	(erf) = vpow2.f32 v4;
	_ =	sdelay $0x6  }
0xdf: {  	s13 =	sadd.s32 $0x27810, s11  }
0xe0: {  	v44 =	vmov s13  }
0xe1: {  	vm15 =	vlt.s32 v44, v2;
	v45 =	vpop (erf)  }
0xe2: {  	v4 =	vnsel vm15, $0x0, v45  }
0xe3: {  	[tilespmem:s7+$0xFFFFFFD0] =	vst v4  }
0xe4: {  	[tilespmem:v3+s29+$0x0] =	vst.idx.add.f32.msk $0xffff, v4  }
0xe5: {  	v3 =	vld [tilespmem:s10+$0xFFFFFFE0]  }
0xe6: {  	v4 =	vld [tilespmem:s9+$0xFFFFFFE0];
	_ =	sdelay $0x6  }
0xe7: {  	v46 =	vld.idx.msk [tilespmem:v3+s6+$0x0], $0xffff  }
0xe8: {  	v4 =	vld.idx.msk [tilespmem:v4+s28+$0x0], $0xffff;
	_ =	sdelay $0x4  }
0xe9: {  	v4 =	vadd.f32 v4, v46;
	_ =	sdelay $0x1  }
0xea: {  	v5 =	vmul.f32 $2.000000030e-01, v4  }
0xeb: {  	vm4 =	vge.f32 v4, $0.0e+00  }
0xec: {  	v4 =	vsel vm4, v4, v5  }
0xed: {  	v4 =	vmul.f32 $1.442695020e+00, v4;
	_ =	sdelay $0x1  }
0xee: {  	(erf) = vpow2.f32 v4;
	_ =	sdelay $0x6  }
0xef: {  	s17 =	sadd.s32 $0x27820, s11  }
0xf0: {  	v47 =	vmov s17  }
0xf1: {  	vm5 =	vlt.s32 v47, v2;
	v48 =	vpop (erf)  }
0xf2: {  	v4 =	vnsel vm5, $0x0, v48  }
0xf3: {  	[tilespmem:s7+$0xFFFFFFE0] =	vst v4  }
0xf4: {  	[tilespmem:v3+s29+$0x0] =	vst.idx.add.f32.msk $0xffff, v4  }
0xf5: {  	v3 =	vld [tilespmem:s10+$0xFFFFFFF0]  }
0xf6: {  	v4 =	vld [tilespmem:s9+$0xFFFFFFF0];
	_ =	sdelay $0x6  }
0xf7: {  	v49 =	vld.idx.msk [tilespmem:v3+s6+$0x0], $0xffff  }
0xf8: {  	v4 =	vld.idx.msk [tilespmem:v4+s28+$0x0], $0xffff;
	_ =	sdelay $0x4  }
0xf9: {  	v4 =	vadd.f32 v4, v49;
	_ =	sdelay $0x1  }
0xfa: {  	v5 =	vmul.f32 $2.000000030e-01, v4  }
0xfb: {  	vm6 =	vge.f32 v4, $0.0e+00  }
0xfc: {  	v4 =	vsel vm6, v4, v5  }
0xfd: {  	v4 =	vmul.f32 $1.442695020e+00, v4;
	_ =	sdelay $0x1  }
0xfe: {  	(erf) = vpow2.f32 v4;
	_ =	sdelay $0x6  }
0xff: {  	s25 =	sadd.s32 $0x27830, s11  }
0x100: {  	v50 =	vmov s25  }
0x101: {  	vm7 =	vlt.s32 v50, v2;
	v51 =	vpop (erf)  }
0x102: {  	v4 =	vnsel vm7, $0x0, v51  }
0x103: {  	[tilespmem:s7+$0xFFFFFFF0] =	vst v4  }
0x104: {  	[tilespmem:v3+s29+$0x0] =	vst.idx.add.f32.msk $0xffff, v4  }
0x105: {  	v3 =	vld [tilespmem:s10+$0x0]  }
0x106: {  	v4 =	vld [tilespmem:s9+$0x0];
	_ =	sdelay $0x6  }
0x107: {  	v52 =	vld.idx.msk [tilespmem:v3+s6+$0x0], $0xffff  }
0x108: {  	v4 =	vld.idx.msk [tilespmem:v4+s28+$0x0], $0xffff;
	_ =	sdelay $0x4  }
0x109: {  	v4 =	vadd.f32 v4, v52;
	_ =	sdelay $0x1  }
0x10a: {  	v5 =	vmul.f32 $2.000000030e-01, v4  }
0x10b: {  	vm8 =	vge.f32 v4, $0.0e+00  }
0x10c: {  	v4 =	vsel vm8, v4, v5  }
0x10d: {  	v4 =	vmul.f32 $1.442695020e+00, v4;
	_ =	sdelay $0x1  }
0x10e: {  	(erf) = vpow2.f32 v4;
	_ =	sdelay $0x6  }
0x10f: {  	s13 =	sadd.s32 $0x27840, s11  }
0x110: {  	v53 =	vmov s13  }
0x111: {  	vm9 =	vlt.s32 v53, v2;
	v54 =	vpop (erf)  }
0x112: {  	v4 =	vnsel vm9, $0x0, v54  }
0x113: {  	[tilespmem:s7+$0x0] =	vst v4  }
0x114: {  	[tilespmem:v3+s29+$0x0] =	vst.idx.add.f32.msk $0xffff, v4  }
0x115: {  	v3 =	vld [tilespmem:s10+$0x10]  }
0x116: {  	v4 =	vld [tilespmem:s9+$0x10];
	_ =	sdelay $0x6  }
0x117: {  	v55 =	vld.idx.msk [tilespmem:v3+s6+$0x0], $0xffff  }
0x118: {  	v4 =	vld.idx.msk [tilespmem:v4+s28+$0x0], $0xffff;
	_ =	sdelay $0x4  }
0x119: {  	v4 =	vadd.f32 v4, v55;
	_ =	sdelay $0x1  }
0x11a: {  	v5 =	vmul.f32 $2.000000030e-01, v4  }
0x11b: {  	vm10 =	vge.f32 v4, $0.0e+00  }
0x11c: {  	v4 =	vsel vm10, v4, v5  }
0x11d: {  	v4 =	vmul.f32 $1.442695020e+00, v4;
	_ =	sdelay $0x1  }
0x11e: {  	(erf) = vpow2.f32 v4;
	_ =	sdelay $0x6  }
0x11f: {  	s17 =	sadd.s32 $0x27850, s11  }
0x120: {  	v56 =	vmov s17  }
0x121: {  	vm11 =	vlt.s32 v56, v2;
	v57 =	vpop (erf)  }
0x122: {  	v4 =	vnsel vm11, $0x0, v57  }
0x123: {  	[tilespmem:s7+$0x10] =	vst v4  }
0x124: {  	[tilespmem:v3+s29+$0x0] =	vst.idx.add.f32.msk $0xffff, v4  }
0x125: {  	v3 =	vld [tilespmem:s10+$0x20]  }
0x126: {  	v4 =	vld [tilespmem:s9+$0x20];
	_ =	sdelay $0x6  }
0x127: {  	v58 =	vld.idx.msk [tilespmem:v3+s6+$0x0], $0xffff  }
0x128: {  	v4 =	vld.idx.msk [tilespmem:v4+s28+$0x0], $0xffff;
	_ =	sdelay $0x4  }
0x129: {  	v4 =	vadd.f32 v4, v58;
	_ =	sdelay $0x1  }
0x12a: {  	v5 =	vmul.f32 $2.000000030e-01, v4  }
0x12b: {  	vm12 =	vge.f32 v4, $0.0e+00  }
0x12c: {  	v4 =	vsel vm12, v4, v5  }
0x12d: {  	v4 =	vmul.f32 $1.442695020e+00, v4;
	_ =	sdelay $0x1  }
0x12e: {  	(erf) = vpow2.f32 v4;
	_ =	sdelay $0x6  }
0x12f: {  	s25 =	sadd.s32 $0x27860, s11  }
0x130: {  	v59 =	vmov s25  }
0x131: {  	vm13 =	vlt.s32 v59, v2;
	v60 =	vpop (erf)  }
0x132: {  	v4 =	vnsel vm13, $0x0, v60  }
0x133: {  	[tilespmem:s7+$0x20] =	vst v4  }
0x134: {  	[tilespmem:v3+s29+$0x0] =	vst.idx.add.f32.msk $0xffff, v4  }
0x135: {  	v3 =	vld [tilespmem:s10+$0x30]  }
0x136: {  	v4 =	vld [tilespmem:s9+$0x30];
	_ =	sdelay $0x6  }
0x137: {  	v61 =	vld.idx.msk [tilespmem:v3+s6+$0x0], $0xffff  }
0x138: {  	v4 =	vld.idx.msk [tilespmem:v4+s28+$0x0], $0xffff;
	_ =	sdelay $0x4  }
0x139: {  	v4 =	vadd.f32 v4, v61;
	_ =	sdelay $0x1  }
0x13a: {  	v5 =	vmul.f32 $2.000000030e-01, v4  }
0x13b: {  	vm14 =	vge.f32 v4, $0.0e+00  }
0x13c: {  	v4 =	vsel vm14, v4, v5  }
0x13d: {  	v4 =	vmul.f32 $1.442695020e+00, v4;
	_ =	sdelay $0x1  }
0x13e: {  	(erf) = vpow2.f32 v4;
	_ =	sdelay $0x6  }
0x13f: {  	p1 =	sne.s32 s4, $0x2700;
	s11 =	sadd.s32 $0x27870, s11  }
.Ltmp2:
0x140: {  	v62 =	vmov s11;
	(pc) =	sbr.rel @p1 .LBB2_6-.Ltmp2, $4  }
0x141: {  	vm15 =	vlt.s32 v62, v2;
	v63 =	vpop (erf)  }
0x142: {  	v4 =	vnsel vm15, $0x0, v63  }
0x143: {  	s4 =	sadd.s32 $0x80, s4;
	[tilespmem:s7+$0x30] =	vst v4  }
0x144: {  	s9 =	sadd.s32 $0x80, s9;
	s10 =	sadd.s32 $0x80, s10;
	s7 =	sadd.s32 $0x80, s7;
	[tilespmem:v3+s29+$0x0] =	vst.idx.add.f32.msk $0xffff, v4  }
0x145: {  	[bflag:$0x0] =	sbarrier.arrive $0xFFFF  }
0x146: {  	s4 =	rddreg [dreg:$0xc]  }
0x147: {  	[spmem:s4] =	stream.linear.scatter [tilespmem:s29], [sflag:$0x2], $0x2800, $0x38;
	[tilespmem:$0x1F0C0] =	vst v63  }
0x148: {  	_ =	swait.ge [sflag:s26], $0x2800  }
0x149: {  	[sflag:s26] =	ssyncset.done $0x0  }
0x14a: {  	[sflag:s26] =	ssyncadd.s32 $0xFFFFD800  }
0x14b: {  	[bflag:$0x0] =	sbarrier.arrive $0xFFFF  }
0x14c: {  	[tilespmem:s15], [sflag:$0x2] =	stream.linear.gather [spmem:s14], $0x280, $0x38;
	[tilespmem:$0x1F0C0] =	vst v63  }
0x14d: {  	_ =	swait.ge [sflag:s26], $0x280  }
0x14e: {  	[sflag:s26] =	ssyncset.done $0x0  }
0x14f: {  	s25 =	rddreg [dreg:$0x10];
	[sflag:s26] =	ssyncadd.s32 $0xFFFFFD80  }
0x150: {  	[tilespmem:s30], [sflag:$0x2] =	stream.linear.gather [spmem:s25], $0x280, $0x38;
	[tilespmem:$0x1F0C0] =	vst v63  }
0x151: {  	_ =	swait.ge [sflag:s26], $0x280  }
0x152: {  	[sflag:s26] =	ssyncset.done $0x0  }
0x153: {  	s4 =	simm.s32 $0x0;
	[sflag:s26] =	ssyncadd.s32 $0xFFFFFD80  }
0x154: {  	s7 =	simm.s32 $0x40;
	v3 =	vld [tilespmem:s4+$0x175A0]  }
.LBB2_8:
0x155: {  	p1 =	sne.s32 s7, $0x9C0;
	v4 =	vld [tilespmem:s4+$0x17320];
	_ =	sdelay $0x2  }
.Ltmp3:
0x156: {  	(pc) =	sbr.rel @p1 .LBB2_8-.Ltmp3, $4  }
0x157: {  	_ = 	snop  }
0x158: {  	v4 =	vadd.f32 v3, v4  }
0x159: {  	s9 =	sshra.s32 s7, $0x2  }
0x15a: {  	s7 =	sadd.s32 $0x40, s7;
	v3 =	vld [tilespmem:s9+$0x175A0];
	[tilespmem:s4+$0x17320] =	vst v4;
	s4 =	smov.u32 s9  }
0x15b: {  	v4 =	vld [tilespmem:s4+$0x17320];
	_ =	sdelay $0x4  }
0x15c: {  	v3 =	vadd.f32 v3, v4;
	_ =	sdelay $0x1  }
0x15d: {  	s25 =	rddreg [dreg:$0x11];
	[tilespmem:s4+$0x17320] =	vst v3  }
0x15e: {  	[tilespmem:s30], [sflag:$0x2] =	stream.linear.gather [spmem:s25], $0x280, $0x38;
	[tilespmem:$0x1F0C0] =	vst v63  }
0x15f: {  	_ =	swait.ge [sflag:s26], $0x280  }
0x160: {  	[sflag:s26] =	ssyncset.done $0x0  }
0x161: {  	s4 =	simm.s32 $0x0;
	[sflag:s26] =	ssyncadd.s32 $0xFFFFFD80  }
0x162: {  	s7 =	simm.s32 $0x40;
	v3 =	vld [tilespmem:s4+$0x175A0]  }
.LBB2_10:
0x163: {  	p1 =	sne.s32 s7, $0x9C0;
	v4 =	vld [tilespmem:s4+$0x17320];
	_ =	sdelay $0x2  }
.Ltmp4:
0x164: {  	(pc) =	sbr.rel @p1 .LBB2_10-.Ltmp4, $4  }
0x165: {  	_ = 	snop  }
0x166: {  	v4 =	vadd.f32 v3, v4  }
0x167: {  	s9 =	sshra.s32 s7, $0x2  }
0x168: {  	s7 =	sadd.s32 $0x40, s7;
	v3 =	vld [tilespmem:s9+$0x175A0];
	[tilespmem:s4+$0x17320] =	vst v4;
	s4 =	smov.u32 s9  }
0x169: {  	v4 =	vld [tilespmem:s4+$0x17320];
	_ =	sdelay $0x4  }
0x16a: {  	v3 =	vadd.f32 v3, v4;
	_ =	sdelay $0x1  }
0x16b: {  	s25 =	rddreg [dreg:$0x12];
	[tilespmem:s4+$0x17320] =	vst v3  }
0x16c: {  	[tilespmem:s30], [sflag:$0x2] =	stream.linear.gather [spmem:s25], $0x280, $0x38;
	[tilespmem:$0x1F0C0] =	vst v63  }
0x16d: {  	_ =	swait.ge [sflag:s26], $0x280  }
0x16e: {  	[sflag:s26] =	ssyncset.done $0x0  }
0x16f: {  	s4 =	simm.s32 $0x0;
	[sflag:s26] =	ssyncadd.s32 $0xFFFFFD80  }
0x170: {  	s7 =	simm.s32 $0x40;
	v3 =	vld [tilespmem:s4+$0x175A0]  }
.LBB2_12:
0x171: {  	p1 =	sne.s32 s7, $0x9C0;
	v4 =	vld [tilespmem:s4+$0x17320];
	_ =	sdelay $0x2  }
.Ltmp5:
0x172: {  	(pc) =	sbr.rel @p1 .LBB2_12-.Ltmp5, $4  }
0x173: {  	_ = 	snop  }
0x174: {  	v4 =	vadd.f32 v3, v4  }
0x175: {  	s9 =	sshra.s32 s7, $0x2  }
0x176: {  	s7 =	sadd.s32 $0x40, s7;
	v3 =	vld [tilespmem:s9+$0x175A0];
	[tilespmem:s4+$0x17320] =	vst v4;
	s4 =	smov.u32 s9  }
0x177: {  	v4 =	vld [tilespmem:s4+$0x17320];
	_ =	sdelay $0x4  }
0x178: {  	v3 =	vadd.f32 v3, v4;
	_ =	sdelay $0x1  }
0x179: {  	s25 =	rddreg [dreg:$0x13];
	[tilespmem:s4+$0x17320] =	vst v3  }
0x17a: {  	[tilespmem:s30], [sflag:$0x2] =	stream.linear.gather [spmem:s25], $0x280, $0x38;
	[tilespmem:$0x1F0C0] =	vst v63  }
0x17b: {  	_ =	swait.ge [sflag:s26], $0x280  }
0x17c: {  	[sflag:s26] =	ssyncset.done $0x0  }
0x17d: {  	s4 =	simm.s32 $0x0;
	[sflag:s26] =	ssyncadd.s32 $0xFFFFFD80  }
0x17e: {  	s7 =	simm.s32 $0x40;
	v3 =	vld [tilespmem:s4+$0x175A0]  }
.LBB2_14:
0x17f: {  	p1 =	sne.s32 s7, $0x9C0;
	v4 =	vld [tilespmem:s4+$0x17320];
	_ =	sdelay $0x2  }
.Ltmp6:
0x180: {  	(pc) =	sbr.rel @p1 .LBB2_14-.Ltmp6, $4  }
0x181: {  	_ = 	snop  }
0x182: {  	v4 =	vadd.f32 v3, v4  }
0x183: {  	s9 =	sshra.s32 s7, $0x2  }
0x184: {  	s7 =	sadd.s32 $0x40, s7;
	v3 =	vld [tilespmem:s9+$0x175A0];
	[tilespmem:s4+$0x17320] =	vst v4;
	s4 =	smov.u32 s9  }
0x185: {  	v4 =	vld [tilespmem:s4+$0x17320];
	_ =	sdelay $0x4  }
0x186: {  	v3 =	vadd.f32 v3, v4;
	_ =	sdelay $0x1  }
0x187: {  	s25 =	rddreg [dreg:$0x14];
	[tilespmem:s4+$0x17320] =	vst v3  }
0x188: {  	[tilespmem:s30], [sflag:$0x2] =	stream.linear.gather [spmem:s25], $0x280, $0x38;
	[tilespmem:$0x1F0C0] =	vst v63  }
0x189: {  	_ =	swait.ge [sflag:s26], $0x280  }
0x18a: {  	[sflag:s26] =	ssyncset.done $0x0  }
0x18b: {  	s4 =	simm.s32 $0x0;
	[sflag:s26] =	ssyncadd.s32 $0xFFFFFD80  }
0x18c: {  	s7 =	simm.s32 $0x40;
	v3 =	vld [tilespmem:s4+$0x175A0]  }
.LBB2_16:
0x18d: {  	p1 =	sne.s32 s7, $0x9C0;
	v4 =	vld [tilespmem:s4+$0x17320];
	_ =	sdelay $0x2  }
.Ltmp7:
0x18e: {  	(pc) =	sbr.rel @p1 .LBB2_16-.Ltmp7, $4  }
0x18f: {  	_ = 	snop  }
0x190: {  	v4 =	vadd.f32 v3, v4  }
0x191: {  	s9 =	sshra.s32 s7, $0x2  }
0x192: {  	s7 =	sadd.s32 $0x40, s7;
	v3 =	vld [tilespmem:s9+$0x175A0];
	[tilespmem:s4+$0x17320] =	vst v4;
	s4 =	smov.u32 s9  }
0x193: {  	v4 =	vld [tilespmem:s4+$0x17320];
	_ =	sdelay $0x4  }
0x194: {  	v3 =	vadd.f32 v3, v4;
	_ =	sdelay $0x1  }
0x195: {  	s25 =	rddreg [dreg:$0x15];
	[tilespmem:s4+$0x17320] =	vst v3  }
0x196: {  	[tilespmem:s30], [sflag:$0x2] =	stream.linear.gather [spmem:s25], $0x280, $0x38;
	[tilespmem:$0x1F0C0] =	vst v63  }
0x197: {  	_ =	swait.ge [sflag:s26], $0x280  }
0x198: {  	[sflag:s26] =	ssyncset.done $0x0  }
0x199: {  	s4 =	simm.s32 $0x0;
	[sflag:s26] =	ssyncadd.s32 $0xFFFFFD80  }
0x19a: {  	s7 =	simm.s32 $0x40;
	v3 =	vld [tilespmem:s4+$0x175A0]  }
.LBB2_18:
0x19b: {  	p1 =	sne.s32 s7, $0x9C0;
	v4 =	vld [tilespmem:s4+$0x17320];
	_ =	sdelay $0x2  }
.Ltmp8:
0x19c: {  	(pc) =	sbr.rel @p1 .LBB2_18-.Ltmp8, $4  }
0x19d: {  	_ = 	snop  }
0x19e: {  	v4 =	vadd.f32 v3, v4  }
0x19f: {  	s9 =	sshra.s32 s7, $0x2  }
0x1a0: {  	s7 =	sadd.s32 $0x40, s7;
	v3 =	vld [tilespmem:s9+$0x175A0];
	[tilespmem:s4+$0x17320] =	vst v4;
	s4 =	smov.u32 s9  }
0x1a1: {  	v4 =	vld [tilespmem:s4+$0x17320];
	_ =	sdelay $0x4  }
0x1a2: {  	v3 =	vadd.f32 v3, v4;
	_ =	sdelay $0x1  }
0x1a3: {  	s25 =	rddreg [dreg:$0x16];
	[tilespmem:s4+$0x17320] =	vst v3  }
0x1a4: {  	[tilespmem:s30], [sflag:$0x2] =	stream.linear.gather [spmem:s25], $0x280, $0x38;
	[tilespmem:$0x1F0C0] =	vst v63  }
0x1a5: {  	_ =	swait.ge [sflag:s26], $0x280  }
0x1a6: {  	[sflag:s26] =	ssyncset.done $0x0  }
0x1a7: {  	s4 =	simm.s32 $0x0;
	[sflag:s26] =	ssyncadd.s32 $0xFFFFFD80  }
0x1a8: {  	s7 =	simm.s32 $0x40;
	v3 =	vld [tilespmem:s4+$0x175A0]  }
.LBB2_20:
0x1a9: {  	p1 =	sne.s32 s7, $0x9C0;
	v4 =	vld [tilespmem:s4+$0x17320];
	_ =	sdelay $0x2  }
.Ltmp9:
0x1aa: {  	(pc) =	sbr.rel @p1 .LBB2_20-.Ltmp9, $4  }
0x1ab: {  	_ = 	snop  }
0x1ac: {  	v4 =	vadd.f32 v3, v4  }
0x1ad: {  	s9 =	sshra.s32 s7, $0x2  }
0x1ae: {  	s7 =	sadd.s32 $0x40, s7;
	v3 =	vld [tilespmem:s9+$0x175A0];
	[tilespmem:s4+$0x17320] =	vst v4;
	s4 =	smov.u32 s9  }
0x1af: {  	v4 =	vld [tilespmem:s4+$0x17320];
	_ =	sdelay $0x4  }
0x1b0: {  	v3 =	vadd.f32 v3, v4;
	_ =	sdelay $0x1  }
0x1b1: {  	s25 =	rddreg [dreg:$0x17];
	[tilespmem:s4+$0x17320] =	vst v3  }
0x1b2: {  	[tilespmem:s30], [sflag:$0x2] =	stream.linear.gather [spmem:s25], $0x280, $0x38;
	[tilespmem:$0x1F0C0] =	vst v63  }
0x1b3: {  	_ =	swait.ge [sflag:s26], $0x280  }
0x1b4: {  	[sflag:s26] =	ssyncset.done $0x0  }
0x1b5: {  	s4 =	simm.s32 $0x0;
	[sflag:s26] =	ssyncadd.s32 $0xFFFFFD80  }
0x1b6: {  	s7 =	simm.s32 $0x40;
	v3 =	vld [tilespmem:s4+$0x175A0]  }
.LBB2_22:
0x1b7: {  	p1 =	sne.s32 s7, $0x9C0;
	v4 =	vld [tilespmem:s4+$0x17320];
	_ =	sdelay $0x2  }
.Ltmp10:
0x1b8: {  	(pc) =	sbr.rel @p1 .LBB2_22-.Ltmp10, $4  }
0x1b9: {  	_ = 	snop  }
0x1ba: {  	v4 =	vadd.f32 v3, v4  }
0x1bb: {  	s9 =	sshra.s32 s7, $0x2  }
0x1bc: {  	s7 =	sadd.s32 $0x40, s7;
	v3 =	vld [tilespmem:s9+$0x175A0];
	[tilespmem:s4+$0x17320] =	vst v4;
	s4 =	smov.u32 s9  }
0x1bd: {  	v4 =	vld [tilespmem:s4+$0x17320];
	_ =	sdelay $0x4  }
0x1be: {  	v3 =	vadd.f32 v3, v4;
	_ =	sdelay $0x1  }
0x1bf: {  	s25 =	rddreg [dreg:$0x18];
	[tilespmem:s4+$0x17320] =	vst v3  }
0x1c0: {  	[tilespmem:s30], [sflag:$0x2] =	stream.linear.gather [spmem:s25], $0x280, $0x38;
	[tilespmem:$0x1F0C0] =	vst v63  }
0x1c1: {  	_ =	swait.ge [sflag:s26], $0x280  }
0x1c2: {  	[sflag:s26] =	ssyncset.done $0x0  }
0x1c3: {  	s4 =	simm.s32 $0x0;
	[sflag:s26] =	ssyncadd.s32 $0xFFFFFD80  }
0x1c4: {  	s7 =	simm.s32 $0x40;
	v3 =	vld [tilespmem:s4+$0x175A0]  }
.LBB2_24:
0x1c5: {  	p1 =	sne.s32 s7, $0x9C0;
	v4 =	vld [tilespmem:s4+$0x17320];
	_ =	sdelay $0x2  }
.Ltmp11:
0x1c6: {  	(pc) =	sbr.rel @p1 .LBB2_24-.Ltmp11, $4  }
0x1c7: {  	_ = 	snop  }
0x1c8: {  	v4 =	vadd.f32 v3, v4  }
0x1c9: {  	s9 =	sshra.s32 s7, $0x2  }
0x1ca: {  	s7 =	sadd.s32 $0x40, s7;
	v3 =	vld [tilespmem:s9+$0x175A0];
	[tilespmem:s4+$0x17320] =	vst v4;
	s4 =	smov.u32 s9  }
0x1cb: {  	v4 =	vld [tilespmem:s4+$0x17320];
	_ =	sdelay $0x4  }
0x1cc: {  	v3 =	vadd.f32 v3, v4;
	_ =	sdelay $0x1  }
0x1cd: {  	s25 =	rddreg [dreg:$0x19];
	[tilespmem:s4+$0x17320] =	vst v3  }
0x1ce: {  	[tilespmem:s30], [sflag:$0x2] =	stream.linear.gather [spmem:s25], $0x280, $0x38;
	[tilespmem:$0x1F0C0] =	vst v63  }
0x1cf: {  	_ =	swait.ge [sflag:s26], $0x280  }
0x1d0: {  	[sflag:s26] =	ssyncset.done $0x0  }
0x1d1: {  	s4 =	simm.s32 $0x0;
	[sflag:s26] =	ssyncadd.s32 $0xFFFFFD80  }
0x1d2: {  	s7 =	simm.s32 $0x40;
	v3 =	vld [tilespmem:s4+$0x175A0]  }
.LBB2_26:
0x1d3: {  	p1 =	sne.s32 s7, $0x9C0;
	v4 =	vld [tilespmem:s4+$0x17320];
	_ =	sdelay $0x2  }
.Ltmp12:
0x1d4: {  	(pc) =	sbr.rel @p1 .LBB2_26-.Ltmp12, $4  }
0x1d5: {  	_ = 	snop  }
0x1d6: {  	v4 =	vadd.f32 v3, v4  }
0x1d7: {  	s9 =	sshra.s32 s7, $0x2  }
0x1d8: {  	s7 =	sadd.s32 $0x40, s7;
	v3 =	vld [tilespmem:s9+$0x175A0];
	[tilespmem:s4+$0x17320] =	vst v4;
	s4 =	smov.u32 s9  }
0x1d9: {  	v4 =	vld [tilespmem:s4+$0x17320];
	_ =	sdelay $0x4  }
0x1da: {  	v3 =	vadd.f32 v3, v4;
	_ =	sdelay $0x1  }
0x1db: {  	s25 =	rddreg [dreg:$0x1a];
	[tilespmem:s4+$0x17320] =	vst v3  }
0x1dc: {  	[tilespmem:s30], [sflag:$0x2] =	stream.linear.gather [spmem:s25], $0x280, $0x38;
	[tilespmem:$0x1F0C0] =	vst v63  }
0x1dd: {  	_ =	swait.ge [sflag:s26], $0x280  }
0x1de: {  	[sflag:s26] =	ssyncset.done $0x0  }
0x1df: {  	s4 =	simm.s32 $0x0;
	[sflag:s26] =	ssyncadd.s32 $0xFFFFFD80  }
0x1e0: {  	s7 =	simm.s32 $0x40;
	v3 =	vld [tilespmem:s4+$0x175A0]  }
.LBB2_28:
0x1e1: {  	p1 =	sne.s32 s7, $0x9C0;
	v4 =	vld [tilespmem:s4+$0x17320];
	_ =	sdelay $0x2  }
.Ltmp13:
0x1e2: {  	(pc) =	sbr.rel @p1 .LBB2_28-.Ltmp13, $4  }
0x1e3: {  	_ = 	snop  }
0x1e4: {  	v4 =	vadd.f32 v3, v4  }
0x1e5: {  	s9 =	sshra.s32 s7, $0x2  }
0x1e6: {  	s7 =	sadd.s32 $0x40, s7;
	v3 =	vld [tilespmem:s9+$0x175A0];
	[tilespmem:s4+$0x17320] =	vst v4;
	s4 =	smov.u32 s9  }
0x1e7: {  	v4 =	vld [tilespmem:s4+$0x17320];
	_ =	sdelay $0x4  }
0x1e8: {  	v3 =	vadd.f32 v3, v4;
	_ =	sdelay $0x1  }
0x1e9: {  	s25 =	rddreg [dreg:$0x1b];
	[tilespmem:s4+$0x17320] =	vst v3  }
0x1ea: {  	[tilespmem:s30], [sflag:$0x2] =	stream.linear.gather [spmem:s25], $0x280, $0x38;
	[tilespmem:$0x1F0C0] =	vst v63  }
0x1eb: {  	_ =	swait.ge [sflag:s26], $0x280  }
0x1ec: {  	[sflag:s26] =	ssyncset.done $0x0  }
0x1ed: {  	s4 =	simm.s32 $0x0;
	[sflag:s26] =	ssyncadd.s32 $0xFFFFFD80  }
0x1ee: {  	s7 =	simm.s32 $0x40;
	v3 =	vld [tilespmem:s4+$0x175A0]  }
.LBB2_30:
0x1ef: {  	p1 =	sne.s32 s7, $0x9C0;
	v4 =	vld [tilespmem:s4+$0x17320];
	_ =	sdelay $0x2  }
.Ltmp14:
0x1f0: {  	(pc) =	sbr.rel @p1 .LBB2_30-.Ltmp14, $4  }
0x1f1: {  	_ = 	snop  }
0x1f2: {  	v4 =	vadd.f32 v3, v4  }
0x1f3: {  	s9 =	sshra.s32 s7, $0x2  }
0x1f4: {  	s7 =	sadd.s32 $0x40, s7;
	v3 =	vld [tilespmem:s9+$0x175A0];
	[tilespmem:s4+$0x17320] =	vst v4;
	s4 =	smov.u32 s9  }
0x1f5: {  	v4 =	vld [tilespmem:s4+$0x17320];
	_ =	sdelay $0x4  }
0x1f6: {  	v3 =	vadd.f32 v3, v4;
	_ =	sdelay $0x1  }
0x1f7: {  	s25 =	rddreg [dreg:$0x1c];
	[tilespmem:s4+$0x17320] =	vst v3  }
0x1f8: {  	[tilespmem:s30], [sflag:$0x2] =	stream.linear.gather [spmem:s25], $0x280, $0x38;
	[tilespmem:$0x1F0C0] =	vst v63  }
0x1f9: {  	_ =	swait.ge [sflag:s26], $0x280  }
0x1fa: {  	[sflag:s26] =	ssyncset.done $0x0  }
0x1fb: {  	s4 =	simm.s32 $0x0;
	[sflag:s26] =	ssyncadd.s32 $0xFFFFFD80  }
0x1fc: {  	s7 =	simm.s32 $0x40;
	v3 =	vld [tilespmem:s4+$0x175A0]  }
.LBB2_32:
0x1fd: {  	p1 =	sne.s32 s7, $0x9C0;
	v4 =	vld [tilespmem:s4+$0x17320];
	_ =	sdelay $0x2  }
.Ltmp15:
0x1fe: {  	(pc) =	sbr.rel @p1 .LBB2_32-.Ltmp15, $4  }
0x1ff: {  	_ = 	snop  }
0x200: {  	v4 =	vadd.f32 v3, v4  }
0x201: {  	s9 =	sshra.s32 s7, $0x2  }
0x202: {  	s7 =	sadd.s32 $0x40, s7;
	v3 =	vld [tilespmem:s9+$0x175A0];
	[tilespmem:s4+$0x17320] =	vst v4;
	s4 =	smov.u32 s9  }
0x203: {  	v4 =	vld [tilespmem:s4+$0x17320];
	_ =	sdelay $0x4  }
0x204: {  	v3 =	vadd.f32 v3, v4;
	_ =	sdelay $0x1  }
0x205: {  	s25 =	rddreg [dreg:$0x1d];
	[tilespmem:s4+$0x17320] =	vst v3  }
0x206: {  	[tilespmem:s30], [sflag:$0x2] =	stream.linear.gather [spmem:s25], $0x280, $0x38;
	[tilespmem:$0x1F0C0] =	vst v63  }
0x207: {  	_ =	swait.ge [sflag:s26], $0x280  }
0x208: {  	[sflag:s26] =	ssyncset.done $0x0  }
0x209: {  	s4 =	simm.s32 $0x0;
	[sflag:s26] =	ssyncadd.s32 $0xFFFFFD80  }
0x20a: {  	s7 =	simm.s32 $0x40;
	v3 =	vld [tilespmem:s4+$0x175A0]  }
.LBB2_34:
0x20b: {  	p1 =	sne.s32 s7, $0x9C0;
	v4 =	vld [tilespmem:s4+$0x17320];
	_ =	sdelay $0x2  }
.Ltmp16:
0x20c: {  	(pc) =	sbr.rel @p1 .LBB2_34-.Ltmp16, $4  }
0x20d: {  	_ = 	snop  }
0x20e: {  	v4 =	vadd.f32 v3, v4  }
0x20f: {  	s9 =	sshra.s32 s7, $0x2  }
0x210: {  	s7 =	sadd.s32 $0x40, s7;
	v3 =	vld [tilespmem:s9+$0x175A0];
	[tilespmem:s4+$0x17320] =	vst v4;
	s4 =	smov.u32 s9  }
0x211: {  	v4 =	vld [tilespmem:s4+$0x17320];
	_ =	sdelay $0x4  }
0x212: {  	v3 =	vadd.f32 v3, v4;
	_ =	sdelay $0x1  }
0x213: {  	s25 =	rddreg [dreg:$0x1e];
	[tilespmem:s4+$0x17320] =	vst v3  }
0x214: {  	[tilespmem:s30], [sflag:$0x2] =	stream.linear.gather [spmem:s25], $0x280, $0x38;
	[tilespmem:$0x1F0C0] =	vst v63  }
0x215: {  	_ =	swait.ge [sflag:s26], $0x280  }
0x216: {  	[sflag:s26] =	ssyncset.done $0x0  }
0x217: {  	s4 =	simm.s32 $0x0;
	[sflag:s26] =	ssyncadd.s32 $0xFFFFFD80  }
0x218: {  	s7 =	simm.s32 $0x40;
	v3 =	vld [tilespmem:s4+$0x175A0]  }
.LBB2_36:
0x219: {  	p1 =	sne.s32 s7, $0x9C0;
	v4 =	vld [tilespmem:s4+$0x17320];
	_ =	sdelay $0x2  }
.Ltmp17:
0x21a: {  	(pc) =	sbr.rel @p1 .LBB2_36-.Ltmp17, $4  }
0x21b: {  	_ = 	snop  }
0x21c: {  	v4 =	vadd.f32 v3, v4  }
0x21d: {  	s9 =	sshra.s32 s7, $0x2  }
0x21e: {  	s7 =	sadd.s32 $0x40, s7;
	v3 =	vld [tilespmem:s9+$0x175A0];
	[tilespmem:s4+$0x17320] =	vst v4;
	s4 =	smov.u32 s9  }
0x21f: {  	v4 =	vld [tilespmem:s4+$0x17320];
	_ =	sdelay $0x4  }
0x220: {  	v3 =	vadd.f32 v3, v4;
	_ =	sdelay $0x1  }
0x221: {  	s17 =	rddreg [dreg:$0xd];
	[tilespmem:s4+$0x17320] =	vst v3  }
0x222: {  	[spmem:s17] =	stream.linear.scatter [tilespmem:s15], [sflag:$0x2], $0x280, $0x38;
	[tilespmem:$0x1F0C0] =	vst v63  }
0x223: {  	_ =	swait.ge [sflag:s26], $0x280  }
0x224: {  	[sflag:s26] =	ssyncset.done $0x0  }
0x225: {  	[sflag:s26] =	ssyncadd.s32 $0xFFFFFD80  }
0x226: {  	[bflag:$0x0] =	sbarrier.arrive $0xFFFF  }
0x227: {  	s25 =	rddreg [dreg:$0x5]  }
0x228: {  	[tilespmem:s29], [sflag:$0x2] =	stream.linear.gather [spmem:s25], $0x2800, $0x38;
	[tilespmem:$0x1F0C0] =	vst v63  }
0x229: {  	_ =	swait.ge [sflag:s26], $0x2800  }
0x22a: {  	[sflag:s26] =	ssyncset.done $0x0  }
0x22b: {  	s4 =	simm.s32 $0x0;
	[sflag:s26] =	ssyncadd.s32 $0xFFFFD800  }
.LBB2_38:
0x22c: {  	s7 =	sshra.s32 s4, $0x2  }
0x22d: {  	v3 =	vld [tilespmem:s7+$0x75A0];
	_ =	sdelay $0x7  }
0x22e: {  	v3 =	vld.idx.msk [tilespmem:v3+s29+$0x0], $0xffff;
	_ =	sdelay $0x4  }
0x22f: {  	v3 =	vadd.f32 $9.999999710e-10, v3;
	_ =	sdelay $0x1  }
0x230: {  	(erf) = vrcp.f32 v3;
	_ =	sdelay $0x4  }
0x231: {  	v3 =	vld [tilespmem:s7+$0x11420]  }
0x232: {  	v4 =	vld [tilespmem:s7+$0x75B0]  }
0x233: {  	v5 =	vld [tilespmem:s7+$0x4E20];
	_ =	sdelay $0x1  }
0x234: {  	v6 =	vpop (erf)  }
0x235: {  	v3 =	vmul.f32 v6, v3;
	_ =	sdelay $0x1  }
0x236: {  	[tilespmem:s7+$0x11420] =	vst v3;
	v3 =	vadd.s32 v0, v5  }
0x237: {  	[tilespmem:s7+$0x4E20] =	vst v3  }
0x238: {  	v3 =	vld.idx.msk [tilespmem:v4+s29+$0x0], $0xffff;
	_ =	sdelay $0x4  }
0x239: {  	v3 =	vadd.f32 $9.999999710e-10, v3;
	_ =	sdelay $0x1  }
0x23a: {  	(erf) = vrcp.f32 v3;
	_ =	sdelay $0x4  }
0x23b: {  	v3 =	vld [tilespmem:s7+$0x11430]  }
0x23c: {  	v20 =	vld [tilespmem:s7+$0x75C0]  }
0x23d: {  	v21 =	vld [tilespmem:s7+$0x4E30];
	_ =	sdelay $0x1  }
0x23e: {  	v22 =	vpop (erf)  }
0x23f: {  	v3 =	vmul.f32 v22, v3;
	_ =	sdelay $0x1  }
0x240: {  	[tilespmem:s7+$0x11430] =	vst v3;
	v3 =	vadd.s32 v0, v21  }
0x241: {  	[tilespmem:s7+$0x4E30] =	vst v3  }
0x242: {  	v3 =	vld.idx.msk [tilespmem:v20+s29+$0x0], $0xffff;
	_ =	sdelay $0x4  }
0x243: {  	v3 =	vadd.f32 $9.999999710e-10, v3;
	_ =	sdelay $0x1  }
0x244: {  	(erf) = vrcp.f32 v3;
	_ =	sdelay $0x4  }
0x245: {  	v3 =	vld [tilespmem:s7+$0x11440]  }
0x246: {  	v23 =	vld [tilespmem:s7+$0x75D0]  }
0x247: {  	v24 =	vld [tilespmem:s7+$0x4E40];
	_ =	sdelay $0x1  }
0x248: {  	v25 =	vpop (erf)  }
0x249: {  	v3 =	vmul.f32 v25, v3;
	_ =	sdelay $0x1  }
0x24a: {  	[tilespmem:s7+$0x11440] =	vst v3;
	v3 =	vadd.s32 v0, v24  }
0x24b: {  	[tilespmem:s7+$0x4E40] =	vst v3  }
0x24c: {  	v3 =	vld.idx.msk [tilespmem:v23+s29+$0x0], $0xffff;
	_ =	sdelay $0x4  }
0x24d: {  	v3 =	vadd.f32 $9.999999710e-10, v3;
	_ =	sdelay $0x1  }
0x24e: {  	(erf) = vrcp.f32 v3;
	_ =	sdelay $0x4  }
0x24f: {  	v3 =	vld [tilespmem:s7+$0x11450]  }
0x250: {  	v26 =	vld [tilespmem:s7+$0x75E0]  }
0x251: {  	v27 =	vld [tilespmem:s7+$0x4E50];
	_ =	sdelay $0x1  }
0x252: {  	v28 =	vpop (erf)  }
0x253: {  	v3 =	vmul.f32 v28, v3;
	_ =	sdelay $0x1  }
0x254: {  	[tilespmem:s7+$0x11450] =	vst v3;
	v3 =	vadd.s32 v0, v27  }
0x255: {  	[tilespmem:s7+$0x4E50] =	vst v3  }
0x256: {  	v3 =	vld.idx.msk [tilespmem:v26+s29+$0x0], $0xffff;
	_ =	sdelay $0x4  }
0x257: {  	v3 =	vadd.f32 $9.999999710e-10, v3;
	_ =	sdelay $0x1  }
0x258: {  	(erf) = vrcp.f32 v3;
	_ =	sdelay $0x4  }
0x259: {  	v3 =	vld [tilespmem:s7+$0x11460]  }
0x25a: {  	v29 =	vld [tilespmem:s7+$0x75F0]  }
0x25b: {  	v30 =	vld [tilespmem:s7+$0x4E60];
	_ =	sdelay $0x1  }
0x25c: {  	v31 =	vpop (erf)  }
0x25d: {  	v3 =	vmul.f32 v31, v3;
	_ =	sdelay $0x1  }
0x25e: {  	[tilespmem:s7+$0x11460] =	vst v3;
	v3 =	vadd.s32 v0, v30  }
0x25f: {  	[tilespmem:s7+$0x4E60] =	vst v3  }
0x260: {  	v3 =	vld.idx.msk [tilespmem:v29+s29+$0x0], $0xffff;
	_ =	sdelay $0x4  }
0x261: {  	v3 =	vadd.f32 $9.999999710e-10, v3;
	_ =	sdelay $0x1  }
0x262: {  	(erf) = vrcp.f32 v3;
	_ =	sdelay $0x4  }
0x263: {  	v3 =	vld [tilespmem:s7+$0x11470]  }
0x264: {  	v32 =	vld [tilespmem:s7+$0x7600]  }
0x265: {  	v33 =	vld [tilespmem:s7+$0x4E70];
	_ =	sdelay $0x1  }
0x266: {  	v34 =	vpop (erf)  }
0x267: {  	v3 =	vmul.f32 v34, v3;
	_ =	sdelay $0x1  }
0x268: {  	[tilespmem:s7+$0x11470] =	vst v3;
	v3 =	vadd.s32 v0, v33  }
0x269: {  	[tilespmem:s7+$0x4E70] =	vst v3  }
0x26a: {  	v3 =	vld.idx.msk [tilespmem:v32+s29+$0x0], $0xffff;
	_ =	sdelay $0x4  }
0x26b: {  	v3 =	vadd.f32 $9.999999710e-10, v3;
	_ =	sdelay $0x1  }
0x26c: {  	(erf) = vrcp.f32 v3;
	_ =	sdelay $0x4  }
0x26d: {  	v3 =	vld [tilespmem:s7+$0x11480]  }
0x26e: {  	v35 =	vld [tilespmem:s7+$0x7610]  }
0x26f: {  	v36 =	vld [tilespmem:s7+$0x4E80];
	_ =	sdelay $0x1  }
0x270: {  	v37 =	vpop (erf)  }
0x271: {  	v3 =	vmul.f32 v37, v3;
	_ =	sdelay $0x1  }
0x272: {  	[tilespmem:s7+$0x11480] =	vst v3;
	v3 =	vadd.s32 v0, v36  }
0x273: {  	[tilespmem:s7+$0x4E80] =	vst v3  }
0x274: {  	v3 =	vld.idx.msk [tilespmem:v35+s29+$0x0], $0xffff;
	_ =	sdelay $0x4  }
0x275: {  	v3 =	vadd.f32 $9.999999710e-10, v3;
	_ =	sdelay $0x1  }
0x276: {  	(erf) = vrcp.f32 v3;
	_ =	sdelay $0x4  }
0x277: {  	v3 =	vld [tilespmem:s7+$0x11490]  }
0x278: {  	v38 =	vld [tilespmem:s7+$0xC4A0]  }
0x279: {  	v39 =	vld [tilespmem:s7+$0x4E90];
	_ =	sdelay $0x1  }
0x27a: {  	v40 =	vpop (erf)  }
0x27b: {  	v3 =	vmul.f32 v40, v3;
	_ =	sdelay $0x1  }
0x27c: {  	[tilespmem:s7+$0x11490] =	vst v3;
	v3 =	vadd.s32 v0, v39  }
0x27d: {  	[tilespmem:s7+$0x4E90] =	vst v3  }
0x27e: {  	v3 =	vld.idx.msk [tilespmem:v38+s29+$0x0], $0xffff;
	_ =	sdelay $0x4  }
0x27f: {  	v3 =	vadd.f32 $9.999999710e-10, v3;
	_ =	sdelay $0x1  }
0x280: {  	(erf) = vrcp.f32 v3;
	_ =	sdelay $0x4  }
0x281: {  	v3 =	vld [tilespmem:s7+$0x13BA0]  }
0x282: {  	v41 =	vld [tilespmem:s7+$0xC4B0]  }
0x283: {  	v42 =	vld [tilespmem:s7+$0x9D20];
	_ =	sdelay $0x1  }
0x284: {  	v43 =	vpop (erf)  }
0x285: {  	v3 =	vmul.f32 v43, v3;
	_ =	sdelay $0x1  }
0x286: {  	[tilespmem:s7+$0x13BA0] =	vst v3;
	v3 =	vadd.s32 v0, v42  }
0x287: {  	[tilespmem:s7+$0x9D20] =	vst v3  }
0x288: {  	v3 =	vld.idx.msk [tilespmem:v41+s29+$0x0], $0xffff;
	_ =	sdelay $0x4  }
0x289: {  	v3 =	vadd.f32 $9.999999710e-10, v3;
	_ =	sdelay $0x1  }
0x28a: {  	(erf) = vrcp.f32 v3;
	_ =	sdelay $0x4  }
0x28b: {  	v3 =	vld [tilespmem:s7+$0x13BB0]  }
0x28c: {  	v44 =	vld [tilespmem:s7+$0xC4C0]  }
0x28d: {  	v45 =	vld [tilespmem:s7+$0x9D30];
	_ =	sdelay $0x1  }
0x28e: {  	v46 =	vpop (erf)  }
0x28f: {  	v3 =	vmul.f32 v46, v3;
	_ =	sdelay $0x1  }
0x290: {  	[tilespmem:s7+$0x13BB0] =	vst v3;
	v3 =	vadd.s32 v0, v45  }
0x291: {  	[tilespmem:s7+$0x9D30] =	vst v3  }
0x292: {  	v3 =	vld.idx.msk [tilespmem:v44+s29+$0x0], $0xffff;
	_ =	sdelay $0x4  }
0x293: {  	v3 =	vadd.f32 $9.999999710e-10, v3;
	_ =	sdelay $0x1  }
0x294: {  	(erf) = vrcp.f32 v3;
	_ =	sdelay $0x4  }
0x295: {  	v3 =	vld [tilespmem:s7+$0x13BC0]  }
0x296: {  	v47 =	vld [tilespmem:s7+$0xC4D0]  }
0x297: {  	v48 =	vld [tilespmem:s7+$0x9D40];
	_ =	sdelay $0x1  }
0x298: {  	v49 =	vpop (erf)  }
0x299: {  	v3 =	vmul.f32 v49, v3;
	_ =	sdelay $0x1  }
0x29a: {  	[tilespmem:s7+$0x13BC0] =	vst v3;
	v3 =	vadd.s32 v0, v48  }
0x29b: {  	[tilespmem:s7+$0x9D40] =	vst v3  }
0x29c: {  	v3 =	vld.idx.msk [tilespmem:v47+s29+$0x0], $0xffff;
	_ =	sdelay $0x4  }
0x29d: {  	v3 =	vadd.f32 $9.999999710e-10, v3;
	_ =	sdelay $0x1  }
0x29e: {  	(erf) = vrcp.f32 v3;
	_ =	sdelay $0x4  }
0x29f: {  	v3 =	vld [tilespmem:s7+$0x13BD0]  }
0x2a0: {  	v50 =	vld [tilespmem:s7+$0xC4E0]  }
0x2a1: {  	v51 =	vld [tilespmem:s7+$0x9D50];
	_ =	sdelay $0x1  }
0x2a2: {  	v52 =	vpop (erf)  }
0x2a3: {  	v3 =	vmul.f32 v52, v3;
	_ =	sdelay $0x1  }
0x2a4: {  	[tilespmem:s7+$0x13BD0] =	vst v3;
	v3 =	vadd.s32 v0, v51  }
0x2a5: {  	[tilespmem:s7+$0x9D50] =	vst v3  }
0x2a6: {  	v3 =	vld.idx.msk [tilespmem:v50+s29+$0x0], $0xffff;
	_ =	sdelay $0x4  }
0x2a7: {  	v3 =	vadd.f32 $9.999999710e-10, v3;
	_ =	sdelay $0x1  }
0x2a8: {  	(erf) = vrcp.f32 v3;
	_ =	sdelay $0x4  }
0x2a9: {  	v3 =	vld [tilespmem:s7+$0x13BE0]  }
0x2aa: {  	v53 =	vld [tilespmem:s7+$0xC4F0]  }
0x2ab: {  	v54 =	vld [tilespmem:s7+$0x9D60];
	_ =	sdelay $0x1  }
0x2ac: {  	v55 =	vpop (erf)  }
0x2ad: {  	v3 =	vmul.f32 v55, v3;
	_ =	sdelay $0x1  }
0x2ae: {  	[tilespmem:s7+$0x13BE0] =	vst v3;
	v3 =	vadd.s32 v0, v54  }
0x2af: {  	[tilespmem:s7+$0x9D60] =	vst v3  }
0x2b0: {  	v3 =	vld.idx.msk [tilespmem:v53+s29+$0x0], $0xffff;
	_ =	sdelay $0x4  }
0x2b1: {  	v3 =	vadd.f32 $9.999999710e-10, v3;
	_ =	sdelay $0x1  }
0x2b2: {  	(erf) = vrcp.f32 v3;
	_ =	sdelay $0x4  }
0x2b3: {  	v3 =	vld [tilespmem:s7+$0x13BF0]  }
0x2b4: {  	v56 =	vld [tilespmem:s7+$0xC500]  }
0x2b5: {  	v57 =	vld [tilespmem:s7+$0x9D70];
	_ =	sdelay $0x1  }
0x2b6: {  	v58 =	vpop (erf)  }
0x2b7: {  	v3 =	vmul.f32 v58, v3;
	_ =	sdelay $0x1  }
0x2b8: {  	[tilespmem:s7+$0x13BF0] =	vst v3;
	v3 =	vadd.s32 v0, v57  }
0x2b9: {  	[tilespmem:s7+$0x9D70] =	vst v3  }
0x2ba: {  	v3 =	vld.idx.msk [tilespmem:v56+s29+$0x0], $0xffff;
	_ =	sdelay $0x4  }
0x2bb: {  	v3 =	vadd.f32 $9.999999710e-10, v3;
	_ =	sdelay $0x1  }
0x2bc: {  	(erf) = vrcp.f32 v3;
	_ =	sdelay $0x4  }
0x2bd: {  	v3 =	vld [tilespmem:s7+$0x13C00]  }
0x2be: {  	v59 =	vld [tilespmem:s7+$0xC510]  }
0x2bf: {  	v60 =	vld [tilespmem:s7+$0x9D80];
	_ =	sdelay $0x1  }
0x2c0: {  	v61 =	vpop (erf)  }
0x2c1: {  	v3 =	vmul.f32 v61, v3;
	_ =	sdelay $0x1  }
0x2c2: {  	[tilespmem:s7+$0x13C00] =	vst v3;
	v3 =	vadd.s32 v0, v60  }
0x2c3: {  	[tilespmem:s7+$0x9D80] =	vst v3  }
0x2c4: {  	v3 =	vld.idx.msk [tilespmem:v59+s29+$0x0], $0xffff;
	_ =	sdelay $0x4  }
0x2c5: {  	v3 =	vadd.f32 $9.999999710e-10, v3;
	_ =	sdelay $0x1  }
0x2c6: {  	(erf) = vrcp.f32 v3;
	_ =	sdelay $0x4  }
0x2c7: {  	v3 =	vld [tilespmem:s7+$0x13C10];
	_ =	sdelay $0x1  }
0x2c8: {  	v62 =	vld [tilespmem:s7+$0x9D90]  }
0x2c9: {  	p1 =	sne.s32 s4, $0x9C00  }
.Ltmp18:
0x2ca: {  	v63 =	vpop (erf);
	(pc) =	sbr.rel @p1 .LBB2_38-.Ltmp18, $3  }
0x2cb: {  	v3 =	vmul.f32 v63, v3;
	_ =	sdelay $0x1  }
0x2cc: {  	[tilespmem:s7+$0x13C10] =	vst v3;
	v3 =	vadd.s32 v0, v62  }
0x2cd: {  	s4 =	sadd.s32 $0x200, s4;
	[tilespmem:s7+$0x9D90] =	vst v3  }
0x2ce: {  	s4 =	simm.s32 $0x80;
	s7 =	simm.s32 $0x0  }
.LBB2_40:
0x2cf: {  	p1 =	sne.s32 s4, $0x3F80;
	[tilespmem:s7+$0x16320] =	vst v1;
	s9 =	smov.u32 s4;
	s4 =	sadd.s32 $0x80, s4  }
.Ltmp19:
0x2d0: {  	[tilespmem:s7+$0x16330] =	vst v1;
	(pc) =	sbr.rel @p1 .LBB2_40-.Ltmp19, $2  }
0x2d1: {  	_ =	sdelay $0x2  }
0x2d2: {  	s7 =	sshra.s32 s9, $0x2  }
0x2d3: {  	[tilespmem:s7+$0x16320] =	vst v1  }
0x2d4: {  	[tilespmem:s7+$0x16330] =	vst v1  }
0x2d5: {  	[spmem:s16] =	stream.linear.scatter [tilespmem:s31], [sflag:$0x2], $0x1000, $0x38;
	[tilespmem:$0x1F0C0] =	vst v63  }
0x2d6: {  	_ =	swait.ge [sflag:s26], $0x1000  }
0x2d7: {  	[sflag:s26] =	ssyncset.done $0x0  }
0x2d8: {  	[sflag:s26] =	ssyncadd.s32 $0xFFFFF000  }
0x2d9: {  	[spmem:s19] =	stream.linear.scatter [tilespmem:s31], [sflag:$0x2], $0x1000, $0x38;
	[tilespmem:$0x1F0C0] =	vst v63  }
0x2da: {  	_ =	swait.ge [sflag:s26], $0x1000  }
0x2db: {  	[sflag:s26] =	ssyncset.done $0x0  }
0x2dc: {  	[sflag:s26] =	ssyncadd.s32 $0xFFFFF000  }
0x2dd: {  	[spmem:s21] =	stream.linear.scatter [tilespmem:s31], [sflag:$0x2], $0x1000, $0x38;
	[tilespmem:$0x1F0C0] =	vst v63  }
0x2de: {  	_ =	swait.ge [sflag:s26], $0x1000  }
0x2df: {  	[sflag:s26] =	ssyncset.done $0x0  }
0x2e0: {  	[sflag:s26] =	ssyncadd.s32 $0xFFFFF000  }
0x2e1: {  	[spmem:s22] =	stream.linear.scatter [tilespmem:s31], [sflag:$0x2], $0x1000, $0x38;
	[tilespmem:$0x1F0C0] =	vst v63  }
0x2e2: {  	_ =	swait.ge [sflag:s26], $0x1000  }
0x2e3: {  	[sflag:s26] =	ssyncset.done $0x0  }
0x2e4: {  	[sflag:s26] =	ssyncadd.s32 $0xFFFFF000  }
0x2e5: {  	[spmem:s23] =	stream.linear.scatter [tilespmem:s31], [sflag:$0x2], $0xE00, $0x38;
	[tilespmem:$0x1F0C0] =	vst v63  }
0x2e6: {  	_ =	swait.ge [sflag:s26], $0xE00  }
0x2e7: {  	[sflag:s26] =	ssyncset.done $0x0  }
0x2e8: {  	s4 =	simm.s32 @!p0 $0x16320;
	[sflag:s26] =	ssyncadd.s32 $0xFFFFF200  }
0x2e9: {  	[spmem:s24] =	stream.linear.scatter @!p0 [tilespmem:s4], [sflag:$0x2], $0x100, $0x38;
	[tilespmem:$0x1F0C0] =	vst v63  }
0x2ea: {  	s4 =	simm.s32 @!p0 $0x2  }
0x2eb: {  	_ =	swait.ge @!p0 [sflag:s4], $0x100  }
0x2ec: {  	[sflag:s4] =	ssyncset.done @!p0 $0x0  }
0x2ed: {  	[sflag:s4] =	ssyncadd.s32 @!p0 $0xFFFFFF00  }
0x2ee: {  	s7 =	simm.s32 $0x11420;
	s4 =	simm.s32 $0x0;
	[bflag:$0x0] =	sbarrier.arrive $0xFFFF  }
.LBB2_42:
0x2ef: {  	s9 =	sshll.u32 s4, $0x7  }
0x2f0: {  	s10 =	sadd.s32 $0x4E20, s9  }
0x2f1: {  	[tilespmem:s31], [sflag:$0x1] =	stream.indirect.gather [hbm4b:s3+s1], $0x20, s10, s1, $0xb8;
	[tilespmem:$0x1F0C0] =	vst v63  }
0x2f2: {  	_ =	swait.ge [sflag:s0], $0x1000  }
0x2f3: {  	[sflag:s0] =	ssyncset.done $0x0  }
0x2f4: {  	s10 =	simm.s32 $0x16420;
	[sflag:s0] =	ssyncadd.s32 $0xFFFFF000  }
0x2f5: {  	v9 =	vld [tilespmem:s10+$0xFFFFFFA0]  }
0x2f6: {  	v6 =	vld [tilespmem:s10+$0xFFFFFFF0]  }
0x2f7: {  	v3 =	vld [tilespmem:s10+$0xFFFFFF60]  }
0x2f8: {  	v7 =	vmov s7;
	v10 =	vld [tilespmem:s10+$0xFFFFFFD0]  }
0x2f9: {  	v11 =	vld [tilespmem:s10+$0x80]  }
0x2fa: {  	v14 =	vld [tilespmem:s10+$0xFFFFFF10]  }
0x2fb: {  	v18 =	vld [tilespmem:s10+$0xE0]  }
0x2fc: {  	s11 =	simm.s32 $0x0;
	v13 =	vld [tilespmem:s10+$0xFFFFFF40]  }
0x2fd: {  	v4 =	vld.idx.msk [tilespmem:v7+s11+$0x0 ss:$0x1], $0xffff  }
0x2fe: {  	v5 =	vld [tilespmem:s10+$0xFFFFFF90]  }
0x2ff: {  	v12 =	vld [tilespmem:s10+$0xFFFFFFC0]  }
0x300: {  	v15 =	vld [tilespmem:s10+$0xFFFFFF00]  }
0x301: {  	v16 =	vld [tilespmem:s10+$0xD0]  }
0x302: {  	v25 =	vld [tilespmem:s10+$0xC0]  }
0x303: {  	v23 =	vld [tilespmem:s10+$0x90];
	v21 =	vbroadcast v4, $0x0;
	v8 =	vbroadcast v4, $0xF  }
0x304: {  	v24 =	vld [tilespmem:s10+$0xFFFFFF50];
	v22 =	vbroadcast v4, $0x2;
	v20 =	vbroadcast v4, $0xE  }
0x305: {  	v19 =	vld [tilespmem:s10+$0xB0];
	v17 =	vbroadcast v4, $0xC;
	v27 =	vmul.f32 v21, v15  }
0x306: {  	s12 =	simm.s32 $0x16420;
	s11 =	simm.s32 $0x40;
	v15 =	vbroadcast v4, $0xD;
	v26 =	vmul.f32 v13, v22;
	v13 =	vld [tilespmem:s10+$0x60]  }
.LBB2_43:
0x307: {  	p1 =	sne.s32 s11, $0x1C0  }
0x308: {  	[tilespmem:s10+$0xFFFFFF00] =	vst v27;
	v27 =	vld [tilespmem:s10+$0xFFFFFFB0];
	v25 =	vmul.f32 v25, v20;
	v18 =	vmul.f32 v18, v8;
	s12 =	sadd.s32 $0x200, s12;
	s13 =	smov.u32 s11;
	s11 =	sadd.s32 $0x40, s11  }
0x309: {  	[tilespmem:s10+$0xFFFFFF40] =	vst v26;
	v26 =	vbroadcast v4, $0xA;
	v23 =	vmul.f32 v23, v17;
	v28 =	vld [tilespmem:s10+$0xA0]  }
0x30a: {  	v14 =	vmul.f32 v14, v21;
	v21 =	vmul.f32 v24, v22;
	v22 =	vld [tilespmem:s10+$0x70];
	[tilespmem:s10+$0xE0] =	vst v18  }
0x30b: {  	v18 =	vbroadcast v4, $0x5;
	v24 =	vld [tilespmem:s10+$0xFFFFFFE0];
	v19 =	vmul.f32 v19, v15;
	[tilespmem:s10+$0xC0] =	vst v25  }
0x30c: {  	v16 =	vmul.f32 v16, v20;
	[tilespmem:s10+$0xFFFFFF10] =	vst v14;
	v14 =	vbroadcast v4, $0x6;
	v25 =	vld [tilespmem:s10+$0x40]  }
0x30d: {  	v29 =	vbroadcast v4, $0xB;
	v9 =	vmul.f32 v9, v18;
	v20 =	vld [tilespmem:s10+$0xFFFFFF20];
	[tilespmem:s10+$0x90] =	vst v23  }
0x30e: {  	v23 =	vbroadcast v4, $0x9;
	[tilespmem:s10+$0xFFFFFF50] =	vst v21;
	v21 =	vld [tilespmem:s10+$0x20];
	v15 =	vmul.f32 v28, v15  }
0x30f: {  	v18 =	vmul.f32 v27, v18;
	v27 =	vld [tilespmem:s10+$0x50];
	v22 =	vmul.f32 v22, v29;
	[tilespmem:s10+$0xD0] =	vst v16  }
0x310: {  	v11 =	vmul.f32 v11, v17;
	v16 =	vbroadcast v4, $0x7;
	v28 =	vld [tilespmem:s10+$0x30];
	[tilespmem:s10+$0xA0] =	vst v15  }
0x311: {  	v12 =	vmul.f32 v12, v14;
	v15 =	vbroadcast v4, $0x3;
	v17 =	vld [tilespmem:s10+$0x0];
	[tilespmem:s10+$0x70] =	vst v22  }
0x312: {  	v13 =	vmul.f32 v13, v29;
	v10 =	vmul.f32 v10, v14;
	v14 =	vld [tilespmem:s10+$0x10];
	[tilespmem:s10+$0x80] =	vst v11  }
0x313: {  	v22 =	vbroadcast v4, $0x8;
	v25 =	vmul.f32 v25, v26;
	v11 =	vld [tilespmem:s10+$0xFFFFFF30];
	[tilespmem:s10+$0xB0] =	vst v19  }
0x314: {  	v19 =	vbroadcast v4, $0x1;
	v29 =	vld [tilespmem:s10+$0xFFFFFF70];
	[tilespmem:s10+$0xFFFFFFD0] =	vst v10;
	v26 =	vmul.f32 v27, v26  }
0x315: {  	v6 =	vmul.f32 v6, v16;
	v10 =	vmul.f32 v24, v16;
	[tilespmem:s10+$0xFFFFFFC0] =	vst v12;
	v12 =	vld [tilespmem:s10+$0xF0]  }
0x316: {  	v24 =	vmul.f32 v28, v23;
	v16 =	vld [tilespmem:s10+$0xFFFFFF80];
	[tilespmem:s10+$0xFFFFFFA0] =	vst v9;
	v17 =	vmul.f32 v17, v22  }
0x317: {  	v9 =	vld [tilespmem:s12+$0xFFFFFFA0];
	[tilespmem:s10+$0xFFFFFFF0] =	vst v6;
	v22 =	vmul.f32 v14, v22;
	v14 =	vmul.f32 v21, v23  }
0x318: {  	v6 =	vmul.f32 v20, v19;
	v19 =	vmul.f32 v11, v19;
	[tilespmem:s10+$0x60] =	vst v13  }
0x319: {  	v3 =	vmul.f32 v3, v15;
	v11 =	vmul.f32 v29, v15;
	[tilespmem:s10+$0xFFFFFFB0] =	vst v18  }
0x31a: {  	v4 =	vbroadcast v4, $0x4;
	[tilespmem:s10+$0xFFFFFF20] =	vst v6;
	v6 =	vmul.f32 v12, v8  }
0x31b: {  	[tilespmem:s10+$0xFFFFFF60] =	vst v3  }
0x31c: {  	v8 =	vmul.f32 v16, v4;
	v3 =	vmul.f32 v5, v4;
	[tilespmem:s10+$0x40] =	vst v25  }
0x31d: {  	[tilespmem:s10+$0xFFFFFFE0] =	vst v10  }
0x31e: {  	[tilespmem:s10+$0xF0] =	vst v6  }
0x31f: {  	[tilespmem:s10+$0xFFFFFF90] =	vst v3  }
0x320: {  	[tilespmem:s10+$0xFFFFFF70] =	vst v11  }
0x321: {  	v6 =	vld [tilespmem:s12+$0xFFFFFFF0];
	[tilespmem:s10+$0x20] =	vst v14  }
0x322: {  	v3 =	vld [tilespmem:s12+$0xFFFFFF60];
	[tilespmem:s10+$0x30] =	vst v24  }
0x323: {  	v10 =	vld [tilespmem:s12+$0xFFFFFFD0];
	[tilespmem:s10+$0xFFFFFF80] =	vst v8  }
0x324: {  	v11 =	vld [tilespmem:s12+$0x80];
	[tilespmem:s10+$0x50] =	vst v26  }
0x325: {  	v14 =	vld [tilespmem:s12+$0xFFFFFF10];
	[tilespmem:s10+$0x0] =	vst v17  }
0x326: {  	v18 =	vld [tilespmem:s12+$0xE0];
	[tilespmem:s10+$0xFFFFFF30] =	vst v19  }
0x327: {  	s13 =	sshra.s32 s13, $0x2;
	v13 =	vld [tilespmem:s12+$0xFFFFFF40];
	[tilespmem:s10+$0x10] =	vst v22;
	s10 =	smov.u32 s12  }
0x328: {  	v4 =	vld.idx.msk [tilespmem:v7+s13+$0x0 ss:$0x1], $0xffff  }
0x329: {  	v5 =	vld [tilespmem:s12+$0xFFFFFF90]  }
0x32a: {  	v12 =	vld [tilespmem:s12+$0xFFFFFFC0]  }
0x32b: {  	v15 =	vld [tilespmem:s12+$0xFFFFFF00]  }
0x32c: {  	v16 =	vld [tilespmem:s12+$0xD0]  }
.Ltmp20:
0x32d: {  	v25 =	vld [tilespmem:s12+$0xC0];
	(pc) =	sbr.rel @p1 .LBB2_43-.Ltmp20, $4  }
0x32e: {  	v21 =	vbroadcast v4, $0x0;
	v8 =	vbroadcast v4, $0xF;
	v23 =	vld [tilespmem:s12+$0x90]  }
0x32f: {  	v22 =	vbroadcast v4, $0x2;
	v20 =	vbroadcast v4, $0xE;
	v24 =	vld [tilespmem:s12+$0xFFFFFF50]  }
0x330: {  	v27 =	vmul.f32 v21, v15;
	v15 =	vbroadcast v4, $0xD;
	v19 =	vld [tilespmem:s12+$0xB0]  }
0x331: {  	v17 =	vbroadcast v4, $0xC;
	v26 =	vmul.f32 v13, v22;
	v13 =	vld [tilespmem:s12+$0x60]  }
0x332: {  	[tilespmem:s10+$0xFFFFFF00] =	vst v27;
	v7 =	vmul.f32 v18, v8  }
0x333: {  	v63 =	vmul.f32 v25, v20;
	[tilespmem:s10+$0xFFFFFF40] =	vst v26  }
0x334: {  	v14 =	vmul.f32 v14, v21;
	[tilespmem:s10+$0xE0] =	vst v7  }
0x335: {  	v32 =	vmul.f32 v16, v20;
	[tilespmem:s10+$0xC0] =	vst v63  }
0x336: {  	v30 =	vmul.f32 v23, v17;
	[tilespmem:s10+$0xFFFFFF10] =	vst v14  }
0x337: {  	v38 =	vbroadcast v4, $0x6;
	v11 =	vmul.f32 v11, v17;
	[tilespmem:s10+$0xD0] =	vst v32  }
0x338: {  	v22 =	vmul.f32 v24, v22;
	[tilespmem:s10+$0x90] =	vst v30  }
0x339: {  	v42 =	vbroadcast v4, $0x5;
	v10 =	vmul.f32 v10, v38;
	[tilespmem:s10+$0x80] =	vst v11  }
0x33a: {  	v44 =	vbroadcast v4, $0x7;
	v12 =	vmul.f32 v12, v38;
	[tilespmem:s10+$0xFFFFFF50] =	vst v22  }
0x33b: {  	v51 =	vbroadcast v4, $0x3;
	v9 =	vmul.f32 v9, v42;
	[tilespmem:s10+$0xFFFFFFD0] =	vst v10  }
0x33c: {  	v28 =	vld [tilespmem:s10+$0xA0];
	v56 =	vbroadcast v4, $0x4;
	v6 =	vmul.f32 v6, v44;
	[tilespmem:s10+$0xFFFFFFC0] =	vst v12  }
0x33d: {  	v29 =	vld [tilespmem:s10+$0x70];
	v3 =	vmul.f32 v3, v51;
	[tilespmem:s10+$0xFFFFFFA0] =	vst v9  }
0x33e: {  	v31 =	vld [tilespmem:s10+$0xFFFFFFB0];
	v34 =	vbroadcast v4, $0xB;
	v5 =	vmul.f32 v5, v56;
	[tilespmem:s10+$0xFFFFFFF0] =	vst v6  }
0x33f: {  	v33 =	vld [tilespmem:s10+$0xFFFFFF20];
	v40 =	vmul.f32 v19, v15;
	[tilespmem:s10+$0xFFFFFF60] =	vst v3  }
0x340: {  	v37 =	vld [tilespmem:s10+$0x40];
	v13 =	vmul.f32 v13, v34;
	[tilespmem:s10+$0xFFFFFF90] =	vst v5  }
0x341: {  	v35 =	vld [tilespmem:s10+$0xFFFFFFE0];
	v36 =	vmul.f32 v28, v15;
	[tilespmem:s10+$0xB0] =	vst v40  }
0x342: {  	v49 =	vbroadcast v4, $0x1;
	v52 =	vld [tilespmem:s10+$0xF0];
	v21 =	vmul.f32 v29, v34;
	[tilespmem:s10+$0x60] =	vst v13  }
0x343: {  	v46 =	vld [tilespmem:s10+$0xFFFFFF70];
	v53 =	vbroadcast v4, $0xA;
	v50 =	vmul.f32 v31, v42;
	[tilespmem:s10+$0xA0] =	vst v36  }
0x344: {  	v43 =	vld [tilespmem:s10+$0x30];
	v16 =	vmul.f32 v33, v49;
	[tilespmem:s10+$0x70] =	vst v21  }
0x345: {  	v47 =	vld [tilespmem:s10+$0xFFFFFF80];
	v55 =	vmul.f32 v37, v53;
	[tilespmem:s10+$0xFFFFFFB0] =	vst v50  }
0x346: {  	v41 =	vld [tilespmem:s10+$0x20];
	v7 =	vmul.f32 v35, v44;
	[tilespmem:s10+$0xFFFFFF20] =	vst v16  }
0x347: {  	v45 =	vld [tilespmem:s10+$0x0];
	v57 =	vbroadcast v4, $0x9;
	v3 =	vmul.f32 v52, v8;
	[tilespmem:s10+$0x40] =	vst v55  }
0x348: {  	v39 =	vld [tilespmem:s10+$0x50];
	v58 =	vmul.f32 v46, v51;
	[tilespmem:s10+$0xFFFFFFE0] =	vst v7  }
0x349: {  	v54 =	vld [tilespmem:s10+$0xFFFFFF30];
	v59 =	vmul.f32 v43, v57;
	[tilespmem:s10+$0xF0] =	vst v3  }
0x34a: {  	v48 =	vld [tilespmem:s10+$0x10];
	v60 =	vbroadcast v4, $0x8;
	v61 =	vmul.f32 v47, v56;
	[tilespmem:s10+$0xFFFFFF70] =	vst v58  }
0x34b: {  	v3 =	vmul.f32 v41, v57;
	[tilespmem:s10+$0x30] =	vst v59  }
0x34c: {  	v62 =	vmul.f32 v45, v60;
	[tilespmem:s10+$0xFFFFFF80] =	vst v61  }
0x34d: {  	[tilespmem:s10+$0x20] =	vst v3;
	v3 =	vmul.f32 v39, v53  }
0x34e: {  	v63 =	vmul.f32 v54, v49;
	[tilespmem:s10+$0x0] =	vst v62  }
0x34f: {  	s4 =	sadd.s32 $0x1, s4;
	[tilespmem:s10+$0x50] =	vst v3;
	v3 =	vmul.f32 v48, v60  }
0x350: {  	p1 =	sne.s32 s4, $0x4F;
	[tilespmem:s10+$0xFFFFFF30] =	vst v63  }
.Ltmp21:
0x351: {  	s9 =	sadd.s32 $0x75A0, s9;
	[tilespmem:s10+$0x10] =	vst v3;
	(pc) =	sbr.rel @p1 .LBB2_42-.Ltmp21, $4  }
0x352: {  	[spmem:s5] =	stream.indirect.scatter.add.f32 [tilespmem:s31], [sflag:$0x2], $0x20, s9, s1, $0xb8;
	[tilespmem:$0x1F0C0] =	vst v63  }
0x353: {  	_ =	swait.ge [sflag:s26], $0x1000  }
0x354: {  	[sflag:s26] =	ssyncset.done $0x0  }
0x355: {  	s7 =	sadd.s32 $0x80, s7;
	[sflag:s26] =	ssyncadd.s32 $0xFFFFF000  }
0x356: {  	s4 =	simm.s32 $0x0;
	s7 =	simm.s32 $0x13BA0  }
.LBB2_46:
0x357: {  	s9 =	sshll.u32 s4, $0x7  }
0x358: {  	s10 =	sadd.s32 $0x9D20, s9  }
0x359: {  	[tilespmem:s31], [sflag:$0x1] =	stream.indirect.gather [hbm4b:s3+s1], $0x20, s10, s1, $0xb8;
	[tilespmem:$0x1F0C0] =	vst v63  }
0x35a: {  	_ =	swait.ge [sflag:s0], $0x1000  }
0x35b: {  	[sflag:s0] =	ssyncset.done $0x0  }
0x35c: {  	s10 =	simm.s32 $0x16420;
	[sflag:s0] =	ssyncadd.s32 $0xFFFFF000  }
0x35d: {  	v9 =	vld [tilespmem:s10+$0xFFFFFFA0]  }
0x35e: {  	v6 =	vld [tilespmem:s10+$0xFFFFFFF0]  }
0x35f: {  	v3 =	vld [tilespmem:s10+$0xFFFFFF60]  }
0x360: {  	v7 =	vmov s7;
	v10 =	vld [tilespmem:s10+$0xFFFFFFD0]  }
0x361: {  	v11 =	vld [tilespmem:s10+$0x80]  }
0x362: {  	v14 =	vld [tilespmem:s10+$0xFFFFFF10]  }
0x363: {  	v18 =	vld [tilespmem:s10+$0xE0]  }
0x364: {  	s11 =	simm.s32 $0x0;
	v13 =	vld [tilespmem:s10+$0xFFFFFF40]  }
0x365: {  	v4 =	vld.idx.msk [tilespmem:v7+s11+$0x0 ss:$0x1], $0xffff  }
0x366: {  	v5 =	vld [tilespmem:s10+$0xFFFFFF90]  }
0x367: {  	v12 =	vld [tilespmem:s10+$0xFFFFFFC0]  }
0x368: {  	v15 =	vld [tilespmem:s10+$0xFFFFFF00]  }
0x369: {  	v16 =	vld [tilespmem:s10+$0xD0]  }
0x36a: {  	v25 =	vld [tilespmem:s10+$0xC0]  }
0x36b: {  	v23 =	vld [tilespmem:s10+$0x90];
	v21 =	vbroadcast v4, $0x0;
	v8 =	vbroadcast v4, $0xF  }
0x36c: {  	v24 =	vld [tilespmem:s10+$0xFFFFFF50];
	v22 =	vbroadcast v4, $0x2;
	v20 =	vbroadcast v4, $0xE  }
0x36d: {  	v19 =	vld [tilespmem:s10+$0xB0];
	v17 =	vbroadcast v4, $0xC;
	v27 =	vmul.f32 v21, v15  }
0x36e: {  	s12 =	simm.s32 $0x16420;
	s11 =	simm.s32 $0x40;
	v15 =	vbroadcast v4, $0xD;
	v26 =	vmul.f32 v13, v22;
	v13 =	vld [tilespmem:s10+$0x60]  }
.LBB2_47:
0x36f: {  	p1 =	sne.s32 s11, $0x1C0  }
0x370: {  	[tilespmem:s10+$0xFFFFFF00] =	vst v27;
	v27 =	vld [tilespmem:s10+$0xFFFFFFB0];
	v25 =	vmul.f32 v25, v20;
	v18 =	vmul.f32 v18, v8;
	s12 =	sadd.s32 $0x200, s12;
	s13 =	smov.u32 s11;
	s11 =	sadd.s32 $0x40, s11  }
0x371: {  	[tilespmem:s10+$0xFFFFFF40] =	vst v26;
	v26 =	vbroadcast v4, $0xA;
	v23 =	vmul.f32 v23, v17;
	v28 =	vld [tilespmem:s10+$0xA0]  }
0x372: {  	v14 =	vmul.f32 v14, v21;
	v21 =	vmul.f32 v24, v22;
	v22 =	vld [tilespmem:s10+$0x70];
	[tilespmem:s10+$0xE0] =	vst v18  }
0x373: {  	v18 =	vbroadcast v4, $0x5;
	v24 =	vld [tilespmem:s10+$0xFFFFFFE0];
	v19 =	vmul.f32 v19, v15;
	[tilespmem:s10+$0xC0] =	vst v25  }
0x374: {  	v16 =	vmul.f32 v16, v20;
	[tilespmem:s10+$0xFFFFFF10] =	vst v14;
	v14 =	vbroadcast v4, $0x6;
	v25 =	vld [tilespmem:s10+$0x40]  }
0x375: {  	v29 =	vbroadcast v4, $0xB;
	v9 =	vmul.f32 v9, v18;
	v20 =	vld [tilespmem:s10+$0xFFFFFF20];
	[tilespmem:s10+$0x90] =	vst v23  }
0x376: {  	v23 =	vbroadcast v4, $0x9;
	[tilespmem:s10+$0xFFFFFF50] =	vst v21;
	v21 =	vld [tilespmem:s10+$0x20];
	v15 =	vmul.f32 v28, v15  }
0x377: {  	v18 =	vmul.f32 v27, v18;
	v27 =	vld [tilespmem:s10+$0x50];
	v22 =	vmul.f32 v22, v29;
	[tilespmem:s10+$0xD0] =	vst v16  }
0x378: {  	v11 =	vmul.f32 v11, v17;
	v16 =	vbroadcast v4, $0x7;
	v28 =	vld [tilespmem:s10+$0x30];
	[tilespmem:s10+$0xA0] =	vst v15  }
0x379: {  	v12 =	vmul.f32 v12, v14;
	v15 =	vbroadcast v4, $0x3;
	v17 =	vld [tilespmem:s10+$0x0];
	[tilespmem:s10+$0x70] =	vst v22  }
0x37a: {  	v13 =	vmul.f32 v13, v29;
	v10 =	vmul.f32 v10, v14;
	v14 =	vld [tilespmem:s10+$0x10];
	[tilespmem:s10+$0x80] =	vst v11  }
0x37b: {  	v22 =	vbroadcast v4, $0x8;
	v25 =	vmul.f32 v25, v26;
	v11 =	vld [tilespmem:s10+$0xFFFFFF30];
	[tilespmem:s10+$0xB0] =	vst v19  }
0x37c: {  	v19 =	vbroadcast v4, $0x1;
	v29 =	vld [tilespmem:s10+$0xFFFFFF70];
	[tilespmem:s10+$0xFFFFFFD0] =	vst v10;
	v26 =	vmul.f32 v27, v26  }
0x37d: {  	v6 =	vmul.f32 v6, v16;
	v10 =	vmul.f32 v24, v16;
	[tilespmem:s10+$0xFFFFFFC0] =	vst v12;
	v12 =	vld [tilespmem:s10+$0xF0]  }
0x37e: {  	v24 =	vmul.f32 v28, v23;
	v16 =	vld [tilespmem:s10+$0xFFFFFF80];
	[tilespmem:s10+$0xFFFFFFA0] =	vst v9;
	v17 =	vmul.f32 v17, v22  }
0x37f: {  	v9 =	vld [tilespmem:s12+$0xFFFFFFA0];
	[tilespmem:s10+$0xFFFFFFF0] =	vst v6;
	v22 =	vmul.f32 v14, v22;
	v14 =	vmul.f32 v21, v23  }
0x380: {  	v6 =	vmul.f32 v20, v19;
	v19 =	vmul.f32 v11, v19;
	[tilespmem:s10+$0x60] =	vst v13  }
0x381: {  	v3 =	vmul.f32 v3, v15;
	v11 =	vmul.f32 v29, v15;
	[tilespmem:s10+$0xFFFFFFB0] =	vst v18  }
0x382: {  	v4 =	vbroadcast v4, $0x4;
	[tilespmem:s10+$0xFFFFFF20] =	vst v6;
	v6 =	vmul.f32 v12, v8  }
0x383: {  	[tilespmem:s10+$0xFFFFFF60] =	vst v3  }
0x384: {  	v8 =	vmul.f32 v16, v4;
	v3 =	vmul.f32 v5, v4;
	[tilespmem:s10+$0x40] =	vst v25  }
0x385: {  	[tilespmem:s10+$0xFFFFFFE0] =	vst v10  }
0x386: {  	[tilespmem:s10+$0xF0] =	vst v6  }
0x387: {  	[tilespmem:s10+$0xFFFFFF90] =	vst v3  }
0x388: {  	[tilespmem:s10+$0xFFFFFF70] =	vst v11  }
0x389: {  	v6 =	vld [tilespmem:s12+$0xFFFFFFF0];
	[tilespmem:s10+$0x20] =	vst v14  }
0x38a: {  	v3 =	vld [tilespmem:s12+$0xFFFFFF60];
	[tilespmem:s10+$0x30] =	vst v24  }
0x38b: {  	v10 =	vld [tilespmem:s12+$0xFFFFFFD0];
	[tilespmem:s10+$0xFFFFFF80] =	vst v8  }
0x38c: {  	v11 =	vld [tilespmem:s12+$0x80];
	[tilespmem:s10+$0x50] =	vst v26  }
0x38d: {  	v14 =	vld [tilespmem:s12+$0xFFFFFF10];
	[tilespmem:s10+$0x0] =	vst v17  }
0x38e: {  	v18 =	vld [tilespmem:s12+$0xE0];
	[tilespmem:s10+$0xFFFFFF30] =	vst v19  }
0x38f: {  	s13 =	sshra.s32 s13, $0x2;
	v13 =	vld [tilespmem:s12+$0xFFFFFF40];
	[tilespmem:s10+$0x10] =	vst v22;
	s10 =	smov.u32 s12  }
0x390: {  	v4 =	vld.idx.msk [tilespmem:v7+s13+$0x0 ss:$0x1], $0xffff  }
0x391: {  	v5 =	vld [tilespmem:s12+$0xFFFFFF90]  }
0x392: {  	v12 =	vld [tilespmem:s12+$0xFFFFFFC0]  }
0x393: {  	v15 =	vld [tilespmem:s12+$0xFFFFFF00]  }
0x394: {  	v16 =	vld [tilespmem:s12+$0xD0]  }
.Ltmp22:
0x395: {  	v25 =	vld [tilespmem:s12+$0xC0];
	(pc) =	sbr.rel @p1 .LBB2_47-.Ltmp22, $4  }
0x396: {  	v21 =	vbroadcast v4, $0x0;
	v8 =	vbroadcast v4, $0xF;
	v23 =	vld [tilespmem:s12+$0x90]  }
0x397: {  	v22 =	vbroadcast v4, $0x2;
	v20 =	vbroadcast v4, $0xE;
	v24 =	vld [tilespmem:s12+$0xFFFFFF50]  }
0x398: {  	v27 =	vmul.f32 v21, v15;
	v15 =	vbroadcast v4, $0xD;
	v19 =	vld [tilespmem:s12+$0xB0]  }
0x399: {  	v17 =	vbroadcast v4, $0xC;
	v26 =	vmul.f32 v13, v22;
	v13 =	vld [tilespmem:s12+$0x60]  }
0x39a: {  	[tilespmem:s10+$0xFFFFFF00] =	vst v27;
	v7 =	vmul.f32 v18, v8  }
0x39b: {  	v63 =	vmul.f32 v25, v20;
	[tilespmem:s10+$0xFFFFFF40] =	vst v26  }
0x39c: {  	v14 =	vmul.f32 v14, v21;
	[tilespmem:s10+$0xE0] =	vst v7  }
0x39d: {  	v32 =	vmul.f32 v16, v20;
	[tilespmem:s10+$0xC0] =	vst v63  }
0x39e: {  	v30 =	vmul.f32 v23, v17;
	[tilespmem:s10+$0xFFFFFF10] =	vst v14  }
0x39f: {  	v38 =	vbroadcast v4, $0x6;
	v11 =	vmul.f32 v11, v17;
	[tilespmem:s10+$0xD0] =	vst v32  }
0x3a0: {  	v22 =	vmul.f32 v24, v22;
	[tilespmem:s10+$0x90] =	vst v30  }
0x3a1: {  	v42 =	vbroadcast v4, $0x5;
	v10 =	vmul.f32 v10, v38;
	[tilespmem:s10+$0x80] =	vst v11  }
0x3a2: {  	v44 =	vbroadcast v4, $0x7;
	v12 =	vmul.f32 v12, v38;
	[tilespmem:s10+$0xFFFFFF50] =	vst v22  }
0x3a3: {  	v51 =	vbroadcast v4, $0x3;
	v9 =	vmul.f32 v9, v42;
	[tilespmem:s10+$0xFFFFFFD0] =	vst v10  }
0x3a4: {  	v28 =	vld [tilespmem:s10+$0xA0];
	v56 =	vbroadcast v4, $0x4;
	v6 =	vmul.f32 v6, v44;
	[tilespmem:s10+$0xFFFFFFC0] =	vst v12  }
0x3a5: {  	v29 =	vld [tilespmem:s10+$0x70];
	v3 =	vmul.f32 v3, v51;
	[tilespmem:s10+$0xFFFFFFA0] =	vst v9  }
0x3a6: {  	v31 =	vld [tilespmem:s10+$0xFFFFFFB0];
	v34 =	vbroadcast v4, $0xB;
	v5 =	vmul.f32 v5, v56;
	[tilespmem:s10+$0xFFFFFFF0] =	vst v6  }
0x3a7: {  	v33 =	vld [tilespmem:s10+$0xFFFFFF20];
	v40 =	vmul.f32 v19, v15;
	[tilespmem:s10+$0xFFFFFF60] =	vst v3  }
0x3a8: {  	v37 =	vld [tilespmem:s10+$0x40];
	v13 =	vmul.f32 v13, v34;
	[tilespmem:s10+$0xFFFFFF90] =	vst v5  }
0x3a9: {  	v35 =	vld [tilespmem:s10+$0xFFFFFFE0];
	v36 =	vmul.f32 v28, v15;
	[tilespmem:s10+$0xB0] =	vst v40  }
0x3aa: {  	v49 =	vbroadcast v4, $0x1;
	v52 =	vld [tilespmem:s10+$0xF0];
	v21 =	vmul.f32 v29, v34;
	[tilespmem:s10+$0x60] =	vst v13  }
0x3ab: {  	v46 =	vld [tilespmem:s10+$0xFFFFFF70];
	v53 =	vbroadcast v4, $0xA;
	v50 =	vmul.f32 v31, v42;
	[tilespmem:s10+$0xA0] =	vst v36  }
0x3ac: {  	v43 =	vld [tilespmem:s10+$0x30];
	v16 =	vmul.f32 v33, v49;
	[tilespmem:s10+$0x70] =	vst v21  }
0x3ad: {  	v47 =	vld [tilespmem:s10+$0xFFFFFF80];
	v55 =	vmul.f32 v37, v53;
	[tilespmem:s10+$0xFFFFFFB0] =	vst v50  }
0x3ae: {  	v41 =	vld [tilespmem:s10+$0x20];
	v7 =	vmul.f32 v35, v44;
	[tilespmem:s10+$0xFFFFFF20] =	vst v16  }
0x3af: {  	v45 =	vld [tilespmem:s10+$0x0];
	v57 =	vbroadcast v4, $0x9;
	v3 =	vmul.f32 v52, v8;
	[tilespmem:s10+$0x40] =	vst v55  }
0x3b0: {  	v39 =	vld [tilespmem:s10+$0x50];
	v58 =	vmul.f32 v46, v51;
	[tilespmem:s10+$0xFFFFFFE0] =	vst v7  }
0x3b1: {  	v54 =	vld [tilespmem:s10+$0xFFFFFF30];
	v59 =	vmul.f32 v43, v57;
	[tilespmem:s10+$0xF0] =	vst v3  }
0x3b2: {  	v48 =	vld [tilespmem:s10+$0x10];
	v60 =	vbroadcast v4, $0x8;
	v61 =	vmul.f32 v47, v56;
	[tilespmem:s10+$0xFFFFFF70] =	vst v58  }
0x3b3: {  	v3 =	vmul.f32 v41, v57;
	[tilespmem:s10+$0x30] =	vst v59  }
0x3b4: {  	v62 =	vmul.f32 v45, v60;
	[tilespmem:s10+$0xFFFFFF80] =	vst v61  }
0x3b5: {  	[tilespmem:s10+$0x20] =	vst v3;
	v3 =	vmul.f32 v39, v53  }
0x3b6: {  	v63 =	vmul.f32 v54, v49;
	[tilespmem:s10+$0x0] =	vst v62  }
0x3b7: {  	s4 =	sadd.s32 $0x1, s4;
	[tilespmem:s10+$0x50] =	vst v3;
	v3 =	vmul.f32 v48, v60  }
0x3b8: {  	p1 =	sne.s32 s4, $0x4F;
	[tilespmem:s10+$0xFFFFFF30] =	vst v63  }
.Ltmp23:
0x3b9: {  	s9 =	sadd.s32 $0xC4A0, s9;
	[tilespmem:s10+$0x10] =	vst v3;
	(pc) =	sbr.rel @p1 .LBB2_46-.Ltmp23, $4  }
0x3ba: {  	[spmem:s5] =	stream.indirect.scatter.add.f32 [tilespmem:s31], [sflag:$0x2], $0x20, s9, s1, $0xb8;
	[tilespmem:$0x1F0C0] =	vst v63  }
0x3bb: {  	_ =	swait.ge [sflag:s26], $0x1000  }
0x3bc: {  	[sflag:s26] =	ssyncset.done $0x0  }
0x3bd: {  	s7 =	sadd.s32 $0x80, s7;
	[sflag:s26] =	ssyncadd.s32 $0xFFFFF000  }
0x3be: {  	s4 =	stileid.u32  }
0x3bf: {  	[bflag:$0x0] =	sbarrier.arrive $0xFFFF;
	s4 =	sshll.u32 s4, $0x6  }
0x3c0: {  	s7 =	sshrl.u32 s16, $0x3;
	s9 =	rddreg [dreg:$0xe];
	s4 =	sor.u32 $0x1C02, s4  }
0x3c1: {  	[hbm:s9], [sflag:s4] =	dma.local [spmem:s7], $0x9C0  }
0x3c2: {  	_ =	swait.ge [sflag:s26], $0x9C0  }
0x3c3: {  	[sflag:s26] =	ssyncset.done $0x0  }
0x3c4: {  	s10 =	simm.s32 @!p0 $0x2;
	s9 =	sshrl.u32 @!p0 s24, $0x3;
	[sflag:s26] =	ssyncadd.s32 $0xFFFFF640  }
0x3c5: {  	[hbm:s18], [sflag:s4] =	dma.local @!p0 [spmem:s9], $0x20  }
0x3c6: {  	_ =	swait.ge @!p0 [sflag:s10], $0x20  }
0x3c7: {  	[sflag:s10] =	ssyncset.done @!p0 $0x0  }
0x3c8: {  	[sflag:s10] =	ssyncadd.s32 @!p0 $0xFFFFFFE0;
	s10 =	simm.s32 $0x0  }
0x3c9: {  	v3 =	vld [tilespmem:s10+$0x4E20]  }
0x3ca: {  	v4 =	vld [tilespmem:s10+$0x4E30]  }
0x3cb: {  	v5 =	vld [tilespmem:s10+$0x4E40]  }
0x3cc: {  	v6 =	vld [tilespmem:s10+$0x4E50]  }
0x3cd: {  	v7 =	vld [tilespmem:s10+$0x4E60]  }
0x3ce: {  	v8 =	vld [tilespmem:s10+$0x4E70];
	v3 =	vadd.s32 $0x2710, v3  }
0x3cf: {  	v9 =	vld [tilespmem:s10+$0x4E80];
	[tilespmem:s10+$0x4E20] =	vst v3;
	v3 =	vadd.s32 $0x2710, v4  }
0x3d0: {  	[tilespmem:s10+$0x4E30] =	vst v3;
	v3 =	vadd.s32 $0x2710, v5;
	v5 =	vld [tilespmem:s10+$0x4E90]  }
0x3d1: {  	[tilespmem:s10+$0x4E40] =	vst v3;
	v3 =	vadd.s32 $0x2710, v6;
	v6 =	vld [tilespmem:s10+$0x9D20]  }
0x3d2: {  	[tilespmem:s10+$0x4E50] =	vst v3;
	v3 =	vadd.s32 $0x2710, v7;
	v7 =	vld [tilespmem:s10+$0x9D30]  }
0x3d3: {  	v4 =	vld [tilespmem:s10+$0x9D40];
	[tilespmem:s10+$0x4E60] =	vst v3;
	v3 =	vadd.s32 $0x2710, v8  }
0x3d4: {  	v8 =	vadd.s32 $0x2710, v9;
	[tilespmem:s10+$0x4E70] =	vst v3;
	v3 =	vld [tilespmem:s10+$0x9D50]  }
0x3d5: {  	[tilespmem:s10+$0x4E80] =	vst v8;
	v8 =	vadd.s32 $0x2710, v5;
	v5 =	vld [tilespmem:s10+$0x9D60]  }
0x3d6: {  	[tilespmem:s10+$0x4E90] =	vst v8;
	v8 =	vadd.s32 $0x2710, v6;
	v6 =	vld [tilespmem:s10+$0x9D70]  }
0x3d7: {  	s11 =	simm.s32 $0x200;
	[tilespmem:s10+$0x9D20] =	vst v8;
	v8 =	vadd.s32 $0x2710, v7;
	v7 =	vld [tilespmem:s10+$0x9D80]  }
.LBB2_50:
0x3d8: {  	s12 =	sshra.s32 s11, $0x2;
	p1 =	sne.s32 s11, $0x9C00;
	[tilespmem:s10+$0x9D30] =	vst v8;
	v4 =	vadd.s32 $0x2710, v4;
	v8 =	vld [tilespmem:s10+$0x9D90]  }
0x3d9: {  	v9 =	vld [tilespmem:s12+$0x4E20];
	[tilespmem:s10+$0x9D40] =	vst v4;
	v3 =	vadd.s32 $0x2710, v3  }
0x3da: {  	v4 =	vld [tilespmem:s12+$0x4E30];
	[tilespmem:s10+$0x9D50] =	vst v3;
	v3 =	vadd.s32 $0x2710, v5  }
0x3db: {  	v5 =	vld [tilespmem:s12+$0x4E40];
	[tilespmem:s10+$0x9D60] =	vst v3;
	v3 =	vadd.s32 $0x2710, v6  }
0x3dc: {  	v6 =	vld [tilespmem:s12+$0x4E50];
	[tilespmem:s10+$0x9D70] =	vst v3;
	v3 =	vadd.s32 $0x2710, v7  }
0x3dd: {  	v7 =	vld [tilespmem:s12+$0x4E60];
	[tilespmem:s10+$0x9D80] =	vst v3;
	v3 =	vadd.s32 $0x2710, v8  }
0x3de: {  	v8 =	vadd.s32 $0x2710, v9;
	v9 =	vld [tilespmem:s12+$0x4E70];
	[tilespmem:s10+$0x9D90] =	vst v3;
	s10 =	smov.u32 s12  }
0x3df: {  	[tilespmem:s10+$0x4E20] =	vst v8;
	v3 =	vadd.s32 $0x2710, v4;
	v8 =	vld [tilespmem:s10+$0x4E80]  }
0x3e0: {  	[tilespmem:s10+$0x4E30] =	vst v3;
	v3 =	vadd.s32 $0x2710, v5;
	v5 =	vld [tilespmem:s10+$0x4E90]  }
0x3e1: {  	[tilespmem:s10+$0x4E40] =	vst v3;
	v3 =	vadd.s32 $0x2710, v6;
	v6 =	vld [tilespmem:s10+$0x9D20]  }
0x3e2: {  	[tilespmem:s10+$0x4E50] =	vst v3;
	v3 =	vadd.s32 $0x2710, v7;
	v7 =	vld [tilespmem:s10+$0x9D30]  }
.Ltmp24:
0x3e3: {  	[tilespmem:s10+$0x4E60] =	vst v3;
	v3 =	vadd.s32 $0x2710, v9;
	v4 =	vld [tilespmem:s10+$0x9D40];
	(pc) =	sbr.rel @p1 .LBB2_50-.Ltmp24, $4  }
0x3e4: {  	[tilespmem:s10+$0x4E70] =	vst v3;
	v8 =	vadd.s32 $0x2710, v8;
	v3 =	vld [tilespmem:s10+$0x9D50]  }
0x3e5: {  	[tilespmem:s10+$0x4E80] =	vst v8;
	v8 =	vadd.s32 $0x2710, v5;
	v5 =	vld [tilespmem:s10+$0x9D60]  }
0x3e6: {  	[tilespmem:s10+$0x4E90] =	vst v8;
	v8 =	vadd.s32 $0x2710, v6;
	v6 =	vld [tilespmem:s10+$0x9D70]  }
0x3e7: {  	s11 =	sadd.s32 $0x200, s11;
	[tilespmem:s10+$0x9D20] =	vst v8;
	v8 =	vadd.s32 $0x2710, v7;
	v7 =	vld [tilespmem:s10+$0x9D80]  }
0x3e8: {  	[tilespmem:s10+$0x9D30] =	vst v8;
	v4 =	vadd.s32 $0x2710, v4;
	v63 =	vld [tilespmem:s10+$0x9D90]  }
0x3e9: {  	[tilespmem:s10+$0x9D40] =	vst v4;
	v3 =	vadd.s32 $0x2710, v3  }
0x3ea: {  	[tilespmem:s10+$0x9D50] =	vst v3;
	v3 =	vadd.s32 $0x2710, v5  }
0x3eb: {  	[tilespmem:s10+$0x9D60] =	vst v3;
	v3 =	vadd.s32 $0x2710, v6  }
0x3ec: {  	[tilespmem:s10+$0x9D70] =	vst v3;
	v3 =	vadd.s32 $0x2710, v7  }
0x3ed: {  	[tilespmem:s10+$0x9D80] =	vst v3;
	v3 =	vadd.s32 $0x2710, v63  }
0x3ee: {  	s11 =	simm.s32 $0x0;
	[tilespmem:s10+$0x9D90] =	vst v3;
	s10 =	simm.s32 $0x80  }
.LBB2_52:
0x3ef: {  	p1 =	sne.s32 s10, $0x3F80;
	[tilespmem:s11+$0x16320] =	vst v1;
	s12 =	smov.u32 s10;
	s10 =	sadd.s32 $0x80, s10  }
.Ltmp25:
0x3f0: {  	[tilespmem:s11+$0x16330] =	vst v1;
	(pc) =	sbr.rel @p1 .LBB2_52-.Ltmp25, $2  }
0x3f1: {  	_ =	sdelay $0x2  }
0x3f2: {  	s11 =	sshra.s32 s12, $0x2  }
0x3f3: {  	[tilespmem:s11+$0x16320] =	vst v1  }
0x3f4: {  	[tilespmem:s11+$0x16330] =	vst v1  }
0x3f5: {  	[spmem:s16] =	stream.linear.scatter [tilespmem:s31], [sflag:$0x2], $0x1000, $0x38;
	[tilespmem:$0x1F0C0] =	vst v63  }
0x3f6: {  	_ =	swait.ge [sflag:s26], $0x1000  }
0x3f7: {  	[sflag:s26] =	ssyncset.done $0x0  }
0x3f8: {  	[sflag:s26] =	ssyncadd.s32 $0xFFFFF000  }
0x3f9: {  	[spmem:s19] =	stream.linear.scatter [tilespmem:s31], [sflag:$0x2], $0x1000, $0x38;
	[tilespmem:$0x1F0C0] =	vst v63  }
0x3fa: {  	_ =	swait.ge [sflag:s26], $0x1000  }
0x3fb: {  	[sflag:s26] =	ssyncset.done $0x0  }
0x3fc: {  	[sflag:s26] =	ssyncadd.s32 $0xFFFFF000  }
0x3fd: {  	[spmem:s21] =	stream.linear.scatter [tilespmem:s31], [sflag:$0x2], $0x1000, $0x38;
	[tilespmem:$0x1F0C0] =	vst v63  }
0x3fe: {  	_ =	swait.ge [sflag:s26], $0x1000  }
0x3ff: {  	[sflag:s26] =	ssyncset.done $0x0  }
0x400: {  	[sflag:s26] =	ssyncadd.s32 $0xFFFFF000  }
0x401: {  	[spmem:s22] =	stream.linear.scatter [tilespmem:s31], [sflag:$0x2], $0x1000, $0x38;
	[tilespmem:$0x1F0C0] =	vst v63  }
0x402: {  	_ =	swait.ge [sflag:s26], $0x1000  }
0x403: {  	[sflag:s26] =	ssyncset.done $0x0  }
0x404: {  	[sflag:s26] =	ssyncadd.s32 $0xFFFFF000  }
0x405: {  	[spmem:s23] =	stream.linear.scatter [tilespmem:s31], [sflag:$0x2], $0xE00, $0x38;
	[tilespmem:$0x1F0C0] =	vst v63  }
0x406: {  	_ =	swait.ge [sflag:s26], $0xE00  }
0x407: {  	[sflag:s26] =	ssyncset.done $0x0  }
0x408: {  	s10 =	simm.s32 @!p0 $0x16320;
	[sflag:s26] =	ssyncadd.s32 $0xFFFFF200  }
0x409: {  	[spmem:s24] =	stream.linear.scatter @!p0 [tilespmem:s10], [sflag:$0x2], $0x100, $0x38;
	[tilespmem:$0x1F0C0] =	vst v63  }
0x40a: {  	s10 =	simm.s32 @!p0 $0x2  }
0x40b: {  	_ =	swait.ge @!p0 [sflag:s10], $0x100  }
0x40c: {  	[sflag:s10] =	ssyncset.done @!p0 $0x0  }
0x40d: {  	[sflag:s10] =	ssyncadd.s32 @!p0 $0xFFFFFF00  }
0x40e: {  	s11 =	simm.s32 $0x11420;
	s10 =	simm.s32 $0x0;
	[bflag:$0x0] =	sbarrier.arrive $0xFFFF  }
.LBB2_54:
0x40f: {  	s12 =	sshll.u32 s10, $0x7  }
0x410: {  	s13 =	sadd.s32 $0x4E20, s12  }
0x411: {  	[tilespmem:s31], [sflag:$0x1] =	stream.indirect.gather [hbm4b:s3+s1], $0x20, s13, s1, $0xb8;
	[tilespmem:$0x1F0C0] =	vst v63  }
0x412: {  	_ =	swait.ge [sflag:s0], $0x1000  }
0x413: {  	[sflag:s0] =	ssyncset.done $0x0  }
0x414: {  	s13 =	simm.s32 $0x16420;
	[sflag:s0] =	ssyncadd.s32 $0xFFFFF000  }
0x415: {  	v9 =	vld [tilespmem:s13+$0xFFFFFFA0]  }
0x416: {  	v6 =	vld [tilespmem:s13+$0xFFFFFFF0]  }
0x417: {  	v3 =	vld [tilespmem:s13+$0xFFFFFF60]  }
0x418: {  	v7 =	vmov s11;
	v10 =	vld [tilespmem:s13+$0xFFFFFFD0]  }
0x419: {  	v11 =	vld [tilespmem:s13+$0x80]  }
0x41a: {  	v14 =	vld [tilespmem:s13+$0xFFFFFF10]  }
0x41b: {  	v18 =	vld [tilespmem:s13+$0xE0]  }
0x41c: {  	s15 =	simm.s32 $0x0;
	v13 =	vld [tilespmem:s13+$0xFFFFFF40]  }
0x41d: {  	v4 =	vld.idx.msk [tilespmem:v7+s15+$0x0 ss:$0x1], $0xffff  }
0x41e: {  	v5 =	vld [tilespmem:s13+$0xFFFFFF90]  }
0x41f: {  	v12 =	vld [tilespmem:s13+$0xFFFFFFC0]  }
0x420: {  	v15 =	vld [tilespmem:s13+$0xFFFFFF00]  }
0x421: {  	v16 =	vld [tilespmem:s13+$0xD0]  }
0x422: {  	v25 =	vld [tilespmem:s13+$0xC0]  }
0x423: {  	v23 =	vld [tilespmem:s13+$0x90];
	v21 =	vbroadcast v4, $0x0;
	v8 =	vbroadcast v4, $0xF  }
0x424: {  	v24 =	vld [tilespmem:s13+$0xFFFFFF50];
	v22 =	vbroadcast v4, $0x2;
	v20 =	vbroadcast v4, $0xE  }
0x425: {  	v19 =	vld [tilespmem:s13+$0xB0];
	v17 =	vbroadcast v4, $0xC;
	v27 =	vmul.f32 v21, v15  }
0x426: {  	s25 =	simm.s32 $0x16420;
	s15 =	simm.s32 $0x40;
	v15 =	vbroadcast v4, $0xD;
	v26 =	vmul.f32 v13, v22;
	v13 =	vld [tilespmem:s13+$0x60]  }
.LBB2_55:
0x427: {  	p1 =	sne.s32 s15, $0x1C0  }
0x428: {  	[tilespmem:s13+$0xFFFFFF00] =	vst v27;
	v27 =	vld [tilespmem:s13+$0xFFFFFFB0];
	v25 =	vmul.f32 v25, v20;
	v18 =	vmul.f32 v18, v8;
	s25 =	sadd.s32 $0x200, s25;
	s17 =	smov.u32 s15;
	s15 =	sadd.s32 $0x40, s15  }
0x429: {  	[tilespmem:s13+$0xFFFFFF40] =	vst v26;
	v26 =	vbroadcast v4, $0xA;
	v23 =	vmul.f32 v23, v17;
	v28 =	vld [tilespmem:s13+$0xA0]  }
0x42a: {  	v14 =	vmul.f32 v14, v21;
	v21 =	vmul.f32 v24, v22;
	v22 =	vld [tilespmem:s13+$0x70];
	[tilespmem:s13+$0xE0] =	vst v18  }
0x42b: {  	v18 =	vbroadcast v4, $0x5;
	v24 =	vld [tilespmem:s13+$0xFFFFFFE0];
	v19 =	vmul.f32 v19, v15;
	[tilespmem:s13+$0xC0] =	vst v25  }
0x42c: {  	v16 =	vmul.f32 v16, v20;
	[tilespmem:s13+$0xFFFFFF10] =	vst v14;
	v14 =	vbroadcast v4, $0x6;
	v25 =	vld [tilespmem:s13+$0x40]  }
0x42d: {  	v29 =	vbroadcast v4, $0xB;
	v9 =	vmul.f32 v9, v18;
	v20 =	vld [tilespmem:s13+$0xFFFFFF20];
	[tilespmem:s13+$0x90] =	vst v23  }
0x42e: {  	v23 =	vbroadcast v4, $0x9;
	[tilespmem:s13+$0xFFFFFF50] =	vst v21;
	v21 =	vld [tilespmem:s13+$0x20];
	v15 =	vmul.f32 v28, v15  }
0x42f: {  	v18 =	vmul.f32 v27, v18;
	v27 =	vld [tilespmem:s13+$0x50];
	v22 =	vmul.f32 v22, v29;
	[tilespmem:s13+$0xD0] =	vst v16  }
0x430: {  	v11 =	vmul.f32 v11, v17;
	v16 =	vbroadcast v4, $0x7;
	v28 =	vld [tilespmem:s13+$0x30];
	[tilespmem:s13+$0xA0] =	vst v15  }
0x431: {  	v12 =	vmul.f32 v12, v14;
	v15 =	vbroadcast v4, $0x3;
	v17 =	vld [tilespmem:s13+$0x0];
	[tilespmem:s13+$0x70] =	vst v22  }
0x432: {  	v13 =	vmul.f32 v13, v29;
	v10 =	vmul.f32 v10, v14;
	v14 =	vld [tilespmem:s13+$0x10];
	[tilespmem:s13+$0x80] =	vst v11  }
0x433: {  	v22 =	vbroadcast v4, $0x8;
	v25 =	vmul.f32 v25, v26;
	v11 =	vld [tilespmem:s13+$0xFFFFFF30];
	[tilespmem:s13+$0xB0] =	vst v19  }
0x434: {  	v19 =	vbroadcast v4, $0x1;
	v29 =	vld [tilespmem:s13+$0xFFFFFF70];
	[tilespmem:s13+$0xFFFFFFD0] =	vst v10;
	v26 =	vmul.f32 v27, v26  }
0x435: {  	v6 =	vmul.f32 v6, v16;
	v10 =	vmul.f32 v24, v16;
	[tilespmem:s13+$0xFFFFFFC0] =	vst v12;
	v12 =	vld [tilespmem:s13+$0xF0]  }
0x436: {  	v24 =	vmul.f32 v28, v23;
	v16 =	vld [tilespmem:s13+$0xFFFFFF80];
	[tilespmem:s13+$0xFFFFFFA0] =	vst v9;
	v17 =	vmul.f32 v17, v22  }
0x437: {  	v9 =	vld [tilespmem:s25+$0xFFFFFFA0];
	[tilespmem:s13+$0xFFFFFFF0] =	vst v6;
	v22 =	vmul.f32 v14, v22;
	v14 =	vmul.f32 v21, v23  }
0x438: {  	v6 =	vmul.f32 v20, v19;
	v19 =	vmul.f32 v11, v19;
	[tilespmem:s13+$0x60] =	vst v13  }
0x439: {  	v3 =	vmul.f32 v3, v15;
	v11 =	vmul.f32 v29, v15;
	[tilespmem:s13+$0xFFFFFFB0] =	vst v18  }
0x43a: {  	v4 =	vbroadcast v4, $0x4;
	[tilespmem:s13+$0xFFFFFF20] =	vst v6;
	v6 =	vmul.f32 v12, v8  }
0x43b: {  	[tilespmem:s13+$0xFFFFFF60] =	vst v3  }
0x43c: {  	v8 =	vmul.f32 v16, v4;
	v3 =	vmul.f32 v5, v4;
	[tilespmem:s13+$0x40] =	vst v25  }
0x43d: {  	[tilespmem:s13+$0xFFFFFFE0] =	vst v10  }
0x43e: {  	[tilespmem:s13+$0xF0] =	vst v6  }
0x43f: {  	[tilespmem:s13+$0xFFFFFF90] =	vst v3  }
0x440: {  	[tilespmem:s13+$0xFFFFFF70] =	vst v11  }
0x441: {  	v6 =	vld [tilespmem:s25+$0xFFFFFFF0];
	[tilespmem:s13+$0x20] =	vst v14  }
0x442: {  	v3 =	vld [tilespmem:s25+$0xFFFFFF60];
	[tilespmem:s13+$0x30] =	vst v24  }
0x443: {  	v10 =	vld [tilespmem:s25+$0xFFFFFFD0];
	[tilespmem:s13+$0xFFFFFF80] =	vst v8  }
0x444: {  	v11 =	vld [tilespmem:s25+$0x80];
	[tilespmem:s13+$0x50] =	vst v26  }
0x445: {  	v14 =	vld [tilespmem:s25+$0xFFFFFF10];
	[tilespmem:s13+$0x0] =	vst v17  }
0x446: {  	v18 =	vld [tilespmem:s25+$0xE0];
	[tilespmem:s13+$0xFFFFFF30] =	vst v19  }
0x447: {  	s17 =	sshra.s32 s17, $0x2;
	v13 =	vld [tilespmem:s25+$0xFFFFFF40];
	[tilespmem:s13+$0x10] =	vst v22;
	s13 =	smov.u32 s25  }
0x448: {  	v4 =	vld.idx.msk [tilespmem:v7+s17+$0x0 ss:$0x1], $0xffff  }
0x449: {  	v5 =	vld [tilespmem:s25+$0xFFFFFF90]  }
0x44a: {  	v12 =	vld [tilespmem:s25+$0xFFFFFFC0]  }
0x44b: {  	v15 =	vld [tilespmem:s25+$0xFFFFFF00]  }
0x44c: {  	v16 =	vld [tilespmem:s25+$0xD0]  }
.Ltmp26:
0x44d: {  	v25 =	vld [tilespmem:s25+$0xC0];
	(pc) =	sbr.rel @p1 .LBB2_55-.Ltmp26, $4  }
0x44e: {  	v21 =	vbroadcast v4, $0x0;
	v8 =	vbroadcast v4, $0xF;
	v23 =	vld [tilespmem:s25+$0x90]  }
0x44f: {  	v22 =	vbroadcast v4, $0x2;
	v20 =	vbroadcast v4, $0xE;
	v24 =	vld [tilespmem:s25+$0xFFFFFF50]  }
0x450: {  	v27 =	vmul.f32 v21, v15;
	v15 =	vbroadcast v4, $0xD;
	v19 =	vld [tilespmem:s25+$0xB0]  }
0x451: {  	v17 =	vbroadcast v4, $0xC;
	v26 =	vmul.f32 v13, v22;
	v13 =	vld [tilespmem:s25+$0x60]  }
0x452: {  	[tilespmem:s13+$0xFFFFFF00] =	vst v27;
	v7 =	vmul.f32 v18, v8  }
0x453: {  	v63 =	vmul.f32 v25, v20;
	[tilespmem:s13+$0xFFFFFF40] =	vst v26  }
0x454: {  	v14 =	vmul.f32 v14, v21;
	[tilespmem:s13+$0xE0] =	vst v7  }
0x455: {  	v32 =	vmul.f32 v16, v20;
	[tilespmem:s13+$0xC0] =	vst v63  }
0x456: {  	v30 =	vmul.f32 v23, v17;
	[tilespmem:s13+$0xFFFFFF10] =	vst v14  }
0x457: {  	v38 =	vbroadcast v4, $0x6;
	v11 =	vmul.f32 v11, v17;
	[tilespmem:s13+$0xD0] =	vst v32  }
0x458: {  	v22 =	vmul.f32 v24, v22;
	[tilespmem:s13+$0x90] =	vst v30  }
0x459: {  	v42 =	vbroadcast v4, $0x5;
	v10 =	vmul.f32 v10, v38;
	[tilespmem:s13+$0x80] =	vst v11  }
0x45a: {  	v44 =	vbroadcast v4, $0x7;
	v12 =	vmul.f32 v12, v38;
	[tilespmem:s13+$0xFFFFFF50] =	vst v22  }
0x45b: {  	v51 =	vbroadcast v4, $0x3;
	v9 =	vmul.f32 v9, v42;
	[tilespmem:s13+$0xFFFFFFD0] =	vst v10  }
0x45c: {  	v28 =	vld [tilespmem:s13+$0xA0];
	v56 =	vbroadcast v4, $0x4;
	v6 =	vmul.f32 v6, v44;
	[tilespmem:s13+$0xFFFFFFC0] =	vst v12  }
0x45d: {  	v29 =	vld [tilespmem:s13+$0x70];
	v3 =	vmul.f32 v3, v51;
	[tilespmem:s13+$0xFFFFFFA0] =	vst v9  }
0x45e: {  	v31 =	vld [tilespmem:s13+$0xFFFFFFB0];
	v34 =	vbroadcast v4, $0xB;
	v5 =	vmul.f32 v5, v56;
	[tilespmem:s13+$0xFFFFFFF0] =	vst v6  }
0x45f: {  	v33 =	vld [tilespmem:s13+$0xFFFFFF20];
	v40 =	vmul.f32 v19, v15;
	[tilespmem:s13+$0xFFFFFF60] =	vst v3  }
0x460: {  	v37 =	vld [tilespmem:s13+$0x40];
	v13 =	vmul.f32 v13, v34;
	[tilespmem:s13+$0xFFFFFF90] =	vst v5  }
0x461: {  	v35 =	vld [tilespmem:s13+$0xFFFFFFE0];
	v36 =	vmul.f32 v28, v15;
	[tilespmem:s13+$0xB0] =	vst v40  }
0x462: {  	v49 =	vbroadcast v4, $0x1;
	v52 =	vld [tilespmem:s13+$0xF0];
	v21 =	vmul.f32 v29, v34;
	[tilespmem:s13+$0x60] =	vst v13  }
0x463: {  	v46 =	vld [tilespmem:s13+$0xFFFFFF70];
	v53 =	vbroadcast v4, $0xA;
	v50 =	vmul.f32 v31, v42;
	[tilespmem:s13+$0xA0] =	vst v36  }
0x464: {  	v43 =	vld [tilespmem:s13+$0x30];
	v16 =	vmul.f32 v33, v49;
	[tilespmem:s13+$0x70] =	vst v21  }
0x465: {  	v47 =	vld [tilespmem:s13+$0xFFFFFF80];
	v55 =	vmul.f32 v37, v53;
	[tilespmem:s13+$0xFFFFFFB0] =	vst v50  }
0x466: {  	v41 =	vld [tilespmem:s13+$0x20];
	v7 =	vmul.f32 v35, v44;
	[tilespmem:s13+$0xFFFFFF20] =	vst v16  }
0x467: {  	v45 =	vld [tilespmem:s13+$0x0];
	v57 =	vbroadcast v4, $0x9;
	v3 =	vmul.f32 v52, v8;
	[tilespmem:s13+$0x40] =	vst v55  }
0x468: {  	v39 =	vld [tilespmem:s13+$0x50];
	v58 =	vmul.f32 v46, v51;
	[tilespmem:s13+$0xFFFFFFE0] =	vst v7  }
0x469: {  	v54 =	vld [tilespmem:s13+$0xFFFFFF30];
	v59 =	vmul.f32 v43, v57;
	[tilespmem:s13+$0xF0] =	vst v3  }
0x46a: {  	v48 =	vld [tilespmem:s13+$0x10];
	v60 =	vbroadcast v4, $0x8;
	v61 =	vmul.f32 v47, v56;
	[tilespmem:s13+$0xFFFFFF70] =	vst v58  }
0x46b: {  	v3 =	vmul.f32 v41, v57;
	[tilespmem:s13+$0x30] =	vst v59  }
0x46c: {  	v62 =	vmul.f32 v45, v60;
	[tilespmem:s13+$0xFFFFFF80] =	vst v61  }
0x46d: {  	[tilespmem:s13+$0x20] =	vst v3;
	v3 =	vmul.f32 v39, v53  }
0x46e: {  	v63 =	vmul.f32 v54, v49;
	[tilespmem:s13+$0x0] =	vst v62  }
0x46f: {  	s10 =	sadd.s32 $0x1, s10;
	[tilespmem:s13+$0x50] =	vst v3;
	v3 =	vmul.f32 v48, v60  }
0x470: {  	p1 =	sne.s32 s10, $0x4F;
	[tilespmem:s13+$0xFFFFFF30] =	vst v63  }
.Ltmp27:
0x471: {  	s12 =	sadd.s32 $0x75A0, s12;
	[tilespmem:s13+$0x10] =	vst v3;
	(pc) =	sbr.rel @p1 .LBB2_54-.Ltmp27, $4  }
0x472: {  	[spmem:s5] =	stream.indirect.scatter.add.f32 [tilespmem:s31], [sflag:$0x2], $0x20, s12, s1, $0xb8;
	[tilespmem:$0x1F0C0] =	vst v63  }
0x473: {  	_ =	swait.ge [sflag:s26], $0x1000  }
0x474: {  	[sflag:s26] =	ssyncset.done $0x0  }
0x475: {  	s11 =	sadd.s32 $0x80, s11;
	[sflag:s26] =	ssyncadd.s32 $0xFFFFF000  }
0x476: {  	s10 =	simm.s32 $0x0;
	s11 =	simm.s32 $0x13BA0  }
.LBB2_58:
0x477: {  	s12 =	sshll.u32 s10, $0x7  }
0x478: {  	s13 =	sadd.s32 $0x9D20, s12  }
0x479: {  	[tilespmem:s31], [sflag:$0x1] =	stream.indirect.gather [hbm4b:s3+s1], $0x20, s13, s1, $0xb8;
	[tilespmem:$0x1F0C0] =	vst v63  }
0x47a: {  	_ =	swait.ge [sflag:s0], $0x1000  }
0x47b: {  	[sflag:s0] =	ssyncset.done $0x0  }
0x47c: {  	s13 =	simm.s32 $0x16420;
	[sflag:s0] =	ssyncadd.s32 $0xFFFFF000  }
0x47d: {  	v9 =	vld [tilespmem:s13+$0xFFFFFFA0]  }
0x47e: {  	v6 =	vld [tilespmem:s13+$0xFFFFFFF0]  }
0x47f: {  	v3 =	vld [tilespmem:s13+$0xFFFFFF60]  }
0x480: {  	v7 =	vmov s11;
	v10 =	vld [tilespmem:s13+$0xFFFFFFD0]  }
0x481: {  	v11 =	vld [tilespmem:s13+$0x80]  }
0x482: {  	v14 =	vld [tilespmem:s13+$0xFFFFFF10]  }
0x483: {  	v18 =	vld [tilespmem:s13+$0xE0]  }
0x484: {  	s15 =	simm.s32 $0x0;
	v13 =	vld [tilespmem:s13+$0xFFFFFF40]  }
0x485: {  	v4 =	vld.idx.msk [tilespmem:v7+s15+$0x0 ss:$0x1], $0xffff  }
0x486: {  	v5 =	vld [tilespmem:s13+$0xFFFFFF90]  }
0x487: {  	v12 =	vld [tilespmem:s13+$0xFFFFFFC0]  }
0x488: {  	v15 =	vld [tilespmem:s13+$0xFFFFFF00]  }
0x489: {  	v16 =	vld [tilespmem:s13+$0xD0]  }
0x48a: {  	v25 =	vld [tilespmem:s13+$0xC0]  }
0x48b: {  	v23 =	vld [tilespmem:s13+$0x90];
	v21 =	vbroadcast v4, $0x0;
	v8 =	vbroadcast v4, $0xF  }
0x48c: {  	v24 =	vld [tilespmem:s13+$0xFFFFFF50];
	v22 =	vbroadcast v4, $0x2;
	v20 =	vbroadcast v4, $0xE  }
0x48d: {  	v19 =	vld [tilespmem:s13+$0xB0];
	v17 =	vbroadcast v4, $0xC;
	v27 =	vmul.f32 v21, v15  }
0x48e: {  	s25 =	simm.s32 $0x16420;
	s15 =	simm.s32 $0x40;
	v15 =	vbroadcast v4, $0xD;
	v26 =	vmul.f32 v13, v22;
	v13 =	vld [tilespmem:s13+$0x60]  }
.LBB2_59:
0x48f: {  	p1 =	sne.s32 s15, $0x1C0  }
0x490: {  	[tilespmem:s13+$0xFFFFFF00] =	vst v27;
	v27 =	vld [tilespmem:s13+$0xFFFFFFB0];
	v25 =	vmul.f32 v25, v20;
	v18 =	vmul.f32 v18, v8;
	s25 =	sadd.s32 $0x200, s25;
	s17 =	smov.u32 s15;
	s15 =	sadd.s32 $0x40, s15  }
0x491: {  	[tilespmem:s13+$0xFFFFFF40] =	vst v26;
	v26 =	vbroadcast v4, $0xA;
	v23 =	vmul.f32 v23, v17;
	v28 =	vld [tilespmem:s13+$0xA0]  }
0x492: {  	v14 =	vmul.f32 v14, v21;
	v21 =	vmul.f32 v24, v22;
	v22 =	vld [tilespmem:s13+$0x70];
	[tilespmem:s13+$0xE0] =	vst v18  }
0x493: {  	v18 =	vbroadcast v4, $0x5;
	v24 =	vld [tilespmem:s13+$0xFFFFFFE0];
	v19 =	vmul.f32 v19, v15;
	[tilespmem:s13+$0xC0] =	vst v25  }
0x494: {  	v16 =	vmul.f32 v16, v20;
	[tilespmem:s13+$0xFFFFFF10] =	vst v14;
	v14 =	vbroadcast v4, $0x6;
	v25 =	vld [tilespmem:s13+$0x40]  }
0x495: {  	v29 =	vbroadcast v4, $0xB;
	v9 =	vmul.f32 v9, v18;
	v20 =	vld [tilespmem:s13+$0xFFFFFF20];
	[tilespmem:s13+$0x90] =	vst v23  }
0x496: {  	v23 =	vbroadcast v4, $0x9;
	[tilespmem:s13+$0xFFFFFF50] =	vst v21;
	v21 =	vld [tilespmem:s13+$0x20];
	v15 =	vmul.f32 v28, v15  }
0x497: {  	v18 =	vmul.f32 v27, v18;
	v27 =	vld [tilespmem:s13+$0x50];
	v22 =	vmul.f32 v22, v29;
	[tilespmem:s13+$0xD0] =	vst v16  }
0x498: {  	v11 =	vmul.f32 v11, v17;
	v16 =	vbroadcast v4, $0x7;
	v28 =	vld [tilespmem:s13+$0x30];
	[tilespmem:s13+$0xA0] =	vst v15  }
0x499: {  	v12 =	vmul.f32 v12, v14;
	v15 =	vbroadcast v4, $0x3;
	v17 =	vld [tilespmem:s13+$0x0];
	[tilespmem:s13+$0x70] =	vst v22  }
0x49a: {  	v13 =	vmul.f32 v13, v29;
	v10 =	vmul.f32 v10, v14;
	v14 =	vld [tilespmem:s13+$0x10];
	[tilespmem:s13+$0x80] =	vst v11  }
0x49b: {  	v22 =	vbroadcast v4, $0x8;
	v25 =	vmul.f32 v25, v26;
	v11 =	vld [tilespmem:s13+$0xFFFFFF30];
	[tilespmem:s13+$0xB0] =	vst v19  }
0x49c: {  	v19 =	vbroadcast v4, $0x1;
	v29 =	vld [tilespmem:s13+$0xFFFFFF70];
	[tilespmem:s13+$0xFFFFFFD0] =	vst v10;
	v26 =	vmul.f32 v27, v26  }
0x49d: {  	v6 =	vmul.f32 v6, v16;
	v10 =	vmul.f32 v24, v16;
	[tilespmem:s13+$0xFFFFFFC0] =	vst v12;
	v12 =	vld [tilespmem:s13+$0xF0]  }
0x49e: {  	v24 =	vmul.f32 v28, v23;
	v16 =	vld [tilespmem:s13+$0xFFFFFF80];
	[tilespmem:s13+$0xFFFFFFA0] =	vst v9;
	v17 =	vmul.f32 v17, v22  }
0x49f: {  	v9 =	vld [tilespmem:s25+$0xFFFFFFA0];
	[tilespmem:s13+$0xFFFFFFF0] =	vst v6;
	v22 =	vmul.f32 v14, v22;
	v14 =	vmul.f32 v21, v23  }
0x4a0: {  	v6 =	vmul.f32 v20, v19;
	v19 =	vmul.f32 v11, v19;
	[tilespmem:s13+$0x60] =	vst v13  }
0x4a1: {  	v3 =	vmul.f32 v3, v15;
	v11 =	vmul.f32 v29, v15;
	[tilespmem:s13+$0xFFFFFFB0] =	vst v18  }
0x4a2: {  	v4 =	vbroadcast v4, $0x4;
	[tilespmem:s13+$0xFFFFFF20] =	vst v6;
	v6 =	vmul.f32 v12, v8  }
0x4a3: {  	[tilespmem:s13+$0xFFFFFF60] =	vst v3  }
0x4a4: {  	v8 =	vmul.f32 v16, v4;
	v3 =	vmul.f32 v5, v4;
	[tilespmem:s13+$0x40] =	vst v25  }
0x4a5: {  	[tilespmem:s13+$0xFFFFFFE0] =	vst v10  }
0x4a6: {  	[tilespmem:s13+$0xF0] =	vst v6  }
0x4a7: {  	[tilespmem:s13+$0xFFFFFF90] =	vst v3  }
0x4a8: {  	[tilespmem:s13+$0xFFFFFF70] =	vst v11  }
0x4a9: {  	v6 =	vld [tilespmem:s25+$0xFFFFFFF0];
	[tilespmem:s13+$0x20] =	vst v14  }
0x4aa: {  	v3 =	vld [tilespmem:s25+$0xFFFFFF60];
	[tilespmem:s13+$0x30] =	vst v24  }
0x4ab: {  	v10 =	vld [tilespmem:s25+$0xFFFFFFD0];
	[tilespmem:s13+$0xFFFFFF80] =	vst v8  }
0x4ac: {  	v11 =	vld [tilespmem:s25+$0x80];
	[tilespmem:s13+$0x50] =	vst v26  }
0x4ad: {  	v14 =	vld [tilespmem:s25+$0xFFFFFF10];
	[tilespmem:s13+$0x0] =	vst v17  }
0x4ae: {  	v18 =	vld [tilespmem:s25+$0xE0];
	[tilespmem:s13+$0xFFFFFF30] =	vst v19  }
0x4af: {  	s17 =	sshra.s32 s17, $0x2;
	v13 =	vld [tilespmem:s25+$0xFFFFFF40];
	[tilespmem:s13+$0x10] =	vst v22;
	s13 =	smov.u32 s25  }
0x4b0: {  	v4 =	vld.idx.msk [tilespmem:v7+s17+$0x0 ss:$0x1], $0xffff  }
0x4b1: {  	v5 =	vld [tilespmem:s25+$0xFFFFFF90]  }
0x4b2: {  	v12 =	vld [tilespmem:s25+$0xFFFFFFC0]  }
0x4b3: {  	v15 =	vld [tilespmem:s25+$0xFFFFFF00]  }
0x4b4: {  	v16 =	vld [tilespmem:s25+$0xD0]  }
.Ltmp28:
0x4b5: {  	v25 =	vld [tilespmem:s25+$0xC0];
	(pc) =	sbr.rel @p1 .LBB2_59-.Ltmp28, $4  }
0x4b6: {  	v21 =	vbroadcast v4, $0x0;
	v8 =	vbroadcast v4, $0xF;
	v23 =	vld [tilespmem:s25+$0x90]  }
0x4b7: {  	v22 =	vbroadcast v4, $0x2;
	v20 =	vbroadcast v4, $0xE;
	v24 =	vld [tilespmem:s25+$0xFFFFFF50]  }
0x4b8: {  	v27 =	vmul.f32 v21, v15;
	v15 =	vbroadcast v4, $0xD;
	v19 =	vld [tilespmem:s25+$0xB0]  }
0x4b9: {  	v17 =	vbroadcast v4, $0xC;
	v26 =	vmul.f32 v13, v22;
	v13 =	vld [tilespmem:s25+$0x60]  }
0x4ba: {  	[tilespmem:s13+$0xFFFFFF00] =	vst v27;
	v7 =	vmul.f32 v18, v8  }
0x4bb: {  	v63 =	vmul.f32 v25, v20;
	[tilespmem:s13+$0xFFFFFF40] =	vst v26  }
0x4bc: {  	v14 =	vmul.f32 v14, v21;
	[tilespmem:s13+$0xE0] =	vst v7  }
0x4bd: {  	v32 =	vmul.f32 v16, v20;
	[tilespmem:s13+$0xC0] =	vst v63  }
0x4be: {  	v30 =	vmul.f32 v23, v17;
	[tilespmem:s13+$0xFFFFFF10] =	vst v14  }
0x4bf: {  	v38 =	vbroadcast v4, $0x6;
	v11 =	vmul.f32 v11, v17;
	[tilespmem:s13+$0xD0] =	vst v32  }
0x4c0: {  	v22 =	vmul.f32 v24, v22;
	[tilespmem:s13+$0x90] =	vst v30  }
0x4c1: {  	v42 =	vbroadcast v4, $0x5;
	v10 =	vmul.f32 v10, v38;
	[tilespmem:s13+$0x80] =	vst v11  }
0x4c2: {  	v44 =	vbroadcast v4, $0x7;
	v12 =	vmul.f32 v12, v38;
	[tilespmem:s13+$0xFFFFFF50] =	vst v22  }
0x4c3: {  	v51 =	vbroadcast v4, $0x3;
	v9 =	vmul.f32 v9, v42;
	[tilespmem:s13+$0xFFFFFFD0] =	vst v10  }
0x4c4: {  	v28 =	vld [tilespmem:s13+$0xA0];
	v56 =	vbroadcast v4, $0x4;
	v6 =	vmul.f32 v6, v44;
	[tilespmem:s13+$0xFFFFFFC0] =	vst v12  }
0x4c5: {  	v29 =	vld [tilespmem:s13+$0x70];
	v3 =	vmul.f32 v3, v51;
	[tilespmem:s13+$0xFFFFFFA0] =	vst v9  }
0x4c6: {  	v31 =	vld [tilespmem:s13+$0xFFFFFFB0];
	v34 =	vbroadcast v4, $0xB;
	v5 =	vmul.f32 v5, v56;
	[tilespmem:s13+$0xFFFFFFF0] =	vst v6  }
0x4c7: {  	v33 =	vld [tilespmem:s13+$0xFFFFFF20];
	v40 =	vmul.f32 v19, v15;
	[tilespmem:s13+$0xFFFFFF60] =	vst v3  }
0x4c8: {  	v37 =	vld [tilespmem:s13+$0x40];
	v13 =	vmul.f32 v13, v34;
	[tilespmem:s13+$0xFFFFFF90] =	vst v5  }
0x4c9: {  	v35 =	vld [tilespmem:s13+$0xFFFFFFE0];
	v36 =	vmul.f32 v28, v15;
	[tilespmem:s13+$0xB0] =	vst v40  }
0x4ca: {  	v49 =	vbroadcast v4, $0x1;
	v52 =	vld [tilespmem:s13+$0xF0];
	v21 =	vmul.f32 v29, v34;
	[tilespmem:s13+$0x60] =	vst v13  }
0x4cb: {  	v46 =	vld [tilespmem:s13+$0xFFFFFF70];
	v53 =	vbroadcast v4, $0xA;
	v50 =	vmul.f32 v31, v42;
	[tilespmem:s13+$0xA0] =	vst v36  }
0x4cc: {  	v43 =	vld [tilespmem:s13+$0x30];
	v16 =	vmul.f32 v33, v49;
	[tilespmem:s13+$0x70] =	vst v21  }
0x4cd: {  	v47 =	vld [tilespmem:s13+$0xFFFFFF80];
	v55 =	vmul.f32 v37, v53;
	[tilespmem:s13+$0xFFFFFFB0] =	vst v50  }
0x4ce: {  	v41 =	vld [tilespmem:s13+$0x20];
	v7 =	vmul.f32 v35, v44;
	[tilespmem:s13+$0xFFFFFF20] =	vst v16  }
0x4cf: {  	v45 =	vld [tilespmem:s13+$0x0];
	v57 =	vbroadcast v4, $0x9;
	v3 =	vmul.f32 v52, v8;
	[tilespmem:s13+$0x40] =	vst v55  }
0x4d0: {  	v39 =	vld [tilespmem:s13+$0x50];
	v58 =	vmul.f32 v46, v51;
	[tilespmem:s13+$0xFFFFFFE0] =	vst v7  }
0x4d1: {  	v54 =	vld [tilespmem:s13+$0xFFFFFF30];
	v59 =	vmul.f32 v43, v57;
	[tilespmem:s13+$0xF0] =	vst v3  }
0x4d2: {  	v48 =	vld [tilespmem:s13+$0x10];
	v60 =	vbroadcast v4, $0x8;
	v61 =	vmul.f32 v47, v56;
	[tilespmem:s13+$0xFFFFFF70] =	vst v58  }
0x4d3: {  	v3 =	vmul.f32 v41, v57;
	[tilespmem:s13+$0x30] =	vst v59  }
0x4d4: {  	v62 =	vmul.f32 v45, v60;
	[tilespmem:s13+$0xFFFFFF80] =	vst v61  }
0x4d5: {  	[tilespmem:s13+$0x20] =	vst v3;
	v3 =	vmul.f32 v39, v53  }
0x4d6: {  	v63 =	vmul.f32 v54, v49;
	[tilespmem:s13+$0x0] =	vst v62  }
0x4d7: {  	s10 =	sadd.s32 $0x1, s10;
	[tilespmem:s13+$0x50] =	vst v3;
	v3 =	vmul.f32 v48, v60  }
0x4d8: {  	p1 =	sne.s32 s10, $0x4F;
	[tilespmem:s13+$0xFFFFFF30] =	vst v63  }
.Ltmp29:
0x4d9: {  	s12 =	sadd.s32 $0xC4A0, s12;
	[tilespmem:s13+$0x10] =	vst v3;
	(pc) =	sbr.rel @p1 .LBB2_58-.Ltmp29, $4  }
0x4da: {  	[spmem:s5] =	stream.indirect.scatter.add.f32 [tilespmem:s31], [sflag:$0x2], $0x20, s12, s1, $0xb8;
	[tilespmem:$0x1F0C0] =	vst v63  }
0x4db: {  	_ =	swait.ge [sflag:s26], $0x1000  }
0x4dc: {  	[sflag:s26] =	ssyncset.done $0x0  }
0x4dd: {  	s11 =	sadd.s32 $0x80, s11;
	[sflag:s26] =	ssyncadd.s32 $0xFFFFF000  }
0x4de: {  	[bflag:$0x0] =	sbarrier.arrive $0xFFFF  }
0x4df: {  	s10 =	rddreg [dreg:$0x1f]  }
0x4e0: {  	[hbm:s10], [sflag:s4] =	dma.local [spmem:s7], $0x9C0  }
0x4e1: {  	_ =	swait.ge [sflag:s26], $0x9C0  }
0x4e2: {  	s7 =	sld [smem:$0x7FD]  }
0x4e3: {  	[sflag:s26] =	ssyncset.done $0x0  }
0x4e4: {  	[sflag:s26] =	ssyncadd.s32 $0xFFFFF640  }
0x4e5: {  	[hbm:s7], [sflag:s4] =	dma.local @!p0 [spmem:s9], $0x20  }
0x4e6: {  	s4 =	simm.s32 @!p0 $0x2  }
0x4e7: {  	_ =	swait.ge @!p0 [sflag:s4], $0x20  }
0x4e8: {  	s2 =	sadd.s32 $0x1, s2;
	s25 =	rddreg [dreg:$0xf]  }
0x4e9: {  	p1 =	sne.s32 s2, s25  }
.Ltmp30:
0x4ea: {  	_ = 	snop;
	(pc) =	sbr.rel @p1 .LBB2_1-.Ltmp30, $3  }
0x4eb: {  	_ =	sdelay $0x1  }
0x4ec: {  	[sflag:s4] =	ssyncset.done @!p0 $0x0  }
0x4ed: {  	s15 =	simm.s32 $0x17320;
	[sflag:s4] =	ssyncadd.s32 @!p0 $0xFFFFFFE0  }
0x4ee: {  	_ =	sfence.sel $0x180000  }
0x4ef: {  	[bflag:$0x0] =	sbarrier.arrive $0xFFFF  }
0x4f0: {  	_ =	strace $0x90000047  }
0x4f1: {  	s0 =	stileid.u32;
	[bflag:$0x2] =	sbarrier.arrive $0xFFFF  }
0x4f2: {  	p0 =	sne.s32 s0, $0x0;
	s0 =	rddreg [dreg:$0x7]  }
0x4f3: {  	s0 =	sadd.s32 @!p0 $0x100000, s0  }
0x4f4: {  	[sflag:s0] =	ssyncadd.tile.s32 @!p0 $0x1;
	_ =	shalt  }
.Lfunc_end2:
_tile_overlayer_lowered:
.L_overlay_start_2:
0x4f5: {  	(tag) =	ssettag $0x2  }
0x4f6: {  	s0 =	rddreg [dreg:$0x0];
	s2 =	stileid.u32  }
0x4f7: {  	s1 =	rddreg [dreg:$0x1];
	p0 =	sne.s32 s2, $0x0  }
0x4f8: {  	s3 =	rddreg [dreg:$0x2];
	[bflag:$0x3] =	sbarrier.arrive $0xFFFF;
	s2 =	simm.s32 @!p0 $0x1C02  }
0x4f9: {  	[timem:s3], [sflag:s2] =	dma.local @!p0 [hbm:s0], s1  }
0x4fa: {  	s0 =	simm.s32 @!p0 $0x2  }
0x4fb: {  	_ =	swait.ge @!p0 [sflag:s0], s1  }
0x4fc: {  	s1 =	ssub.s32 @!p0 $0x0, s1;
	[sflag:s0] =	ssyncset.done @!p0 $0x0  }
0x4fd: {  	[sflag:s0] =	ssyncadd.s32 @!p0 s1  }
0x4fe: {  	[bflag:$0x3] =	sbarrier.arrive $0xFFFF  }
0x4ff: {  	_ =	shalt  }

</sc_bundles>
